<compile_context>
chip_gen: v7x
topology: tpu7x:2x2x1
jax: 0.10.2.dev20260603
libtpu: 0.0.44.dev20260713+nightly
codegen_flags: <defaults>
</compile_context>

<pallas_src>
import functools

import jax
import jax.numpy as jnp
from jax import lax
from jax.experimental import pallas as pl
from jax.experimental.pallas import tpu as pltpu
from jax.experimental.pallas import tpu_sc as plsc

N_ROWS = 1000000
EMBED_DIM = 64
BATCH = 16384

NC, NS, L = 2, 16, 16
NW = NC * NS
N_UBLK = (N_ROWS + 127) // 128
RANGES = NW // 2
RANGE = (N_UBLK + RANGES - 1) // RANGES
SCAN_CHUNKS = BATCH // L
SLOTS_PAD = 544
RB = 16
RING = 9

B_PER_W = BATCH // NW
HALF = 256


def _zero_i32(ref, n):
    z = jnp.zeros((L,), jnp.int32)
    for k in range(n // L):
        ref[pl.ds(k * L, L)] = z


def _sc1(v):
    return v[0]


def _extract_half(nat_hbm, ids_hbm, out3_hbm, rid,
                  ids_v, sel_k, ord_k,
                  marks, counts, starts, cursors, slots_list,
                  buf3, rowbuf2, poslist2, sem0, sem1):
    lo = rid * RANGE
    lane16 = lax.iota(jnp.int32, L)

    pltpu.sync_copy(ids_hbm, ids_v)

    _zero_i32(marks, SLOTS_PAD)
    _zero_i32(counts, SLOTS_PAD)

    ones16 = jnp.ones((L,), jnp.int32)

    def scan(k, n):
        idv = ids_v[pl.ds(k * L, L)]
        slot = lax.shift_right_logical(idv, 7) - lo
        m = (slot >= 0) & (slot < RANGE)
        key = (lax.shift_left(slot, 21) | lax.shift_left(idv & 127, 14)
               | (lane16 + k * L))
        plsc.store_compressed(sel_k.at[pl.ds(n, L)], key, mask=m)
        plsc.store_scatter(marks, [slot], ones16, mask=m)
        plsc.addupdate_scatter(counts, [slot], ones16, mask=m)
        return n + _sc1(plsc.all_reduce_population_count(m))

    n = lax.fori_loop(0, SCAN_CHUNKS, scan, 0)

    def psum(k, s):
        c = counts[pl.ds(k * L, L)]
        cs = plsc.cumsum(c)
        starts[pl.ds(k * L, L)] = cs - c + s
        cursors[pl.ds(k * L, L)] = cs - c + s
        return s + cs[L - 1]

    lax.fori_loop(0, SLOTS_PAD // L, psum, 0)

    def reorder(j, c):
        key = _sc1(sel_k[pl.ds(j, L)])
        slot = lax.shift_right_logical(key, 21)
        dst = _sc1(cursors[pl.ds(slot, L)])
        m0 = lane16 == 0
        plsc.store_scatter(ord_k, [jnp.full((L,), dst, jnp.int32)],
                           jnp.full((L,), key, jnp.int32), mask=m0)
        plsc.store_scatter(cursors, [jnp.full((L,), slot, jnp.int32)],
                           jnp.full((L,), dst + 1, jnp.int32), mask=m0)
        return c

    lax.fori_loop(0, n, reorder, 0)

    def compact(k, u):
        m = marks[pl.ds(k * L, L)] > 0
        plsc.store_compressed(slots_list.at[pl.ds(u, L)],
                              lane16 + k * L, mask=m)
        return u + _sc1(plsc.all_reduce_population_count(m))

    u = lax.fori_loop(0, SLOTS_PAD // L, compact, 0)

    neg1 = jnp.full((L,), -1, jnp.int32)
    poslist2[0, pl.ds(0, L)] = neg1
    poslist2[1, pl.ds(0, L)] = neg1

    def issue(k):
        slot = _sc1(slots_list[pl.ds(k, L)])
        pltpu.async_copy(
            nat_hbm.at[:, pl.ds((lo + slot) * 128, 128)],
            buf3.at[lax.rem(k, RING)], sem0)

    def flush_wait():
        pltpu.make_async_copy(
            rowbuf2.at[0], out3_hbm.at[pl.ds(0, RB), :], sem1).wait()

    @pl.when(u > 0)
    def _fetch_extract():
        for p in range(RING - 1):
            issue(lax.min(p, u - 1))

        def body(k, carry):
            mcount, fp, fl = carry
            par = lax.rem(k, RING)
            pltpu.make_async_copy(
                nat_hbm.at[:, pl.ds(0, 128)], buf3.at[par], sem0).wait()
            issue(lax.min(k + RING - 1, u - 1))

            slot = _sc1(slots_list[pl.ds(k, L)])
            st = _sc1(starts[pl.ds(slot, L)])
            cnt = _sc1(counts[pl.ds(slot, L)])

            def user(j, ucarry):
                mc, fp, fl = ucarry
                key = _sc1(ord_k[pl.ds(j, L)])
                lnv = jnp.full((L,), lax.shift_right_logical(key, 14) & 127,
                               jnp.int32)
                parv = jnp.full((L,), par, jnp.int32)
                for c in range(EMBED_DIM // L):
                    vals = plsc.load_gather(
                        buf3, [parv, c * L + lane16, lnv])
                    rowbuf2[fp, mc, pl.ds(c * L, L)] = vals
                m0 = lane16 == 0
                plsc.store_scatter(
                    poslist2, [jnp.full((L,), fp, jnp.int32),
                               jnp.full((L,), mc, jnp.int32)],
                    jnp.full((L,), key & 16383, jnp.int32), mask=m0)
                mc = mc + 1

                def do_flush(args):
                    fp, fl = args
                    pltpu.async_copy(
                        rowbuf2.at[fp],
                        out3_hbm.at[plsc.Indices(poslist2.at[fp],
                                                 ignored_value=-1)],
                        sem1)
                    pl.when(fl >= 1)(flush_wait)
                    nfp = 1 - fp
                    poslist2[nfp, pl.ds(0, L)] = neg1
                    return nfp, fl + 1

                fp, fl = lax.cond(mc == RB, do_flush, lambda a: a, (fp, fl))
                return lax.rem(mc, RB), fp, fl

            mc, fp, fl = lax.fori_loop(st, st + cnt, user,
                                       (mcount, fp, fl))
            return (mc, fp, fl)

        mc, fp, fl = lax.fori_loop(0, u, body, (0, 0, 0))
        for p in range(RING - 1):
            pltpu.make_async_copy(
                nat_hbm.at[:, pl.ds(0, 128)], buf3.at[p], sem0).wait()
        pltpu.sync_copy(
            rowbuf2.at[fp],
            out3_hbm.at[plsc.Indices(poslist2.at[fp], ignored_value=-1)])
        pl.when(fl >= 1)(flush_wait)


def _phase_a_body(user_nat, item_nat, uid_hbm, iid_hbm, u3_hbm, v3_hbm,
                  ids_v, sel_k, ord_k,
                  marks, counts, starts, cursors, slots_list,
                  buf3, rowbuf2, poslist2, sem0, sem1):
    wid = lax.axis_index("s") * NC + lax.axis_index("c")
    half = wid // RANGES
    rid = lax.rem(wid, RANGES)
    scratch = (ids_v, sel_k, ord_k,
               marks, counts, starts, cursors, slots_list,
               buf3, rowbuf2, poslist2, sem0, sem1)

    @pl.when(half == 0)
    def _():
        _extract_half(user_nat, uid_hbm, u3_hbm, rid, *scratch)

    @pl.when(half == 1)
    def _():
        _extract_half(item_nat, iid_hbm, v3_hbm, rid, *scratch)


@functools.partial(
    pl.kernel,
    out_type=(jax.ShapeDtypeStruct((BATCH, 128), jnp.float32),
              jax.ShapeDtypeStruct((BATCH, 128), jnp.float32)),
    mesh=plsc.VectorSubcoreMesh(core_axis_name="c", subcore_axis_name="s",
                                num_cores=NC, num_subcores=NS),
    compiler_params=pltpu.CompilerParams(needs_layout_passes=False,
                                         use_tc_tiling_on_sc=True),
    scratch_types=[
        pltpu.VMEM((BATCH,), jnp.int32),
        pltpu.VMEM((BATCH + L,), jnp.int32),
        pltpu.VMEM((BATCH + L,), jnp.int32),
        pltpu.VMEM((SLOTS_PAD,), jnp.int32),
        pltpu.VMEM((SLOTS_PAD,), jnp.int32),
        pltpu.VMEM((SLOTS_PAD,), jnp.int32),
        pltpu.VMEM((SLOTS_PAD,), jnp.int32),
        pltpu.VMEM((SLOTS_PAD,), jnp.int32),
        pltpu.VMEM((RING, EMBED_DIM, 128), jnp.float32),
        pltpu.VMEM((2, RB, 128), jnp.float32),
        pltpu.VMEM((2, RB), jnp.int32),
        pltpu.SemaphoreType.DMA,
        pltpu.SemaphoreType.DMA,
    ],
)
def _phase_a(*args):
    _phase_a_body(*args)


def _phase_b_body(u3_hbm, v3_hbm, out_hbm, ubuf, ibuf, out_v, tr_v, sem):
    wid = lax.axis_index("s") * NC + lax.axis_index("c")
    base = wid * B_PER_W
    lane = lax.iota(jnp.int32, L)
    col_addr = lane * (L + 1)

    def half_step(h, carry):
        hbase = base + h * HALF
        cp_u = pltpu.async_copy(u3_hbm.at[pl.ds(hbase, HALF), :], ubuf, sem)
        cp_i = pltpu.async_copy(v3_hbm.at[pl.ds(hbase, HALF), :], ibuf, sem)
        cp_u.wait()
        cp_i.wait()

        def group(g, c2):
            row0 = g * L
            for r in range(L):
                s = ubuf[row0 + r, pl.ds(0, L)] * ibuf[row0 + r, pl.ds(0, L)]
                for d in range(1, EMBED_DIM // L):
                    s = s + (ubuf[row0 + r, pl.ds(d * L, L)]
                             * ibuf[row0 + r, pl.ds(d * L, L)])
                plsc.store_scatter(tr_v, [col_addr + r], s)
            acc = tr_v[pl.ds(0, L)]
            for l in range(1, L):
                acc = acc + tr_v[pl.ds(l * (L + 1), L)]
            out_v[pl.ds(h * HALF + row0, L)] = acc
            return c2

        lax.fori_loop(0, HALF // L, group, 0)
        return carry

    lax.fori_loop(0, B_PER_W // HALF, half_step, 0)
    pltpu.sync_copy(out_v, out_hbm.at[pl.ds(base, B_PER_W)])


@functools.partial(
    pl.kernel,
    out_type=jax.ShapeDtypeStruct((BATCH,), jnp.float32),
    mesh=plsc.VectorSubcoreMesh(core_axis_name="c", subcore_axis_name="s",
                                num_cores=NC, num_subcores=NS),
    compiler_params=pltpu.CompilerParams(needs_layout_passes=False,
                                         use_tc_tiling_on_sc=True),
    scratch_types=[
        pltpu.VMEM((HALF, 128), jnp.float32),
        pltpu.VMEM((HALF, 128), jnp.float32),
        pltpu.VMEM((B_PER_W,), jnp.float32),
        pltpu.VMEM((L * (L + 1),), jnp.float32),
        pltpu.SemaphoreType.DMA,
    ],
)
def _phase_b(*args):
    _phase_b_body(*args)


def kernel(uid, iid, user_table, item_table):
    u3, v3 = _phase_a(user_table.T, item_table.T, uid, iid)
    return _phase_b(u3, v3)

# --- scband reference (transcript-rebuilt; emitter-appended) ---
"""Pipeline reference for scband-mf-bpr-29549374996728 (READ-ONLY COPY).

The authoritative reference and input builder live on the scoring server;
editing this copy changes nothing except your own understanding.
"""

import jax, jax.numpy as jnp
import numpy as np

N_USERS = 1000000
N_ITEMS = 1000000
EMBED_DIM = 64
BATCH = 16384


def setup_inputs(seed: int = 0) -> dict:
    key = jax.random.key(seed)
    k_uid, k_iid, k_ue, k_ie = jax.random.split(key, 4)
    uid = jax.random.randint(k_uid, (BATCH,), 0, N_USERS, dtype=jnp.int64 if jax.config.jax_enable_x64 else jnp.int32)
    iid = jax.random.randint(k_iid, (BATCH,), 0, N_ITEMS, dtype=jnp.int64 if jax.config.jax_enable_x64 else jnp.int32)
    user_table = jax.random.normal(k_ue, (N_USERS, EMBED_DIM), dtype=jnp.float32)
    item_table = jax.random.normal(k_ie, (N_ITEMS, EMBED_DIM), dtype=jnp.float32)
    return {"uid": uid, "iid": iid, "user_table": user_table, "item_table": item_table}


def reference(uid, iid, user_table, item_table):
    # Faithful translation of MF_BPR.forward:
    #   sum(user_embedding(uid) * item_embedding(iid), dim=1)
    u = jnp.take(user_table, uid, axis=0)   # gather -> SparseCore
    v = jnp.take(item_table, iid, axis=0)   # gather -> SparseCore
    return jnp.sum(u * v, axis=1)

if __name__ == "__main__":
    import jax
    _d = setup_inputs()
    print(jax.jit(kernel)(*tuple(_d.values())))

</pallas_src>

<mosaic_0001>
#map = affine_map<(d0, d1) -> (0, 0)>
#map1 = affine_map<(d0, d1) -> (0)>
module attributes {stable_mosaic.version = 14 : i64} {
  func.func @_phase_a(%arg0: i32, %arg1: i32, %arg2: memref<64x1000000xf32, #tpu.memory_space<hbm>>, %arg3: memref<64x1000000xf32, #tpu.memory_space<hbm>>, %arg4: memref<16384xi32, #tpu.memory_space<hbm>>, %arg5: memref<16384xi32, #tpu.memory_space<hbm>>, %arg6: memref<16384x128xf32, #tpu.memory_space<hbm>>, %arg7: memref<16384x128xf32, #tpu.memory_space<hbm>>, %arg8: memref<16384xi32, #tpu.memory_space<vmem>>, %arg9: memref<16400xi32, #tpu.memory_space<vmem>>, %arg10: memref<16400xi32, #tpu.memory_space<vmem>>, %arg11: memref<544xi32, #tpu.memory_space<vmem>>, %arg12: memref<544xi32, #tpu.memory_space<vmem>>, %arg13: memref<544xi32, #tpu.memory_space<vmem>>, %arg14: memref<544xi32, #tpu.memory_space<vmem>>, %arg15: memref<544xi32, #tpu.memory_space<vmem>>, %arg16: memref<9x64x128xf32, #tpu.memory_space<vmem>>, %arg17: memref<2x16x128xf32, #tpu.memory_space<vmem>>, %arg18: memref<2x16xi32, #tpu.memory_space<vmem>>, %arg19: memref<!tpu.dma_semaphore, #tpu.memory_space<semaphore_mem>>, %arg20: memref<!tpu.dma_semaphore, #tpu.memory_space<semaphore_mem>>) attributes {dimension_semantics = [#tpu.dimension_semantics<core_parallel>, #tpu.dimension_semantics<subcore_parallel>], iteration_bounds = array<i64: 2, 16>, scalar_prefetch = 0 : i64, scratch_operands = 13 : i64, tpu.core_type = #tpu.core_type<sc_vector_subcore>, window_params = [{transform_indices = #map}, {transform_indices = #map}, {transform_indices = #map1}, {transform_indices = #map1}, {transform_indices = #map}, {transform_indices = #map}]} {
    %mul3A = arith.constant 2 : i32
    %mul3A_0 = arith.muli %arg1, %mul3A : i32
    %add3A = arith.addi %mul3A_0, %arg0 : i32
    %jit3A = arith.constant 16 : i32
    %div3A = arith.divsi %add3A, %jit3A : i32
    %sign3A = arith.constant 0 : i32
    %sign3A_1 = arith.cmpi sgt, %add3A, %sign3A : i32
    %sign3A_2 = arith.extui %sign3A_1 : i1 to i32
    %sign3A_3 = arith.constant 0 : i32
    %sign3A_4 = arith.cmpi slt, %add3A, %sign3A_3 : i32
    %sign3A_5 = arith.extui %sign3A_4 : i1 to i32
    %sign3A_6 = arith.subi %sign3A_2, %sign3A_5 : i32
    %sign3A_7 = arith.constant 0 : i32
    %sign3A_8 = arith.cmpi sgt, %jit3A, %sign3A_7 : i32
    %sign3A_9 = arith.extui %sign3A_8 : i1 to i32
    %sign3A_10 = arith.constant 0 : i32
    %sign3A_11 = arith.cmpi slt, %jit3A, %sign3A_10 : i32
    %sign3A_12 = arith.extui %sign3A_11 : i1 to i32
    %sign3A_13 = arith.subi %sign3A_9, %sign3A_12 : i32
    %ne3A = arith.cmpi ne, %sign3A_6, %sign3A_13 : i32
    %rem3A = arith.remsi %add3A, %jit3A : i32
    %ne3A_14 = arith.constant 0 : i32
    %ne3A_15 = arith.cmpi ne, %rem3A, %ne3A_14 : i32
    %and3A = arith.andi %ne3A, %ne3A_15 : i1
    %sub3A = arith.constant 1 : i32
    %sub3A_16 = arith.subi %div3A, %sub3A : i32
    %select_n3A = arith.select %and3A, %sub3A_16, %div3A : i32
    %rem3A_17 = arith.constant 16 : i32
    %rem3A_18 = arith.remsi %add3A, %rem3A_17 : i32
    %eq3A = arith.constant 0 : i32
    %eq3A_19 = arith.cmpi eq, %select_n3A, %eq3A : i32
    %convert_element_type3A = arith.extui %eq3A_19 : i1 to i32
    %cond3A = arith.constant 0 : i32
    %cond3A_20 = arith.cmpi ne, %convert_element_type3A, %cond3A : i32
    scf.if %cond3A_20 {
      %mul3A_26 = arith.constant 489 : i32
      %mul3A_27 = arith.muli %rem3A_18, %mul3A_26 : i32
      %iota3A = tpu.iota {dimensions = array<i32: 0>} : vector<16xi32>
      "tpu.region"() ({
        %run_scoped3A = tpu.sem_alloc : memref<!tpu.dma_semaphore, #tpu.memory_space<semaphore_mem>>
        tpu.enqueue_dma source(%arg4 : memref<16384xi32, #tpu.memory_space<hbm>>) target(%arg8 : memref<16384xi32, #tpu.memory_space<vmem>>) target_semaphore(%run_scoped3A : memref<!tpu.dma_semaphore, #tpu.memory_space<semaphore_mem>>)
        tpu.wait_dma2 semaphore(%run_scoped3A : memref<!tpu.dma_semaphore, #tpu.memory_space<semaphore_mem>>) src(%arg4 : memref<16384xi32, #tpu.memory_space<hbm>>) dst(%arg8 : memref<16384xi32, #tpu.memory_space<vmem>>)
        tpu.yield
      }) : () -> ()
      %broadcast_in_dim3A = arith.constant 0 : i32
      %broadcast_in_dim3A_28 = vector.broadcast %broadcast_in_dim3A : i32 to vector<16xi32>
      %swap3A = arith.constant 0 : index
      %swap3A_29 = tpu.vector_load %arg11[%swap3A] {strides = array<i32>} : memref<544xi32, #tpu.memory_space<vmem>>, vector<16xi32>,
      tpu.vector_store %arg11[%swap3A], %broadcast_in_dim3A_28 {strides = array<i32>} : memref<544xi32, #tpu.memory_space<vmem>>, vector<16xi32>,
      %swap3A_30 = arith.constant 16 : index
      %swap3A_31 = tpu.vector_load %arg11[%swap3A_30] {strides = array<i32>} : memref<544xi32, #tpu.memory_space<vmem>>, vector<16xi32>,
      tpu.vector_store %arg11[%swap3A_30], %broadcast_in_dim3A_28 {strides = array<i32>} : memref<544xi32, #tpu.memory_space<vmem>>, vector<16xi32>,
      %swap3A_32 = arith.constant 32 : index
      %swap3A_33 = tpu.vector_load %arg11[%swap3A_32] {strides = array<i32>} : memref<544xi32, #tpu.memory_space<vmem>>, vector<16xi32>,
      tpu.vector_store %arg11[%swap3A_32], %broadcast_in_dim3A_28 {strides = array<i32>} : memref<544xi32, #tpu.memory_space<vmem>>, vector<16xi32>,
      %swap3A_34 = arith.constant 48 : index
      %swap3A_35 = tpu.vector_load %arg11[%swap3A_34] {strides = array<i32>} : memref<544xi32, #tpu.memory_space<vmem>>, vector<16xi32>,
      tpu.vector_store %arg11[%swap3A_34], %broadcast_in_dim3A_28 {strides = array<i32>} : memref<544xi32, #tpu.memory_space<vmem>>, vector<16xi32>,
      %swap3A_36 = arith.constant 64 : index
      %swap3A_37 = tpu.vector_load %arg11[%swap3A_36] {strides = array<i32>} : memref<544xi32, #tpu.memory_space<vmem>>, vector<16xi32>,
      tpu.vector_store %arg11[%swap3A_36], %broadcast_in_dim3A_28 {strides = array<i32>} : memref<544xi32, #tpu.memory_space<vmem>>, vector<16xi32>,
      %swap3A_38 = arith.constant 80 : index
      %swap3A_39 = tpu.vector_load %arg11[%swap3A_38] {strides = array<i32>} : memref<544xi32, #tpu.memory_space<vmem>>, vector<16xi32>,
      tpu.vector_store %arg11[%swap3A_38], %broadcast_in_dim3A_28 {strides = array<i32>} : memref<544xi32, #tpu.memory_space<vmem>>, vector<16xi32>,
      %swap3A_40 = arith.constant 96 : index
      %swap3A_41 = tpu.vector_load %arg11[%swap3A_40] {strides = array<i32>} : memref<544xi32, #tpu.memory_space<vmem>>, vector<16xi32>,
      tpu.vector_store %arg11[%swap3A_40], %broadcast_in_dim3A_28 {strides = array<i32>} : memref<544xi32, #tpu.memory_space<vmem>>, vector<16xi32>,
      %swap3A_42 = arith.constant 112 : index
      %swap3A_43 = tpu.vector_load %arg11[%swap3A_42] {strides = array<i32>} : memref<544xi32, #tpu.memory_space<vmem>>, vector<16xi32>,
      tpu.vector_store %arg11[%swap3A_42], %broadcast_in_dim3A_28 {strides = array<i32>} : memref<544xi32, #tpu.memory_space<vmem>>, vector<16xi32>,
      %swap3A_44 = arith.constant 128 : index
      %swap3A_45 = tpu.vector_load %arg11[%swap3A_44] {strides = array<i32>} : memref<544xi32, #tpu.memory_space<vmem>>, vector<16xi32>,
      tpu.vector_store %arg11[%swap3A_44], %broadcast_in_dim3A_28 {strides = array<i32>} : memref<544xi32, #tpu.memory_space<vmem>>, vector<16xi32>,
      %swap3A_46 = arith.constant 144 : index
      %swap3A_47 = tpu.vector_load %arg11[%swap3A_46] {strides = array<i32>} : memref<544xi32, #tpu.memory_space<vmem>>, vector<16xi32>,
      tpu.vector_store %arg11[%swap3A_46], %broadcast_in_dim3A_28 {strides = array<i32>} : memref<544xi32, #tpu.memory_space<vmem>>, vector<16xi32>,
      %swap3A_48 = arith.constant 160 : index
      %swap3A_49 = tpu.vector_load %arg11[%swap3A_48] {strides = array<i32>} : memref<544xi32, #tpu.memory_space<vmem>>, vector<16xi32>,
      tpu.vector_store %arg11[%swap3A_48], %broadcast_in_dim3A_28 {strides = array<i32>} : memref<544xi32, #tpu.memory_space<vmem>>, vector<16xi32>,
      %swap3A_50 = arith.constant 176 : index
      %swap3A_51 = tpu.vector_load %arg11[%swap3A_50] {strides = array<i32>} : memref<544xi32, #tpu.memory_space<vmem>>, vector<16xi32>,
      tpu.vector_store %arg11[%swap3A_50], %broadcast_in_dim3A_28 {strides = array<i32>} : memref<544xi32, #tpu.memory_space<vmem>>, vector<16xi32>,
      %swap3A_52 = arith.constant 192 : index
      %swap3A_53 = tpu.vector_load %arg11[%swap3A_52] {strides = array<i32>} : memref<544xi32, #tpu.memory_space<vmem>>, vector<16xi32>,
      tpu.vector_store %arg11[%swap3A_52], %broadcast_in_dim3A_28 {strides = array<i32>} : memref<544xi32, #tpu.memory_space<vmem>>, vector<16xi32>,
      %swap3A_54 = arith.constant 208 : index
      %swap3A_55 = tpu.vector_load %arg11[%swap3A_54] {strides = array<i32>} : memref<544xi32, #tpu.memory_space<vmem>>, vector<16xi32>,
      tpu.vector_store %arg11[%swap3A_54], %broadcast_in_dim3A_28 {strides = array<i32>} : memref<544xi32, #tpu.memory_space<vmem>>, vector<16xi32>,
      %swap3A_56 = arith.constant 224 : index
      %swap3A_57 = tpu.vector_load %arg11[%swap3A_56] {strides = array<i32>} : memref<544xi32, #tpu.memory_space<vmem>>, vector<16xi32>,
      tpu.vector_store %arg11[%swap3A_56], %broadcast_in_dim3A_28 {strides = array<i32>} : memref<544xi32, #tpu.memory_space<vmem>>, vector<16xi32>,
      %swap3A_58 = arith.constant 240 : index
      %swap3A_59 = tpu.vector_load %arg11[%swap3A_58] {strides = array<i32>} : memref<544xi32, #tpu.memory_space<vmem>>, vector<16xi32>,
      tpu.vector_store %arg11[%swap3A_58], %broadcast_in_dim3A_28 {strides = array<i32>} : memref<544xi32, #tpu.memory_space<vmem>>, vector<16xi32>,
      %swap3A_60 = arith.constant 256 : index
      %swap3A_61 = tpu.vector_load %arg11[%swap3A_60] {strides = array<i32>} : memref<544xi32, #tpu.memory_space<vmem>>, vector<16xi32>,
      tpu.vector_store %arg11[%swap3A_60], %broadcast_in_dim3A_28 {strides = array<i32>} : memref<544xi32, #tpu.memory_space<vmem>>, vector<16xi32>,
      %swap3A_62 = arith.constant 272 : index
      %swap3A_63 = tpu.vector_load %arg11[%swap3A_62] {strides = array<i32>} : memref<544xi32, #tpu.memory_space<vmem>>, vector<16xi32>,
      tpu.vector_store %arg11[%swap3A_62], %broadcast_in_dim3A_28 {strides = array<i32>} : memref<544xi32, #tpu.memory_space<vmem>>, vector<16xi32>,
      %swap3A_64 = arith.constant 288 : index
      %swap3A_65 = tpu.vector_load %arg11[%swap3A_64] {strides = array<i32>} : memref<544xi32, #tpu.memory_space<vmem>>, vector<16xi32>,
      tpu.vector_store %arg11[%swap3A_64], %broadcast_in_dim3A_28 {strides = array<i32>} : memref<544xi32, #tpu.memory_space<vmem>>, vector<16xi32>,
      %swap3A_66 = arith.constant 304 : index
      %swap3A_67 = tpu.vector_load %arg11[%swap3A_66] {strides = array<i32>} : memref<544xi32, #tpu.memory_space<vmem>>, vector<16xi32>,
      tpu.vector_store %arg11[%swap3A_66], %broadcast_in_dim3A_28 {strides = array<i32>} : memref<544xi32, #tpu.memory_space<vmem>>, vector<16xi32>,
      %swap3A_68 = arith.constant 320 : index
      %swap3A_69 = tpu.vector_load %arg11[%swap3A_68] {strides = array<i32>} : memref<544xi32, #tpu.memory_space<vmem>>, vector<16xi32>,
      tpu.vector_store %arg11[%swap3A_68], %broadcast_in_dim3A_28 {strides = array<i32>} : memref<544xi32, #tpu.memory_space<vmem>>, vector<16xi32>,
      %swap3A_70 = arith.constant 336 : index
      %swap3A_71 = tpu.vector_load %arg11[%swap3A_70] {strides = array<i32>} : memref<544xi32, #tpu.memory_space<vmem>>, vector<16xi32>,
      tpu.vector_store %arg11[%swap3A_70], %broadcast_in_dim3A_28 {strides = array<i32>} : memref<544xi32, #tpu.memory_space<vmem>>, vector<16xi32>,
      %swap3A_72 = arith.constant 352 : index
      %swap3A_73 = tpu.vector_load %arg11[%swap3A_72] {strides = array<i32>} : memref<544xi32, #tpu.memory_space<vmem>>, vector<16xi32>,
      tpu.vector_store %arg11[%swap3A_72], %broadcast_in_dim3A_28 {strides = array<i32>} : memref<544xi32, #tpu.memory_space<vmem>>, vector<16xi32>,
      %swap3A_74 = arith.constant 368 : index
      %swap3A_75 = tpu.vector_load %arg11[%swap3A_74] {strides = array<i32>} : memref<544xi32, #tpu.memory_space<vmem>>, vector<16xi32>,
      tpu.vector_store %arg11[%swap3A_74], %broadcast_in_dim3A_28 {strides = array<i32>} : memref<544xi32, #tpu.memory_space<vmem>>, vector<16xi32>,
      %swap3A_76 = arith.constant 384 : index
      %swap3A_77 = tpu.vector_load %arg11[%swap3A_76] {strides = array<i32>} : memref<544xi32, #tpu.memory_space<vmem>>, vector<16xi32>,
      tpu.vector_store %arg11[%swap3A_76], %broadcast_in_dim3A_28 {strides = array<i32>} : memref<544xi32, #tpu.memory_space<vmem>>, vector<16xi32>,
      %swap3A_78 = arith.constant 400 : index
      %swap3A_79 = tpu.vector_load %arg11[%swap3A_78] {strides = array<i32>} : memref<544xi32, #tpu.memory_space<vmem>>, vector<16xi32>,
      tpu.vector_store %arg11[%swap3A_78], %broadcast_in_dim3A_28 {strides = array<i32>} : memref<544xi32, #tpu.memory_space<vmem>>, vector<16xi32>,
      %swap3A_80 = arith.constant 416 : index
      %swap3A_81 = tpu.vector_load %arg11[%swap3A_80] {strides = array<i32>} : memref<544xi32, #tpu.memory_space<vmem>>, vector<16xi32>,
      tpu.vector_store %arg11[%swap3A_80], %broadcast_in_dim3A_28 {strides = array<i32>} : memref<544xi32, #tpu.memory_space<vmem>>, vector<16xi32>,
      %swap3A_82 = arith.constant 432 : index
      %swap3A_83 = tpu.vector_load %arg11[%swap3A_82] {strides = array<i32>} : memref<544xi32, #tpu.memory_space<vmem>>, vector<16xi32>,
      tpu.vector_store %arg11[%swap3A_82], %broadcast_in_dim3A_28 {strides = array<i32>} : memref<544xi32, #tpu.memory_space<vmem>>, vector<16xi32>,
      %swap3A_84 = arith.constant 448 : index
      %swap3A_85 = tpu.vector_load %arg11[%swap3A_84] {strides = array<i32>} : memref<544xi32, #tpu.memory_space<vmem>>, vector<16xi32>,
      tpu.vector_store %arg11[%swap3A_84], %broadcast_in_dim3A_28 {strides = array<i32>} : memref<544xi32, #tpu.memory_space<vmem>>, vector<16xi32>,
      %swap3A_86 = arith.constant 464 : index
      %swap3A_87 = tpu.vector_load %arg11[%swap3A_86] {strides = array<i32>} : memref<544xi32, #tpu.memory_space<vmem>>, vector<16xi32>,
      tpu.vector_store %arg11[%swap3A_86], %broadcast_in_dim3A_28 {strides = array<i32>} : memref<544xi32, #tpu.memory_space<vmem>>, vector<16xi32>,
      %swap3A_88 = arith.constant 480 : index
      %swap3A_89 = tpu.vector_load %arg11[%swap3A_88] {strides = array<i32>} : memref<544xi32, #tpu.memory_space<vmem>>, vector<16xi32>,
      tpu.vector_store %arg11[%swap3A_88], %broadcast_in_dim3A_28 {strides = array<i32>} : memref<544xi32, #tpu.memory_space<vmem>>, vector<16xi32>,
      %swap3A_90 = arith.constant 496 : index
      %swap3A_91 = tpu.vector_load %arg11[%swap3A_90] {strides = array<i32>} : memref<544xi32, #tpu.memory_space<vmem>>, vector<16xi32>,
      tpu.vector_store %arg11[%swap3A_90], %broadcast_in_dim3A_28 {strides = array<i32>} : memref<544xi32, #tpu.memory_space<vmem>>, vector<16xi32>,
      %swap3A_92 = arith.constant 512 : index
      %swap3A_93 = tpu.vector_load %arg11[%swap3A_92] {strides = array<i32>} : memref<544xi32, #tpu.memory_space<vmem>>, vector<16xi32>,
      tpu.vector_store %arg11[%swap3A_92], %broadcast_in_dim3A_28 {strides = array<i32>} : memref<544xi32, #tpu.memory_space<vmem>>, vector<16xi32>,
      %swap3A_94 = arith.constant 528 : index
      %swap3A_95 = tpu.vector_load %arg11[%swap3A_94] {strides = array<i32>} : memref<544xi32, #tpu.memory_space<vmem>>, vector<16xi32>,
      tpu.vector_store %arg11[%swap3A_94], %broadcast_in_dim3A_28 {strides = array<i32>} : memref<544xi32, #tpu.memory_space<vmem>>, vector<16xi32>,
      %broadcast_in_dim3A_96 = arith.constant 0 : i32
      %broadcast_in_dim3A_97 = vector.broadcast %broadcast_in_dim3A_96 : i32 to vector<16xi32>
      %swap3A_98 = arith.constant 0 : index
      %swap3A_99 = tpu.vector_load %arg12[%swap3A_98] {strides = array<i32>} : memref<544xi32, #tpu.memory_space<vmem>>, vector<16xi32>,
      tpu.vector_store %arg12[%swap3A_98], %broadcast_in_dim3A_97 {strides = array<i32>} : memref<544xi32, #tpu.memory_space<vmem>>, vector<16xi32>,
      %swap3A_100 = arith.constant 16 : index
      %swap3A_101 = tpu.vector_load %arg12[%swap3A_100] {strides = array<i32>} : memref<544xi32, #tpu.memory_space<vmem>>, vector<16xi32>,
      tpu.vector_store %arg12[%swap3A_100], %broadcast_in_dim3A_97 {strides = array<i32>} : memref<544xi32, #tpu.memory_space<vmem>>, vector<16xi32>,
      %swap3A_102 = arith.constant 32 : index
      %swap3A_103 = tpu.vector_load %arg12[%swap3A_102] {strides = array<i32>} : memref<544xi32, #tpu.memory_space<vmem>>, vector<16xi32>,
      tpu.vector_store %arg12[%swap3A_102], %broadcast_in_dim3A_97 {strides = array<i32>} : memref<544xi32, #tpu.memory_space<vmem>>, vector<16xi32>,
      %swap3A_104 = arith.constant 48 : index
      %swap3A_105 = tpu.vector_load %arg12[%swap3A_104] {strides = array<i32>} : memref<544xi32, #tpu.memory_space<vmem>>, vector<16xi32>,
      tpu.vector_store %arg12[%swap3A_104], %broadcast_in_dim3A_97 {strides = array<i32>} : memref<544xi32, #tpu.memory_space<vmem>>, vector<16xi32>,
      %swap3A_106 = arith.constant 64 : index
      %swap3A_107 = tpu.vector_load %arg12[%swap3A_106] {strides = array<i32>} : memref<544xi32, #tpu.memory_space<vmem>>, vector<16xi32>,
      tpu.vector_store %arg12[%swap3A_106], %broadcast_in_dim3A_97 {strides = array<i32>} : memref<544xi32, #tpu.memory_space<vmem>>, vector<16xi32>,
      %swap3A_108 = arith.constant 80 : index
      %swap3A_109 = tpu.vector_load %arg12[%swap3A_108] {strides = array<i32>} : memref<544xi32, #tpu.memory_space<vmem>>, vector<16xi32>,
      tpu.vector_store %arg12[%swap3A_108], %broadcast_in_dim3A_97 {strides = array<i32>} : memref<544xi32, #tpu.memory_space<vmem>>, vector<16xi32>,
      %swap3A_110 = arith.constant 96 : index
      %swap3A_111 = tpu.vector_load %arg12[%swap3A_110] {strides = array<i32>} : memref<544xi32, #tpu.memory_space<vmem>>, vector<16xi32>,
      tpu.vector_store %arg12[%swap3A_110], %broadcast_in_dim3A_97 {strides = array<i32>} : memref<544xi32, #tpu.memory_space<vmem>>, vector<16xi32>,
      %swap3A_112 = arith.constant 112 : index
      %swap3A_113 = tpu.vector_load %arg12[%swap3A_112] {strides = array<i32>} : memref<544xi32, #tpu.memory_space<vmem>>, vector<16xi32>,
      tpu.vector_store %arg12[%swap3A_112], %broadcast_in_dim3A_97 {strides = array<i32>} : memref<544xi32, #tpu.memory_space<vmem>>, vector<16xi32>,
      %swap3A_114 = arith.constant 128 : index
      %swap3A_115 = tpu.vector_load %arg12[%swap3A_114] {strides = array<i32>} : memref<544xi32, #tpu.memory_space<vmem>>, vector<16xi32>,
      tpu.vector_store %arg12[%swap3A_114], %broadcast_in_dim3A_97 {strides = array<i32>} : memref<544xi32, #tpu.memory_space<vmem>>, vector<16xi32>,
      %swap3A_116 = arith.constant 144 : index
      %swap3A_117 = tpu.vector_load %arg12[%swap3A_116] {strides = array<i32>} : memref<544xi32, #tpu.memory_space<vmem>>, vector<16xi32>,
      tpu.vector_store %arg12[%swap3A_116], %broadcast_in_dim3A_97 {strides = array<i32>} : memref<544xi32, #tpu.memory_space<vmem>>, vector<16xi32>,
      %swap3A_118 = arith.constant 160 : index
      %swap3A_119 = tpu.vector_load %arg12[%swap3A_118] {strides = array<i32>} : memref<544xi32, #tpu.memory_space<vmem>>, vector<16xi32>,
      tpu.vector_store %arg12[%swap3A_118], %broadcast_in_dim3A_97 {strides = array<i32>} : memref<544xi32, #tpu.memory_space<vmem>>, vector<16xi32>,
      %swap3A_120 = arith.constant 176 : index
      %swap3A_121 = tpu.vector_load %arg12[%swap3A_120] {strides = array<i32>} : memref<544xi32, #tpu.memory_space<vmem>>, vector<16xi32>,
      tpu.vector_store %arg12[%swap3A_120], %broadcast_in_dim3A_97 {strides = array<i32>} : memref<544xi32, #tpu.memory_space<vmem>>, vector<16xi32>,
      %swap3A_122 = arith.constant 192 : index
      %swap3A_123 = tpu.vector_load %arg12[%swap3A_122] {strides = array<i32>} : memref<544xi32, #tpu.memory_space<vmem>>, vector<16xi32>,
      tpu.vector_store %arg12[%swap3A_122], %broadcast_in_dim3A_97 {strides = array<i32>} : memref<544xi32, #tpu.memory_space<vmem>>, vector<16xi32>,
      %swap3A_124 = arith.constant 208 : index
      %swap3A_125 = tpu.vector_load %arg12[%swap3A_124] {strides = array<i32>} : memref<544xi32, #tpu.memory_space<vmem>>, vector<16xi32>,
      tpu.vector_store %arg12[%swap3A_124], %broadcast_in_dim3A_97 {strides = array<i32>} : memref<544xi32, #tpu.memory_space<vmem>>, vector<16xi32>,
      %swap3A_126 = arith.constant 224 : index
      %swap3A_127 = tpu.vector_load %arg12[%swap3A_126] {strides = array<i32>} : memref<544xi32, #tpu.memory_space<vmem>>, vector<16xi32>,
      tpu.vector_store %arg12[%swap3A_126], %broadcast_in_dim3A_97 {strides = array<i32>} : memref<544xi32, #tpu.memory_space<vmem>>, vector<16xi32>,
      %swap3A_128 = arith.constant 240 : index
      %swap3A_129 = tpu.vector_load %arg12[%swap3A_128] {strides = array<i32>} : memref<544xi32, #tpu.memory_space<vmem>>, vector<16xi32>,
      tpu.vector_store %arg12[%swap3A_128], %broadcast_in_dim3A_97 {strides = array<i32>} : memref<544xi32, #tpu.memory_space<vmem>>, vector<16xi32>,
      %swap3A_130 = arith.constant 256 : index
      %swap3A_131 = tpu.vector_load %arg12[%swap3A_130] {strides = array<i32>} : memref<544xi32, #tpu.memory_space<vmem>>, vector<16xi32>,
      tpu.vector_store %arg12[%swap3A_130], %broadcast_in_dim3A_97 {strides = array<i32>} : memref<544xi32, #tpu.memory_space<vmem>>, vector<16xi32>,
      %swap3A_132 = arith.constant 272 : index
      %swap3A_133 = tpu.vector_load %arg12[%swap3A_132] {strides = array<i32>} : memref<544xi32, #tpu.memory_space<vmem>>, vector<16xi32>,
      tpu.vector_store %arg12[%swap3A_132], %broadcast_in_dim3A_97 {strides = array<i32>} : memref<544xi32, #tpu.memory_space<vmem>>, vector<16xi32>,
      %swap3A_134 = arith.constant 288 : index
      %swap3A_135 = tpu.vector_load %arg12[%swap3A_134] {strides = array<i32>} : memref<544xi32, #tpu.memory_space<vmem>>, vector<16xi32>,
      tpu.vector_store %arg12[%swap3A_134], %broadcast_in_dim3A_97 {strides = array<i32>} : memref<544xi32, #tpu.memory_space<vmem>>, vector<16xi32>,
      %swap3A_136 = arith.constant 304 : index
      %swap3A_137 = tpu.vector_load %arg12[%swap3A_136] {strides = array<i32>} : memref<544xi32, #tpu.memory_space<vmem>>, vector<16xi32>,
      tpu.vector_store %arg12[%swap3A_136], %broadcast_in_dim3A_97 {strides = array<i32>} : memref<544xi32, #tpu.memory_space<vmem>>, vector<16xi32>,
      %swap3A_138 = arith.constant 320 : index
      %swap3A_139 = tpu.vector_load %arg12[%swap3A_138] {strides = array<i32>} : memref<544xi32, #tpu.memory_space<vmem>>, vector<16xi32>,
      tpu.vector_store %arg12[%swap3A_138], %broadcast_in_dim3A_97 {strides = array<i32>} : memref<544xi32, #tpu.memory_space<vmem>>, vector<16xi32>,
      %swap3A_140 = arith.constant 336 : index
      %swap3A_141 = tpu.vector_load %arg12[%swap3A_140] {strides = array<i32>} : memref<544xi32, #tpu.memory_space<vmem>>, vector<16xi32>,
      tpu.vector_store %arg12[%swap3A_140], %broadcast_in_dim3A_97 {strides = array<i32>} : memref<544xi32, #tpu.memory_space<vmem>>, vector<16xi32>,
      %swap3A_142 = arith.constant 352 : index
      %swap3A_143 = tpu.vector_load %arg12[%swap3A_142] {strides = array<i32>} : memref<544xi32, #tpu.memory_space<vmem>>, vector<16xi32>,
      tpu.vector_store %arg12[%swap3A_142], %broadcast_in_dim3A_97 {strides = array<i32>} : memref<544xi32, #tpu.memory_space<vmem>>, vector<16xi32>,
      %swap3A_144 = arith.constant 368 : index
      %swap3A_145 = tpu.vector_load %arg12[%swap3A_144] {strides = array<i32>} : memref<544xi32, #tpu.memory_space<vmem>>, vector<16xi32>,
      tpu.vector_store %arg12[%swap3A_144], %broadcast_in_dim3A_97 {strides = array<i32>} : memref<544xi32, #tpu.memory_space<vmem>>, vector<16xi32>,
      %swap3A_146 = arith.constant 384 : index
      %swap3A_147 = tpu.vector_load %arg12[%swap3A_146] {strides = array<i32>} : memref<544xi32, #tpu.memory_space<vmem>>, vector<16xi32>,
      tpu.vector_store %arg12[%swap3A_146], %broadcast_in_dim3A_97 {strides = array<i32>} : memref<544xi32, #tpu.memory_space<vmem>>, vector<16xi32>,
      %swap3A_148 = arith.constant 400 : index
      %swap3A_149 = tpu.vector_load %arg12[%swap3A_148] {strides = array<i32>} : memref<544xi32, #tpu.memory_space<vmem>>, vector<16xi32>,
      tpu.vector_store %arg12[%swap3A_148], %broadcast_in_dim3A_97 {strides = array<i32>} : memref<544xi32, #tpu.memory_space<vmem>>, vector<16xi32>,
      %swap3A_150 = arith.constant 416 : index
      %swap3A_151 = tpu.vector_load %arg12[%swap3A_150] {strides = array<i32>} : memref<544xi32, #tpu.memory_space<vmem>>, vector<16xi32>,
      tpu.vector_store %arg12[%swap3A_150], %broadcast_in_dim3A_97 {strides = array<i32>} : memref<544xi32, #tpu.memory_space<vmem>>, vector<16xi32>,
      %swap3A_152 = arith.constant 432 : index
      %swap3A_153 = tpu.vector_load %arg12[%swap3A_152] {strides = array<i32>} : memref<544xi32, #tpu.memory_space<vmem>>, vector<16xi32>,
      tpu.vector_store %arg12[%swap3A_152], %broadcast_in_dim3A_97 {strides = array<i32>} : memref<544xi32, #tpu.memory_space<vmem>>, vector<16xi32>,
      %swap3A_154 = arith.constant 448 : index
      %swap3A_155 = tpu.vector_load %arg12[%swap3A_154] {strides = array<i32>} : memref<544xi32, #tpu.memory_space<vmem>>, vector<16xi32>,
      tpu.vector_store %arg12[%swap3A_154], %broadcast_in_dim3A_97 {strides = array<i32>} : memref<544xi32, #tpu.memory_space<vmem>>, vector<16xi32>,
      %swap3A_156 = arith.constant 464 : index
      %swap3A_157 = tpu.vector_load %arg12[%swap3A_156] {strides = array<i32>} : memref<544xi32, #tpu.memory_space<vmem>>, vector<16xi32>,
      tpu.vector_store %arg12[%swap3A_156], %broadcast_in_dim3A_97 {strides = array<i32>} : memref<544xi32, #tpu.memory_space<vmem>>, vector<16xi32>,
      %swap3A_158 = arith.constant 480 : index
      %swap3A_159 = tpu.vector_load %arg12[%swap3A_158] {strides = array<i32>} : memref<544xi32, #tpu.memory_space<vmem>>, vector<16xi32>,
      tpu.vector_store %arg12[%swap3A_158], %broadcast_in_dim3A_97 {strides = array<i32>} : memref<544xi32, #tpu.memory_space<vmem>>, vector<16xi32>,
      %swap3A_160 = arith.constant 496 : index
      %swap3A_161 = tpu.vector_load %arg12[%swap3A_160] {strides = array<i32>} : memref<544xi32, #tpu.memory_space<vmem>>, vector<16xi32>,
      tpu.vector_store %arg12[%swap3A_160], %broadcast_in_dim3A_97 {strides = array<i32>} : memref<544xi32, #tpu.memory_space<vmem>>, vector<16xi32>,
      %swap3A_162 = arith.constant 512 : index
      %swap3A_163 = tpu.vector_load %arg12[%swap3A_162] {strides = array<i32>} : memref<544xi32, #tpu.memory_space<vmem>>, vector<16xi32>,
      tpu.vector_store %arg12[%swap3A_162], %broadcast_in_dim3A_97 {strides = array<i32>} : memref<544xi32, #tpu.memory_space<vmem>>, vector<16xi32>,
      %swap3A_164 = arith.constant 528 : index
      %swap3A_165 = tpu.vector_load %arg12[%swap3A_164] {strides = array<i32>} : memref<544xi32, #tpu.memory_space<vmem>>, vector<16xi32>,
      tpu.vector_store %arg12[%swap3A_164], %broadcast_in_dim3A_97 {strides = array<i32>} : memref<544xi32, #tpu.memory_space<vmem>>, vector<16xi32>,
      %broadcast_in_dim3A_166 = arith.constant 1 : i32
      %broadcast_in_dim3A_167 = vector.broadcast %broadcast_in_dim3A_166 : i32 to vector<16xi32>
      %scan3A = arith.constant 0 : i32
      %scan3A_168 = arith.constant 0 : i32
      %scan3A_169 = arith.constant 1024 : i32
      %scan3A_170 = arith.addi %scan3A_168, %scan3A_169 : i32
      %scan3A_171 = arith.constant 1 : i32
      %scan3A_172 = scf.for %scan3A_211 = %scan3A_168 to %scan3A_170 step %scan3A_171 iter_args(%scan3A_212 = %scan3A) -> (i32)  : i32 {
        %mul3A_213 = arith.constant 16 : i32
        %mul3A_214 = arith.muli %scan3A_211, %mul3A_213 : i32
        %get3A = arith.index_cast %mul3A_214 : i32 to index
        %get3A_215 = tpu.vector_load %arg8[%get3A] {strides = array<i32>} : memref<16384xi32, #tpu.memory_space<vmem>>, vector<16xi32>,
        %shift_right_logical3A = arith.constant 7 : i32
        %shift_right_logical3A_216 = vector.broadcast %shift_right_logical3A : i32 to vector<16xi32>
        %shift_right_logical3A_217 = arith.shrui %get3A_215, %shift_right_logical3A_216 : vector<16xi32>
        %sub3A_218 = vector.broadcast %mul3A_27 : i32 to vector<16xi32>
        %sub3A_219 = arith.subi %shift_right_logical3A_217, %sub3A_218 : vector<16xi32>
        %ge3A = arith.constant 0 : i32
        %ge3A_220 = vector.broadcast %ge3A : i32 to vector<16xi32>
        %ge3A_221 = arith.cmpi sge, %sub3A_219, %ge3A_220 : vector<16xi32>
        %lt3A = arith.constant 489 : i32
        %lt3A_222 = vector.broadcast %lt3A : i32 to vector<16xi32>
        %lt3A_223 = arith.cmpi slt, %sub3A_219, %lt3A_222 : vector<16xi32>
        %and3A_224 = arith.andi %ge3A_221, %lt3A_223 : vector<16xi1>
        %shift_left3A = arith.constant 21 : i32
        %shift_left3A_225 = vector.broadcast %shift_left3A : i32 to vector<16xi32>
        %shift_left3A_226 = arith.shli %sub3A_219, %shift_left3A_225 : vector<16xi32>
        %and3A_227 = arith.constant 127 : i32
        %and3A_228 = vector.broadcast %and3A_227 : i32 to vector<16xi32>
        %and3A_229 = arith.andi %get3A_215, %and3A_228 : vector<16xi32>
        %shift_left3A_230 = arith.constant 14 : i32
        %shift_left3A_231 = vector.broadcast %shift_left3A_230 : i32 to vector<16xi32>
        %shift_left3A_232 = arith.shli %and3A_229, %shift_left3A_231 : vector<16xi32>
        %or3A = arith.ori %shift_left3A_226, %shift_left3A_232 : vector<16xi32>
        %mul3A_233 = arith.constant 16 : i32
        %mul3A_234 = arith.muli %scan3A_211, %mul3A_233 : i32
        %add3A_235 = vector.broadcast %mul3A_234 : i32 to vector<16xi32>
        %add3A_236 = arith.addi %iota3A, %add3A_235 : vector<16xi32>
        %or3A_237 = arith.ori %or3A, %add3A_236 : vector<16xi32>
        %swap3A_238 = arith.index_cast %scan3A_212 : i32 to index
        %swap3A_239 = tpu.vector_load %arg9[%swap3A_238] masked %and3A_224 {strides = array<i32>} : memref<16400xi32, #tpu.memory_space<vmem>>, vector<16xi32>, vector<16xi1>
        tpu.vector_store %arg9[%swap3A_238], %or3A_237 masked %and3A_224 {strides = array<i32>} : memref<16400xi32, #tpu.memory_space<vmem>>, vector<16xi32>, vector<16xi1>
        tpu.vector_store_idx %arg11[%sub3A_219], %broadcast_in_dim3A_167 masked %and3A_224 : memref<544xi32, #tpu.memory_space<vmem>>[vector<16xi32>], vector<16xi32>, vector<16xi1>
        tpu.vector_store_idx %arg12[%sub3A_219], %broadcast_in_dim3A_167 masked %and3A_224 {add = true} : memref<544xi32, #tpu.memory_space<vmem>>[vector<16xi32>], vector<16xi32>, vector<16xi1>
        %all_reduce_population_count3A = tpu.all_reduce %and3A_224 {dim = 0 : i64, kind = #tpu.reduction_kind<sum>} : vector<16xi1> -> vector<16xi32>
        %slice3A = vector.extract_strided_slice %all_reduce_population_count3A {offsets = [0], sizes = [1], strides = [1]} : vector<16xi32> to vector<1xi32>
        %squeeze3A = vector.extract %slice3A[0] : i32 from vector<1xi32>
        %add3A_240 = arith.addi %scan3A_212, %squeeze3A : i32
        scf.yield %add3A_240 : i32
      }
      %scan3A_173 = arith.constant 1024 : i32
      %scan3A_174 = arith.constant 0 : i32
      %scan3A_175 = arith.constant 0 : i32
      %scan3A_176 = arith.constant 34 : i32
      %scan3A_177 = arith.addi %scan3A_175, %scan3A_176 : i32
      %scan3A_178 = arith.constant 1 : i32
      %scan3A_179 = scf.for %scan3A_211 = %scan3A_175 to %scan3A_177 step %scan3A_178 iter_args(%scan3A_212 = %scan3A_174) -> (i32)  : i32 {
        %mul3A_213 = arith.constant 16 : i32
        %mul3A_214 = arith.muli %scan3A_211, %mul3A_213 : i32
        %get3A = arith.index_cast %mul3A_214 : i32 to index
        %get3A_215 = tpu.vector_load %arg12[%get3A] {strides = array<i32>} : memref<544xi32, #tpu.memory_space<vmem>>, vector<16xi32>,
        %broadcast_in_dim3A_216 = arith.constant true
        %broadcast_in_dim3A_217 = vector.broadcast %broadcast_in_dim3A_216 : i1 to vector<16xi1>
        %masked_cumsum3A = tpu.scan <sum>, %get3A_215 masked %broadcast_in_dim3A_217 : vector<16xi32>, vector<16xi1> -> vector<16xi32>
        %sub3A_218 = arith.subi %masked_cumsum3A, %get3A_215 : vector<16xi32>
        %add3A_219 = vector.broadcast %scan3A_212 : i32 to vector<16xi32>
        %add3A_220 = arith.addi %sub3A_218, %add3A_219 : vector<16xi32>
        %mul3A_221 = arith.constant 16 : i32
        %mul3A_222 = arith.muli %scan3A_211, %mul3A_221 : i32
        %swap3A_223 = arith.index_cast %mul3A_222 : i32 to index
        %swap3A_224 = tpu.vector_load %arg13[%swap3A_223] {strides = array<i32>} : memref<544xi32, #tpu.memory_space<vmem>>, vector<16xi32>,
        tpu.vector_store %arg13[%swap3A_223], %add3A_220 {strides = array<i32>} : memref<544xi32, #tpu.memory_space<vmem>>, vector<16xi32>,
        %sub3A_225 = arith.subi %masked_cumsum3A, %get3A_215 : vector<16xi32>
        %add3A_226 = vector.broadcast %scan3A_212 : i32 to vector<16xi32>
        %add3A_227 = arith.addi %sub3A_225, %add3A_226 : vector<16xi32>
        %mul3A_228 = arith.constant 16 : i32
        %mul3A_229 = arith.muli %scan3A_211, %mul3A_228 : i32
        %swap3A_230 = arith.index_cast %mul3A_229 : i32 to index
        %swap3A_231 = tpu.vector_load %arg14[%swap3A_230] {strides = array<i32>} : memref<544xi32, #tpu.memory_space<vmem>>, vector<16xi32>,
        tpu.vector_store %arg14[%swap3A_230], %add3A_227 {strides = array<i32>} : memref<544xi32, #tpu.memory_space<vmem>>, vector<16xi32>,
        %slice3A = vector.extract_strided_slice %masked_cumsum3A {offsets = [15], sizes = [1], strides = [1]} : vector<16xi32> to vector<1xi32>
        %squeeze3A = vector.extract %slice3A[0] : i32 from vector<1xi32>
        %add3A_232 = arith.addi %scan3A_212, %squeeze3A : i32
        scf.yield %add3A_232 : i32
      }
      %scan3A_180 = arith.constant 34 : i32
      %while3A = arith.constant 0 : i32
      %while3A_181 = arith.constant 0 : i32
      %while3A_182 = arith.subi %scan3A_172, %while3A_181 : i32
      %while3A_183 = arith.addi %while3A_181, %while3A_182 : i32
      %while3A_184 = arith.constant 1 : i32
      %while3A_185 = arith.divsi %while3A_182, %while3A_184 : i32
      %while3A_186 = arith.muli %while3A_185, %while3A_184 : i32
      %while3A_187 = arith.addi %while3A_181, %while3A_186 : i32
      %while3A_188 = arith.constant 1 : i32
      scf.for %while3A_211 = %while3A_181 to %while3A_187 step %while3A_188  : i32 {
        %get3A = arith.index_cast %while3A_211 : i32 to index
        %get3A_212 = tpu.vector_load %arg9[%get3A] {strides = array<i32>} : memref<16400xi32, #tpu.memory_space<vmem>>, vector<16xi32>,
        %slice3A = vector.extract_strided_slice %get3A_212 {offsets = [0], sizes = [1], strides = [1]} : vector<16xi32> to vector<1xi32>
        %squeeze3A = vector.extract %slice3A[0] : i32 from vector<1xi32>
        %shift_right_logical3A = arith.constant 21 : i32
        %shift_right_logical3A_213 = arith.shrui %squeeze3A, %shift_right_logical3A : i32
        %get3A_214 = arith.index_cast %shift_right_logical3A_213 : i32 to index
        %get3A_215 = tpu.vector_load %arg14[%get3A_214] {strides = array<i32>} : memref<544xi32, #tpu.memory_space<vmem>>, vector<16xi32>,
        %slice3A_216 = vector.extract_strided_slice %get3A_215 {offsets = [0], sizes = [1], strides = [1]} : vector<16xi32> to vector<1xi32>
        %squeeze3A_217 = vector.extract %slice3A_216[0] : i32 from vector<1xi32>
        %eq3A_218 = arith.constant 0 : i32
        %eq3A_219 = vector.broadcast %eq3A_218 : i32 to vector<16xi32>
        %eq3A_220 = arith.cmpi eq, %iota3A, %eq3A_219 : vector<16xi32>
        %broadcast_in_dim3A_221 = vector.broadcast %squeeze3A_217 : i32 to vector<16xi32>
        %broadcast_in_dim3A_222 = vector.broadcast %squeeze3A : i32 to vector<16xi32>
        tpu.vector_store_idx %arg10[%broadcast_in_dim3A_221], %broadcast_in_dim3A_222 masked %eq3A_220 : memref<16400xi32, #tpu.memory_space<vmem>>[vector<16xi32>], vector<16xi32>, vector<16xi1>
        %broadcast_in_dim3A_223 = vector.broadcast %shift_right_logical3A_213 : i32 to vector<16xi32>
        %add3A_224 = arith.constant 1 : i32
        %add3A_225 = arith.addi %squeeze3A_217, %add3A_224 : i32
        %broadcast_in_dim3A_226 = vector.broadcast %add3A_225 : i32 to vector<16xi32>
        tpu.vector_store_idx %arg14[%broadcast_in_dim3A_223], %broadcast_in_dim3A_226 masked %eq3A_220 : memref<544xi32, #tpu.memory_space<vmem>>[vector<16xi32>], vector<16xi32>, vector<16xi1>
      }
      %while3A_189 = arith.constant 1 : i32
      scf.for %while3A_211 = %while3A_187 to %while3A_183 step %while3A_189  : i32 {
        %get3A = arith.index_cast %while3A_211 : i32 to index
        %get3A_212 = tpu.vector_load %arg9[%get3A] {strides = array<i32>} : memref<16400xi32, #tpu.memory_space<vmem>>, vector<16xi32>,
        %slice3A = vector.extract_strided_slice %get3A_212 {offsets = [0], sizes = [1], strides = [1]} : vector<16xi32> to vector<1xi32>
        %squeeze3A = vector.extract %slice3A[0] : i32 from vector<1xi32>
        %shift_right_logical3A = arith.constant 21 : i32
        %shift_right_logical3A_213 = arith.shrui %squeeze3A, %shift_right_logical3A : i32
        %get3A_214 = arith.index_cast %shift_right_logical3A_213 : i32 to index
        %get3A_215 = tpu.vector_load %arg14[%get3A_214] {strides = array<i32>} : memref<544xi32, #tpu.memory_space<vmem>>, vector<16xi32>,
        %slice3A_216 = vector.extract_strided_slice %get3A_215 {offsets = [0], sizes = [1], strides = [1]} : vector<16xi32> to vector<1xi32>
        %squeeze3A_217 = vector.extract %slice3A_216[0] : i32 from vector<1xi32>
        %eq3A_218 = arith.constant 0 : i32
        %eq3A_219 = vector.broadcast %eq3A_218 : i32 to vector<16xi32>
        %eq3A_220 = arith.cmpi eq, %iota3A, %eq3A_219 : vector<16xi32>
        %broadcast_in_dim3A_221 = vector.broadcast %squeeze3A_217 : i32 to vector<16xi32>
        %broadcast_in_dim3A_222 = vector.broadcast %squeeze3A : i32 to vector<16xi32>
        tpu.vector_store_idx %arg10[%broadcast_in_dim3A_221], %broadcast_in_dim3A_222 masked %eq3A_220 : memref<16400xi32, #tpu.memory_space<vmem>>[vector<16xi32>], vector<16xi32>, vector<16xi1>
        %broadcast_in_dim3A_223 = vector.broadcast %shift_right_logical3A_213 : i32 to vector<16xi32>
        %add3A_224 = arith.constant 1 : i32
        %add3A_225 = arith.addi %squeeze3A_217, %add3A_224 : i32
        %broadcast_in_dim3A_226 = vector.broadcast %add3A_225 : i32 to vector<16xi32>
        tpu.vector_store_idx %arg14[%broadcast_in_dim3A_223], %broadcast_in_dim3A_226 masked %eq3A_220 : memref<544xi32, #tpu.memory_space<vmem>>[vector<16xi32>], vector<16xi32>, vector<16xi1>
      }
      %scan3A_190 = arith.constant 0 : i32
      %scan3A_191 = arith.constant 0 : i32
      %scan3A_192 = arith.constant 34 : i32
      %scan3A_193 = arith.addi %scan3A_191, %scan3A_192 : i32
      %scan3A_194 = arith.constant 1 : i32
      %scan3A_195 = scf.for %scan3A_211 = %scan3A_191 to %scan3A_193 step %scan3A_194 iter_args(%scan3A_212 = %scan3A_190) -> (i32)  : i32 {
        %mul3A_213 = arith.constant 16 : i32
        %mul3A_214 = arith.muli %scan3A_211, %mul3A_213 : i32
        %get3A = arith.index_cast %mul3A_214 : i32 to index
        %get3A_215 = tpu.vector_load %arg11[%get3A] {strides = array<i32>} : memref<544xi32, #tpu.memory_space<vmem>>, vector<16xi32>,
        %gt3A_216 = arith.constant 0 : i32
        %gt3A_217 = vector.broadcast %gt3A_216 : i32 to vector<16xi32>
        %gt3A_218 = arith.cmpi sgt, %get3A_215, %gt3A_217 : vector<16xi32>
        %mul3A_219 = arith.constant 16 : i32
        %mul3A_220 = arith.muli %scan3A_211, %mul3A_219 : i32
        %add3A_221 = vector.broadcast %mul3A_220 : i32 to vector<16xi32>
        %add3A_222 = arith.addi %iota3A, %add3A_221 : vector<16xi32>
        %swap3A_223 = arith.index_cast %scan3A_212 : i32 to index
        %swap3A_224 = tpu.vector_load %arg15[%swap3A_223] masked %gt3A_218 {strides = array<i32>} : memref<544xi32, #tpu.memory_space<vmem>>, vector<16xi32>, vector<16xi1>
        tpu.vector_store %arg15[%swap3A_223], %add3A_222 masked %gt3A_218 {strides = array<i32>} : memref<544xi32, #tpu.memory_space<vmem>>, vector<16xi32>, vector<16xi1>
        %all_reduce_population_count3A = tpu.all_reduce %gt3A_218 {dim = 0 : i64, kind = #tpu.reduction_kind<sum>} : vector<16xi1> -> vector<16xi32>
        %slice3A = vector.extract_strided_slice %all_reduce_population_count3A {offsets = [0], sizes = [1], strides = [1]} : vector<16xi32> to vector<1xi32>
        %squeeze3A = vector.extract %slice3A[0] : i32 from vector<1xi32>
        %add3A_225 = arith.addi %scan3A_212, %squeeze3A : i32
        scf.yield %add3A_225 : i32
      }
      %scan3A_196 = arith.constant 34 : i32
      %broadcast_in_dim3A_197 = arith.constant -1 : i32
      %broadcast_in_dim3A_198 = vector.broadcast %broadcast_in_dim3A_197 : i32 to vector<16xi32>
      %swap3A_199 = arith.constant 0 : i32
      %swap3A_200 = arith.index_cast %swap3A_199 : i32 to index
      %swap3A_201 = arith.constant 0 : index
      %swap3A_202 = tpu.vector_load %arg18[%swap3A_200, %swap3A_201] {strides = array<i32>} : memref<2x16xi32, #tpu.memory_space<vmem>>, vector<16xi32>,
      tpu.vector_store %arg18[%swap3A_200, %swap3A_201], %broadcast_in_dim3A_198 {strides = array<i32>} : memref<2x16xi32, #tpu.memory_space<vmem>>, vector<16xi32>,
      %swap3A_203 = arith.constant 1 : i32
      %swap3A_204 = arith.index_cast %swap3A_203 : i32 to index
      %swap3A_205 = arith.constant 0 : index
      %swap3A_206 = tpu.vector_load %arg18[%swap3A_204, %swap3A_205] {strides = array<i32>} : memref<2x16xi32, #tpu.memory_space<vmem>>, vector<16xi32>,
      tpu.vector_store %arg18[%swap3A_204, %swap3A_205], %broadcast_in_dim3A_198 {strides = array<i32>} : memref<2x16xi32, #tpu.memory_space<vmem>>, vector<16xi32>,
      %gt3A = arith.constant 0 : i32
      %gt3A_207 = arith.cmpi sgt, %scan3A_195, %gt3A : i32
      %convert_element_type3A_208 = arith.extui %gt3A_207 : i1 to i32
      %cond3A_209 = arith.constant 0 : i32
      %cond3A_210 = arith.cmpi ne, %convert_element_type3A_208, %cond3A_209 : i32
      scf.if %cond3A_210 {
        %sub3A_211 = arith.constant 1 : i32
        %sub3A_212 = arith.subi %scan3A_195, %sub3A_211 : i32
        %min3A = arith.constant 0 : i32
        %min3A_213 = arith.minsi %min3A, %sub3A_212 : i32
        %get3A = arith.index_cast %min3A_213 : i32 to index
        %get3A_214 = tpu.vector_load %arg15[%get3A] {strides = array<i32>} : memref<544xi32, #tpu.memory_space<vmem>>, vector<16xi32>,
        %slice3A = vector.extract_strided_slice %get3A_214 {offsets = [0], sizes = [1], strides = [1]} : vector<16xi32> to vector<1xi32>
        %squeeze3A = vector.extract %slice3A[0] : i32 from vector<1xi32>
        %add3A_215 = arith.addi %mul3A_27, %squeeze3A : i32
        %mul3A_216 = arith.constant 128 : i32
        %mul3A_217 = arith.muli %add3A_215, %mul3A_216 : i32
        %rem3A_218 = arith.constant 9 : i32
        %rem3A_219 = arith.remsi %min3A_213, %rem3A_218 : i32
        %dma_start3A = arith.constant 0 : i32
        %dma_start3A_220 = arith.constant 0 : i32
        %dma_start3A_221 = tpu.memref_slice %arg16[%rem3A_219, %dma_start3A, %dma_start3A_220] : memref<9x64x128xf32, #tpu.memory_space<vmem>> -> memref<1x64x128xf32, #tpu.memory_space<vmem>>
        %dma_start3A_222 = tpu.memref_squeeze %dma_start3A_221 : memref<1x64x128xf32, #tpu.memory_space<vmem>> -> memref<64x128xf32, #tpu.memory_space<vmem>>
        %dma_start3A_223 = arith.constant 0 : i32
        %dma_start3A_224 = tpu.memref_slice %arg2[%dma_start3A_223, %mul3A_217] : memref<64x1000000xf32, #tpu.memory_space<hbm>> -> memref<64x128xf32, #tpu.memory_space<hbm>>
        %dma_start3A_225 = arith.constant 0 : i32
        %dma_start3A_226 = arith.constant 0 : i32
        %dma_start3A_227 = tpu.memref_slice %arg16[%rem3A_219, %dma_start3A_225, %dma_start3A_226] : memref<9x64x128xf32, #tpu.memory_space<vmem>> -> memref<1x64x128xf32, #tpu.memory_space<vmem>>
        %dma_start3A_228 = tpu.memref_squeeze %dma_start3A_227 : memref<1x64x128xf32, #tpu.memory_space<vmem>> -> memref<64x128xf32, #tpu.memory_space<vmem>>
        %dma_start3A_229 = arith.constant 0 : i32
        %dma_start3A_230 = tpu.memref_slice %arg2[%dma_start3A_229, %mul3A_217] : memref<64x1000000xf32, #tpu.memory_space<hbm>> -> memref<64x128xf32, #tpu.memory_space<hbm>>
        tpu.enqueue_dma source(%dma_start3A_230 : memref<64x128xf32, #tpu.memory_space<hbm>>) target(%dma_start3A_228 : memref<64x128xf32, #tpu.memory_space<vmem>>) target_semaphore(%arg19 : memref<!tpu.dma_semaphore, #tpu.memory_space<semaphore_mem>>)
        %sub3A_231 = arith.constant 1 : i32
        %sub3A_232 = arith.subi %scan3A_195, %sub3A_231 : i32
        %min3A_233 = arith.constant 1 : i32
        %min3A_234 = arith.minsi %min3A_233, %sub3A_232 : i32
        %get3A_235 = arith.index_cast %min3A_234 : i32 to index
        %get3A_236 = tpu.vector_load %arg15[%get3A_235] {strides = array<i32>} : memref<544xi32, #tpu.memory_space<vmem>>, vector<16xi32>,
        %slice3A_237 = vector.extract_strided_slice %get3A_236 {offsets = [0], sizes = [1], strides = [1]} : vector<16xi32> to vector<1xi32>
        %squeeze3A_238 = vector.extract %slice3A_237[0] : i32 from vector<1xi32>
        %add3A_239 = arith.addi %mul3A_27, %squeeze3A_238 : i32
        %mul3A_240 = arith.constant 128 : i32
        %mul3A_241 = arith.muli %add3A_239, %mul3A_240 : i32
        %rem3A_242 = arith.constant 9 : i32
        %rem3A_243 = arith.remsi %min3A_234, %rem3A_242 : i32
        %dma_start3A_244 = arith.constant 0 : i32
        %dma_start3A_245 = arith.constant 0 : i32
        %dma_start3A_246 = tpu.memref_slice %arg16[%rem3A_243, %dma_start3A_244, %dma_start3A_245] : memref<9x64x128xf32, #tpu.memory_space<vmem>> -> memref<1x64x128xf32, #tpu.memory_space<vmem>>
        %dma_start3A_247 = tpu.memref_squeeze %dma_start3A_246 : memref<1x64x128xf32, #tpu.memory_space<vmem>> -> memref<64x128xf32, #tpu.memory_space<vmem>>
        %dma_start3A_248 = arith.constant 0 : i32
        %dma_start3A_249 = tpu.memref_slice %arg2[%dma_start3A_248, %mul3A_241] : memref<64x1000000xf32, #tpu.memory_space<hbm>> -> memref<64x128xf32, #tpu.memory_space<hbm>>
        %dma_start3A_250 = arith.constant 0 : i32
        %dma_start3A_251 = arith.constant 0 : i32
        %dma_start3A_252 = tpu.memref_slice %arg16[%rem3A_243, %dma_start3A_250, %dma_start3A_251] : memref<9x64x128xf32, #tpu.memory_space<vmem>> -> memref<1x64x128xf32, #tpu.memory_space<vmem>>
        %dma_start3A_253 = tpu.memref_squeeze %dma_start3A_252 : memref<1x64x128xf32, #tpu.memory_space<vmem>> -> memref<64x128xf32, #tpu.memory_space<vmem>>
        %dma_start3A_254 = arith.constant 0 : i32
        %dma_start3A_255 = tpu.memref_slice %arg2[%dma_start3A_254, %mul3A_241] : memref<64x1000000xf32, #tpu.memory_space<hbm>> -> memref<64x128xf32, #tpu.memory_space<hbm>>
        tpu.enqueue_dma source(%dma_start3A_255 : memref<64x128xf32, #tpu.memory_space<hbm>>) target(%dma_start3A_253 : memref<64x128xf32, #tpu.memory_space<vmem>>) target_semaphore(%arg19 : memref<!tpu.dma_semaphore, #tpu.memory_space<semaphore_mem>>)
        %sub3A_256 = arith.constant 1 : i32
        %sub3A_257 = arith.subi %scan3A_195, %sub3A_256 : i32
        %min3A_258 = arith.constant 2 : i32
        %min3A_259 = arith.minsi %min3A_258, %sub3A_257 : i32
        %get3A_260 = arith.index_cast %min3A_259 : i32 to index
        %get3A_261 = tpu.vector_load %arg15[%get3A_260] {strides = array<i32>} : memref<544xi32, #tpu.memory_space<vmem>>, vector<16xi32>,
        %slice3A_262 = vector.extract_strided_slice %get3A_261 {offsets = [0], sizes = [1], strides = [1]} : vector<16xi32> to vector<1xi32>
        %squeeze3A_263 = vector.extract %slice3A_262[0] : i32 from vector<1xi32>
        %add3A_264 = arith.addi %mul3A_27, %squeeze3A_263 : i32
        %mul3A_265 = arith.constant 128 : i32
        %mul3A_266 = arith.muli %add3A_264, %mul3A_265 : i32
        %rem3A_267 = arith.constant 9 : i32
        %rem3A_268 = arith.remsi %min3A_259, %rem3A_267 : i32
        %dma_start3A_269 = arith.constant 0 : i32
        %dma_start3A_270 = arith.constant 0 : i32
        %dma_start3A_271 = tpu.memref_slice %arg16[%rem3A_268, %dma_start3A_269, %dma_start3A_270] : memref<9x64x128xf32, #tpu.memory_space<vmem>> -> memref<1x64x128xf32, #tpu.memory_space<vmem>>
        %dma_start3A_272 = tpu.memref_squeeze %dma_start3A_271 : memref<1x64x128xf32, #tpu.memory_space<vmem>> -> memref<64x128xf32, #tpu.memory_space<vmem>>
        %dma_start3A_273 = arith.constant 0 : i32
        %dma_start3A_274 = tpu.memref_slice %arg2[%dma_start3A_273, %mul3A_266] : memref<64x1000000xf32, #tpu.memory_space<hbm>> -> memref<64x128xf32, #tpu.memory_space<hbm>>
        %dma_start3A_275 = arith.constant 0 : i32
        %dma_start3A_276 = arith.constant 0 : i32
        %dma_start3A_277 = tpu.memref_slice %arg16[%rem3A_268, %dma_start3A_275, %dma_start3A_276] : memref<9x64x128xf32, #tpu.memory_space<vmem>> -> memref<1x64x128xf32, #tpu.memory_space<vmem>>
        %dma_start3A_278 = tpu.memref_squeeze %dma_start3A_277 : memref<1x64x128xf32, #tpu.memory_space<vmem>> -> memref<64x128xf32, #tpu.memory_space<vmem>>
        %dma_start3A_279 = arith.constant 0 : i32
        %dma_start3A_280 = tpu.memref_slice %arg2[%dma_start3A_279, %mul3A_266] : memref<64x1000000xf32, #tpu.memory_space<hbm>> -> memref<64x128xf32, #tpu.memory_space<hbm>>
        tpu.enqueue_dma source(%dma_start3A_280 : memref<64x128xf32, #tpu.memory_space<hbm>>) target(%dma_start3A_278 : memref<64x128xf32, #tpu.memory_space<vmem>>) target_semaphore(%arg19 : memref<!tpu.dma_semaphore, #tpu.memory_space<semaphore_mem>>)
        %sub3A_281 = arith.constant 1 : i32
        %sub3A_282 = arith.subi %scan3A_195, %sub3A_281 : i32
        %min3A_283 = arith.constant 3 : i32
        %min3A_284 = arith.minsi %min3A_283, %sub3A_282 : i32
        %get3A_285 = arith.index_cast %min3A_284 : i32 to index
        %get3A_286 = tpu.vector_load %arg15[%get3A_285] {strides = array<i32>} : memref<544xi32, #tpu.memory_space<vmem>>, vector<16xi32>,
        %slice3A_287 = vector.extract_strided_slice %get3A_286 {offsets = [0], sizes = [1], strides = [1]} : vector<16xi32> to vector<1xi32>
        %squeeze3A_288 = vector.extract %slice3A_287[0] : i32 from vector<1xi32>
        %add3A_289 = arith.addi %mul3A_27, %squeeze3A_288 : i32
        %mul3A_290 = arith.constant 128 : i32
        %mul3A_291 = arith.muli %add3A_289, %mul3A_290 : i32
        %rem3A_292 = arith.constant 9 : i32
        %rem3A_293 = arith.remsi %min3A_284, %rem3A_292 : i32
        %dma_start3A_294 = arith.constant 0 : i32
        %dma_start3A_295 = arith.constant 0 : i32
        %dma_start3A_296 = tpu.memref_slice %arg16[%rem3A_293, %dma_start3A_294, %dma_start3A_295] : memref<9x64x128xf32, #tpu.memory_space<vmem>> -> memref<1x64x128xf32, #tpu.memory_space<vmem>>
        %dma_start3A_297 = tpu.memref_squeeze %dma_start3A_296 : memref<1x64x128xf32, #tpu.memory_space<vmem>> -> memref<64x128xf32, #tpu.memory_space<vmem>>
        %dma_start3A_298 = arith.constant 0 : i32
        %dma_start3A_299 = tpu.memref_slice %arg2[%dma_start3A_298, %mul3A_291] : memref<64x1000000xf32, #tpu.memory_space<hbm>> -> memref<64x128xf32, #tpu.memory_space<hbm>>
        %dma_start3A_300 = arith.constant 0 : i32
        %dma_start3A_301 = arith.constant 0 : i32
        %dma_start3A_302 = tpu.memref_slice %arg16[%rem3A_293, %dma_start3A_300, %dma_start3A_301] : memref<9x64x128xf32, #tpu.memory_space<vmem>> -> memref<1x64x128xf32, #tpu.memory_space<vmem>>
        %dma_start3A_303 = tpu.memref_squeeze %dma_start3A_302 : memref<1x64x128xf32, #tpu.memory_space<vmem>> -> memref<64x128xf32, #tpu.memory_space<vmem>>
        %dma_start3A_304 = arith.constant 0 : i32
        %dma_start3A_305 = tpu.memref_slice %arg2[%dma_start3A_304, %mul3A_291] : memref<64x1000000xf32, #tpu.memory_space<hbm>> -> memref<64x128xf32, #tpu.memory_space<hbm>>
        tpu.enqueue_dma source(%dma_start3A_305 : memref<64x128xf32, #tpu.memory_space<hbm>>) target(%dma_start3A_303 : memref<64x128xf32, #tpu.memory_space<vmem>>) target_semaphore(%arg19 : memref<!tpu.dma_semaphore, #tpu.memory_space<semaphore_mem>>)
        %sub3A_306 = arith.constant 1 : i32
        %sub3A_307 = arith.subi %scan3A_195, %sub3A_306 : i32
        %min3A_308 = arith.constant 4 : i32
        %min3A_309 = arith.minsi %min3A_308, %sub3A_307 : i32
        %get3A_310 = arith.index_cast %min3A_309 : i32 to index
        %get3A_311 = tpu.vector_load %arg15[%get3A_310] {strides = array<i32>} : memref<544xi32, #tpu.memory_space<vmem>>, vector<16xi32>,
        %slice3A_312 = vector.extract_strided_slice %get3A_311 {offsets = [0], sizes = [1], strides = [1]} : vector<16xi32> to vector<1xi32>
        %squeeze3A_313 = vector.extract %slice3A_312[0] : i32 from vector<1xi32>
        %add3A_314 = arith.addi %mul3A_27, %squeeze3A_313 : i32
        %mul3A_315 = arith.constant 128 : i32
        %mul3A_316 = arith.muli %add3A_314, %mul3A_315 : i32
        %rem3A_317 = arith.constant 9 : i32
        %rem3A_318 = arith.remsi %min3A_309, %rem3A_317 : i32
        %dma_start3A_319 = arith.constant 0 : i32
        %dma_start3A_320 = arith.constant 0 : i32
        %dma_start3A_321 = tpu.memref_slice %arg16[%rem3A_318, %dma_start3A_319, %dma_start3A_320] : memref<9x64x128xf32, #tpu.memory_space<vmem>> -> memref<1x64x128xf32, #tpu.memory_space<vmem>>
        %dma_start3A_322 = tpu.memref_squeeze %dma_start3A_321 : memref<1x64x128xf32, #tpu.memory_space<vmem>> -> memref<64x128xf32, #tpu.memory_space<vmem>>
        %dma_start3A_323 = arith.constant 0 : i32
        %dma_start3A_324 = tpu.memref_slice %arg2[%dma_start3A_323, %mul3A_316] : memref<64x1000000xf32, #tpu.memory_space<hbm>> -> memref<64x128xf32, #tpu.memory_space<hbm>>
        %dma_start3A_325 = arith.constant 0 : i32
        %dma_start3A_326 = arith.constant 0 : i32
        %dma_start3A_327 = tpu.memref_slice %arg16[%rem3A_318, %dma_start3A_325, %dma_start3A_326] : memref<9x64x128xf32, #tpu.memory_space<vmem>> -> memref<1x64x128xf32, #tpu.memory_space<vmem>>
        %dma_start3A_328 = tpu.memref_squeeze %dma_start3A_327 : memref<1x64x128xf32, #tpu.memory_space<vmem>> -> memref<64x128xf32, #tpu.memory_space<vmem>>
        %dma_start3A_329 = arith.constant 0 : i32
        %dma_start3A_330 = tpu.memref_slice %arg2[%dma_start3A_329, %mul3A_316] : memref<64x1000000xf32, #tpu.memory_space<hbm>> -> memref<64x128xf32, #tpu.memory_space<hbm>>
        tpu.enqueue_dma source(%dma_start3A_330 : memref<64x128xf32, #tpu.memory_space<hbm>>) target(%dma_start3A_328 : memref<64x128xf32, #tpu.memory_space<vmem>>) target_semaphore(%arg19 : memref<!tpu.dma_semaphore, #tpu.memory_space<semaphore_mem>>)
        %sub3A_331 = arith.constant 1 : i32
        %sub3A_332 = arith.subi %scan3A_195, %sub3A_331 : i32
        %min3A_333 = arith.constant 5 : i32
        %min3A_334 = arith.minsi %min3A_333, %sub3A_332 : i32
        %get3A_335 = arith.index_cast %min3A_334 : i32 to index
        %get3A_336 = tpu.vector_load %arg15[%get3A_335] {strides = array<i32>} : memref<544xi32, #tpu.memory_space<vmem>>, vector<16xi32>,
        %slice3A_337 = vector.extract_strided_slice %get3A_336 {offsets = [0], sizes = [1], strides = [1]} : vector<16xi32> to vector<1xi32>
        %squeeze3A_338 = vector.extract %slice3A_337[0] : i32 from vector<1xi32>
        %add3A_339 = arith.addi %mul3A_27, %squeeze3A_338 : i32
        %mul3A_340 = arith.constant 128 : i32
        %mul3A_341 = arith.muli %add3A_339, %mul3A_340 : i32
        %rem3A_342 = arith.constant 9 : i32
        %rem3A_343 = arith.remsi %min3A_334, %rem3A_342 : i32
        %dma_start3A_344 = arith.constant 0 : i32
        %dma_start3A_345 = arith.constant 0 : i32
        %dma_start3A_346 = tpu.memref_slice %arg16[%rem3A_343, %dma_start3A_344, %dma_start3A_345] : memref<9x64x128xf32, #tpu.memory_space<vmem>> -> memref<1x64x128xf32, #tpu.memory_space<vmem>>
        %dma_start3A_347 = tpu.memref_squeeze %dma_start3A_346 : memref<1x64x128xf32, #tpu.memory_space<vmem>> -> memref<64x128xf32, #tpu.memory_space<vmem>>
        %dma_start3A_348 = arith.constant 0 : i32
        %dma_start3A_349 = tpu.memref_slice %arg2[%dma_start3A_348, %mul3A_341] : memref<64x1000000xf32, #tpu.memory_space<hbm>> -> memref<64x128xf32, #tpu.memory_space<hbm>>
        %dma_start3A_350 = arith.constant 0 : i32
        %dma_start3A_351 = arith.constant 0 : i32
        %dma_start3A_352 = tpu.memref_slice %arg16[%rem3A_343, %dma_start3A_350, %dma_start3A_351] : memref<9x64x128xf32, #tpu.memory_space<vmem>> -> memref<1x64x128xf32, #tpu.memory_space<vmem>>
        %dma_start3A_353 = tpu.memref_squeeze %dma_start3A_352 : memref<1x64x128xf32, #tpu.memory_space<vmem>> -> memref<64x128xf32, #tpu.memory_space<vmem>>
        %dma_start3A_354 = arith.constant 0 : i32
        %dma_start3A_355 = tpu.memref_slice %arg2[%dma_start3A_354, %mul3A_341] : memref<64x1000000xf32, #tpu.memory_space<hbm>> -> memref<64x128xf32, #tpu.memory_space<hbm>>
        tpu.enqueue_dma source(%dma_start3A_355 : memref<64x128xf32, #tpu.memory_space<hbm>>) target(%dma_start3A_353 : memref<64x128xf32, #tpu.memory_space<vmem>>) target_semaphore(%arg19 : memref<!tpu.dma_semaphore, #tpu.memory_space<semaphore_mem>>)
        %sub3A_356 = arith.constant 1 : i32
        %sub3A_357 = arith.subi %scan3A_195, %sub3A_356 : i32
        %min3A_358 = arith.constant 6 : i32
        %min3A_359 = arith.minsi %min3A_358, %sub3A_357 : i32
        %get3A_360 = arith.index_cast %min3A_359 : i32 to index
        %get3A_361 = tpu.vector_load %arg15[%get3A_360] {strides = array<i32>} : memref<544xi32, #tpu.memory_space<vmem>>, vector<16xi32>,
        %slice3A_362 = vector.extract_strided_slice %get3A_361 {offsets = [0], sizes = [1], strides = [1]} : vector<16xi32> to vector<1xi32>
        %squeeze3A_363 = vector.extract %slice3A_362[0] : i32 from vector<1xi32>
        %add3A_364 = arith.addi %mul3A_27, %squeeze3A_363 : i32
        %mul3A_365 = arith.constant 128 : i32
        %mul3A_366 = arith.muli %add3A_364, %mul3A_365 : i32
        %rem3A_367 = arith.constant 9 : i32
        %rem3A_368 = arith.remsi %min3A_359, %rem3A_367 : i32
        %dma_start3A_369 = arith.constant 0 : i32
        %dma_start3A_370 = arith.constant 0 : i32
        %dma_start3A_371 = tpu.memref_slice %arg16[%rem3A_368, %dma_start3A_369, %dma_start3A_370] : memref<9x64x128xf32, #tpu.memory_space<vmem>> -> memref<1x64x128xf32, #tpu.memory_space<vmem>>
        %dma_start3A_372 = tpu.memref_squeeze %dma_start3A_371 : memref<1x64x128xf32, #tpu.memory_space<vmem>> -> memref<64x128xf32, #tpu.memory_space<vmem>>
        %dma_start3A_373 = arith.constant 0 : i32
        %dma_start3A_374 = tpu.memref_slice %arg2[%dma_start3A_373, %mul3A_366] : memref<64x1000000xf32, #tpu.memory_space<hbm>> -> memref<64x128xf32, #tpu.memory_space<hbm>>
        %dma_start3A_375 = arith.constant 0 : i32
        %dma_start3A_376 = arith.constant 0 : i32
        %dma_start3A_377 = tpu.memref_slice %arg16[%rem3A_368, %dma_start3A_375, %dma_start3A_376] : memref<9x64x128xf32, #tpu.memory_space<vmem>> -> memref<1x64x128xf32, #tpu.memory_space<vmem>>
        %dma_start3A_378 = tpu.memref_squeeze %dma_start3A_377 : memref<1x64x128xf32, #tpu.memory_space<vmem>> -> memref<64x128xf32, #tpu.memory_space<vmem>>
        %dma_start3A_379 = arith.constant 0 : i32
        %dma_start3A_380 = tpu.memref_slice %arg2[%dma_start3A_379, %mul3A_366] : memref<64x1000000xf32, #tpu.memory_space<hbm>> -> memref<64x128xf32, #tpu.memory_space<hbm>>
        tpu.enqueue_dma source(%dma_start3A_380 : memref<64x128xf32, #tpu.memory_space<hbm>>) target(%dma_start3A_378 : memref<64x128xf32, #tpu.memory_space<vmem>>) target_semaphore(%arg19 : memref<!tpu.dma_semaphore, #tpu.memory_space<semaphore_mem>>)
        %sub3A_381 = arith.constant 1 : i32
        %sub3A_382 = arith.subi %scan3A_195, %sub3A_381 : i32
        %min3A_383 = arith.constant 7 : i32
        %min3A_384 = arith.minsi %min3A_383, %sub3A_382 : i32
        %get3A_385 = arith.index_cast %min3A_384 : i32 to index
        %get3A_386 = tpu.vector_load %arg15[%get3A_385] {strides = array<i32>} : memref<544xi32, #tpu.memory_space<vmem>>, vector<16xi32>,
        %slice3A_387 = vector.extract_strided_slice %get3A_386 {offsets = [0], sizes = [1], strides = [1]} : vector<16xi32> to vector<1xi32>
        %squeeze3A_388 = vector.extract %slice3A_387[0] : i32 from vector<1xi32>
        %add3A_389 = arith.addi %mul3A_27, %squeeze3A_388 : i32
        %mul3A_390 = arith.constant 128 : i32
        %mul3A_391 = arith.muli %add3A_389, %mul3A_390 : i32
        %rem3A_392 = arith.constant 9 : i32
        %rem3A_393 = arith.remsi %min3A_384, %rem3A_392 : i32
        %dma_start3A_394 = arith.constant 0 : i32
        %dma_start3A_395 = arith.constant 0 : i32
        %dma_start3A_396 = tpu.memref_slice %arg16[%rem3A_393, %dma_start3A_394, %dma_start3A_395] : memref<9x64x128xf32, #tpu.memory_space<vmem>> -> memref<1x64x128xf32, #tpu.memory_space<vmem>>
        %dma_start3A_397 = tpu.memref_squeeze %dma_start3A_396 : memref<1x64x128xf32, #tpu.memory_space<vmem>> -> memref<64x128xf32, #tpu.memory_space<vmem>>
        %dma_start3A_398 = arith.constant 0 : i32
        %dma_start3A_399 = tpu.memref_slice %arg2[%dma_start3A_398, %mul3A_391] : memref<64x1000000xf32, #tpu.memory_space<hbm>> -> memref<64x128xf32, #tpu.memory_space<hbm>>
        %dma_start3A_400 = arith.constant 0 : i32
        %dma_start3A_401 = arith.constant 0 : i32
        %dma_start3A_402 = tpu.memref_slice %arg16[%rem3A_393, %dma_start3A_400, %dma_start3A_401] : memref<9x64x128xf32, #tpu.memory_space<vmem>> -> memref<1x64x128xf32, #tpu.memory_space<vmem>>
        %dma_start3A_403 = tpu.memref_squeeze %dma_start3A_402 : memref<1x64x128xf32, #tpu.memory_space<vmem>> -> memref<64x128xf32, #tpu.memory_space<vmem>>
        %dma_start3A_404 = arith.constant 0 : i32
        %dma_start3A_405 = tpu.memref_slice %arg2[%dma_start3A_404, %mul3A_391] : memref<64x1000000xf32, #tpu.memory_space<hbm>> -> memref<64x128xf32, #tpu.memory_space<hbm>>
        tpu.enqueue_dma source(%dma_start3A_405 : memref<64x128xf32, #tpu.memory_space<hbm>>) target(%dma_start3A_403 : memref<64x128xf32, #tpu.memory_space<vmem>>) target_semaphore(%arg19 : memref<!tpu.dma_semaphore, #tpu.memory_space<semaphore_mem>>)
        %while3A_406 = arith.constant 0 : i32
        %while3A_407 = arith.constant 0 : i32
        %while3A_408 = arith.constant 0 : i32
        %while3A_409 = arith.constant 0 : i32
        %while3A_410 = arith.subi %scan3A_195, %while3A_406 : i32
        %while3A_411 = arith.addi %while3A_406, %while3A_410 : i32
        %while3A_412 = arith.constant 1 : i32
        %while3A_413 = arith.divsi %while3A_410, %while3A_412 : i32
        %while3A_414 = arith.muli %while3A_413, %while3A_412 : i32
        %while3A_415 = arith.addi %while3A_406, %while3A_414 : i32
        %while3A_416 = arith.constant 1 : i32
        %while3A_417:3 = scf.for %while3A_543 = %while3A_406 to %while3A_415 step %while3A_416 iter_args(%while3A_544 = %while3A_407, %while3A_545 = %while3A_408, %while3A_546 = %while3A_409) -> (i32, i32, i32)  : i32 {
          %rem3A_547 = arith.constant 9 : i32
          %rem3A_548 = arith.remsi %while3A_543, %rem3A_547 : i32
          %dma_wait3A_549 = arith.constant 0 : i32
          %dma_wait3A_550 = arith.constant 0 : i32
          %dma_wait3A_551 = tpu.memref_slice %arg16[%rem3A_548, %dma_wait3A_549, %dma_wait3A_550] : memref<9x64x128xf32, #tpu.memory_space<vmem>> -> memref<1x64x128xf32, #tpu.memory_space<vmem>>
          %dma_wait3A_552 = tpu.memref_squeeze %dma_wait3A_551 : memref<1x64x128xf32, #tpu.memory_space<vmem>> -> memref<64x128xf32, #tpu.memory_space<vmem>>
          %dma_wait3A_553 = arith.constant 0 : i32
          %dma_wait3A_554 = arith.constant 0 : i32
          %dma_wait3A_555 = tpu.memref_slice %arg2[%dma_wait3A_553, %dma_wait3A_554] : memref<64x1000000xf32, #tpu.memory_space<hbm>> -> memref<64x128xf32, #tpu.memory_space<hbm>>
          %dma_wait3A_556 = arith.constant 0 : i32
          %dma_wait3A_557 = arith.constant 0 : i32
          %dma_wait3A_558 = tpu.memref_slice %arg16[%rem3A_548, %dma_wait3A_556, %dma_wait3A_557] : memref<9x64x128xf32, #tpu.memory_space<vmem>> -> memref<1x64x128xf32, #tpu.memory_space<vmem>>
          %dma_wait3A_559 = tpu.memref_squeeze %dma_wait3A_558 : memref<1x64x128xf32, #tpu.memory_space<vmem>> -> memref<64x128xf32, #tpu.memory_space<vmem>>
          %dma_wait3A_560 = arith.constant 0 : i32
          %dma_wait3A_561 = arith.constant 0 : i32
          %dma_wait3A_562 = tpu.memref_slice %arg2[%dma_wait3A_560, %dma_wait3A_561] : memref<64x1000000xf32, #tpu.memory_space<hbm>> -> memref<64x128xf32, #tpu.memory_space<hbm>>
          tpu.wait_dma2 semaphore(%arg19 : memref<!tpu.dma_semaphore, #tpu.memory_space<semaphore_mem>>) src(%dma_wait3A_562 : memref<64x128xf32, #tpu.memory_space<hbm>>) dst(%dma_wait3A_559 : memref<64x128xf32, #tpu.memory_space<vmem>>)
          %add3A_563 = arith.constant 9 : i32
          %add3A_564 = arith.addi %while3A_543, %add3A_563 : i32
          %sub3A_565 = arith.constant 1 : i32
          %sub3A_566 = arith.subi %add3A_564, %sub3A_565 : i32
          %sub3A_567 = arith.constant 1 : i32
          %sub3A_568 = arith.subi %scan3A_195, %sub3A_567 : i32
          %min3A_569 = arith.minsi %sub3A_566, %sub3A_568 : i32
          %get3A_570 = arith.index_cast %min3A_569 : i32 to index
          %get3A_571 = tpu.vector_load %arg15[%get3A_570] {strides = array<i32>} : memref<544xi32, #tpu.memory_space<vmem>>, vector<16xi32>,
          %slice3A_572 = vector.extract_strided_slice %get3A_571 {offsets = [0], sizes = [1], strides = [1]} : vector<16xi32> to vector<1xi32>
          %squeeze3A_573 = vector.extract %slice3A_572[0] : i32 from vector<1xi32>
          %add3A_574 = arith.addi %mul3A_27, %squeeze3A_573 : i32
          %mul3A_575 = arith.constant 128 : i32
          %mul3A_576 = arith.muli %add3A_574, %mul3A_575 : i32
          %rem3A_577 = arith.constant 9 : i32
          %rem3A_578 = arith.remsi %min3A_569, %rem3A_577 : i32
          %dma_start3A_579 = arith.constant 0 : i32
          %dma_start3A_580 = arith.constant 0 : i32
          %dma_start3A_581 = tpu.memref_slice %arg16[%rem3A_578, %dma_start3A_579, %dma_start3A_580] : memref<9x64x128xf32, #tpu.memory_space<vmem>> -> memref<1x64x128xf32, #tpu.memory_space<vmem>>
          %dma_start3A_582 = tpu.memref_squeeze %dma_start3A_581 : memref<1x64x128xf32, #tpu.memory_space<vmem>> -> memref<64x128xf32, #tpu.memory_space<vmem>>
          %dma_start3A_583 = arith.constant 0 : i32
          %dma_start3A_584 = tpu.memref_slice %arg2[%dma_start3A_583, %mul3A_576] : memref<64x1000000xf32, #tpu.memory_space<hbm>> -> memref<64x128xf32, #tpu.memory_space<hbm>>
          %dma_start3A_585 = arith.constant 0 : i32
          %dma_start3A_586 = arith.constant 0 : i32
          %dma_start3A_587 = tpu.memref_slice %arg16[%rem3A_578, %dma_start3A_585, %dma_start3A_586] : memref<9x64x128xf32, #tpu.memory_space<vmem>> -> memref<1x64x128xf32, #tpu.memory_space<vmem>>
          %dma_start3A_588 = tpu.memref_squeeze %dma_start3A_587 : memref<1x64x128xf32, #tpu.memory_space<vmem>> -> memref<64x128xf32, #tpu.memory_space<vmem>>
          %dma_start3A_589 = arith.constant 0 : i32
          %dma_start3A_590 = tpu.memref_slice %arg2[%dma_start3A_589, %mul3A_576] : memref<64x1000000xf32, #tpu.memory_space<hbm>> -> memref<64x128xf32, #tpu.memory_space<hbm>>
          tpu.enqueue_dma source(%dma_start3A_590 : memref<64x128xf32, #tpu.memory_space<hbm>>) target(%dma_start3A_588 : memref<64x128xf32, #tpu.memory_space<vmem>>) target_semaphore(%arg19 : memref<!tpu.dma_semaphore, #tpu.memory_space<semaphore_mem>>)
          %get3A_591 = arith.index_cast %while3A_543 : i32 to index
          %get3A_592 = tpu.vector_load %arg15[%get3A_591] {strides = array<i32>} : memref<544xi32, #tpu.memory_space<vmem>>, vector<16xi32>,
          %slice3A_593 = vector.extract_strided_slice %get3A_592 {offsets = [0], sizes = [1], strides = [1]} : vector<16xi32> to vector<1xi32>
          %squeeze3A_594 = vector.extract %slice3A_593[0] : i32 from vector<1xi32>
          %get3A_595 = arith.index_cast %squeeze3A_594 : i32 to index
          %get3A_596 = tpu.vector_load %arg13[%get3A_595] {strides = array<i32>} : memref<544xi32, #tpu.memory_space<vmem>>, vector<16xi32>,
          %slice3A_597 = vector.extract_strided_slice %get3A_596 {offsets = [0], sizes = [1], strides = [1]} : vector<16xi32> to vector<1xi32>
          %squeeze3A_598 = vector.extract %slice3A_597[0] : i32 from vector<1xi32>
          %get3A_599 = arith.index_cast %squeeze3A_594 : i32 to index
          %get3A_600 = tpu.vector_load %arg12[%get3A_599] {strides = array<i32>} : memref<544xi32, #tpu.memory_space<vmem>>, vector<16xi32>,
          %slice3A_601 = vector.extract_strided_slice %get3A_600 {offsets = [0], sizes = [1], strides = [1]} : vector<16xi32> to vector<1xi32>
          %squeeze3A_602 = vector.extract %slice3A_601[0] : i32 from vector<1xi32>
          %add3A_603 = arith.addi %squeeze3A_598, %squeeze3A_602 : i32
          %while3A_604 = arith.subi %add3A_603, %squeeze3A_598 : i32
          %while3A_605 = arith.addi %squeeze3A_598, %while3A_604 : i32
          %while3A_606 = arith.constant 1 : i32
          %while3A_607 = arith.divsi %while3A_604, %while3A_606 : i32
          %while3A_608 = arith.muli %while3A_607, %while3A_606 : i32
          %while3A_609 = arith.addi %squeeze3A_598, %while3A_608 : i32
          %while3A_610 = arith.constant 1 : i32
          %while3A_611:3 = scf.for %while3A_614 = %squeeze3A_598 to %while3A_609 step %while3A_610 iter_args(%while3A_615 = %while3A_544, %while3A_616 = %while3A_545, %while3A_617 = %while3A_546) -> (i32, i32, i32)  : i32 {
            %get3A_618 = arith.index_cast %while3A_614 : i32 to index
            %get3A_619 = tpu.vector_load %arg10[%get3A_618] {strides = array<i32>} : memref<16400xi32, #tpu.memory_space<vmem>>, vector<16xi32>,
            %slice3A_620 = vector.extract_strided_slice %get3A_619 {offsets = [0], sizes = [1], strides = [1]} : vector<16xi32> to vector<1xi32>
            %squeeze3A_621 = vector.extract %slice3A_620[0] : i32 from vector<1xi32>
            %shift_right_logical3A = arith.constant 14 : i32
            %shift_right_logical3A_622 = arith.shrui %squeeze3A_621, %shift_right_logical3A : i32
            %and3A_623 = arith.constant 127 : i32
            %and3A_624 = arith.andi %shift_right_logical3A_622, %and3A_623 : i32
            %broadcast_in_dim3A_625 = vector.broadcast %and3A_624 : i32 to vector<16xi32>
            %broadcast_in_dim3A_626 = vector.broadcast %rem3A_548 : i32 to vector<16xi32>
            %add3A_627 = arith.constant 0 : i32
            %add3A_628 = vector.broadcast %add3A_627 : i32 to vector<16xi32>
            %add3A_629 = arith.addi %add3A_628, %iota3A : vector<16xi32>
            %gather3A = tpu.vector_load_idx %arg16[%broadcast_in_dim3A_626, %add3A_629, %broadcast_in_dim3A_625] : memref<9x64x128xf32, #tpu.memory_space<vmem>>[vector<16xi32>, vector<16xi32>, vector<16xi32>], vector<16xf32>,
            %swap3A_630 = arith.index_cast %while3A_616 : i32 to index
            %swap3A_631 = arith.index_cast %while3A_615 : i32 to index
            %swap3A_632 = arith.constant 0 : index
            %swap3A_633 = tpu.vector_load %arg17[%swap3A_630, %swap3A_631, %swap3A_632] {strides = array<i32>} : memref<2x16x128xf32, #tpu.memory_space<vmem>>, vector<16xf32>,
            tpu.vector_store %arg17[%swap3A_630, %swap3A_631, %swap3A_632], %gather3A {strides = array<i32>} : memref<2x16x128xf32, #tpu.memory_space<vmem>>, vector<16xf32>,
            %add3A_634 = arith.constant 16 : i32
            %add3A_635 = vector.broadcast %add3A_634 : i32 to vector<16xi32>
            %add3A_636 = arith.addi %add3A_635, %iota3A : vector<16xi32>
            %gather3A_637 = tpu.vector_load_idx %arg16[%broadcast_in_dim3A_626, %add3A_636, %broadcast_in_dim3A_625] : memref<9x64x128xf32, #tpu.memory_space<vmem>>[vector<16xi32>, vector<16xi32>, vector<16xi32>], vector<16xf32>,
            %swap3A_638 = arith.index_cast %while3A_616 : i32 to index
            %swap3A_639 = arith.index_cast %while3A_615 : i32 to index
            %swap3A_640 = arith.constant 16 : index
            %swap3A_641 = tpu.vector_load %arg17[%swap3A_638, %swap3A_639, %swap3A_640] {strides = array<i32>} : memref<2x16x128xf32, #tpu.memory_space<vmem>>, vector<16xf32>,
            tpu.vector_store %arg17[%swap3A_638, %swap3A_639, %swap3A_640], %gather3A_637 {strides = array<i32>} : memref<2x16x128xf32, #tpu.memory_space<vmem>>, vector<16xf32>,
            %add3A_642 = arith.constant 32 : i32
            %add3A_643 = vector.broadcast %add3A_642 : i32 to vector<16xi32>
            %add3A_644 = arith.addi %add3A_643, %iota3A : vector<16xi32>
            %gather3A_645 = tpu.vector_load_idx %arg16[%broadcast_in_dim3A_626, %add3A_644, %broadcast_in_dim3A_625] : memref<9x64x128xf32, #tpu.memory_space<vmem>>[vector<16xi32>, vector<16xi32>, vector<16xi32>], vector<16xf32>,
            %swap3A_646 = arith.index_cast %while3A_616 : i32 to index
            %swap3A_647 = arith.index_cast %while3A_615 : i32 to index
            %swap3A_648 = arith.constant 32 : index
            %swap3A_649 = tpu.vector_load %arg17[%swap3A_646, %swap3A_647, %swap3A_648] {strides = array<i32>} : memref<2x16x128xf32, #tpu.memory_space<vmem>>, vector<16xf32>,
            tpu.vector_store %arg17[%swap3A_646, %swap3A_647, %swap3A_648], %gather3A_645 {strides = array<i32>} : memref<2x16x128xf32, #tpu.memory_space<vmem>>, vector<16xf32>,
            %add3A_650 = arith.constant 48 : i32
            %add3A_651 = vector.broadcast %add3A_650 : i32 to vector<16xi32>
            %add3A_652 = arith.addi %add3A_651, %iota3A : vector<16xi32>
            %gather3A_653 = tpu.vector_load_idx %arg16[%broadcast_in_dim3A_626, %add3A_652, %broadcast_in_dim3A_625] : memref<9x64x128xf32, #tpu.memory_space<vmem>>[vector<16xi32>, vector<16xi32>, vector<16xi32>], vector<16xf32>,
            %swap3A_654 = arith.index_cast %while3A_616 : i32 to index
            %swap3A_655 = arith.index_cast %while3A_615 : i32 to index
            %swap3A_656 = arith.constant 48 : index
            %swap3A_657 = tpu.vector_load %arg17[%swap3A_654, %swap3A_655, %swap3A_656] {strides = array<i32>} : memref<2x16x128xf32, #tpu.memory_space<vmem>>, vector<16xf32>,
            tpu.vector_store %arg17[%swap3A_654, %swap3A_655, %swap3A_656], %gather3A_653 {strides = array<i32>} : memref<2x16x128xf32, #tpu.memory_space<vmem>>, vector<16xf32>,
            %eq3A_658 = arith.constant 0 : i32
            %eq3A_659 = vector.broadcast %eq3A_658 : i32 to vector<16xi32>
            %eq3A_660 = arith.cmpi eq, %iota3A, %eq3A_659 : vector<16xi32>
            %broadcast_in_dim3A_661 = vector.broadcast %while3A_616 : i32 to vector<16xi32>
            %broadcast_in_dim3A_662 = vector.broadcast %while3A_615 : i32 to vector<16xi32>
            %and3A_663 = arith.constant 16383 : i32
            %and3A_664 = arith.andi %squeeze3A_621, %and3A_663 : i32
            %broadcast_in_dim3A_665 = vector.broadcast %and3A_664 : i32 to vector<16xi32>
            tpu.vector_store_idx %arg18[%broadcast_in_dim3A_661, %broadcast_in_dim3A_662], %broadcast_in_dim3A_665 masked %eq3A_660 : memref<2x16xi32, #tpu.memory_space<vmem>>[vector<16xi32>, vector<16xi32>], vector<16xi32>, vector<16xi1>
            %add3A_666 = arith.constant 1 : i32
            %add3A_667 = arith.addi %while3A_615, %add3A_666 : i32
            %eq3A_668 = arith.constant 16 : i32
            %eq3A_669 = arith.cmpi eq, %add3A_667, %eq3A_668 : i32
            %convert_element_type3A_670 = arith.extui %eq3A_669 : i1 to i32
            %cond3A_671 = arith.constant 0 : i32
            %cond3A_672 = arith.cmpi ne, %convert_element_type3A_670, %cond3A_671 : i32
            %cond3A_673:2 = scf.if %cond3A_672 -> (i32, i32) {
              %dma_start3A_676 = arith.constant 0 : i32
              %dma_start3A_677 = arith.constant 0 : i32
              %dma_start3A_678 = tpu.memref_slice %arg17[%while3A_616, %dma_start3A_676, %dma_start3A_677] : memref<2x16x128xf32, #tpu.memory_space<vmem>> -> memref<1x16x128xf32, #tpu.memory_space<vmem>>
              %dma_start3A_679 = tpu.memref_squeeze %dma_start3A_678 : memref<1x16x128xf32, #tpu.memory_space<vmem>> -> memref<16x128xf32, #tpu.memory_space<vmem>>
              %dma_start3A_680 = arith.constant 0 : i32
              %dma_start3A_681 = tpu.memref_slice %arg18[%while3A_616, %dma_start3A_680] : memref<2x16xi32, #tpu.memory_space<vmem>> -> memref<1x16xi32, #tpu.memory_space<vmem>>
              %dma_start3A_682 = tpu.memref_squeeze %dma_start3A_681 : memref<1x16xi32, #tpu.memory_space<vmem>> -> memref<16xi32, #tpu.memory_space<vmem>>
              %dma_start3A_683 = arith.constant 0 : i32
              %dma_start3A_684 = arith.constant 0 : i32
              %dma_start3A_685 = tpu.memref_slice %arg6[%dma_start3A_683, %dma_start3A_684] : memref<16384x128xf32, #tpu.memory_space<hbm>> -> memref<16384x128xf32, #tpu.memory_space<hbm>>
              %dma_start3A_686 = arith.constant -1 : i32
              tpu.enqueue_indirect_dma source(%dma_start3A_679 : memref<16x128xf32, #tpu.memory_space<vmem>>) target(%dma_start3A_685 : memref<16384x128xf32, #tpu.memory_space<hbm>>) offsets(%dma_start3A_682 : memref<16xi32, #tpu.memory_space<vmem>>) offset_filter(%dma_start3A_686) semaphore(%arg20 : memref<!tpu.dma_semaphore, #tpu.memory_space<semaphore_mem>>)
              %ge3A_687 = arith.constant 1 : i32
              %ge3A_688 = arith.cmpi sge, %while3A_617, %ge3A_687 : i32
              %convert_element_type3A_689 = arith.extui %ge3A_688 : i1 to i32
              %cond3A_690 = arith.constant 0 : i32
              %cond3A_691 = arith.cmpi ne, %convert_element_type3A_689, %cond3A_690 : i32
              scf.if %cond3A_691 {
                %dma_wait3A_699 = arith.constant 0 : i32
                %dma_wait3A_700 = arith.constant 0 : i32
                %dma_wait3A_701 = arith.constant 0 : i32
                %dma_wait3A_702 = tpu.memref_slice %arg17[%dma_wait3A_699, %dma_wait3A_700, %dma_wait3A_701] : memref<2x16x128xf32, #tpu.memory_space<vmem>> -> memref<1x16x128xf32, #tpu.memory_space<vmem>>
                %dma_wait3A_703 = tpu.memref_squeeze %dma_wait3A_702 : memref<1x16x128xf32, #tpu.memory_space<vmem>> -> memref<16x128xf32, #tpu.memory_space<vmem>>
                %dma_wait3A_704 = arith.constant 0 : i32
                %dma_wait3A_705 = arith.constant 0 : i32
                %dma_wait3A_706 = tpu.memref_slice %arg6[%dma_wait3A_704, %dma_wait3A_705] : memref<16384x128xf32, #tpu.memory_space<hbm>> -> memref<16x128xf32, #tpu.memory_space<hbm>>
                %dma_wait3A_707 = arith.constant 0 : i32
                %dma_wait3A_708 = arith.constant 0 : i32
                %dma_wait3A_709 = tpu.memref_slice %arg6[%dma_wait3A_707, %dma_wait3A_708] : memref<16384x128xf32, #tpu.memory_space<hbm>> -> memref<16x128xf32, #tpu.memory_space<hbm>>
                %dma_wait3A_710 = arith.constant 0 : i32
                %dma_wait3A_711 = arith.constant 0 : i32
                %dma_wait3A_712 = tpu.memref_slice %arg17[%dma_wait3A_699, %dma_wait3A_710, %dma_wait3A_711] : memref<2x16x128xf32, #tpu.memory_space<vmem>> -> memref<1x16x128xf32, #tpu.memory_space<vmem>>
                %dma_wait3A_713 = tpu.memref_squeeze %dma_wait3A_712 : memref<1x16x128xf32, #tpu.memory_space<vmem>> -> memref<16x128xf32, #tpu.memory_space<vmem>>
                tpu.wait_dma2 semaphore(%arg20 : memref<!tpu.dma_semaphore, #tpu.memory_space<semaphore_mem>>) src(%dma_wait3A_713 : memref<16x128xf32, #tpu.memory_space<vmem>>) dst(%dma_wait3A_709 : memref<16x128xf32, #tpu.memory_space<hbm>>)
              } else {
              }
              %sub3A_692 = arith.constant 1 : i32
              %sub3A_693 = arith.subi %sub3A_692, %while3A_616 : i32
              %swap3A_694 = arith.index_cast %sub3A_693 : i32 to index
              %swap3A_695 = arith.constant 0 : index
              %swap3A_696 = tpu.vector_load %arg18[%swap3A_694, %swap3A_695] {strides = array<i32>} : memref<2x16xi32, #tpu.memory_space<vmem>>, vector<16xi32>,
              tpu.vector_store %arg18[%swap3A_694, %swap3A_695], %broadcast_in_dim3A_198 {strides = array<i32>} : memref<2x16xi32, #tpu.memory_space<vmem>>, vector<16xi32>,
              %add3A_697 = arith.constant 1 : i32
              %add3A_698 = arith.addi %while3A_617, %add3A_697 : i32
              scf.yield %sub3A_693, %add3A_698 : i32, i32
            } else {
              scf.yield %while3A_616, %while3A_617 : i32, i32
            }
            %rem3A_674 = arith.constant 16 : i32
            %rem3A_675 = arith.remsi %add3A_667, %rem3A_674 : i32
            scf.yield %rem3A_675, %cond3A_673#0, %cond3A_673#1 : i32, i32, i32
          }
          %while3A_612 = arith.constant 1 : i32
          %while3A_613:3 = scf.for %while3A_614 = %while3A_609 to %while3A_605 step %while3A_612 iter_args(%while3A_615 = %while3A_611#0, %while3A_616 = %while3A_611#1, %while3A_617 = %while3A_611#2) -> (i32, i32, i32)  : i32 {
            %get3A_618 = arith.index_cast %while3A_614 : i32 to index
            %get3A_619 = tpu.vector_load %arg10[%get3A_618] {strides = array<i32>} : memref<16400xi32, #tpu.memory_space<vmem>>, vector<16xi32>,
            %slice3A_620 = vector.extract_strided_slice %get3A_619 {offsets = [0], sizes = [1], strides = [1]} : vector<16xi32> to vector<1xi32>
            %squeeze3A_621 = vector.extract %slice3A_620[0] : i32 from vector<1xi32>
            %shift_right_logical3A = arith.constant 14 : i32
            %shift_right_logical3A_622 = arith.shrui %squeeze3A_621, %shift_right_logical3A : i32
            %and3A_623 = arith.constant 127 : i32
            %and3A_624 = arith.andi %shift_right_logical3A_622, %and3A_623 : i32
            %broadcast_in_dim3A_625 = vector.broadcast %and3A_624 : i32 to vector<16xi32>
            %broadcast_in_dim3A_626 = vector.broadcast %rem3A_548 : i32 to vector<16xi32>
            %add3A_627 = arith.constant 0 : i32
            %add3A_628 = vector.broadcast %add3A_627 : i32 to vector<16xi32>
            %add3A_629 = arith.addi %add3A_628, %iota3A : vector<16xi32>
            %gather3A = tpu.vector_load_idx %arg16[%broadcast_in_dim3A_626, %add3A_629, %broadcast_in_dim3A_625] : memref<9x64x128xf32, #tpu.memory_space<vmem>>[vector<16xi32>, vector<16xi32>, vector<16xi32>], vector<16xf32>,
            %swap3A_630 = arith.index_cast %while3A_616 : i32 to index
            %swap3A_631 = arith.index_cast %while3A_615 : i32 to index
            %swap3A_632 = arith.constant 0 : index
            %swap3A_633 = tpu.vector_load %arg17[%swap3A_630, %swap3A_631, %swap3A_632] {strides = array<i32>} : memref<2x16x128xf32, #tpu.memory_space<vmem>>, vector<16xf32>,
            tpu.vector_store %arg17[%swap3A_630, %swap3A_631, %swap3A_632], %gather3A {strides = array<i32>} : memref<2x16x128xf32, #tpu.memory_space<vmem>>, vector<16xf32>,
            %add3A_634 = arith.constant 16 : i32
            %add3A_635 = vector.broadcast %add3A_634 : i32 to vector<16xi32>
            %add3A_636 = arith.addi %add3A_635, %iota3A : vector<16xi32>
            %gather3A_637 = tpu.vector_load_idx %arg16[%broadcast_in_dim3A_626, %add3A_636, %broadcast_in_dim3A_625] : memref<9x64x128xf32, #tpu.memory_space<vmem>>[vector<16xi32>, vector<16xi32>, vector<16xi32>], vector<16xf32>,
            %swap3A_638 = arith.index_cast %while3A_616 : i32 to index
            %swap3A_639 = arith.index_cast %while3A_615 : i32 to index
            %swap3A_640 = arith.constant 16 : index
            %swap3A_641 = tpu.vector_load %arg17[%swap3A_638, %swap3A_639, %swap3A_640] {strides = array<i32>} : memref<2x16x128xf32, #tpu.memory_space<vmem>>, vector<16xf32>,
            tpu.vector_store %arg17[%swap3A_638, %swap3A_639, %swap3A_640], %gather3A_637 {strides = array<i32>} : memref<2x16x128xf32, #tpu.memory_space<vmem>>, vector<16xf32>,
            %add3A_642 = arith.constant 32 : i32
            %add3A_643 = vector.broadcast %add3A_642 : i32 to vector<16xi32>
            %add3A_644 = arith.addi %add3A_643, %iota3A : vector<16xi32>
            %gather3A_645 = tpu.vector_load_idx %arg16[%broadcast_in_dim3A_626, %add3A_644, %broadcast_in_dim3A_625] : memref<9x64x128xf32, #tpu.memory_space<vmem>>[vector<16xi32>, vector<16xi32>, vector<16xi32>], vector<16xf32>,
            %swap3A_646 = arith.index_cast %while3A_616 : i32 to index
            %swap3A_647 = arith.index_cast %while3A_615 : i32 to index
            %swap3A_648 = arith.constant 32 : index
            %swap3A_649 = tpu.vector_load %arg17[%swap3A_646, %swap3A_647, %swap3A_648] {strides = array<i32>} : memref<2x16x128xf32, #tpu.memory_space<vmem>>, vector<16xf32>,
            tpu.vector_store %arg17[%swap3A_646, %swap3A_647, %swap3A_648], %gather3A_645 {strides = array<i32>} : memref<2x16x128xf32, #tpu.memory_space<vmem>>, vector<16xf32>,
            %add3A_650 = arith.constant 48 : i32
            %add3A_651 = vector.broadcast %add3A_650 : i32 to vector<16xi32>
            %add3A_652 = arith.addi %add3A_651, %iota3A : vector<16xi32>
            %gather3A_653 = tpu.vector_load_idx %arg16[%broadcast_in_dim3A_626, %add3A_652, %broadcast_in_dim3A_625] : memref<9x64x128xf32, #tpu.memory_space<vmem>>[vector<16xi32>, vector<16xi32>, vector<16xi32>], vector<16xf32>,
            %swap3A_654 = arith.index_cast %while3A_616 : i32 to index
            %swap3A_655 = arith.index_cast %while3A_615 : i32 to index
            %swap3A_656 = arith.constant 48 : index
            %swap3A_657 = tpu.vector_load %arg17[%swap3A_654, %swap3A_655, %swap3A_656] {strides = array<i32>} : memref<2x16x128xf32, #tpu.memory_space<vmem>>, vector<16xf32>,
            tpu.vector_store %arg17[%swap3A_654, %swap3A_655, %swap3A_656], %gather3A_653 {strides = array<i32>} : memref<2x16x128xf32, #tpu.memory_space<vmem>>, vector<16xf32>,
            %eq3A_658 = arith.constant 0 : i32
            %eq3A_659 = vector.broadcast %eq3A_658 : i32 to vector<16xi32>
            %eq3A_660 = arith.cmpi eq, %iota3A, %eq3A_659 : vector<16xi32>
            %broadcast_in_dim3A_661 = vector.broadcast %while3A_616 : i32 to vector<16xi32>
            %broadcast_in_dim3A_662 = vector.broadcast %while3A_615 : i32 to vector<16xi32>
            %and3A_663 = arith.constant 16383 : i32
            %and3A_664 = arith.andi %squeeze3A_621, %and3A_663 : i32
            %broadcast_in_dim3A_665 = vector.broadcast %and3A_664 : i32 to vector<16xi32>
            tpu.vector_store_idx %arg18[%broadcast_in_dim3A_661, %broadcast_in_dim3A_662], %broadcast_in_dim3A_665 masked %eq3A_660 : memref<2x16xi32, #tpu.memory_space<vmem>>[vector<16xi32>, vector<16xi32>], vector<16xi32>, vector<16xi1>
            %add3A_666 = arith.constant 1 : i32
            %add3A_667 = arith.addi %while3A_615, %add3A_666 : i32
            %eq3A_668 = arith.constant 16 : i32
            %eq3A_669 = arith.cmpi eq, %add3A_667, %eq3A_668 : i32
            %convert_element_type3A_670 = arith.extui %eq3A_669 : i1 to i32
            %cond3A_671 = arith.constant 0 : i32
            %cond3A_672 = arith.cmpi ne, %convert_element_type3A_670, %cond3A_671 : i32
            %cond3A_673:2 = scf.if %cond3A_672 -> (i32, i32) {
              %dma_start3A_676 = arith.constant 0 : i32
              %dma_start3A_677 = arith.constant 0 : i32
              %dma_start3A_678 = tpu.memref_slice %arg17[%while3A_616, %dma_start3A_676, %dma_start3A_677] : memref<2x16x128xf32, #tpu.memory_space<vmem>> -> memref<1x16x128xf32, #tpu.memory_space<vmem>>
              %dma_start3A_679 = tpu.memref_squeeze %dma_start3A_678 : memref<1x16x128xf32, #tpu.memory_space<vmem>> -> memref<16x128xf32, #tpu.memory_space<vmem>>
              %dma_start3A_680 = arith.constant 0 : i32
              %dma_start3A_681 = tpu.memref_slice %arg18[%while3A_616, %dma_start3A_680] : memref<2x16xi32, #tpu.memory_space<vmem>> -> memref<1x16xi32, #tpu.memory_space<vmem>>
              %dma_start3A_682 = tpu.memref_squeeze %dma_start3A_681 : memref<1x16xi32, #tpu.memory_space<vmem>> -> memref<16xi32, #tpu.memory_space<vmem>>
              %dma_start3A_683 = arith.constant 0 : i32
              %dma_start3A_684 = arith.constant 0 : i32
              %dma_start3A_685 = tpu.memref_slice %arg6[%dma_start3A_683, %dma_start3A_684] : memref<16384x128xf32, #tpu.memory_space<hbm>> -> memref<16384x128xf32, #tpu.memory_space<hbm>>
              %dma_start3A_686 = arith.constant -1 : i32
              tpu.enqueue_indirect_dma source(%dma_start3A_679 : memref<16x128xf32, #tpu.memory_space<vmem>>) target(%dma_start3A_685 : memref<16384x128xf32, #tpu.memory_space<hbm>>) offsets(%dma_start3A_682 : memref<16xi32, #tpu.memory_space<vmem>>) offset_filter(%dma_start3A_686) semaphore(%arg20 : memref<!tpu.dma_semaphore, #tpu.memory_space<semaphore_mem>>)
              %ge3A_687 = arith.constant 1 : i32
              %ge3A_688 = arith.cmpi sge, %while3A_617, %ge3A_687 : i32
              %convert_element_type3A_689 = arith.extui %ge3A_688 : i1 to i32
              %cond3A_690 = arith.constant 0 : i32
              %cond3A_691 = arith.cmpi ne, %convert_element_type3A_689, %cond3A_690 : i32
              scf.if %cond3A_691 {
                %dma_wait3A_699 = arith.constant 0 : i32
                %dma_wait3A_700 = arith.constant 0 : i32
                %dma_wait3A_701 = arith.constant 0 : i32
                %dma_wait3A_702 = tpu.memref_slice %arg17[%dma_wait3A_699, %dma_wait3A_700, %dma_wait3A_701] : memref<2x16x128xf32, #tpu.memory_space<vmem>> -> memref<1x16x128xf32, #tpu.memory_space<vmem>>
                %dma_wait3A_703 = tpu.memref_squeeze %dma_wait3A_702 : memref<1x16x128xf32, #tpu.memory_space<vmem>> -> memref<16x128xf32, #tpu.memory_space<vmem>>
                %dma_wait3A_704 = arith.constant 0 : i32
                %dma_wait3A_705 = arith.constant 0 : i32
                %dma_wait3A_706 = tpu.memref_slice %arg6[%dma_wait3A_704, %dma_wait3A_705] : memref<16384x128xf32, #tpu.memory_space<hbm>> -> memref<16x128xf32, #tpu.memory_space<hbm>>
                %dma_wait3A_707 = arith.constant 0 : i32
                %dma_wait3A_708 = arith.constant 0 : i32
                %dma_wait3A_709 = tpu.memref_slice %arg6[%dma_wait3A_707, %dma_wait3A_708] : memref<16384x128xf32, #tpu.memory_space<hbm>> -> memref<16x128xf32, #tpu.memory_space<hbm>>
                %dma_wait3A_710 = arith.constant 0 : i32
                %dma_wait3A_711 = arith.constant 0 : i32
                %dma_wait3A_712 = tpu.memref_slice %arg17[%dma_wait3A_699, %dma_wait3A_710, %dma_wait3A_711] : memref<2x16x128xf32, #tpu.memory_space<vmem>> -> memref<1x16x128xf32, #tpu.memory_space<vmem>>
                %dma_wait3A_713 = tpu.memref_squeeze %dma_wait3A_712 : memref<1x16x128xf32, #tpu.memory_space<vmem>> -> memref<16x128xf32, #tpu.memory_space<vmem>>
                tpu.wait_dma2 semaphore(%arg20 : memref<!tpu.dma_semaphore, #tpu.memory_space<semaphore_mem>>) src(%dma_wait3A_713 : memref<16x128xf32, #tpu.memory_space<vmem>>) dst(%dma_wait3A_709 : memref<16x128xf32, #tpu.memory_space<hbm>>)
              } else {
              }
              %sub3A_692 = arith.constant 1 : i32
              %sub3A_693 = arith.subi %sub3A_692, %while3A_616 : i32
              %swap3A_694 = arith.index_cast %sub3A_693 : i32 to index
              %swap3A_695 = arith.constant 0 : index
              %swap3A_696 = tpu.vector_load %arg18[%swap3A_694, %swap3A_695] {strides = array<i32>} : memref<2x16xi32, #tpu.memory_space<vmem>>, vector<16xi32>,
              tpu.vector_store %arg18[%swap3A_694, %swap3A_695], %broadcast_in_dim3A_198 {strides = array<i32>} : memref<2x16xi32, #tpu.memory_space<vmem>>, vector<16xi32>,
              %add3A_697 = arith.constant 1 : i32
              %add3A_698 = arith.addi %while3A_617, %add3A_697 : i32
              scf.yield %sub3A_693, %add3A_698 : i32, i32
            } else {
              scf.yield %while3A_616, %while3A_617 : i32, i32
            }
            %rem3A_674 = arith.constant 16 : i32
            %rem3A_675 = arith.remsi %add3A_667, %rem3A_674 : i32
            scf.yield %rem3A_675, %cond3A_673#0, %cond3A_673#1 : i32, i32, i32
          }
          scf.yield %while3A_613#0, %while3A_613#1, %while3A_613#2 : i32, i32, i32
        }
        %while3A_418 = arith.constant 1 : i32
        %while3A_419:3 = scf.for %while3A_543 = %while3A_415 to %while3A_411 step %while3A_418 iter_args(%while3A_544 = %while3A_417#0, %while3A_545 = %while3A_417#1, %while3A_546 = %while3A_417#2) -> (i32, i32, i32)  : i32 {
          %rem3A_547 = arith.constant 9 : i32
          %rem3A_548 = arith.remsi %while3A_543, %rem3A_547 : i32
          %dma_wait3A_549 = arith.constant 0 : i32
          %dma_wait3A_550 = arith.constant 0 : i32
          %dma_wait3A_551 = tpu.memref_slice %arg16[%rem3A_548, %dma_wait3A_549, %dma_wait3A_550] : memref<9x64x128xf32, #tpu.memory_space<vmem>> -> memref<1x64x128xf32, #tpu.memory_space<vmem>>
          %dma_wait3A_552 = tpu.memref_squeeze %dma_wait3A_551 : memref<1x64x128xf32, #tpu.memory_space<vmem>> -> memref<64x128xf32, #tpu.memory_space<vmem>>
          %dma_wait3A_553 = arith.constant 0 : i32
          %dma_wait3A_554 = arith.constant 0 : i32
          %dma_wait3A_555 = tpu.memref_slice %arg2[%dma_wait3A_553, %dma_wait3A_554] : memref<64x1000000xf32, #tpu.memory_space<hbm>> -> memref<64x128xf32, #tpu.memory_space<hbm>>
          %dma_wait3A_556 = arith.constant 0 : i32
          %dma_wait3A_557 = arith.constant 0 : i32
          %dma_wait3A_558 = tpu.memref_slice %arg16[%rem3A_548, %dma_wait3A_556, %dma_wait3A_557] : memref<9x64x128xf32, #tpu.memory_space<vmem>> -> memref<1x64x128xf32, #tpu.memory_space<vmem>>
          %dma_wait3A_559 = tpu.memref_squeeze %dma_wait3A_558 : memref<1x64x128xf32, #tpu.memory_space<vmem>> -> memref<64x128xf32, #tpu.memory_space<vmem>>
          %dma_wait3A_560 = arith.constant 0 : i32
          %dma_wait3A_561 = arith.constant 0 : i32
          %dma_wait3A_562 = tpu.memref_slice %arg2[%dma_wait3A_560, %dma_wait3A_561] : memref<64x1000000xf32, #tpu.memory_space<hbm>> -> memref<64x128xf32, #tpu.memory_space<hbm>>
          tpu.wait_dma2 semaphore(%arg19 : memref<!tpu.dma_semaphore, #tpu.memory_space<semaphore_mem>>) src(%dma_wait3A_562 : memref<64x128xf32, #tpu.memory_space<hbm>>) dst(%dma_wait3A_559 : memref<64x128xf32, #tpu.memory_space<vmem>>)
          %add3A_563 = arith.constant 9 : i32
          %add3A_564 = arith.addi %while3A_543, %add3A_563 : i32
          %sub3A_565 = arith.constant 1 : i32
          %sub3A_566 = arith.subi %add3A_564, %sub3A_565 : i32
          %sub3A_567 = arith.constant 1 : i32
          %sub3A_568 = arith.subi %scan3A_195, %sub3A_567 : i32
          %min3A_569 = arith.minsi %sub3A_566, %sub3A_568 : i32
          %get3A_570 = arith.index_cast %min3A_569 : i32 to index
          %get3A_571 = tpu.vector_load %arg15[%get3A_570] {strides = array<i32>} : memref<544xi32, #tpu.memory_space<vmem>>, vector<16xi32>,
          %slice3A_572 = vector.extract_strided_slice %get3A_571 {offsets = [0], sizes = [1], strides = [1]} : vector<16xi32> to vector<1xi32>
          %squeeze3A_573 = vector.extract %slice3A_572[0] : i32 from vector<1xi32>
          %add3A_574 = arith.addi %mul3A_27, %squeeze3A_573 : i32
          %mul3A_575 = arith.constant 128 : i32
          %mul3A_576 = arith.muli %add3A_574, %mul3A_575 : i32
          %rem3A_577 = arith.constant 9 : i32
          %rem3A_578 = arith.remsi %min3A_569, %rem3A_577 : i32
          %dma_start3A_579 = arith.constant 0 : i32
          %dma_start3A_580 = arith.constant 0 : i32
          %dma_start3A_581 = tpu.memref_slice %arg16[%rem3A_578, %dma_start3A_579, %dma_start3A_580] : memref<9x64x128xf32, #tpu.memory_space<vmem>> -> memref<1x64x128xf32, #tpu.memory_space<vmem>>
          %dma_start3A_582 = tpu.memref_squeeze %dma_start3A_581 : memref<1x64x128xf32, #tpu.memory_space<vmem>> -> memref<64x128xf32, #tpu.memory_space<vmem>>
          %dma_start3A_583 = arith.constant 0 : i32
          %dma_start3A_584 = tpu.memref_slice %arg2[%dma_start3A_583, %mul3A_576] : memref<64x1000000xf32, #tpu.memory_space<hbm>> -> memref<64x128xf32, #tpu.memory_space<hbm>>
          %dma_start3A_585 = arith.constant 0 : i32
          %dma_start3A_586 = arith.constant 0 : i32
          %dma_start3A_587 = tpu.memref_slice %arg16[%rem3A_578, %dma_start3A_585, %dma_start3A_586] : memref<9x64x128xf32, #tpu.memory_space<vmem>> -> memref<1x64x128xf32, #tpu.memory_space<vmem>>
          %dma_start3A_588 = tpu.memref_squeeze %dma_start3A_587 : memref<1x64x128xf32, #tpu.memory_space<vmem>> -> memref<64x128xf32, #tpu.memory_space<vmem>>
          %dma_start3A_589 = arith.constant 0 : i32
          %dma_start3A_590 = tpu.memref_slice %arg2[%dma_start3A_589, %mul3A_576] : memref<64x1000000xf32, #tpu.memory_space<hbm>> -> memref<64x128xf32, #tpu.memory_space<hbm>>
          tpu.enqueue_dma source(%dma_start3A_590 : memref<64x128xf32, #tpu.memory_space<hbm>>) target(%dma_start3A_588 : memref<64x128xf32, #tpu.memory_space<vmem>>) target_semaphore(%arg19 : memref<!tpu.dma_semaphore, #tpu.memory_space<semaphore_mem>>)
          %get3A_591 = arith.index_cast %while3A_543 : i32 to index
          %get3A_592 = tpu.vector_load %arg15[%get3A_591] {strides = array<i32>} : memref<544xi32, #tpu.memory_space<vmem>>, vector<16xi32>,
          %slice3A_593 = vector.extract_strided_slice %get3A_592 {offsets = [0], sizes = [1], strides = [1]} : vector<16xi32> to vector<1xi32>
          %squeeze3A_594 = vector.extract %slice3A_593[0] : i32 from vector<1xi32>
          %get3A_595 = arith.index_cast %squeeze3A_594 : i32 to index
          %get3A_596 = tpu.vector_load %arg13[%get3A_595] {strides = array<i32>} : memref<544xi32, #tpu.memory_space<vmem>>, vector<16xi32>,
          %slice3A_597 = vector.extract_strided_slice %get3A_596 {offsets = [0], sizes = [1], strides = [1]} : vector<16xi32> to vector<1xi32>
          %squeeze3A_598 = vector.extract %slice3A_597[0] : i32 from vector<1xi32>
          %get3A_599 = arith.index_cast %squeeze3A_594 : i32 to index
          %get3A_600 = tpu.vector_load %arg12[%get3A_599] {strides = array<i32>} : memref<544xi32, #tpu.memory_space<vmem>>, vector<16xi32>,
          %slice3A_601 = vector.extract_strided_slice %get3A_600 {offsets = [0], sizes = [1], strides = [1]} : vector<16xi32> to vector<1xi32>
          %squeeze3A_602 = vector.extract %slice3A_601[0] : i32 from vector<1xi32>
          %add3A_603 = arith.addi %squeeze3A_598, %squeeze3A_602 : i32
          %while3A_604 = arith.subi %add3A_603, %squeeze3A_598 : i32
          %while3A_605 = arith.addi %squeeze3A_598, %while3A_604 : i32
          %while3A_606 = arith.constant 1 : i32
          %while3A_607 = arith.divsi %while3A_604, %while3A_606 : i32
          %while3A_608 = arith.muli %while3A_607, %while3A_606 : i32
          %while3A_609 = arith.addi %squeeze3A_598, %while3A_608 : i32
          %while3A_610 = arith.constant 1 : i32
          %while3A_611:3 = scf.for %while3A_614 = %squeeze3A_598 to %while3A_609 step %while3A_610 iter_args(%while3A_615 = %while3A_544, %while3A_616 = %while3A_545, %while3A_617 = %while3A_546) -> (i32, i32, i32)  : i32 {
            %get3A_618 = arith.index_cast %while3A_614 : i32 to index
            %get3A_619 = tpu.vector_load %arg10[%get3A_618] {strides = array<i32>} : memref<16400xi32, #tpu.memory_space<vmem>>, vector<16xi32>,
            %slice3A_620 = vector.extract_strided_slice %get3A_619 {offsets = [0], sizes = [1], strides = [1]} : vector<16xi32> to vector<1xi32>
            %squeeze3A_621 = vector.extract %slice3A_620[0] : i32 from vector<1xi32>
            %shift_right_logical3A = arith.constant 14 : i32
            %shift_right_logical3A_622 = arith.shrui %squeeze3A_621, %shift_right_logical3A : i32
            %and3A_623 = arith.constant 127 : i32
            %and3A_624 = arith.andi %shift_right_logical3A_622, %and3A_623 : i32
            %broadcast_in_dim3A_625 = vector.broadcast %and3A_624 : i32 to vector<16xi32>
            %broadcast_in_dim3A_626 = vector.broadcast %rem3A_548 : i32 to vector<16xi32>
            %add3A_627 = arith.constant 0 : i32
            %add3A_628 = vector.broadcast %add3A_627 : i32 to vector<16xi32>
            %add3A_629 = arith.addi %add3A_628, %iota3A : vector<16xi32>
            %gather3A = tpu.vector_load_idx %arg16[%broadcast_in_dim3A_626, %add3A_629, %broadcast_in_dim3A_625] : memref<9x64x128xf32, #tpu.memory_space<vmem>>[vector<16xi32>, vector<16xi32>, vector<16xi32>], vector<16xf32>,
            %swap3A_630 = arith.index_cast %while3A_616 : i32 to index
            %swap3A_631 = arith.index_cast %while3A_615 : i32 to index
            %swap3A_632 = arith.constant 0 : index
            %swap3A_633 = tpu.vector_load %arg17[%swap3A_630, %swap3A_631, %swap3A_632] {strides = array<i32>} : memref<2x16x128xf32, #tpu.memory_space<vmem>>, vector<16xf32>,
            tpu.vector_store %arg17[%swap3A_630, %swap3A_631, %swap3A_632], %gather3A {strides = array<i32>} : memref<2x16x128xf32, #tpu.memory_space<vmem>>, vector<16xf32>,
            %add3A_634 = arith.constant 16 : i32
            %add3A_635 = vector.broadcast %add3A_634 : i32 to vector<16xi32>
            %add3A_636 = arith.addi %add3A_635, %iota3A : vector<16xi32>
            %gather3A_637 = tpu.vector_load_idx %arg16[%broadcast_in_dim3A_626, %add3A_636, %broadcast_in_dim3A_625] : memref<9x64x128xf32, #tpu.memory_space<vmem>>[vector<16xi32>, vector<16xi32>, vector<16xi32>], vector<16xf32>,
            %swap3A_638 = arith.index_cast %while3A_616 : i32 to index
            %swap3A_639 = arith.index_cast %while3A_615 : i32 to index
            %swap3A_640 = arith.constant 16 : index
            %swap3A_641 = tpu.vector_load %arg17[%swap3A_638, %swap3A_639, %swap3A_640] {strides = array<i32>} : memref<2x16x128xf32, #tpu.memory_space<vmem>>, vector<16xf32>,
            tpu.vector_store %arg17[%swap3A_638, %swap3A_639, %swap3A_640], %gather3A_637 {strides = array<i32>} : memref<2x16x128xf32, #tpu.memory_space<vmem>>, vector<16xf32>,
            %add3A_642 = arith.constant 32 : i32
            %add3A_643 = vector.broadcast %add3A_642 : i32 to vector<16xi32>
            %add3A_644 = arith.addi %add3A_643, %iota3A : vector<16xi32>
            %gather3A_645 = tpu.vector_load_idx %arg16[%broadcast_in_dim3A_626, %add3A_644, %broadcast_in_dim3A_625] : memref<9x64x128xf32, #tpu.memory_space<vmem>>[vector<16xi32>, vector<16xi32>, vector<16xi32>], vector<16xf32>,
            %swap3A_646 = arith.index_cast %while3A_616 : i32 to index
            %swap3A_647 = arith.index_cast %while3A_615 : i32 to index
            %swap3A_648 = arith.constant 32 : index
            %swap3A_649 = tpu.vector_load %arg17[%swap3A_646, %swap3A_647, %swap3A_648] {strides = array<i32>} : memref<2x16x128xf32, #tpu.memory_space<vmem>>, vector<16xf32>,
            tpu.vector_store %arg17[%swap3A_646, %swap3A_647, %swap3A_648], %gather3A_645 {strides = array<i32>} : memref<2x16x128xf32, #tpu.memory_space<vmem>>, vector<16xf32>,
            %add3A_650 = arith.constant 48 : i32
            %add3A_651 = vector.broadcast %add3A_650 : i32 to vector<16xi32>
            %add3A_652 = arith.addi %add3A_651, %iota3A : vector<16xi32>
            %gather3A_653 = tpu.vector_load_idx %arg16[%broadcast_in_dim3A_626, %add3A_652, %broadcast_in_dim3A_625] : memref<9x64x128xf32, #tpu.memory_space<vmem>>[vector<16xi32>, vector<16xi32>, vector<16xi32>], vector<16xf32>,
            %swap3A_654 = arith.index_cast %while3A_616 : i32 to index
            %swap3A_655 = arith.index_cast %while3A_615 : i32 to index
            %swap3A_656 = arith.constant 48 : index
            %swap3A_657 = tpu.vector_load %arg17[%swap3A_654, %swap3A_655, %swap3A_656] {strides = array<i32>} : memref<2x16x128xf32, #tpu.memory_space<vmem>>, vector<16xf32>,
            tpu.vector_store %arg17[%swap3A_654, %swap3A_655, %swap3A_656], %gather3A_653 {strides = array<i32>} : memref<2x16x128xf32, #tpu.memory_space<vmem>>, vector<16xf32>,
            %eq3A_658 = arith.constant 0 : i32
            %eq3A_659 = vector.broadcast %eq3A_658 : i32 to vector<16xi32>
            %eq3A_660 = arith.cmpi eq, %iota3A, %eq3A_659 : vector<16xi32>
            %broadcast_in_dim3A_661 = vector.broadcast %while3A_616 : i32 to vector<16xi32>
            %broadcast_in_dim3A_662 = vector.broadcast %while3A_615 : i32 to vector<16xi32>
            %and3A_663 = arith.constant 16383 : i32
            %and3A_664 = arith.andi %squeeze3A_621, %and3A_663 : i32
            %broadcast_in_dim3A_665 = vector.broadcast %and3A_664 : i32 to vector<16xi32>
            tpu.vector_store_idx %arg18[%broadcast_in_dim3A_661, %broadcast_in_dim3A_662], %broadcast_in_dim3A_665 masked %eq3A_660 : memref<2x16xi32, #tpu.memory_space<vmem>>[vector<16xi32>, vector<16xi32>], vector<16xi32>, vector<16xi1>
            %add3A_666 = arith.constant 1 : i32
            %add3A_667 = arith.addi %while3A_615, %add3A_666 : i32
            %eq3A_668 = arith.constant 16 : i32
            %eq3A_669 = arith.cmpi eq, %add3A_667, %eq3A_668 : i32
            %convert_element_type3A_670 = arith.extui %eq3A_669 : i1 to i32
            %cond3A_671 = arith.constant 0 : i32
            %cond3A_672 = arith.cmpi ne, %convert_element_type3A_670, %cond3A_671 : i32
            %cond3A_673:2 = scf.if %cond3A_672 -> (i32, i32) {
              %dma_start3A_676 = arith.constant 0 : i32
              %dma_start3A_677 = arith.constant 0 : i32
              %dma_start3A_678 = tpu.memref_slice %arg17[%while3A_616, %dma_start3A_676, %dma_start3A_677] : memref<2x16x128xf32, #tpu.memory_space<vmem>> -> memref<1x16x128xf32, #tpu.memory_space<vmem>>
              %dma_start3A_679 = tpu.memref_squeeze %dma_start3A_678 : memref<1x16x128xf32, #tpu.memory_space<vmem>> -> memref<16x128xf32, #tpu.memory_space<vmem>>
              %dma_start3A_680 = arith.constant 0 : i32
              %dma_start3A_681 = tpu.memref_slice %arg18[%while3A_616, %dma_start3A_680] : memref<2x16xi32, #tpu.memory_space<vmem>> -> memref<1x16xi32, #tpu.memory_space<vmem>>
              %dma_start3A_682 = tpu.memref_squeeze %dma_start3A_681 : memref<1x16xi32, #tpu.memory_space<vmem>> -> memref<16xi32, #tpu.memory_space<vmem>>
              %dma_start3A_683 = arith.constant 0 : i32
              %dma_start3A_684 = arith.constant 0 : i32
              %dma_start3A_685 = tpu.memref_slice %arg6[%dma_start3A_683, %dma_start3A_684] : memref<16384x128xf32, #tpu.memory_space<hbm>> -> memref<16384x128xf32, #tpu.memory_space<hbm>>
              %dma_start3A_686 = arith.constant -1 : i32
              tpu.enqueue_indirect_dma source(%dma_start3A_679 : memref<16x128xf32, #tpu.memory_space<vmem>>) target(%dma_start3A_685 : memref<16384x128xf32, #tpu.memory_space<hbm>>) offsets(%dma_start3A_682 : memref<16xi32, #tpu.memory_space<vmem>>) offset_filter(%dma_start3A_686) semaphore(%arg20 : memref<!tpu.dma_semaphore, #tpu.memory_space<semaphore_mem>>)
              %ge3A_687 = arith.constant 1 : i32
              %ge3A_688 = arith.cmpi sge, %while3A_617, %ge3A_687 : i32
              %convert_element_type3A_689 = arith.extui %ge3A_688 : i1 to i32
              %cond3A_690 = arith.constant 0 : i32
              %cond3A_691 = arith.cmpi ne, %convert_element_type3A_689, %cond3A_690 : i32
              scf.if %cond3A_691 {
                %dma_wait3A_699 = arith.constant 0 : i32
                %dma_wait3A_700 = arith.constant 0 : i32
                %dma_wait3A_701 = arith.constant 0 : i32
                %dma_wait3A_702 = tpu.memref_slice %arg17[%dma_wait3A_699, %dma_wait3A_700, %dma_wait3A_701] : memref<2x16x128xf32, #tpu.memory_space<vmem>> -> memref<1x16x128xf32, #tpu.memory_space<vmem>>
                %dma_wait3A_703 = tpu.memref_squeeze %dma_wait3A_702 : memref<1x16x128xf32, #tpu.memory_space<vmem>> -> memref<16x128xf32, #tpu.memory_space<vmem>>
                %dma_wait3A_704 = arith.constant 0 : i32
                %dma_wait3A_705 = arith.constant 0 : i32
                %dma_wait3A_706 = tpu.memref_slice %arg6[%dma_wait3A_704, %dma_wait3A_705] : memref<16384x128xf32, #tpu.memory_space<hbm>> -> memref<16x128xf32, #tpu.memory_space<hbm>>
                %dma_wait3A_707 = arith.constant 0 : i32
                %dma_wait3A_708 = arith.constant 0 : i32
                %dma_wait3A_709 = tpu.memref_slice %arg6[%dma_wait3A_707, %dma_wait3A_708] : memref<16384x128xf32, #tpu.memory_space<hbm>> -> memref<16x128xf32, #tpu.memory_space<hbm>>
                %dma_wait3A_710 = arith.constant 0 : i32
                %dma_wait3A_711 = arith.constant 0 : i32
                %dma_wait3A_712 = tpu.memref_slice %arg17[%dma_wait3A_699, %dma_wait3A_710, %dma_wait3A_711] : memref<2x16x128xf32, #tpu.memory_space<vmem>> -> memref<1x16x128xf32, #tpu.memory_space<vmem>>
                %dma_wait3A_713 = tpu.memref_squeeze %dma_wait3A_712 : memref<1x16x128xf32, #tpu.memory_space<vmem>> -> memref<16x128xf32, #tpu.memory_space<vmem>>
                tpu.wait_dma2 semaphore(%arg20 : memref<!tpu.dma_semaphore, #tpu.memory_space<semaphore_mem>>) src(%dma_wait3A_713 : memref<16x128xf32, #tpu.memory_space<vmem>>) dst(%dma_wait3A_709 : memref<16x128xf32, #tpu.memory_space<hbm>>)
              } else {
              }
              %sub3A_692 = arith.constant 1 : i32
              %sub3A_693 = arith.subi %sub3A_692, %while3A_616 : i32
              %swap3A_694 = arith.index_cast %sub3A_693 : i32 to index
              %swap3A_695 = arith.constant 0 : index
              %swap3A_696 = tpu.vector_load %arg18[%swap3A_694, %swap3A_695] {strides = array<i32>} : memref<2x16xi32, #tpu.memory_space<vmem>>, vector<16xi32>,
              tpu.vector_store %arg18[%swap3A_694, %swap3A_695], %broadcast_in_dim3A_198 {strides = array<i32>} : memref<2x16xi32, #tpu.memory_space<vmem>>, vector<16xi32>,
              %add3A_697 = arith.constant 1 : i32
              %add3A_698 = arith.addi %while3A_617, %add3A_697 : i32
              scf.yield %sub3A_693, %add3A_698 : i32, i32
            } else {
              scf.yield %while3A_616, %while3A_617 : i32, i32
            }
            %rem3A_674 = arith.constant 16 : i32
            %rem3A_675 = arith.remsi %add3A_667, %rem3A_674 : i32
            scf.yield %rem3A_675, %cond3A_673#0, %cond3A_673#1 : i32, i32, i32
          }
          %while3A_612 = arith.constant 1 : i32
          %while3A_613:3 = scf.for %while3A_614 = %while3A_609 to %while3A_605 step %while3A_612 iter_args(%while3A_615 = %while3A_611#0, %while3A_616 = %while3A_611#1, %while3A_617 = %while3A_611#2) -> (i32, i32, i32)  : i32 {
            %get3A_618 = arith.index_cast %while3A_614 : i32 to index
            %get3A_619 = tpu.vector_load %arg10[%get3A_618] {strides = array<i32>} : memref<16400xi32, #tpu.memory_space<vmem>>, vector<16xi32>,
            %slice3A_620 = vector.extract_strided_slice %get3A_619 {offsets = [0], sizes = [1], strides = [1]} : vector<16xi32> to vector<1xi32>
            %squeeze3A_621 = vector.extract %slice3A_620[0] : i32 from vector<1xi32>
            %shift_right_logical3A = arith.constant 14 : i32
            %shift_right_logical3A_622 = arith.shrui %squeeze3A_621, %shift_right_logical3A : i32
            %and3A_623 = arith.constant 127 : i32
            %and3A_624 = arith.andi %shift_right_logical3A_622, %and3A_623 : i32
            %broadcast_in_dim3A_625 = vector.broadcast %and3A_624 : i32 to vector<16xi32>
            %broadcast_in_dim3A_626 = vector.broadcast %rem3A_548 : i32 to vector<16xi32>
            %add3A_627 = arith.constant 0 : i32
            %add3A_628 = vector.broadcast %add3A_627 : i32 to vector<16xi32>
            %add3A_629 = arith.addi %add3A_628, %iota3A : vector<16xi32>
            %gather3A = tpu.vector_load_idx %arg16[%broadcast_in_dim3A_626, %add3A_629, %broadcast_in_dim3A_625] : memref<9x64x128xf32, #tpu.memory_space<vmem>>[vector<16xi32>, vector<16xi32>, vector<16xi32>], vector<16xf32>,
            %swap3A_630 = arith.index_cast %while3A_616 : i32 to index
            %swap3A_631 = arith.index_cast %while3A_615 : i32 to index
            %swap3A_632 = arith.constant 0 : index
            %swap3A_633 = tpu.vector_load %arg17[%swap3A_630, %swap3A_631, %swap3A_632] {strides = array<i32>} : memref<2x16x128xf32, #tpu.memory_space<vmem>>, vector<16xf32>,
            tpu.vector_store %arg17[%swap3A_630, %swap3A_631, %swap3A_632], %gather3A {strides = array<i32>} : memref<2x16x128xf32, #tpu.memory_space<vmem>>, vector<16xf32>,
            %add3A_634 = arith.constant 16 : i32
            %add3A_635 = vector.broadcast %add3A_634 : i32 to vector<16xi32>
            %add3A_636 = arith.addi %add3A_635, %iota3A : vector<16xi32>
            %gather3A_637 = tpu.vector_load_idx %arg16[%broadcast_in_dim3A_626, %add3A_636, %broadcast_in_dim3A_625] : memref<9x64x128xf32, #tpu.memory_space<vmem>>[vector<16xi32>, vector<16xi32>, vector<16xi32>], vector<16xf32>,
            %swap3A_638 = arith.index_cast %while3A_616 : i32 to index
            %swap3A_639 = arith.index_cast %while3A_615 : i32 to index
            %swap3A_640 = arith.constant 16 : index
            %swap3A_641 = tpu.vector_load %arg17[%swap3A_638, %swap3A_639, %swap3A_640] {strides = array<i32>} : memref<2x16x128xf32, #tpu.memory_space<vmem>>, vector<16xf32>,
            tpu.vector_store %arg17[%swap3A_638, %swap3A_639, %swap3A_640], %gather3A_637 {strides = array<i32>} : memref<2x16x128xf32, #tpu.memory_space<vmem>>, vector<16xf32>,
            %add3A_642 = arith.constant 32 : i32
            %add3A_643 = vector.broadcast %add3A_642 : i32 to vector<16xi32>
            %add3A_644 = arith.addi %add3A_643, %iota3A : vector<16xi32>
            %gather3A_645 = tpu.vector_load_idx %arg16[%broadcast_in_dim3A_626, %add3A_644, %broadcast_in_dim3A_625] : memref<9x64x128xf32, #tpu.memory_space<vmem>>[vector<16xi32>, vector<16xi32>, vector<16xi32>], vector<16xf32>,
            %swap3A_646 = arith.index_cast %while3A_616 : i32 to index
            %swap3A_647 = arith.index_cast %while3A_615 : i32 to index
            %swap3A_648 = arith.constant 32 : index
            %swap3A_649 = tpu.vector_load %arg17[%swap3A_646, %swap3A_647, %swap3A_648] {strides = array<i32>} : memref<2x16x128xf32, #tpu.memory_space<vmem>>, vector<16xf32>,
            tpu.vector_store %arg17[%swap3A_646, %swap3A_647, %swap3A_648], %gather3A_645 {strides = array<i32>} : memref<2x16x128xf32, #tpu.memory_space<vmem>>, vector<16xf32>,
            %add3A_650 = arith.constant 48 : i32
            %add3A_651 = vector.broadcast %add3A_650 : i32 to vector<16xi32>
            %add3A_652 = arith.addi %add3A_651, %iota3A : vector<16xi32>
            %gather3A_653 = tpu.vector_load_idx %arg16[%broadcast_in_dim3A_626, %add3A_652, %broadcast_in_dim3A_625] : memref<9x64x128xf32, #tpu.memory_space<vmem>>[vector<16xi32>, vector<16xi32>, vector<16xi32>], vector<16xf32>,
            %swap3A_654 = arith.index_cast %while3A_616 : i32 to index
            %swap3A_655 = arith.index_cast %while3A_615 : i32 to index
            %swap3A_656 = arith.constant 48 : index
            %swap3A_657 = tpu.vector_load %arg17[%swap3A_654, %swap3A_655, %swap3A_656] {strides = array<i32>} : memref<2x16x128xf32, #tpu.memory_space<vmem>>, vector<16xf32>,
            tpu.vector_store %arg17[%swap3A_654, %swap3A_655, %swap3A_656], %gather3A_653 {strides = array<i32>} : memref<2x16x128xf32, #tpu.memory_space<vmem>>, vector<16xf32>,
            %eq3A_658 = arith.constant 0 : i32
            %eq3A_659 = vector.broadcast %eq3A_658 : i32 to vector<16xi32>
            %eq3A_660 = arith.cmpi eq, %iota3A, %eq3A_659 : vector<16xi32>
            %broadcast_in_dim3A_661 = vector.broadcast %while3A_616 : i32 to vector<16xi32>
            %broadcast_in_dim3A_662 = vector.broadcast %while3A_615 : i32 to vector<16xi32>
            %and3A_663 = arith.constant 16383 : i32
            %and3A_664 = arith.andi %squeeze3A_621, %and3A_663 : i32
            %broadcast_in_dim3A_665 = vector.broadcast %and3A_664 : i32 to vector<16xi32>
            tpu.vector_store_idx %arg18[%broadcast_in_dim3A_661, %broadcast_in_dim3A_662], %broadcast_in_dim3A_665 masked %eq3A_660 : memref<2x16xi32, #tpu.memory_space<vmem>>[vector<16xi32>, vector<16xi32>], vector<16xi32>, vector<16xi1>
            %add3A_666 = arith.constant 1 : i32
            %add3A_667 = arith.addi %while3A_615, %add3A_666 : i32
            %eq3A_668 = arith.constant 16 : i32
            %eq3A_669 = arith.cmpi eq, %add3A_667, %eq3A_668 : i32
            %convert_element_type3A_670 = arith.extui %eq3A_669 : i1 to i32
            %cond3A_671 = arith.constant 0 : i32
            %cond3A_672 = arith.cmpi ne, %convert_element_type3A_670, %cond3A_671 : i32
            %cond3A_673:2 = scf.if %cond3A_672 -> (i32, i32) {
              %dma_start3A_676 = arith.constant 0 : i32
              %dma_start3A_677 = arith.constant 0 : i32
              %dma_start3A_678 = tpu.memref_slice %arg17[%while3A_616, %dma_start3A_676, %dma_start3A_677] : memref<2x16x128xf32, #tpu.memory_space<vmem>> -> memref<1x16x128xf32, #tpu.memory_space<vmem>>
              %dma_start3A_679 = tpu.memref_squeeze %dma_start3A_678 : memref<1x16x128xf32, #tpu.memory_space<vmem>> -> memref<16x128xf32, #tpu.memory_space<vmem>>
              %dma_start3A_680 = arith.constant 0 : i32
              %dma_start3A_681 = tpu.memref_slice %arg18[%while3A_616, %dma_start3A_680] : memref<2x16xi32, #tpu.memory_space<vmem>> -> memref<1x16xi32, #tpu.memory_space<vmem>>
              %dma_start3A_682 = tpu.memref_squeeze %dma_start3A_681 : memref<1x16xi32, #tpu.memory_space<vmem>> -> memref<16xi32, #tpu.memory_space<vmem>>
              %dma_start3A_683 = arith.constant 0 : i32
              %dma_start3A_684 = arith.constant 0 : i32
              %dma_start3A_685 = tpu.memref_slice %arg6[%dma_start3A_683, %dma_start3A_684] : memref<16384x128xf32, #tpu.memory_space<hbm>> -> memref<16384x128xf32, #tpu.memory_space<hbm>>
              %dma_start3A_686 = arith.constant -1 : i32
              tpu.enqueue_indirect_dma source(%dma_start3A_679 : memref<16x128xf32, #tpu.memory_space<vmem>>) target(%dma_start3A_685 : memref<16384x128xf32, #tpu.memory_space<hbm>>) offsets(%dma_start3A_682 : memref<16xi32, #tpu.memory_space<vmem>>) offset_filter(%dma_start3A_686) semaphore(%arg20 : memref<!tpu.dma_semaphore, #tpu.memory_space<semaphore_mem>>)
              %ge3A_687 = arith.constant 1 : i32
              %ge3A_688 = arith.cmpi sge, %while3A_617, %ge3A_687 : i32
              %convert_element_type3A_689 = arith.extui %ge3A_688 : i1 to i32
              %cond3A_690 = arith.constant 0 : i32
              %cond3A_691 = arith.cmpi ne, %convert_element_type3A_689, %cond3A_690 : i32
              scf.if %cond3A_691 {
                %dma_wait3A_699 = arith.constant 0 : i32
                %dma_wait3A_700 = arith.constant 0 : i32
                %dma_wait3A_701 = arith.constant 0 : i32
                %dma_wait3A_702 = tpu.memref_slice %arg17[%dma_wait3A_699, %dma_wait3A_700, %dma_wait3A_701] : memref<2x16x128xf32, #tpu.memory_space<vmem>> -> memref<1x16x128xf32, #tpu.memory_space<vmem>>
                %dma_wait3A_703 = tpu.memref_squeeze %dma_wait3A_702 : memref<1x16x128xf32, #tpu.memory_space<vmem>> -> memref<16x128xf32, #tpu.memory_space<vmem>>
                %dma_wait3A_704 = arith.constant 0 : i32
                %dma_wait3A_705 = arith.constant 0 : i32
                %dma_wait3A_706 = tpu.memref_slice %arg6[%dma_wait3A_704, %dma_wait3A_705] : memref<16384x128xf32, #tpu.memory_space<hbm>> -> memref<16x128xf32, #tpu.memory_space<hbm>>
                %dma_wait3A_707 = arith.constant 0 : i32
                %dma_wait3A_708 = arith.constant 0 : i32
                %dma_wait3A_709 = tpu.memref_slice %arg6[%dma_wait3A_707, %dma_wait3A_708] : memref<16384x128xf32, #tpu.memory_space<hbm>> -> memref<16x128xf32, #tpu.memory_space<hbm>>
                %dma_wait3A_710 = arith.constant 0 : i32
                %dma_wait3A_711 = arith.constant 0 : i32
                %dma_wait3A_712 = tpu.memref_slice %arg17[%dma_wait3A_699, %dma_wait3A_710, %dma_wait3A_711] : memref<2x16x128xf32, #tpu.memory_space<vmem>> -> memref<1x16x128xf32, #tpu.memory_space<vmem>>
                %dma_wait3A_713 = tpu.memref_squeeze %dma_wait3A_712 : memref<1x16x128xf32, #tpu.memory_space<vmem>> -> memref<16x128xf32, #tpu.memory_space<vmem>>
                tpu.wait_dma2 semaphore(%arg20 : memref<!tpu.dma_semaphore, #tpu.memory_space<semaphore_mem>>) src(%dma_wait3A_713 : memref<16x128xf32, #tpu.memory_space<vmem>>) dst(%dma_wait3A_709 : memref<16x128xf32, #tpu.memory_space<hbm>>)
              } else {
              }
              %sub3A_692 = arith.constant 1 : i32
              %sub3A_693 = arith.subi %sub3A_692, %while3A_616 : i32
              %swap3A_694 = arith.index_cast %sub3A_693 : i32 to index
              %swap3A_695 = arith.constant 0 : index
              %swap3A_696 = tpu.vector_load %arg18[%swap3A_694, %swap3A_695] {strides = array<i32>} : memref<2x16xi32, #tpu.memory_space<vmem>>, vector<16xi32>,
              tpu.vector_store %arg18[%swap3A_694, %swap3A_695], %broadcast_in_dim3A_198 {strides = array<i32>} : memref<2x16xi32, #tpu.memory_space<vmem>>, vector<16xi32>,
              %add3A_697 = arith.constant 1 : i32
              %add3A_698 = arith.addi %while3A_617, %add3A_697 : i32
              scf.yield %sub3A_693, %add3A_698 : i32, i32
            } else {
              scf.yield %while3A_616, %while3A_617 : i32, i32
            }
            %rem3A_674 = arith.constant 16 : i32
            %rem3A_675 = arith.remsi %add3A_667, %rem3A_674 : i32
            scf.yield %rem3A_675, %cond3A_673#0, %cond3A_673#1 : i32, i32, i32
          }
          scf.yield %while3A_613#0, %while3A_613#1, %while3A_613#2 : i32, i32, i32
        }
        %dma_wait3A = arith.constant 0 : i32
        %dma_wait3A_420 = arith.constant 0 : i32
        %dma_wait3A_421 = arith.constant 0 : i32
        %dma_wait3A_422 = tpu.memref_slice %arg16[%dma_wait3A, %dma_wait3A_420, %dma_wait3A_421] : memref<9x64x128xf32, #tpu.memory_space<vmem>> -> memref<1x64x128xf32, #tpu.memory_space<vmem>>
        %dma_wait3A_423 = tpu.memref_squeeze %dma_wait3A_422 : memref<1x64x128xf32, #tpu.memory_space<vmem>> -> memref<64x128xf32, #tpu.memory_space<vmem>>
        %dma_wait3A_424 = arith.constant 0 : i32
        %dma_wait3A_425 = arith.constant 0 : i32
        %dma_wait3A_426 = tpu.memref_slice %arg2[%dma_wait3A_424, %dma_wait3A_425] : memref<64x1000000xf32, #tpu.memory_space<hbm>> -> memref<64x128xf32, #tpu.memory_space<hbm>>
        %dma_wait3A_427 = arith.constant 0 : i32
        %dma_wait3A_428 = arith.constant 0 : i32
        %dma_wait3A_429 = tpu.memref_slice %arg16[%dma_wait3A, %dma_wait3A_427, %dma_wait3A_428] : memref<9x64x128xf32, #tpu.memory_space<vmem>> -> memref<1x64x128xf32, #tpu.memory_space<vmem>>
        %dma_wait3A_430 = tpu.memref_squeeze %dma_wait3A_429 : memref<1x64x128xf32, #tpu.memory_space<vmem>> -> memref<64x128xf32, #tpu.memory_space<vmem>>
        %dma_wait3A_431 = arith.constant 0 : i32
        %dma_wait3A_432 = arith.constant 0 : i32
        %dma_wait3A_433 = tpu.memref_slice %arg2[%dma_wait3A_431, %dma_wait3A_432] : memref<64x1000000xf32, #tpu.memory_space<hbm>> -> memref<64x128xf32, #tpu.memory_space<hbm>>
        tpu.wait_dma2 semaphore(%arg19 : memref<!tpu.dma_semaphore, #tpu.memory_space<semaphore_mem>>) src(%dma_wait3A_433 : memref<64x128xf32, #tpu.memory_space<hbm>>) dst(%dma_wait3A_430 : memref<64x128xf32, #tpu.memory_space<vmem>>)
        %dma_wait3A_434 = arith.constant 1 : i32
        %dma_wait3A_435 = arith.constant 0 : i32
        %dma_wait3A_436 = arith.constant 0 : i32
        %dma_wait3A_437 = tpu.memref_slice %arg16[%dma_wait3A_434, %dma_wait3A_435, %dma_wait3A_436] : memref<9x64x128xf32, #tpu.memory_space<vmem>> -> memref<1x64x128xf32, #tpu.memory_space<vmem>>
        %dma_wait3A_438 = tpu.memref_squeeze %dma_wait3A_437 : memref<1x64x128xf32, #tpu.memory_space<vmem>> -> memref<64x128xf32, #tpu.memory_space<vmem>>
        %dma_wait3A_439 = arith.constant 0 : i32
        %dma_wait3A_440 = arith.constant 0 : i32
        %dma_wait3A_441 = tpu.memref_slice %arg2[%dma_wait3A_439, %dma_wait3A_440] : memref<64x1000000xf32, #tpu.memory_space<hbm>> -> memref<64x128xf32, #tpu.memory_space<hbm>>
        %dma_wait3A_442 = arith.constant 0 : i32
        %dma_wait3A_443 = arith.constant 0 : i32
        %dma_wait3A_444 = tpu.memref_slice %arg16[%dma_wait3A_434, %dma_wait3A_442, %dma_wait3A_443] : memref<9x64x128xf32, #tpu.memory_space<vmem>> -> memref<1x64x128xf32, #tpu.memory_space<vmem>>
        %dma_wait3A_445 = tpu.memref_squeeze %dma_wait3A_444 : memref<1x64x128xf32, #tpu.memory_space<vmem>> -> memref<64x128xf32, #tpu.memory_space<vmem>>
        %dma_wait3A_446 = arith.constant 0 : i32
        %dma_wait3A_447 = arith.constant 0 : i32
        %dma_wait3A_448 = tpu.memref_slice %arg2[%dma_wait3A_446, %dma_wait3A_447] : memref<64x1000000xf32, #tpu.memory_space<hbm>> -> memref<64x128xf32, #tpu.memory_space<hbm>>
        tpu.wait_dma2 semaphore(%arg19 : memref<!tpu.dma_semaphore, #tpu.memory_space<semaphore_mem>>) src(%dma_wait3A_448 : memref<64x128xf32, #tpu.memory_space<hbm>>) dst(%dma_wait3A_445 : memref<64x128xf32, #tpu.memory_space<vmem>>)
        %dma_wait3A_449 = arith.constant 2 : i32
        %dma_wait3A_450 = arith.constant 0 : i32
        %dma_wait3A_451 = arith.constant 0 : i32
        %dma_wait3A_452 = tpu.memref_slice %arg16[%dma_wait3A_449, %dma_wait3A_450, %dma_wait3A_451] : memref<9x64x128xf32, #tpu.memory_space<vmem>> -> memref<1x64x128xf32, #tpu.memory_space<vmem>>
        %dma_wait3A_453 = tpu.memref_squeeze %dma_wait3A_452 : memref<1x64x128xf32, #tpu.memory_space<vmem>> -> memref<64x128xf32, #tpu.memory_space<vmem>>
        %dma_wait3A_454 = arith.constant 0 : i32
        %dma_wait3A_455 = arith.constant 0 : i32
        %dma_wait3A_456 = tpu.memref_slice %arg2[%dma_wait3A_454, %dma_wait3A_455] : memref<64x1000000xf32, #tpu.memory_space<hbm>> -> memref<64x128xf32, #tpu.memory_space<hbm>>
        %dma_wait3A_457 = arith.constant 0 : i32
        %dma_wait3A_458 = arith.constant 0 : i32
        %dma_wait3A_459 = tpu.memref_slice %arg16[%dma_wait3A_449, %dma_wait3A_457, %dma_wait3A_458] : memref<9x64x128xf32, #tpu.memory_space<vmem>> -> memref<1x64x128xf32, #tpu.memory_space<vmem>>
        %dma_wait3A_460 = tpu.memref_squeeze %dma_wait3A_459 : memref<1x64x128xf32, #tpu.memory_space<vmem>> -> memref<64x128xf32, #tpu.memory_space<vmem>>
        %dma_wait3A_461 = arith.constant 0 : i32
        %dma_wait3A_462 = arith.constant 0 : i32
        %dma_wait3A_463 = tpu.memref_slice %arg2[%dma_wait3A_461, %dma_wait3A_462] : memref<64x1000000xf32, #tpu.memory_space<hbm>> -> memref<64x128xf32, #tpu.memory_space<hbm>>
        tpu.wait_dma2 semaphore(%arg19 : memref<!tpu.dma_semaphore, #tpu.memory_space<semaphore_mem>>) src(%dma_wait3A_463 : memref<64x128xf32, #tpu.memory_space<hbm>>) dst(%dma_wait3A_460 : memref<64x128xf32, #tpu.memory_space<vmem>>)
        %dma_wait3A_464 = arith.constant 3 : i32
        %dma_wait3A_465 = arith.constant 0 : i32
        %dma_wait3A_466 = arith.constant 0 : i32
        %dma_wait3A_467 = tpu.memref_slice %arg16[%dma_wait3A_464, %dma_wait3A_465, %dma_wait3A_466] : memref<9x64x128xf32, #tpu.memory_space<vmem>> -> memref<1x64x128xf32, #tpu.memory_space<vmem>>
        %dma_wait3A_468 = tpu.memref_squeeze %dma_wait3A_467 : memref<1x64x128xf32, #tpu.memory_space<vmem>> -> memref<64x128xf32, #tpu.memory_space<vmem>>
        %dma_wait3A_469 = arith.constant 0 : i32
        %dma_wait3A_470 = arith.constant 0 : i32
        %dma_wait3A_471 = tpu.memref_slice %arg2[%dma_wait3A_469, %dma_wait3A_470] : memref<64x1000000xf32, #tpu.memory_space<hbm>> -> memref<64x128xf32, #tpu.memory_space<hbm>>
        %dma_wait3A_472 = arith.constant 0 : i32
        %dma_wait3A_473 = arith.constant 0 : i32
        %dma_wait3A_474 = tpu.memref_slice %arg16[%dma_wait3A_464, %dma_wait3A_472, %dma_wait3A_473] : memref<9x64x128xf32, #tpu.memory_space<vmem>> -> memref<1x64x128xf32, #tpu.memory_space<vmem>>
        %dma_wait3A_475 = tpu.memref_squeeze %dma_wait3A_474 : memref<1x64x128xf32, #tpu.memory_space<vmem>> -> memref<64x128xf32, #tpu.memory_space<vmem>>
        %dma_wait3A_476 = arith.constant 0 : i32
        %dma_wait3A_477 = arith.constant 0 : i32
        %dma_wait3A_478 = tpu.memref_slice %arg2[%dma_wait3A_476, %dma_wait3A_477] : memref<64x1000000xf32, #tpu.memory_space<hbm>> -> memref<64x128xf32, #tpu.memory_space<hbm>>
        tpu.wait_dma2 semaphore(%arg19 : memref<!tpu.dma_semaphore, #tpu.memory_space<semaphore_mem>>) src(%dma_wait3A_478 : memref<64x128xf32, #tpu.memory_space<hbm>>) dst(%dma_wait3A_475 : memref<64x128xf32, #tpu.memory_space<vmem>>)
        %dma_wait3A_479 = arith.constant 4 : i32
        %dma_wait3A_480 = arith.constant 0 : i32
        %dma_wait3A_481 = arith.constant 0 : i32
        %dma_wait3A_482 = tpu.memref_slice %arg16[%dma_wait3A_479, %dma_wait3A_480, %dma_wait3A_481] : memref<9x64x128xf32, #tpu.memory_space<vmem>> -> memref<1x64x128xf32, #tpu.memory_space<vmem>>
        %dma_wait3A_483 = tpu.memref_squeeze %dma_wait3A_482 : memref<1x64x128xf32, #tpu.memory_space<vmem>> -> memref<64x128xf32, #tpu.memory_space<vmem>>
        %dma_wait3A_484 = arith.constant 0 : i32
        %dma_wait3A_485 = arith.constant 0 : i32
        %dma_wait3A_486 = tpu.memref_slice %arg2[%dma_wait3A_484, %dma_wait3A_485] : memref<64x1000000xf32, #tpu.memory_space<hbm>> -> memref<64x128xf32, #tpu.memory_space<hbm>>
        %dma_wait3A_487 = arith.constant 0 : i32
        %dma_wait3A_488 = arith.constant 0 : i32
        %dma_wait3A_489 = tpu.memref_slice %arg16[%dma_wait3A_479, %dma_wait3A_487, %dma_wait3A_488] : memref<9x64x128xf32, #tpu.memory_space<vmem>> -> memref<1x64x128xf32, #tpu.memory_space<vmem>>
        %dma_wait3A_490 = tpu.memref_squeeze %dma_wait3A_489 : memref<1x64x128xf32, #tpu.memory_space<vmem>> -> memref<64x128xf32, #tpu.memory_space<vmem>>
        %dma_wait3A_491 = arith.constant 0 : i32
        %dma_wait3A_492 = arith.constant 0 : i32
        %dma_wait3A_493 = tpu.memref_slice %arg2[%dma_wait3A_491, %dma_wait3A_492] : memref<64x1000000xf32, #tpu.memory_space<hbm>> -> memref<64x128xf32, #tpu.memory_space<hbm>>
        tpu.wait_dma2 semaphore(%arg19 : memref<!tpu.dma_semaphore, #tpu.memory_space<semaphore_mem>>) src(%dma_wait3A_493 : memref<64x128xf32, #tpu.memory_space<hbm>>) dst(%dma_wait3A_490 : memref<64x128xf32, #tpu.memory_space<vmem>>)
        %dma_wait3A_494 = arith.constant 5 : i32
        %dma_wait3A_495 = arith.constant 0 : i32
        %dma_wait3A_496 = arith.constant 0 : i32
        %dma_wait3A_497 = tpu.memref_slice %arg16[%dma_wait3A_494, %dma_wait3A_495, %dma_wait3A_496] : memref<9x64x128xf32, #tpu.memory_space<vmem>> -> memref<1x64x128xf32, #tpu.memory_space<vmem>>
        %dma_wait3A_498 = tpu.memref_squeeze %dma_wait3A_497 : memref<1x64x128xf32, #tpu.memory_space<vmem>> -> memref<64x128xf32, #tpu.memory_space<vmem>>
        %dma_wait3A_499 = arith.constant 0 : i32
        %dma_wait3A_500 = arith.constant 0 : i32
        %dma_wait3A_501 = tpu.memref_slice %arg2[%dma_wait3A_499, %dma_wait3A_500] : memref<64x1000000xf32, #tpu.memory_space<hbm>> -> memref<64x128xf32, #tpu.memory_space<hbm>>
        %dma_wait3A_502 = arith.constant 0 : i32
        %dma_wait3A_503 = arith.constant 0 : i32
        %dma_wait3A_504 = tpu.memref_slice %arg16[%dma_wait3A_494, %dma_wait3A_502, %dma_wait3A_503] : memref<9x64x128xf32, #tpu.memory_space<vmem>> -> memref<1x64x128xf32, #tpu.memory_space<vmem>>
        %dma_wait3A_505 = tpu.memref_squeeze %dma_wait3A_504 : memref<1x64x128xf32, #tpu.memory_space<vmem>> -> memref<64x128xf32, #tpu.memory_space<vmem>>
        %dma_wait3A_506 = arith.constant 0 : i32
        %dma_wait3A_507 = arith.constant 0 : i32
        %dma_wait3A_508 = tpu.memref_slice %arg2[%dma_wait3A_506, %dma_wait3A_507] : memref<64x1000000xf32, #tpu.memory_space<hbm>> -> memref<64x128xf32, #tpu.memory_space<hbm>>
        tpu.wait_dma2 semaphore(%arg19 : memref<!tpu.dma_semaphore, #tpu.memory_space<semaphore_mem>>) src(%dma_wait3A_508 : memref<64x128xf32, #tpu.memory_space<hbm>>) dst(%dma_wait3A_505 : memref<64x128xf32, #tpu.memory_space<vmem>>)
        %dma_wait3A_509 = arith.constant 6 : i32
        %dma_wait3A_510 = arith.constant 0 : i32
        %dma_wait3A_511 = arith.constant 0 : i32
        %dma_wait3A_512 = tpu.memref_slice %arg16[%dma_wait3A_509, %dma_wait3A_510, %dma_wait3A_511] : memref<9x64x128xf32, #tpu.memory_space<vmem>> -> memref<1x64x128xf32, #tpu.memory_space<vmem>>
        %dma_wait3A_513 = tpu.memref_squeeze %dma_wait3A_512 : memref<1x64x128xf32, #tpu.memory_space<vmem>> -> memref<64x128xf32, #tpu.memory_space<vmem>>
        %dma_wait3A_514 = arith.constant 0 : i32
        %dma_wait3A_515 = arith.constant 0 : i32
        %dma_wait3A_516 = tpu.memref_slice %arg2[%dma_wait3A_514, %dma_wait3A_515] : memref<64x1000000xf32, #tpu.memory_space<hbm>> -> memref<64x128xf32, #tpu.memory_space<hbm>>
        %dma_wait3A_517 = arith.constant 0 : i32
        %dma_wait3A_518 = arith.constant 0 : i32
        %dma_wait3A_519 = tpu.memref_slice %arg16[%dma_wait3A_509, %dma_wait3A_517, %dma_wait3A_518] : memref<9x64x128xf32, #tpu.memory_space<vmem>> -> memref<1x64x128xf32, #tpu.memory_space<vmem>>
        %dma_wait3A_520 = tpu.memref_squeeze %dma_wait3A_519 : memref<1x64x128xf32, #tpu.memory_space<vmem>> -> memref<64x128xf32, #tpu.memory_space<vmem>>
        %dma_wait3A_521 = arith.constant 0 : i32
        %dma_wait3A_522 = arith.constant 0 : i32
        %dma_wait3A_523 = tpu.memref_slice %arg2[%dma_wait3A_521, %dma_wait3A_522] : memref<64x1000000xf32, #tpu.memory_space<hbm>> -> memref<64x128xf32, #tpu.memory_space<hbm>>
        tpu.wait_dma2 semaphore(%arg19 : memref<!tpu.dma_semaphore, #tpu.memory_space<semaphore_mem>>) src(%dma_wait3A_523 : memref<64x128xf32, #tpu.memory_space<hbm>>) dst(%dma_wait3A_520 : memref<64x128xf32, #tpu.memory_space<vmem>>)
        %dma_wait3A_524 = arith.constant 7 : i32
        %dma_wait3A_525 = arith.constant 0 : i32
        %dma_wait3A_526 = arith.constant 0 : i32
        %dma_wait3A_527 = tpu.memref_slice %arg16[%dma_wait3A_524, %dma_wait3A_525, %dma_wait3A_526] : memref<9x64x128xf32, #tpu.memory_space<vmem>> -> memref<1x64x128xf32, #tpu.memory_space<vmem>>
        %dma_wait3A_528 = tpu.memref_squeeze %dma_wait3A_527 : memref<1x64x128xf32, #tpu.memory_space<vmem>> -> memref<64x128xf32, #tpu.memory_space<vmem>>
        %dma_wait3A_529 = arith.constant 0 : i32
        %dma_wait3A_530 = arith.constant 0 : i32
        %dma_wait3A_531 = tpu.memref_slice %arg2[%dma_wait3A_529, %dma_wait3A_530] : memref<64x1000000xf32, #tpu.memory_space<hbm>> -> memref<64x128xf32, #tpu.memory_space<hbm>>
        %dma_wait3A_532 = arith.constant 0 : i32
        %dma_wait3A_533 = arith.constant 0 : i32
        %dma_wait3A_534 = tpu.memref_slice %arg16[%dma_wait3A_524, %dma_wait3A_532, %dma_wait3A_533] : memref<9x64x128xf32, #tpu.memory_space<vmem>> -> memref<1x64x128xf32, #tpu.memory_space<vmem>>
        %dma_wait3A_535 = tpu.memref_squeeze %dma_wait3A_534 : memref<1x64x128xf32, #tpu.memory_space<vmem>> -> memref<64x128xf32, #tpu.memory_space<vmem>>
        %dma_wait3A_536 = arith.constant 0 : i32
        %dma_wait3A_537 = arith.constant 0 : i32
        %dma_wait3A_538 = tpu.memref_slice %arg2[%dma_wait3A_536, %dma_wait3A_537] : memref<64x1000000xf32, #tpu.memory_space<hbm>> -> memref<64x128xf32, #tpu.memory_space<hbm>>
        tpu.wait_dma2 semaphore(%arg19 : memref<!tpu.dma_semaphore, #tpu.memory_space<semaphore_mem>>) src(%dma_wait3A_538 : memref<64x128xf32, #tpu.memory_space<hbm>>) dst(%dma_wait3A_535 : memref<64x128xf32, #tpu.memory_space<vmem>>)
        "tpu.region"() ({
          %run_scoped3A = tpu.sem_alloc : memref<!tpu.dma_semaphore, #tpu.memory_space<semaphore_mem>>
          %dma_start3A_543 = arith.constant 0 : i32
          %dma_start3A_544 = arith.constant 0 : i32
          %dma_start3A_545 = tpu.memref_slice %arg17[%while3A_419#1, %dma_start3A_543, %dma_start3A_544] : memref<2x16x128xf32, #tpu.memory_space<vmem>> -> memref<1x16x128xf32, #tpu.memory_space<vmem>>
          %dma_start3A_546 = tpu.memref_squeeze %dma_start3A_545 : memref<1x16x128xf32, #tpu.memory_space<vmem>> -> memref<16x128xf32, #tpu.memory_space<vmem>>
          %dma_start3A_547 = arith.constant 0 : i32
          %dma_start3A_548 = tpu.memref_slice %arg18[%while3A_419#1, %dma_start3A_547] : memref<2x16xi32, #tpu.memory_space<vmem>> -> memref<1x16xi32, #tpu.memory_space<vmem>>
          %dma_start3A_549 = tpu.memref_squeeze %dma_start3A_548 : memref<1x16xi32, #tpu.memory_space<vmem>> -> memref<16xi32, #tpu.memory_space<vmem>>
          %dma_start3A_550 = arith.constant 0 : i32
          %dma_start3A_551 = arith.constant 0 : i32
          %dma_start3A_552 = tpu.memref_slice %arg6[%dma_start3A_550, %dma_start3A_551] : memref<16384x128xf32, #tpu.memory_space<hbm>> -> memref<16384x128xf32, #tpu.memory_space<hbm>>
          %dma_start3A_553 = arith.constant -1 : i32
          tpu.enqueue_indirect_dma source(%dma_start3A_546 : memref<16x128xf32, #tpu.memory_space<vmem>>) target(%dma_start3A_552 : memref<16384x128xf32, #tpu.memory_space<hbm>>) offsets(%dma_start3A_549 : memref<16xi32, #tpu.memory_space<vmem>>) offset_filter(%dma_start3A_553) semaphore(%run_scoped3A : memref<!tpu.dma_semaphore, #tpu.memory_space<semaphore_mem>>)
          %dma_wait3A_554 = arith.constant 0 : i32
          %dma_wait3A_555 = arith.constant 0 : i32
          %dma_wait3A_556 = tpu.memref_slice %arg17[%while3A_419#1, %dma_wait3A_554, %dma_wait3A_555] : memref<2x16x128xf32, #tpu.memory_space<vmem>> -> memref<1x16x128xf32, #tpu.memory_space<vmem>>
          %dma_wait3A_557 = tpu.memref_squeeze %dma_wait3A_556 : memref<1x16x128xf32, #tpu.memory_space<vmem>> -> memref<16x128xf32, #tpu.memory_space<vmem>>
          %dma_wait3A_558 = arith.constant 0 : i32
          %dma_wait3A_559 = tpu.memref_slice %arg18[%while3A_419#1, %dma_wait3A_558] : memref<2x16xi32, #tpu.memory_space<vmem>> -> memref<1x16xi32, #tpu.memory_space<vmem>>
          %dma_wait3A_560 = tpu.memref_squeeze %dma_wait3A_559 : memref<1x16xi32, #tpu.memory_space<vmem>> -> memref<16xi32, #tpu.memory_space<vmem>>
          %dma_wait3A_561 = arith.constant 0 : i32
          %dma_wait3A_562 = arith.constant 0 : i32
          %dma_wait3A_563 = tpu.memref_slice %arg6[%dma_wait3A_561, %dma_wait3A_562] : memref<16384x128xf32, #tpu.memory_space<hbm>> -> memref<16384x128xf32, #tpu.memory_space<hbm>>
          tpu.wait_indirect_dma semaphore(%run_scoped3A : memref<!tpu.dma_semaphore, #tpu.memory_space<semaphore_mem>>) src(%dma_wait3A_557 : memref<16x128xf32, #tpu.memory_space<vmem>>) dst(%dma_wait3A_563 : memref<16384x128xf32, #tpu.memory_space<hbm>>)
          tpu.yield
        }) : () -> ()
        %ge3A = arith.constant 1 : i32
        %ge3A_539 = arith.cmpi sge, %while3A_419#2, %ge3A : i32
        %convert_element_type3A_540 = arith.extui %ge3A_539 : i1 to i32
        %cond3A_541 = arith.constant 0 : i32
        %cond3A_542 = arith.cmpi ne, %convert_element_type3A_540, %cond3A_541 : i32
        scf.if %cond3A_542 {
          %dma_wait3A_543 = arith.constant 0 : i32
          %dma_wait3A_544 = arith.constant 0 : i32
          %dma_wait3A_545 = arith.constant 0 : i32
          %dma_wait3A_546 = tpu.memref_slice %arg17[%dma_wait3A_543, %dma_wait3A_544, %dma_wait3A_545] : memref<2x16x128xf32, #tpu.memory_space<vmem>> -> memref<1x16x128xf32, #tpu.memory_space<vmem>>
          %dma_wait3A_547 = tpu.memref_squeeze %dma_wait3A_546 : memref<1x16x128xf32, #tpu.memory_space<vmem>> -> memref<16x128xf32, #tpu.memory_space<vmem>>
          %dma_wait3A_548 = arith.constant 0 : i32
          %dma_wait3A_549 = arith.constant 0 : i32
          %dma_wait3A_550 = tpu.memref_slice %arg6[%dma_wait3A_548, %dma_wait3A_549] : memref<16384x128xf32, #tpu.memory_space<hbm>> -> memref<16x128xf32, #tpu.memory_space<hbm>>
          %dma_wait3A_551 = arith.constant 0 : i32
          %dma_wait3A_552 = arith.constant 0 : i32
          %dma_wait3A_553 = tpu.memref_slice %arg6[%dma_wait3A_551, %dma_wait3A_552] : memref<16384x128xf32, #tpu.memory_space<hbm>> -> memref<16x128xf32, #tpu.memory_space<hbm>>
          %dma_wait3A_554 = arith.constant 0 : i32
          %dma_wait3A_555 = arith.constant 0 : i32
          %dma_wait3A_556 = tpu.memref_slice %arg17[%dma_wait3A_543, %dma_wait3A_554, %dma_wait3A_555] : memref<2x16x128xf32, #tpu.memory_space<vmem>> -> memref<1x16x128xf32, #tpu.memory_space<vmem>>
          %dma_wait3A_557 = tpu.memref_squeeze %dma_wait3A_556 : memref<1x16x128xf32, #tpu.memory_space<vmem>> -> memref<16x128xf32, #tpu.memory_space<vmem>>
          tpu.wait_dma2 semaphore(%arg20 : memref<!tpu.dma_semaphore, #tpu.memory_space<semaphore_mem>>) src(%dma_wait3A_557 : memref<16x128xf32, #tpu.memory_space<vmem>>) dst(%dma_wait3A_553 : memref<16x128xf32, #tpu.memory_space<hbm>>)
        } else {
        }
      } else {
      }
    } else {
    }
    %eq3A_21 = arith.constant 1 : i32
    %eq3A_22 = arith.cmpi eq, %select_n3A, %eq3A_21 : i32
    %convert_element_type3A_23 = arith.extui %eq3A_22 : i1 to i32
    %cond3A_24 = arith.constant 0 : i32
    %cond3A_25 = arith.cmpi ne, %convert_element_type3A_23, %cond3A_24 : i32
    scf.if %cond3A_25 {
      %mul3A_26 = arith.constant 489 : i32
      %mul3A_27 = arith.muli %rem3A_18, %mul3A_26 : i32
      %iota3A = tpu.iota {dimensions = array<i32: 0>} : vector<16xi32>
      "tpu.region"() ({
        %run_scoped3A = tpu.sem_alloc : memref<!tpu.dma_semaphore, #tpu.memory_space<semaphore_mem>>
        tpu.enqueue_dma source(%arg5 : memref<16384xi32, #tpu.memory_space<hbm>>) target(%arg8 : memref<16384xi32, #tpu.memory_space<vmem>>) target_semaphore(%run_scoped3A : memref<!tpu.dma_semaphore, #tpu.memory_space<semaphore_mem>>)
        tpu.wait_dma2 semaphore(%run_scoped3A : memref<!tpu.dma_semaphore, #tpu.memory_space<semaphore_mem>>) src(%arg5 : memref<16384xi32, #tpu.memory_space<hbm>>) dst(%arg8 : memref<16384xi32, #tpu.memory_space<vmem>>)
        tpu.yield
      }) : () -> ()
      %broadcast_in_dim3A = arith.constant 0 : i32
      %broadcast_in_dim3A_28 = vector.broadcast %broadcast_in_dim3A : i32 to vector<16xi32>
      %swap3A = arith.constant 0 : index
      %swap3A_29 = tpu.vector_load %arg11[%swap3A] {strides = array<i32>} : memref<544xi32, #tpu.memory_space<vmem>>, vector<16xi32>,
      tpu.vector_store %arg11[%swap3A], %broadcast_in_dim3A_28 {strides = array<i32>} : memref<544xi32, #tpu.memory_space<vmem>>, vector<16xi32>,
      %swap3A_30 = arith.constant 16 : index
      %swap3A_31 = tpu.vector_load %arg11[%swap3A_30] {strides = array<i32>} : memref<544xi32, #tpu.memory_space<vmem>>, vector<16xi32>,
      tpu.vector_store %arg11[%swap3A_30], %broadcast_in_dim3A_28 {strides = array<i32>} : memref<544xi32, #tpu.memory_space<vmem>>, vector<16xi32>,
      %swap3A_32 = arith.constant 32 : index
      %swap3A_33 = tpu.vector_load %arg11[%swap3A_32] {strides = array<i32>} : memref<544xi32, #tpu.memory_space<vmem>>, vector<16xi32>,
      tpu.vector_store %arg11[%swap3A_32], %broadcast_in_dim3A_28 {strides = array<i32>} : memref<544xi32, #tpu.memory_space<vmem>>, vector<16xi32>,
      %swap3A_34 = arith.constant 48 : index
      %swap3A_35 = tpu.vector_load %arg11[%swap3A_34] {strides = array<i32>} : memref<544xi32, #tpu.memory_space<vmem>>, vector<16xi32>,
      tpu.vector_store %arg11[%swap3A_34], %broadcast_in_dim3A_28 {strides = array<i32>} : memref<544xi32, #tpu.memory_space<vmem>>, vector<16xi32>,
      %swap3A_36 = arith.constant 64 : index
      %swap3A_37 = tpu.vector_load %arg11[%swap3A_36] {strides = array<i32>} : memref<544xi32, #tpu.memory_space<vmem>>, vector<16xi32>,
      tpu.vector_store %arg11[%swap3A_36], %broadcast_in_dim3A_28 {strides = array<i32>} : memref<544xi32, #tpu.memory_space<vmem>>, vector<16xi32>,
      %swap3A_38 = arith.constant 80 : index
      %swap3A_39 = tpu.vector_load %arg11[%swap3A_38] {strides = array<i32>} : memref<544xi32, #tpu.memory_space<vmem>>, vector<16xi32>,
      tpu.vector_store %arg11[%swap3A_38], %broadcast_in_dim3A_28 {strides = array<i32>} : memref<544xi32, #tpu.memory_space<vmem>>, vector<16xi32>,
      %swap3A_40 = arith.constant 96 : index
      %swap3A_41 = tpu.vector_load %arg11[%swap3A_40] {strides = array<i32>} : memref<544xi32, #tpu.memory_space<vmem>>, vector<16xi32>,
      tpu.vector_store %arg11[%swap3A_40], %broadcast_in_dim3A_28 {strides = array<i32>} : memref<544xi32, #tpu.memory_space<vmem>>, vector<16xi32>,
      %swap3A_42 = arith.constant 112 : index
      %swap3A_43 = tpu.vector_load %arg11[%swap3A_42] {strides = array<i32>} : memref<544xi32, #tpu.memory_space<vmem>>, vector<16xi32>,
      tpu.vector_store %arg11[%swap3A_42], %broadcast_in_dim3A_28 {strides = array<i32>} : memref<544xi32, #tpu.memory_space<vmem>>, vector<16xi32>,
      %swap3A_44 = arith.constant 128 : index
      %swap3A_45 = tpu.vector_load %arg11[%swap3A_44] {strides = array<i32>} : memref<544xi32, #tpu.memory_space<vmem>>, vector<16xi32>,
      tpu.vector_store %arg11[%swap3A_44], %broadcast_in_dim3A_28 {strides = array<i32>} : memref<544xi32, #tpu.memory_space<vmem>>, vector<16xi32>,
      %swap3A_46 = arith.constant 144 : index
      %swap3A_47 = tpu.vector_load %arg11[%swap3A_46] {strides = array<i32>} : memref<544xi32, #tpu.memory_space<vmem>>, vector<16xi32>,
      tpu.vector_store %arg11[%swap3A_46], %broadcast_in_dim3A_28 {strides = array<i32>} : memref<544xi32, #tpu.memory_space<vmem>>, vector<16xi32>,
      %swap3A_48 = arith.constant 160 : index
      %swap3A_49 = tpu.vector_load %arg11[%swap3A_48] {strides = array<i32>} : memref<544xi32, #tpu.memory_space<vmem>>, vector<16xi32>,
      tpu.vector_store %arg11[%swap3A_48], %broadcast_in_dim3A_28 {strides = array<i32>} : memref<544xi32, #tpu.memory_space<vmem>>, vector<16xi32>,
      %swap3A_50 = arith.constant 176 : index
      %swap3A_51 = tpu.vector_load %arg11[%swap3A_50] {strides = array<i32>} : memref<544xi32, #tpu.memory_space<vmem>>, vector<16xi32>,
      tpu.vector_store %arg11[%swap3A_50], %broadcast_in_dim3A_28 {strides = array<i32>} : memref<544xi32, #tpu.memory_space<vmem>>, vector<16xi32>,
      %swap3A_52 = arith.constant 192 : index
      %swap3A_53 = tpu.vector_load %arg11[%swap3A_52] {strides = array<i32>} : memref<544xi32, #tpu.memory_space<vmem>>, vector<16xi32>,
      tpu.vector_store %arg11[%swap3A_52], %broadcast_in_dim3A_28 {strides = array<i32>} : memref<544xi32, #tpu.memory_space<vmem>>, vector<16xi32>,
      %swap3A_54 = arith.constant 208 : index
      %swap3A_55 = tpu.vector_load %arg11[%swap3A_54] {strides = array<i32>} : memref<544xi32, #tpu.memory_space<vmem>>, vector<16xi32>,
      tpu.vector_store %arg11[%swap3A_54], %broadcast_in_dim3A_28 {strides = array<i32>} : memref<544xi32, #tpu.memory_space<vmem>>, vector<16xi32>,
      %swap3A_56 = arith.constant 224 : index
      %swap3A_57 = tpu.vector_load %arg11[%swap3A_56] {strides = array<i32>} : memref<544xi32, #tpu.memory_space<vmem>>, vector<16xi32>,
      tpu.vector_store %arg11[%swap3A_56], %broadcast_in_dim3A_28 {strides = array<i32>} : memref<544xi32, #tpu.memory_space<vmem>>, vector<16xi32>,
      %swap3A_58 = arith.constant 240 : index
      %swap3A_59 = tpu.vector_load %arg11[%swap3A_58] {strides = array<i32>} : memref<544xi32, #tpu.memory_space<vmem>>, vector<16xi32>,
      tpu.vector_store %arg11[%swap3A_58], %broadcast_in_dim3A_28 {strides = array<i32>} : memref<544xi32, #tpu.memory_space<vmem>>, vector<16xi32>,
      %swap3A_60 = arith.constant 256 : index
      %swap3A_61 = tpu.vector_load %arg11[%swap3A_60] {strides = array<i32>} : memref<544xi32, #tpu.memory_space<vmem>>, vector<16xi32>,
      tpu.vector_store %arg11[%swap3A_60], %broadcast_in_dim3A_28 {strides = array<i32>} : memref<544xi32, #tpu.memory_space<vmem>>, vector<16xi32>,
      %swap3A_62 = arith.constant 272 : index
      %swap3A_63 = tpu.vector_load %arg11[%swap3A_62] {strides = array<i32>} : memref<544xi32, #tpu.memory_space<vmem>>, vector<16xi32>,
      tpu.vector_store %arg11[%swap3A_62], %broadcast_in_dim3A_28 {strides = array<i32>} : memref<544xi32, #tpu.memory_space<vmem>>, vector<16xi32>,
      %swap3A_64 = arith.constant 288 : index
      %swap3A_65 = tpu.vector_load %arg11[%swap3A_64] {strides = array<i32>} : memref<544xi32, #tpu.memory_space<vmem>>, vector<16xi32>,
      tpu.vector_store %arg11[%swap3A_64], %broadcast_in_dim3A_28 {strides = array<i32>} : memref<544xi32, #tpu.memory_space<vmem>>, vector<16xi32>,
      %swap3A_66 = arith.constant 304 : index
      %swap3A_67 = tpu.vector_load %arg11[%swap3A_66] {strides = array<i32>} : memref<544xi32, #tpu.memory_space<vmem>>, vector<16xi32>,
      tpu.vector_store %arg11[%swap3A_66], %broadcast_in_dim3A_28 {strides = array<i32>} : memref<544xi32, #tpu.memory_space<vmem>>, vector<16xi32>,
      %swap3A_68 = arith.constant 320 : index
      %swap3A_69 = tpu.vector_load %arg11[%swap3A_68] {strides = array<i32>} : memref<544xi32, #tpu.memory_space<vmem>>, vector<16xi32>,
      tpu.vector_store %arg11[%swap3A_68], %broadcast_in_dim3A_28 {strides = array<i32>} : memref<544xi32, #tpu.memory_space<vmem>>, vector<16xi32>,
      %swap3A_70 = arith.constant 336 : index
      %swap3A_71 = tpu.vector_load %arg11[%swap3A_70] {strides = array<i32>} : memref<544xi32, #tpu.memory_space<vmem>>, vector<16xi32>,
      tpu.vector_store %arg11[%swap3A_70], %broadcast_in_dim3A_28 {strides = array<i32>} : memref<544xi32, #tpu.memory_space<vmem>>, vector<16xi32>,
      %swap3A_72 = arith.constant 352 : index
      %swap3A_73 = tpu.vector_load %arg11[%swap3A_72] {strides = array<i32>} : memref<544xi32, #tpu.memory_space<vmem>>, vector<16xi32>,
      tpu.vector_store %arg11[%swap3A_72], %broadcast_in_dim3A_28 {strides = array<i32>} : memref<544xi32, #tpu.memory_space<vmem>>, vector<16xi32>,
      %swap3A_74 = arith.constant 368 : index
      %swap3A_75 = tpu.vector_load %arg11[%swap3A_74] {strides = array<i32>} : memref<544xi32, #tpu.memory_space<vmem>>, vector<16xi32>,
      tpu.vector_store %arg11[%swap3A_74], %broadcast_in_dim3A_28 {strides = array<i32>} : memref<544xi32, #tpu.memory_space<vmem>>, vector<16xi32>,
      %swap3A_76 = arith.constant 384 : index
      %swap3A_77 = tpu.vector_load %arg11[%swap3A_76] {strides = array<i32>} : memref<544xi32, #tpu.memory_space<vmem>>, vector<16xi32>,
      tpu.vector_store %arg11[%swap3A_76], %broadcast_in_dim3A_28 {strides = array<i32>} : memref<544xi32, #tpu.memory_space<vmem>>, vector<16xi32>,
      %swap3A_78 = arith.constant 400 : index
      %swap3A_79 = tpu.vector_load %arg11[%swap3A_78] {strides = array<i32>} : memref<544xi32, #tpu.memory_space<vmem>>, vector<16xi32>,
      tpu.vector_store %arg11[%swap3A_78], %broadcast_in_dim3A_28 {strides = array<i32>} : memref<544xi32, #tpu.memory_space<vmem>>, vector<16xi32>,
      %swap3A_80 = arith.constant 416 : index
      %swap3A_81 = tpu.vector_load %arg11[%swap3A_80] {strides = array<i32>} : memref<544xi32, #tpu.memory_space<vmem>>, vector<16xi32>,
      tpu.vector_store %arg11[%swap3A_80], %broadcast_in_dim3A_28 {strides = array<i32>} : memref<544xi32, #tpu.memory_space<vmem>>, vector<16xi32>,
      %swap3A_82 = arith.constant 432 : index
      %swap3A_83 = tpu.vector_load %arg11[%swap3A_82] {strides = array<i32>} : memref<544xi32, #tpu.memory_space<vmem>>, vector<16xi32>,
      tpu.vector_store %arg11[%swap3A_82], %broadcast_in_dim3A_28 {strides = array<i32>} : memref<544xi32, #tpu.memory_space<vmem>>, vector<16xi32>,
      %swap3A_84 = arith.constant 448 : index
      %swap3A_85 = tpu.vector_load %arg11[%swap3A_84] {strides = array<i32>} : memref<544xi32, #tpu.memory_space<vmem>>, vector<16xi32>,
      tpu.vector_store %arg11[%swap3A_84], %broadcast_in_dim3A_28 {strides = array<i32>} : memref<544xi32, #tpu.memory_space<vmem>>, vector<16xi32>,
      %swap3A_86 = arith.constant 464 : index
      %swap3A_87 = tpu.vector_load %arg11[%swap3A_86] {strides = array<i32>} : memref<544xi32, #tpu.memory_space<vmem>>, vector<16xi32>,
      tpu.vector_store %arg11[%swap3A_86], %broadcast_in_dim3A_28 {strides = array<i32>} : memref<544xi32, #tpu.memory_space<vmem>>, vector<16xi32>,
      %swap3A_88 = arith.constant 480 : index
      %swap3A_89 = tpu.vector_load %arg11[%swap3A_88] {strides = array<i32>} : memref<544xi32, #tpu.memory_space<vmem>>, vector<16xi32>,
      tpu.vector_store %arg11[%swap3A_88], %broadcast_in_dim3A_28 {strides = array<i32>} : memref<544xi32, #tpu.memory_space<vmem>>, vector<16xi32>,
      %swap3A_90 = arith.constant 496 : index
      %swap3A_91 = tpu.vector_load %arg11[%swap3A_90] {strides = array<i32>} : memref<544xi32, #tpu.memory_space<vmem>>, vector<16xi32>,
      tpu.vector_store %arg11[%swap3A_90], %broadcast_in_dim3A_28 {strides = array<i32>} : memref<544xi32, #tpu.memory_space<vmem>>, vector<16xi32>,
      %swap3A_92 = arith.constant 512 : index
      %swap3A_93 = tpu.vector_load %arg11[%swap3A_92] {strides = array<i32>} : memref<544xi32, #tpu.memory_space<vmem>>, vector<16xi32>,
      tpu.vector_store %arg11[%swap3A_92], %broadcast_in_dim3A_28 {strides = array<i32>} : memref<544xi32, #tpu.memory_space<vmem>>, vector<16xi32>,
      %swap3A_94 = arith.constant 528 : index
      %swap3A_95 = tpu.vector_load %arg11[%swap3A_94] {strides = array<i32>} : memref<544xi32, #tpu.memory_space<vmem>>, vector<16xi32>,
      tpu.vector_store %arg11[%swap3A_94], %broadcast_in_dim3A_28 {strides = array<i32>} : memref<544xi32, #tpu.memory_space<vmem>>, vector<16xi32>,
      %broadcast_in_dim3A_96 = arith.constant 0 : i32
      %broadcast_in_dim3A_97 = vector.broadcast %broadcast_in_dim3A_96 : i32 to vector<16xi32>
      %swap3A_98 = arith.constant 0 : index
      %swap3A_99 = tpu.vector_load %arg12[%swap3A_98] {strides = array<i32>} : memref<544xi32, #tpu.memory_space<vmem>>, vector<16xi32>,
      tpu.vector_store %arg12[%swap3A_98], %broadcast_in_dim3A_97 {strides = array<i32>} : memref<544xi32, #tpu.memory_space<vmem>>, vector<16xi32>,
      %swap3A_100 = arith.constant 16 : index
      %swap3A_101 = tpu.vector_load %arg12[%swap3A_100] {strides = array<i32>} : memref<544xi32, #tpu.memory_space<vmem>>, vector<16xi32>,
      tpu.vector_store %arg12[%swap3A_100], %broadcast_in_dim3A_97 {strides = array<i32>} : memref<544xi32, #tpu.memory_space<vmem>>, vector<16xi32>,
      %swap3A_102 = arith.constant 32 : index
      %swap3A_103 = tpu.vector_load %arg12[%swap3A_102] {strides = array<i32>} : memref<544xi32, #tpu.memory_space<vmem>>, vector<16xi32>,
      tpu.vector_store %arg12[%swap3A_102], %broadcast_in_dim3A_97 {strides = array<i32>} : memref<544xi32, #tpu.memory_space<vmem>>, vector<16xi32>,
      %swap3A_104 = arith.constant 48 : index
      %swap3A_105 = tpu.vector_load %arg12[%swap3A_104] {strides = array<i32>} : memref<544xi32, #tpu.memory_space<vmem>>, vector<16xi32>,
      tpu.vector_store %arg12[%swap3A_104], %broadcast_in_dim3A_97 {strides = array<i32>} : memref<544xi32, #tpu.memory_space<vmem>>, vector<16xi32>,
      %swap3A_106 = arith.constant 64 : index
      %swap3A_107 = tpu.vector_load %arg12[%swap3A_106] {strides = array<i32>} : memref<544xi32, #tpu.memory_space<vmem>>, vector<16xi32>,
      tpu.vector_store %arg12[%swap3A_106], %broadcast_in_dim3A_97 {strides = array<i32>} : memref<544xi32, #tpu.memory_space<vmem>>, vector<16xi32>,
      %swap3A_108 = arith.constant 80 : index
      %swap3A_109 = tpu.vector_load %arg12[%swap3A_108] {strides = array<i32>} : memref<544xi32, #tpu.memory_space<vmem>>, vector<16xi32>,
      tpu.vector_store %arg12[%swap3A_108], %broadcast_in_dim3A_97 {strides = array<i32>} : memref<544xi32, #tpu.memory_space<vmem>>, vector<16xi32>,
      %swap3A_110 = arith.constant 96 : index
      %swap3A_111 = tpu.vector_load %arg12[%swap3A_110] {strides = array<i32>} : memref<544xi32, #tpu.memory_space<vmem>>, vector<16xi32>,
      tpu.vector_store %arg12[%swap3A_110], %broadcast_in_dim3A_97 {strides = array<i32>} : memref<544xi32, #tpu.memory_space<vmem>>, vector<16xi32>,
      %swap3A_112 = arith.constant 112 : index
      %swap3A_113 = tpu.vector_load %arg12[%swap3A_112] {strides = array<i32>} : memref<544xi32, #tpu.memory_space<vmem>>, vector<16xi32>,
      tpu.vector_store %arg12[%swap3A_112], %broadcast_in_dim3A_97 {strides = array<i32>} : memref<544xi32, #tpu.memory_space<vmem>>, vector<16xi32>,
      %swap3A_114 = arith.constant 128 : index
      %swap3A_115 = tpu.vector_load %arg12[%swap3A_114] {strides = array<i32>} : memref<544xi32, #tpu.memory_space<vmem>>, vector<16xi32>,
      tpu.vector_store %arg12[%swap3A_114], %broadcast_in_dim3A_97 {strides = array<i32>} : memref<544xi32, #tpu.memory_space<vmem>>, vector<16xi32>,
      %swap3A_116 = arith.constant 144 : index
      %swap3A_117 = tpu.vector_load %arg12[%swap3A_116] {strides = array<i32>} : memref<544xi32, #tpu.memory_space<vmem>>, vector<16xi32>,
      tpu.vector_store %arg12[%swap3A_116], %broadcast_in_dim3A_97 {strides = array<i32>} : memref<544xi32, #tpu.memory_space<vmem>>, vector<16xi32>,
      %swap3A_118 = arith.constant 160 : index
      %swap3A_119 = tpu.vector_load %arg12[%swap3A_118] {strides = array<i32>} : memref<544xi32, #tpu.memory_space<vmem>>, vector<16xi32>,
      tpu.vector_store %arg12[%swap3A_118], %broadcast_in_dim3A_97 {strides = array<i32>} : memref<544xi32, #tpu.memory_space<vmem>>, vector<16xi32>,
      %swap3A_120 = arith.constant 176 : index
      %swap3A_121 = tpu.vector_load %arg12[%swap3A_120] {strides = array<i32>} : memref<544xi32, #tpu.memory_space<vmem>>, vector<16xi32>,
      tpu.vector_store %arg12[%swap3A_120], %broadcast_in_dim3A_97 {strides = array<i32>} : memref<544xi32, #tpu.memory_space<vmem>>, vector<16xi32>,
      %swap3A_122 = arith.constant 192 : index
      %swap3A_123 = tpu.vector_load %arg12[%swap3A_122] {strides = array<i32>} : memref<544xi32, #tpu.memory_space<vmem>>, vector<16xi32>,
      tpu.vector_store %arg12[%swap3A_122], %broadcast_in_dim3A_97 {strides = array<i32>} : memref<544xi32, #tpu.memory_space<vmem>>, vector<16xi32>,
      %swap3A_124 = arith.constant 208 : index
      %swap3A_125 = tpu.vector_load %arg12[%swap3A_124] {strides = array<i32>} : memref<544xi32, #tpu.memory_space<vmem>>, vector<16xi32>,
      tpu.vector_store %arg12[%swap3A_124], %broadcast_in_dim3A_97 {strides = array<i32>} : memref<544xi32, #tpu.memory_space<vmem>>, vector<16xi32>,
      %swap3A_126 = arith.constant 224 : index
      %swap3A_127 = tpu.vector_load %arg12[%swap3A_126] {strides = array<i32>} : memref<544xi32, #tpu.memory_space<vmem>>, vector<16xi32>,
      tpu.vector_store %arg12[%swap3A_126], %broadcast_in_dim3A_97 {strides = array<i32>} : memref<544xi32, #tpu.memory_space<vmem>>, vector<16xi32>,
      %swap3A_128 = arith.constant 240 : index
      %swap3A_129 = tpu.vector_load %arg12[%swap3A_128] {strides = array<i32>} : memref<544xi32, #tpu.memory_space<vmem>>, vector<16xi32>,
      tpu.vector_store %arg12[%swap3A_128], %broadcast_in_dim3A_97 {strides = array<i32>} : memref<544xi32, #tpu.memory_space<vmem>>, vector<16xi32>,
      %swap3A_130 = arith.constant 256 : index
      %swap3A_131 = tpu.vector_load %arg12[%swap3A_130] {strides = array<i32>} : memref<544xi32, #tpu.memory_space<vmem>>, vector<16xi32>,
      tpu.vector_store %arg12[%swap3A_130], %broadcast_in_dim3A_97 {strides = array<i32>} : memref<544xi32, #tpu.memory_space<vmem>>, vector<16xi32>,
      %swap3A_132 = arith.constant 272 : index
      %swap3A_133 = tpu.vector_load %arg12[%swap3A_132] {strides = array<i32>} : memref<544xi32, #tpu.memory_space<vmem>>, vector<16xi32>,
      tpu.vector_store %arg12[%swap3A_132], %broadcast_in_dim3A_97 {strides = array<i32>} : memref<544xi32, #tpu.memory_space<vmem>>, vector<16xi32>,
      %swap3A_134 = arith.constant 288 : index
      %swap3A_135 = tpu.vector_load %arg12[%swap3A_134] {strides = array<i32>} : memref<544xi32, #tpu.memory_space<vmem>>, vector<16xi32>,
      tpu.vector_store %arg12[%swap3A_134], %broadcast_in_dim3A_97 {strides = array<i32>} : memref<544xi32, #tpu.memory_space<vmem>>, vector<16xi32>,
      %swap3A_136 = arith.constant 304 : index
      %swap3A_137 = tpu.vector_load %arg12[%swap3A_136] {strides = array<i32>} : memref<544xi32, #tpu.memory_space<vmem>>, vector<16xi32>,
      tpu.vector_store %arg12[%swap3A_136], %broadcast_in_dim3A_97 {strides = array<i32>} : memref<544xi32, #tpu.memory_space<vmem>>, vector<16xi32>,
      %swap3A_138 = arith.constant 320 : index
      %swap3A_139 = tpu.vector_load %arg12[%swap3A_138] {strides = array<i32>} : memref<544xi32, #tpu.memory_space<vmem>>, vector<16xi32>,
      tpu.vector_store %arg12[%swap3A_138], %broadcast_in_dim3A_97 {strides = array<i32>} : memref<544xi32, #tpu.memory_space<vmem>>, vector<16xi32>,
      %swap3A_140 = arith.constant 336 : index
      %swap3A_141 = tpu.vector_load %arg12[%swap3A_140] {strides = array<i32>} : memref<544xi32, #tpu.memory_space<vmem>>, vector<16xi32>,
      tpu.vector_store %arg12[%swap3A_140], %broadcast_in_dim3A_97 {strides = array<i32>} : memref<544xi32, #tpu.memory_space<vmem>>, vector<16xi32>,
      %swap3A_142 = arith.constant 352 : index
      %swap3A_143 = tpu.vector_load %arg12[%swap3A_142] {strides = array<i32>} : memref<544xi32, #tpu.memory_space<vmem>>, vector<16xi32>,
      tpu.vector_store %arg12[%swap3A_142], %broadcast_in_dim3A_97 {strides = array<i32>} : memref<544xi32, #tpu.memory_space<vmem>>, vector<16xi32>,
      %swap3A_144 = arith.constant 368 : index
      %swap3A_145 = tpu.vector_load %arg12[%swap3A_144] {strides = array<i32>} : memref<544xi32, #tpu.memory_space<vmem>>, vector<16xi32>,
      tpu.vector_store %arg12[%swap3A_144], %broadcast_in_dim3A_97 {strides = array<i32>} : memref<544xi32, #tpu.memory_space<vmem>>, vector<16xi32>,
      %swap3A_146 = arith.constant 384 : index
      %swap3A_147 = tpu.vector_load %arg12[%swap3A_146] {strides = array<i32>} : memref<544xi32, #tpu.memory_space<vmem>>, vector<16xi32>,
      tpu.vector_store %arg12[%swap3A_146], %broadcast_in_dim3A_97 {strides = array<i32>} : memref<544xi32, #tpu.memory_space<vmem>>, vector<16xi32>,
      %swap3A_148 = arith.constant 400 : index
      %swap3A_149 = tpu.vector_load %arg12[%swap3A_148] {strides = array<i32>} : memref<544xi32, #tpu.memory_space<vmem>>, vector<16xi32>,
      tpu.vector_store %arg12[%swap3A_148], %broadcast_in_dim3A_97 {strides = array<i32>} : memref<544xi32, #tpu.memory_space<vmem>>, vector<16xi32>,
      %swap3A_150 = arith.constant 416 : index
      %swap3A_151 = tpu.vector_load %arg12[%swap3A_150] {strides = array<i32>} : memref<544xi32, #tpu.memory_space<vmem>>, vector<16xi32>,
      tpu.vector_store %arg12[%swap3A_150], %broadcast_in_dim3A_97 {strides = array<i32>} : memref<544xi32, #tpu.memory_space<vmem>>, vector<16xi32>,
      %swap3A_152 = arith.constant 432 : index
      %swap3A_153 = tpu.vector_load %arg12[%swap3A_152] {strides = array<i32>} : memref<544xi32, #tpu.memory_space<vmem>>, vector<16xi32>,
      tpu.vector_store %arg12[%swap3A_152], %broadcast_in_dim3A_97 {strides = array<i32>} : memref<544xi32, #tpu.memory_space<vmem>>, vector<16xi32>,
      %swap3A_154 = arith.constant 448 : index
      %swap3A_155 = tpu.vector_load %arg12[%swap3A_154] {strides = array<i32>} : memref<544xi32, #tpu.memory_space<vmem>>, vector<16xi32>,
      tpu.vector_store %arg12[%swap3A_154], %broadcast_in_dim3A_97 {strides = array<i32>} : memref<544xi32, #tpu.memory_space<vmem>>, vector<16xi32>,
      %swap3A_156 = arith.constant 464 : index
      %swap3A_157 = tpu.vector_load %arg12[%swap3A_156] {strides = array<i32>} : memref<544xi32, #tpu.memory_space<vmem>>, vector<16xi32>,
      tpu.vector_store %arg12[%swap3A_156], %broadcast_in_dim3A_97 {strides = array<i32>} : memref<544xi32, #tpu.memory_space<vmem>>, vector<16xi32>,
      %swap3A_158 = arith.constant 480 : index
      %swap3A_159 = tpu.vector_load %arg12[%swap3A_158] {strides = array<i32>} : memref<544xi32, #tpu.memory_space<vmem>>, vector<16xi32>,
      tpu.vector_store %arg12[%swap3A_158], %broadcast_in_dim3A_97 {strides = array<i32>} : memref<544xi32, #tpu.memory_space<vmem>>, vector<16xi32>,
      %swap3A_160 = arith.constant 496 : index
      %swap3A_161 = tpu.vector_load %arg12[%swap3A_160] {strides = array<i32>} : memref<544xi32, #tpu.memory_space<vmem>>, vector<16xi32>,
      tpu.vector_store %arg12[%swap3A_160], %broadcast_in_dim3A_97 {strides = array<i32>} : memref<544xi32, #tpu.memory_space<vmem>>, vector<16xi32>,
      %swap3A_162 = arith.constant 512 : index
      %swap3A_163 = tpu.vector_load %arg12[%swap3A_162] {strides = array<i32>} : memref<544xi32, #tpu.memory_space<vmem>>, vector<16xi32>,
      tpu.vector_store %arg12[%swap3A_162], %broadcast_in_dim3A_97 {strides = array<i32>} : memref<544xi32, #tpu.memory_space<vmem>>, vector<16xi32>,
      %swap3A_164 = arith.constant 528 : index
      %swap3A_165 = tpu.vector_load %arg12[%swap3A_164] {strides = array<i32>} : memref<544xi32, #tpu.memory_space<vmem>>, vector<16xi32>,
      tpu.vector_store %arg12[%swap3A_164], %broadcast_in_dim3A_97 {strides = array<i32>} : memref<544xi32, #tpu.memory_space<vmem>>, vector<16xi32>,
      %broadcast_in_dim3A_166 = arith.constant 1 : i32
      %broadcast_in_dim3A_167 = vector.broadcast %broadcast_in_dim3A_166 : i32 to vector<16xi32>
      %scan3A = arith.constant 0 : i32
      %scan3A_168 = arith.constant 0 : i32
      %scan3A_169 = arith.constant 1024 : i32
      %scan3A_170 = arith.addi %scan3A_168, %scan3A_169 : i32
      %scan3A_171 = arith.constant 1 : i32
      %scan3A_172 = scf.for %scan3A_211 = %scan3A_168 to %scan3A_170 step %scan3A_171 iter_args(%scan3A_212 = %scan3A) -> (i32)  : i32 {
        %mul3A_213 = arith.constant 16 : i32
        %mul3A_214 = arith.muli %scan3A_211, %mul3A_213 : i32
        %get3A = arith.index_cast %mul3A_214 : i32 to index
        %get3A_215 = tpu.vector_load %arg8[%get3A] {strides = array<i32>} : memref<16384xi32, #tpu.memory_space<vmem>>, vector<16xi32>,
        %shift_right_logical3A = arith.constant 7 : i32
        %shift_right_logical3A_216 = vector.broadcast %shift_right_logical3A : i32 to vector<16xi32>
        %shift_right_logical3A_217 = arith.shrui %get3A_215, %shift_right_logical3A_216 : vector<16xi32>
        %sub3A_218 = vector.broadcast %mul3A_27 : i32 to vector<16xi32>
        %sub3A_219 = arith.subi %shift_right_logical3A_217, %sub3A_218 : vector<16xi32>
        %ge3A = arith.constant 0 : i32
        %ge3A_220 = vector.broadcast %ge3A : i32 to vector<16xi32>
        %ge3A_221 = arith.cmpi sge, %sub3A_219, %ge3A_220 : vector<16xi32>
        %lt3A = arith.constant 489 : i32
        %lt3A_222 = vector.broadcast %lt3A : i32 to vector<16xi32>
        %lt3A_223 = arith.cmpi slt, %sub3A_219, %lt3A_222 : vector<16xi32>
        %and3A_224 = arith.andi %ge3A_221, %lt3A_223 : vector<16xi1>
        %shift_left3A = arith.constant 21 : i32
        %shift_left3A_225 = vector.broadcast %shift_left3A : i32 to vector<16xi32>
        %shift_left3A_226 = arith.shli %sub3A_219, %shift_left3A_225 : vector<16xi32>
        %and3A_227 = arith.constant 127 : i32
        %and3A_228 = vector.broadcast %and3A_227 : i32 to vector<16xi32>
        %and3A_229 = arith.andi %get3A_215, %and3A_228 : vector<16xi32>
        %shift_left3A_230 = arith.constant 14 : i32
        %shift_left3A_231 = vector.broadcast %shift_left3A_230 : i32 to vector<16xi32>
        %shift_left3A_232 = arith.shli %and3A_229, %shift_left3A_231 : vector<16xi32>
        %or3A = arith.ori %shift_left3A_226, %shift_left3A_232 : vector<16xi32>
        %mul3A_233 = arith.constant 16 : i32
        %mul3A_234 = arith.muli %scan3A_211, %mul3A_233 : i32
        %add3A_235 = vector.broadcast %mul3A_234 : i32 to vector<16xi32>
        %add3A_236 = arith.addi %iota3A, %add3A_235 : vector<16xi32>
        %or3A_237 = arith.ori %or3A, %add3A_236 : vector<16xi32>
        %swap3A_238 = arith.index_cast %scan3A_212 : i32 to index
        %swap3A_239 = tpu.vector_load %arg9[%swap3A_238] masked %and3A_224 {strides = array<i32>} : memref<16400xi32, #tpu.memory_space<vmem>>, vector<16xi32>, vector<16xi1>
        tpu.vector_store %arg9[%swap3A_238], %or3A_237 masked %and3A_224 {strides = array<i32>} : memref<16400xi32, #tpu.memory_space<vmem>>, vector<16xi32>, vector<16xi1>
        tpu.vector_store_idx %arg11[%sub3A_219], %broadcast_in_dim3A_167 masked %and3A_224 : memref<544xi32, #tpu.memory_space<vmem>>[vector<16xi32>], vector<16xi32>, vector<16xi1>
        tpu.vector_store_idx %arg12[%sub3A_219], %broadcast_in_dim3A_167 masked %and3A_224 {add = true} : memref<544xi32, #tpu.memory_space<vmem>>[vector<16xi32>], vector<16xi32>, vector<16xi1>
        %all_reduce_population_count3A = tpu.all_reduce %and3A_224 {dim = 0 : i64, kind = #tpu.reduction_kind<sum>} : vector<16xi1> -> vector<16xi32>
        %slice3A = vector.extract_strided_slice %all_reduce_population_count3A {offsets = [0], sizes = [1], strides = [1]} : vector<16xi32> to vector<1xi32>
        %squeeze3A = vector.extract %slice3A[0] : i32 from vector<1xi32>
        %add3A_240 = arith.addi %scan3A_212, %squeeze3A : i32
        scf.yield %add3A_240 : i32
      }
      %scan3A_173 = arith.constant 1024 : i32
      %scan3A_174 = arith.constant 0 : i32
      %scan3A_175 = arith.constant 0 : i32
      %scan3A_176 = arith.constant 34 : i32
      %scan3A_177 = arith.addi %scan3A_175, %scan3A_176 : i32
      %scan3A_178 = arith.constant 1 : i32
      %scan3A_179 = scf.for %scan3A_211 = %scan3A_175 to %scan3A_177 step %scan3A_178 iter_args(%scan3A_212 = %scan3A_174) -> (i32)  : i32 {
        %mul3A_213 = arith.constant 16 : i32
        %mul3A_214 = arith.muli %scan3A_211, %mul3A_213 : i32
        %get3A = arith.index_cast %mul3A_214 : i32 to index
        %get3A_215 = tpu.vector_load %arg12[%get3A] {strides = array<i32>} : memref<544xi32, #tpu.memory_space<vmem>>, vector<16xi32>,
        %broadcast_in_dim3A_216 = arith.constant true
        %broadcast_in_dim3A_217 = vector.broadcast %broadcast_in_dim3A_216 : i1 to vector<16xi1>
        %masked_cumsum3A = tpu.scan <sum>, %get3A_215 masked %broadcast_in_dim3A_217 : vector<16xi32>, vector<16xi1> -> vector<16xi32>
        %sub3A_218 = arith.subi %masked_cumsum3A, %get3A_215 : vector<16xi32>
        %add3A_219 = vector.broadcast %scan3A_212 : i32 to vector<16xi32>
        %add3A_220 = arith.addi %sub3A_218, %add3A_219 : vector<16xi32>
        %mul3A_221 = arith.constant 16 : i32
        %mul3A_222 = arith.muli %scan3A_211, %mul3A_221 : i32
        %swap3A_223 = arith.index_cast %mul3A_222 : i32 to index
        %swap3A_224 = tpu.vector_load %arg13[%swap3A_223] {strides = array<i32>} : memref<544xi32, #tpu.memory_space<vmem>>, vector<16xi32>,
        tpu.vector_store %arg13[%swap3A_223], %add3A_220 {strides = array<i32>} : memref<544xi32, #tpu.memory_space<vmem>>, vector<16xi32>,
        %sub3A_225 = arith.subi %masked_cumsum3A, %get3A_215 : vector<16xi32>
        %add3A_226 = vector.broadcast %scan3A_212 : i32 to vector<16xi32>
        %add3A_227 = arith.addi %sub3A_225, %add3A_226 : vector<16xi32>
        %mul3A_228 = arith.constant 16 : i32
        %mul3A_229 = arith.muli %scan3A_211, %mul3A_228 : i32
        %swap3A_230 = arith.index_cast %mul3A_229 : i32 to index
        %swap3A_231 = tpu.vector_load %arg14[%swap3A_230] {strides = array<i32>} : memref<544xi32, #tpu.memory_space<vmem>>, vector<16xi32>,
        tpu.vector_store %arg14[%swap3A_230], %add3A_227 {strides = array<i32>} : memref<544xi32, #tpu.memory_space<vmem>>, vector<16xi32>,
        %slice3A = vector.extract_strided_slice %masked_cumsum3A {offsets = [15], sizes = [1], strides = [1]} : vector<16xi32> to vector<1xi32>
        %squeeze3A = vector.extract %slice3A[0] : i32 from vector<1xi32>
        %add3A_232 = arith.addi %scan3A_212, %squeeze3A : i32
        scf.yield %add3A_232 : i32
      }
      %scan3A_180 = arith.constant 34 : i32
      %while3A = arith.constant 0 : i32
      %while3A_181 = arith.constant 0 : i32
      %while3A_182 = arith.subi %scan3A_172, %while3A_181 : i32
      %while3A_183 = arith.addi %while3A_181, %while3A_182 : i32
      %while3A_184 = arith.constant 1 : i32
      %while3A_185 = arith.divsi %while3A_182, %while3A_184 : i32
      %while3A_186 = arith.muli %while3A_185, %while3A_184 : i32
      %while3A_187 = arith.addi %while3A_181, %while3A_186 : i32
      %while3A_188 = arith.constant 1 : i32
      scf.for %while3A_211 = %while3A_181 to %while3A_187 step %while3A_188  : i32 {
        %get3A = arith.index_cast %while3A_211 : i32 to index
        %get3A_212 = tpu.vector_load %arg9[%get3A] {strides = array<i32>} : memref<16400xi32, #tpu.memory_space<vmem>>, vector<16xi32>,
        %slice3A = vector.extract_strided_slice %get3A_212 {offsets = [0], sizes = [1], strides = [1]} : vector<16xi32> to vector<1xi32>
        %squeeze3A = vector.extract %slice3A[0] : i32 from vector<1xi32>
        %shift_right_logical3A = arith.constant 21 : i32
        %shift_right_logical3A_213 = arith.shrui %squeeze3A, %shift_right_logical3A : i32
        %get3A_214 = arith.index_cast %shift_right_logical3A_213 : i32 to index
        %get3A_215 = tpu.vector_load %arg14[%get3A_214] {strides = array<i32>} : memref<544xi32, #tpu.memory_space<vmem>>, vector<16xi32>,
        %slice3A_216 = vector.extract_strided_slice %get3A_215 {offsets = [0], sizes = [1], strides = [1]} : vector<16xi32> to vector<1xi32>
        %squeeze3A_217 = vector.extract %slice3A_216[0] : i32 from vector<1xi32>
        %eq3A_218 = arith.constant 0 : i32
        %eq3A_219 = vector.broadcast %eq3A_218 : i32 to vector<16xi32>
        %eq3A_220 = arith.cmpi eq, %iota3A, %eq3A_219 : vector<16xi32>
        %broadcast_in_dim3A_221 = vector.broadcast %squeeze3A_217 : i32 to vector<16xi32>
        %broadcast_in_dim3A_222 = vector.broadcast %squeeze3A : i32 to vector<16xi32>
        tpu.vector_store_idx %arg10[%broadcast_in_dim3A_221], %broadcast_in_dim3A_222 masked %eq3A_220 : memref<16400xi32, #tpu.memory_space<vmem>>[vector<16xi32>], vector<16xi32>, vector<16xi1>
        %broadcast_in_dim3A_223 = vector.broadcast %shift_right_logical3A_213 : i32 to vector<16xi32>
        %add3A_224 = arith.constant 1 : i32
        %add3A_225 = arith.addi %squeeze3A_217, %add3A_224 : i32
        %broadcast_in_dim3A_226 = vector.broadcast %add3A_225 : i32 to vector<16xi32>
        tpu.vector_store_idx %arg14[%broadcast_in_dim3A_223], %broadcast_in_dim3A_226 masked %eq3A_220 : memref<544xi32, #tpu.memory_space<vmem>>[vector<16xi32>], vector<16xi32>, vector<16xi1>
      }
      %while3A_189 = arith.constant 1 : i32
      scf.for %while3A_211 = %while3A_187 to %while3A_183 step %while3A_189  : i32 {
        %get3A = arith.index_cast %while3A_211 : i32 to index
        %get3A_212 = tpu.vector_load %arg9[%get3A] {strides = array<i32>} : memref<16400xi32, #tpu.memory_space<vmem>>, vector<16xi32>,
        %slice3A = vector.extract_strided_slice %get3A_212 {offsets = [0], sizes = [1], strides = [1]} : vector<16xi32> to vector<1xi32>
        %squeeze3A = vector.extract %slice3A[0] : i32 from vector<1xi32>
        %shift_right_logical3A = arith.constant 21 : i32
        %shift_right_logical3A_213 = arith.shrui %squeeze3A, %shift_right_logical3A : i32
        %get3A_214 = arith.index_cast %shift_right_logical3A_213 : i32 to index
        %get3A_215 = tpu.vector_load %arg14[%get3A_214] {strides = array<i32>} : memref<544xi32, #tpu.memory_space<vmem>>, vector<16xi32>,
        %slice3A_216 = vector.extract_strided_slice %get3A_215 {offsets = [0], sizes = [1], strides = [1]} : vector<16xi32> to vector<1xi32>
        %squeeze3A_217 = vector.extract %slice3A_216[0] : i32 from vector<1xi32>
        %eq3A_218 = arith.constant 0 : i32
        %eq3A_219 = vector.broadcast %eq3A_218 : i32 to vector<16xi32>
        %eq3A_220 = arith.cmpi eq, %iota3A, %eq3A_219 : vector<16xi32>
        %broadcast_in_dim3A_221 = vector.broadcast %squeeze3A_217 : i32 to vector<16xi32>
        %broadcast_in_dim3A_222 = vector.broadcast %squeeze3A : i32 to vector<16xi32>
        tpu.vector_store_idx %arg10[%broadcast_in_dim3A_221], %broadcast_in_dim3A_222 masked %eq3A_220 : memref<16400xi32, #tpu.memory_space<vmem>>[vector<16xi32>], vector<16xi32>, vector<16xi1>
        %broadcast_in_dim3A_223 = vector.broadcast %shift_right_logical3A_213 : i32 to vector<16xi32>
        %add3A_224 = arith.constant 1 : i32
        %add3A_225 = arith.addi %squeeze3A_217, %add3A_224 : i32
        %broadcast_in_dim3A_226 = vector.broadcast %add3A_225 : i32 to vector<16xi32>
        tpu.vector_store_idx %arg14[%broadcast_in_dim3A_223], %broadcast_in_dim3A_226 masked %eq3A_220 : memref<544xi32, #tpu.memory_space<vmem>>[vector<16xi32>], vector<16xi32>, vector<16xi1>
      }
      %scan3A_190 = arith.constant 0 : i32
      %scan3A_191 = arith.constant 0 : i32
      %scan3A_192 = arith.constant 34 : i32
      %scan3A_193 = arith.addi %scan3A_191, %scan3A_192 : i32
      %scan3A_194 = arith.constant 1 : i32
      %scan3A_195 = scf.for %scan3A_211 = %scan3A_191 to %scan3A_193 step %scan3A_194 iter_args(%scan3A_212 = %scan3A_190) -> (i32)  : i32 {
        %mul3A_213 = arith.constant 16 : i32
        %mul3A_214 = arith.muli %scan3A_211, %mul3A_213 : i32
        %get3A = arith.index_cast %mul3A_214 : i32 to index
        %get3A_215 = tpu.vector_load %arg11[%get3A] {strides = array<i32>} : memref<544xi32, #tpu.memory_space<vmem>>, vector<16xi32>,
        %gt3A_216 = arith.constant 0 : i32
        %gt3A_217 = vector.broadcast %gt3A_216 : i32 to vector<16xi32>
        %gt3A_218 = arith.cmpi sgt, %get3A_215, %gt3A_217 : vector<16xi32>
        %mul3A_219 = arith.constant 16 : i32
        %mul3A_220 = arith.muli %scan3A_211, %mul3A_219 : i32
        %add3A_221 = vector.broadcast %mul3A_220 : i32 to vector<16xi32>
        %add3A_222 = arith.addi %iota3A, %add3A_221 : vector<16xi32>
        %swap3A_223 = arith.index_cast %scan3A_212 : i32 to index
        %swap3A_224 = tpu.vector_load %arg15[%swap3A_223] masked %gt3A_218 {strides = array<i32>} : memref<544xi32, #tpu.memory_space<vmem>>, vector<16xi32>, vector<16xi1>
        tpu.vector_store %arg15[%swap3A_223], %add3A_222 masked %gt3A_218 {strides = array<i32>} : memref<544xi32, #tpu.memory_space<vmem>>, vector<16xi32>, vector<16xi1>
        %all_reduce_population_count3A = tpu.all_reduce %gt3A_218 {dim = 0 : i64, kind = #tpu.reduction_kind<sum>} : vector<16xi1> -> vector<16xi32>
        %slice3A = vector.extract_strided_slice %all_reduce_population_count3A {offsets = [0], sizes = [1], strides = [1]} : vector<16xi32> to vector<1xi32>
        %squeeze3A = vector.extract %slice3A[0] : i32 from vector<1xi32>
        %add3A_225 = arith.addi %scan3A_212, %squeeze3A : i32
        scf.yield %add3A_225 : i32
      }
      %scan3A_196 = arith.constant 34 : i32
      %broadcast_in_dim3A_197 = arith.constant -1 : i32
      %broadcast_in_dim3A_198 = vector.broadcast %broadcast_in_dim3A_197 : i32 to vector<16xi32>
      %swap3A_199 = arith.constant 0 : i32
      %swap3A_200 = arith.index_cast %swap3A_199 : i32 to index
      %swap3A_201 = arith.constant 0 : index
      %swap3A_202 = tpu.vector_load %arg18[%swap3A_200, %swap3A_201] {strides = array<i32>} : memref<2x16xi32, #tpu.memory_space<vmem>>, vector<16xi32>,
      tpu.vector_store %arg18[%swap3A_200, %swap3A_201], %broadcast_in_dim3A_198 {strides = array<i32>} : memref<2x16xi32, #tpu.memory_space<vmem>>, vector<16xi32>,
      %swap3A_203 = arith.constant 1 : i32
      %swap3A_204 = arith.index_cast %swap3A_203 : i32 to index
      %swap3A_205 = arith.constant 0 : index
      %swap3A_206 = tpu.vector_load %arg18[%swap3A_204, %swap3A_205] {strides = array<i32>} : memref<2x16xi32, #tpu.memory_space<vmem>>, vector<16xi32>,
      tpu.vector_store %arg18[%swap3A_204, %swap3A_205], %broadcast_in_dim3A_198 {strides = array<i32>} : memref<2x16xi32, #tpu.memory_space<vmem>>, vector<16xi32>,
      %gt3A = arith.constant 0 : i32
      %gt3A_207 = arith.cmpi sgt, %scan3A_195, %gt3A : i32
      %convert_element_type3A_208 = arith.extui %gt3A_207 : i1 to i32
      %cond3A_209 = arith.constant 0 : i32
      %cond3A_210 = arith.cmpi ne, %convert_element_type3A_208, %cond3A_209 : i32
      scf.if %cond3A_210 {
        %sub3A_211 = arith.constant 1 : i32
        %sub3A_212 = arith.subi %scan3A_195, %sub3A_211 : i32
        %min3A = arith.constant 0 : i32
        %min3A_213 = arith.minsi %min3A, %sub3A_212 : i32
        %get3A = arith.index_cast %min3A_213 : i32 to index
        %get3A_214 = tpu.vector_load %arg15[%get3A] {strides = array<i32>} : memref<544xi32, #tpu.memory_space<vmem>>, vector<16xi32>,
        %slice3A = vector.extract_strided_slice %get3A_214 {offsets = [0], sizes = [1], strides = [1]} : vector<16xi32> to vector<1xi32>
        %squeeze3A = vector.extract %slice3A[0] : i32 from vector<1xi32>
        %add3A_215 = arith.addi %mul3A_27, %squeeze3A : i32
        %mul3A_216 = arith.constant 128 : i32
        %mul3A_217 = arith.muli %add3A_215, %mul3A_216 : i32
        %rem3A_218 = arith.constant 9 : i32
        %rem3A_219 = arith.remsi %min3A_213, %rem3A_218 : i32
        %dma_start3A = arith.constant 0 : i32
        %dma_start3A_220 = arith.constant 0 : i32
        %dma_start3A_221 = tpu.memref_slice %arg16[%rem3A_219, %dma_start3A, %dma_start3A_220] : memref<9x64x128xf32, #tpu.memory_space<vmem>> -> memref<1x64x128xf32, #tpu.memory_space<vmem>>
        %dma_start3A_222 = tpu.memref_squeeze %dma_start3A_221 : memref<1x64x128xf32, #tpu.memory_space<vmem>> -> memref<64x128xf32, #tpu.memory_space<vmem>>
        %dma_start3A_223 = arith.constant 0 : i32
        %dma_start3A_224 = tpu.memref_slice %arg3[%dma_start3A_223, %mul3A_217] : memref<64x1000000xf32, #tpu.memory_space<hbm>> -> memref<64x128xf32, #tpu.memory_space<hbm>>
        %dma_start3A_225 = arith.constant 0 : i32
        %dma_start3A_226 = arith.constant 0 : i32
        %dma_start3A_227 = tpu.memref_slice %arg16[%rem3A_219, %dma_start3A_225, %dma_start3A_226] : memref<9x64x128xf32, #tpu.memory_space<vmem>> -> memref<1x64x128xf32, #tpu.memory_space<vmem>>
        %dma_start3A_228 = tpu.memref_squeeze %dma_start3A_227 : memref<1x64x128xf32, #tpu.memory_space<vmem>> -> memref<64x128xf32, #tpu.memory_space<vmem>>
        %dma_start3A_229 = arith.constant 0 : i32
        %dma_start3A_230 = tpu.memref_slice %arg3[%dma_start3A_229, %mul3A_217] : memref<64x1000000xf32, #tpu.memory_space<hbm>> -> memref<64x128xf32, #tpu.memory_space<hbm>>
        tpu.enqueue_dma source(%dma_start3A_230 : memref<64x128xf32, #tpu.memory_space<hbm>>) target(%dma_start3A_228 : memref<64x128xf32, #tpu.memory_space<vmem>>) target_semaphore(%arg19 : memref<!tpu.dma_semaphore, #tpu.memory_space<semaphore_mem>>)
        %sub3A_231 = arith.constant 1 : i32
        %sub3A_232 = arith.subi %scan3A_195, %sub3A_231 : i32
        %min3A_233 = arith.constant 1 : i32
        %min3A_234 = arith.minsi %min3A_233, %sub3A_232 : i32
        %get3A_235 = arith.index_cast %min3A_234 : i32 to index
        %get3A_236 = tpu.vector_load %arg15[%get3A_235] {strides = array<i32>} : memref<544xi32, #tpu.memory_space<vmem>>, vector<16xi32>,
        %slice3A_237 = vector.extract_strided_slice %get3A_236 {offsets = [0], sizes = [1], strides = [1]} : vector<16xi32> to vector<1xi32>
        %squeeze3A_238 = vector.extract %slice3A_237[0] : i32 from vector<1xi32>
        %add3A_239 = arith.addi %mul3A_27, %squeeze3A_238 : i32
        %mul3A_240 = arith.constant 128 : i32
        %mul3A_241 = arith.muli %add3A_239, %mul3A_240 : i32
        %rem3A_242 = arith.constant 9 : i32
        %rem3A_243 = arith.remsi %min3A_234, %rem3A_242 : i32
        %dma_start3A_244 = arith.constant 0 : i32
        %dma_start3A_245 = arith.constant 0 : i32
        %dma_start3A_246 = tpu.memref_slice %arg16[%rem3A_243, %dma_start3A_244, %dma_start3A_245] : memref<9x64x128xf32, #tpu.memory_space<vmem>> -> memref<1x64x128xf32, #tpu.memory_space<vmem>>
        %dma_start3A_247 = tpu.memref_squeeze %dma_start3A_246 : memref<1x64x128xf32, #tpu.memory_space<vmem>> -> memref<64x128xf32, #tpu.memory_space<vmem>>
        %dma_start3A_248 = arith.constant 0 : i32
        %dma_start3A_249 = tpu.memref_slice %arg3[%dma_start3A_248, %mul3A_241] : memref<64x1000000xf32, #tpu.memory_space<hbm>> -> memref<64x128xf32, #tpu.memory_space<hbm>>
        %dma_start3A_250 = arith.constant 0 : i32
        %dma_start3A_251 = arith.constant 0 : i32
        %dma_start3A_252 = tpu.memref_slice %arg16[%rem3A_243, %dma_start3A_250, %dma_start3A_251] : memref<9x64x128xf32, #tpu.memory_space<vmem>> -> memref<1x64x128xf32, #tpu.memory_space<vmem>>
        %dma_start3A_253 = tpu.memref_squeeze %dma_start3A_252 : memref<1x64x128xf32, #tpu.memory_space<vmem>> -> memref<64x128xf32, #tpu.memory_space<vmem>>
        %dma_start3A_254 = arith.constant 0 : i32
        %dma_start3A_255 = tpu.memref_slice %arg3[%dma_start3A_254, %mul3A_241] : memref<64x1000000xf32, #tpu.memory_space<hbm>> -> memref<64x128xf32, #tpu.memory_space<hbm>>
        tpu.enqueue_dma source(%dma_start3A_255 : memref<64x128xf32, #tpu.memory_space<hbm>>) target(%dma_start3A_253 : memref<64x128xf32, #tpu.memory_space<vmem>>) target_semaphore(%arg19 : memref<!tpu.dma_semaphore, #tpu.memory_space<semaphore_mem>>)
        %sub3A_256 = arith.constant 1 : i32
        %sub3A_257 = arith.subi %scan3A_195, %sub3A_256 : i32
        %min3A_258 = arith.constant 2 : i32
        %min3A_259 = arith.minsi %min3A_258, %sub3A_257 : i32
        %get3A_260 = arith.index_cast %min3A_259 : i32 to index
        %get3A_261 = tpu.vector_load %arg15[%get3A_260] {strides = array<i32>} : memref<544xi32, #tpu.memory_space<vmem>>, vector<16xi32>,
        %slice3A_262 = vector.extract_strided_slice %get3A_261 {offsets = [0], sizes = [1], strides = [1]} : vector<16xi32> to vector<1xi32>
        %squeeze3A_263 = vector.extract %slice3A_262[0] : i32 from vector<1xi32>
        %add3A_264 = arith.addi %mul3A_27, %squeeze3A_263 : i32
        %mul3A_265 = arith.constant 128 : i32
        %mul3A_266 = arith.muli %add3A_264, %mul3A_265 : i32
        %rem3A_267 = arith.constant 9 : i32
        %rem3A_268 = arith.remsi %min3A_259, %rem3A_267 : i32
        %dma_start3A_269 = arith.constant 0 : i32
        %dma_start3A_270 = arith.constant 0 : i32
        %dma_start3A_271 = tpu.memref_slice %arg16[%rem3A_268, %dma_start3A_269, %dma_start3A_270] : memref<9x64x128xf32, #tpu.memory_space<vmem>> -> memref<1x64x128xf32, #tpu.memory_space<vmem>>
        %dma_start3A_272 = tpu.memref_squeeze %dma_start3A_271 : memref<1x64x128xf32, #tpu.memory_space<vmem>> -> memref<64x128xf32, #tpu.memory_space<vmem>>
        %dma_start3A_273 = arith.constant 0 : i32
        %dma_start3A_274 = tpu.memref_slice %arg3[%dma_start3A_273, %mul3A_266] : memref<64x1000000xf32, #tpu.memory_space<hbm>> -> memref<64x128xf32, #tpu.memory_space<hbm>>
        %dma_start3A_275 = arith.constant 0 : i32
        %dma_start3A_276 = arith.constant 0 : i32
        %dma_start3A_277 = tpu.memref_slice %arg16[%rem3A_268, %dma_start3A_275, %dma_start3A_276] : memref<9x64x128xf32, #tpu.memory_space<vmem>> -> memref<1x64x128xf32, #tpu.memory_space<vmem>>
        %dma_start3A_278 = tpu.memref_squeeze %dma_start3A_277 : memref<1x64x128xf32, #tpu.memory_space<vmem>> -> memref<64x128xf32, #tpu.memory_space<vmem>>
        %dma_start3A_279 = arith.constant 0 : i32
        %dma_start3A_280 = tpu.memref_slice %arg3[%dma_start3A_279, %mul3A_266] : memref<64x1000000xf32, #tpu.memory_space<hbm>> -> memref<64x128xf32, #tpu.memory_space<hbm>>
        tpu.enqueue_dma source(%dma_start3A_280 : memref<64x128xf32, #tpu.memory_space<hbm>>) target(%dma_start3A_278 : memref<64x128xf32, #tpu.memory_space<vmem>>) target_semaphore(%arg19 : memref<!tpu.dma_semaphore, #tpu.memory_space<semaphore_mem>>)
        %sub3A_281 = arith.constant 1 : i32
        %sub3A_282 = arith.subi %scan3A_195, %sub3A_281 : i32
        %min3A_283 = arith.constant 3 : i32
        %min3A_284 = arith.minsi %min3A_283, %sub3A_282 : i32
        %get3A_285 = arith.index_cast %min3A_284 : i32 to index
        %get3A_286 = tpu.vector_load %arg15[%get3A_285] {strides = array<i32>} : memref<544xi32, #tpu.memory_space<vmem>>, vector<16xi32>,
        %slice3A_287 = vector.extract_strided_slice %get3A_286 {offsets = [0], sizes = [1], strides = [1]} : vector<16xi32> to vector<1xi32>
        %squeeze3A_288 = vector.extract %slice3A_287[0] : i32 from vector<1xi32>
        %add3A_289 = arith.addi %mul3A_27, %squeeze3A_288 : i32
        %mul3A_290 = arith.constant 128 : i32
        %mul3A_291 = arith.muli %add3A_289, %mul3A_290 : i32
        %rem3A_292 = arith.constant 9 : i32
        %rem3A_293 = arith.remsi %min3A_284, %rem3A_292 : i32
        %dma_start3A_294 = arith.constant 0 : i32
        %dma_start3A_295 = arith.constant 0 : i32
        %dma_start3A_296 = tpu.memref_slice %arg16[%rem3A_293, %dma_start3A_294, %dma_start3A_295] : memref<9x64x128xf32, #tpu.memory_space<vmem>> -> memref<1x64x128xf32, #tpu.memory_space<vmem>>
        %dma_start3A_297 = tpu.memref_squeeze %dma_start3A_296 : memref<1x64x128xf32, #tpu.memory_space<vmem>> -> memref<64x128xf32, #tpu.memory_space<vmem>>
        %dma_start3A_298 = arith.constant 0 : i32
        %dma_start3A_299 = tpu.memref_slice %arg3[%dma_start3A_298, %mul3A_291] : memref<64x1000000xf32, #tpu.memory_space<hbm>> -> memref<64x128xf32, #tpu.memory_space<hbm>>
        %dma_start3A_300 = arith.constant 0 : i32
        %dma_start3A_301 = arith.constant 0 : i32
        %dma_start3A_302 = tpu.memref_slice %arg16[%rem3A_293, %dma_start3A_300, %dma_start3A_301] : memref<9x64x128xf32, #tpu.memory_space<vmem>> -> memref<1x64x128xf32, #tpu.memory_space<vmem>>
        %dma_start3A_303 = tpu.memref_squeeze %dma_start3A_302 : memref<1x64x128xf32, #tpu.memory_space<vmem>> -> memref<64x128xf32, #tpu.memory_space<vmem>>
        %dma_start3A_304 = arith.constant 0 : i32
        %dma_start3A_305 = tpu.memref_slice %arg3[%dma_start3A_304, %mul3A_291] : memref<64x1000000xf32, #tpu.memory_space<hbm>> -> memref<64x128xf32, #tpu.memory_space<hbm>>
        tpu.enqueue_dma source(%dma_start3A_305 : memref<64x128xf32, #tpu.memory_space<hbm>>) target(%dma_start3A_303 : memref<64x128xf32, #tpu.memory_space<vmem>>) target_semaphore(%arg19 : memref<!tpu.dma_semaphore, #tpu.memory_space<semaphore_mem>>)
        %sub3A_306 = arith.constant 1 : i32
        %sub3A_307 = arith.subi %scan3A_195, %sub3A_306 : i32
        %min3A_308 = arith.constant 4 : i32
        %min3A_309 = arith.minsi %min3A_308, %sub3A_307 : i32
        %get3A_310 = arith.index_cast %min3A_309 : i32 to index
        %get3A_311 = tpu.vector_load %arg15[%get3A_310] {strides = array<i32>} : memref<544xi32, #tpu.memory_space<vmem>>, vector<16xi32>,
        %slice3A_312 = vector.extract_strided_slice %get3A_311 {offsets = [0], sizes = [1], strides = [1]} : vector<16xi32> to vector<1xi32>
        %squeeze3A_313 = vector.extract %slice3A_312[0] : i32 from vector<1xi32>
        %add3A_314 = arith.addi %mul3A_27, %squeeze3A_313 : i32
        %mul3A_315 = arith.constant 128 : i32
        %mul3A_316 = arith.muli %add3A_314, %mul3A_315 : i32
        %rem3A_317 = arith.constant 9 : i32
        %rem3A_318 = arith.remsi %min3A_309, %rem3A_317 : i32
        %dma_start3A_319 = arith.constant 0 : i32
        %dma_start3A_320 = arith.constant 0 : i32
        %dma_start3A_321 = tpu.memref_slice %arg16[%rem3A_318, %dma_start3A_319, %dma_start3A_320] : memref<9x64x128xf32, #tpu.memory_space<vmem>> -> memref<1x64x128xf32, #tpu.memory_space<vmem>>
        %dma_start3A_322 = tpu.memref_squeeze %dma_start3A_321 : memref<1x64x128xf32, #tpu.memory_space<vmem>> -> memref<64x128xf32, #tpu.memory_space<vmem>>
        %dma_start3A_323 = arith.constant 0 : i32
        %dma_start3A_324 = tpu.memref_slice %arg3[%dma_start3A_323, %mul3A_316] : memref<64x1000000xf32, #tpu.memory_space<hbm>> -> memref<64x128xf32, #tpu.memory_space<hbm>>
        %dma_start3A_325 = arith.constant 0 : i32
        %dma_start3A_326 = arith.constant 0 : i32
        %dma_start3A_327 = tpu.memref_slice %arg16[%rem3A_318, %dma_start3A_325, %dma_start3A_326] : memref<9x64x128xf32, #tpu.memory_space<vmem>> -> memref<1x64x128xf32, #tpu.memory_space<vmem>>
        %dma_start3A_328 = tpu.memref_squeeze %dma_start3A_327 : memref<1x64x128xf32, #tpu.memory_space<vmem>> -> memref<64x128xf32, #tpu.memory_space<vmem>>
        %dma_start3A_329 = arith.constant 0 : i32
        %dma_start3A_330 = tpu.memref_slice %arg3[%dma_start3A_329, %mul3A_316] : memref<64x1000000xf32, #tpu.memory_space<hbm>> -> memref<64x128xf32, #tpu.memory_space<hbm>>
        tpu.enqueue_dma source(%dma_start3A_330 : memref<64x128xf32, #tpu.memory_space<hbm>>) target(%dma_start3A_328 : memref<64x128xf32, #tpu.memory_space<vmem>>) target_semaphore(%arg19 : memref<!tpu.dma_semaphore, #tpu.memory_space<semaphore_mem>>)
        %sub3A_331 = arith.constant 1 : i32
        %sub3A_332 = arith.subi %scan3A_195, %sub3A_331 : i32
        %min3A_333 = arith.constant 5 : i32
        %min3A_334 = arith.minsi %min3A_333, %sub3A_332 : i32
        %get3A_335 = arith.index_cast %min3A_334 : i32 to index
        %get3A_336 = tpu.vector_load %arg15[%get3A_335] {strides = array<i32>} : memref<544xi32, #tpu.memory_space<vmem>>, vector<16xi32>,
        %slice3A_337 = vector.extract_strided_slice %get3A_336 {offsets = [0], sizes = [1], strides = [1]} : vector<16xi32> to vector<1xi32>
        %squeeze3A_338 = vector.extract %slice3A_337[0] : i32 from vector<1xi32>
        %add3A_339 = arith.addi %mul3A_27, %squeeze3A_338 : i32
        %mul3A_340 = arith.constant 128 : i32
        %mul3A_341 = arith.muli %add3A_339, %mul3A_340 : i32
        %rem3A_342 = arith.constant 9 : i32
        %rem3A_343 = arith.remsi %min3A_334, %rem3A_342 : i32
        %dma_start3A_344 = arith.constant 0 : i32
        %dma_start3A_345 = arith.constant 0 : i32
        %dma_start3A_346 = tpu.memref_slice %arg16[%rem3A_343, %dma_start3A_344, %dma_start3A_345] : memref<9x64x128xf32, #tpu.memory_space<vmem>> -> memref<1x64x128xf32, #tpu.memory_space<vmem>>
        %dma_start3A_347 = tpu.memref_squeeze %dma_start3A_346 : memref<1x64x128xf32, #tpu.memory_space<vmem>> -> memref<64x128xf32, #tpu.memory_space<vmem>>
        %dma_start3A_348 = arith.constant 0 : i32
        %dma_start3A_349 = tpu.memref_slice %arg3[%dma_start3A_348, %mul3A_341] : memref<64x1000000xf32, #tpu.memory_space<hbm>> -> memref<64x128xf32, #tpu.memory_space<hbm>>
        %dma_start3A_350 = arith.constant 0 : i32
        %dma_start3A_351 = arith.constant 0 : i32
        %dma_start3A_352 = tpu.memref_slice %arg16[%rem3A_343, %dma_start3A_350, %dma_start3A_351] : memref<9x64x128xf32, #tpu.memory_space<vmem>> -> memref<1x64x128xf32, #tpu.memory_space<vmem>>
        %dma_start3A_353 = tpu.memref_squeeze %dma_start3A_352 : memref<1x64x128xf32, #tpu.memory_space<vmem>> -> memref<64x128xf32, #tpu.memory_space<vmem>>
        %dma_start3A_354 = arith.constant 0 : i32
        %dma_start3A_355 = tpu.memref_slice %arg3[%dma_start3A_354, %mul3A_341] : memref<64x1000000xf32, #tpu.memory_space<hbm>> -> memref<64x128xf32, #tpu.memory_space<hbm>>
        tpu.enqueue_dma source(%dma_start3A_355 : memref<64x128xf32, #tpu.memory_space<hbm>>) target(%dma_start3A_353 : memref<64x128xf32, #tpu.memory_space<vmem>>) target_semaphore(%arg19 : memref<!tpu.dma_semaphore, #tpu.memory_space<semaphore_mem>>)
        %sub3A_356 = arith.constant 1 : i32
        %sub3A_357 = arith.subi %scan3A_195, %sub3A_356 : i32
        %min3A_358 = arith.constant 6 : i32
        %min3A_359 = arith.minsi %min3A_358, %sub3A_357 : i32
        %get3A_360 = arith.index_cast %min3A_359 : i32 to index
        %get3A_361 = tpu.vector_load %arg15[%get3A_360] {strides = array<i32>} : memref<544xi32, #tpu.memory_space<vmem>>, vector<16xi32>,
        %slice3A_362 = vector.extract_strided_slice %get3A_361 {offsets = [0], sizes = [1], strides = [1]} : vector<16xi32> to vector<1xi32>
        %squeeze3A_363 = vector.extract %slice3A_362[0] : i32 from vector<1xi32>
        %add3A_364 = arith.addi %mul3A_27, %squeeze3A_363 : i32
        %mul3A_365 = arith.constant 128 : i32
        %mul3A_366 = arith.muli %add3A_364, %mul3A_365 : i32
        %rem3A_367 = arith.constant 9 : i32
        %rem3A_368 = arith.remsi %min3A_359, %rem3A_367 : i32
        %dma_start3A_369 = arith.constant 0 : i32
        %dma_start3A_370 = arith.constant 0 : i32
        %dma_start3A_371 = tpu.memref_slice %arg16[%rem3A_368, %dma_start3A_369, %dma_start3A_370] : memref<9x64x128xf32, #tpu.memory_space<vmem>> -> memref<1x64x128xf32, #tpu.memory_space<vmem>>
        %dma_start3A_372 = tpu.memref_squeeze %dma_start3A_371 : memref<1x64x128xf32, #tpu.memory_space<vmem>> -> memref<64x128xf32, #tpu.memory_space<vmem>>
        %dma_start3A_373 = arith.constant 0 : i32
        %dma_start3A_374 = tpu.memref_slice %arg3[%dma_start3A_373, %mul3A_366] : memref<64x1000000xf32, #tpu.memory_space<hbm>> -> memref<64x128xf32, #tpu.memory_space<hbm>>
        %dma_start3A_375 = arith.constant 0 : i32
        %dma_start3A_376 = arith.constant 0 : i32
        %dma_start3A_377 = tpu.memref_slice %arg16[%rem3A_368, %dma_start3A_375, %dma_start3A_376] : memref<9x64x128xf32, #tpu.memory_space<vmem>> -> memref<1x64x128xf32, #tpu.memory_space<vmem>>
        %dma_start3A_378 = tpu.memref_squeeze %dma_start3A_377 : memref<1x64x128xf32, #tpu.memory_space<vmem>> -> memref<64x128xf32, #tpu.memory_space<vmem>>
        %dma_start3A_379 = arith.constant 0 : i32
        %dma_start3A_380 = tpu.memref_slice %arg3[%dma_start3A_379, %mul3A_366] : memref<64x1000000xf32, #tpu.memory_space<hbm>> -> memref<64x128xf32, #tpu.memory_space<hbm>>
        tpu.enqueue_dma source(%dma_start3A_380 : memref<64x128xf32, #tpu.memory_space<hbm>>) target(%dma_start3A_378 : memref<64x128xf32, #tpu.memory_space<vmem>>) target_semaphore(%arg19 : memref<!tpu.dma_semaphore, #tpu.memory_space<semaphore_mem>>)
        %sub3A_381 = arith.constant 1 : i32
        %sub3A_382 = arith.subi %scan3A_195, %sub3A_381 : i32
        %min3A_383 = arith.constant 7 : i32
        %min3A_384 = arith.minsi %min3A_383, %sub3A_382 : i32
        %get3A_385 = arith.index_cast %min3A_384 : i32 to index
        %get3A_386 = tpu.vector_load %arg15[%get3A_385] {strides = array<i32>} : memref<544xi32, #tpu.memory_space<vmem>>, vector<16xi32>,
        %slice3A_387 = vector.extract_strided_slice %get3A_386 {offsets = [0], sizes = [1], strides = [1]} : vector<16xi32> to vector<1xi32>
        %squeeze3A_388 = vector.extract %slice3A_387[0] : i32 from vector<1xi32>
        %add3A_389 = arith.addi %mul3A_27, %squeeze3A_388 : i32
        %mul3A_390 = arith.constant 128 : i32
        %mul3A_391 = arith.muli %add3A_389, %mul3A_390 : i32
        %rem3A_392 = arith.constant 9 : i32
        %rem3A_393 = arith.remsi %min3A_384, %rem3A_392 : i32
        %dma_start3A_394 = arith.constant 0 : i32
        %dma_start3A_395 = arith.constant 0 : i32
        %dma_start3A_396 = tpu.memref_slice %arg16[%rem3A_393, %dma_start3A_394, %dma_start3A_395] : memref<9x64x128xf32, #tpu.memory_space<vmem>> -> memref<1x64x128xf32, #tpu.memory_space<vmem>>
        %dma_start3A_397 = tpu.memref_squeeze %dma_start3A_396 : memref<1x64x128xf32, #tpu.memory_space<vmem>> -> memref<64x128xf32, #tpu.memory_space<vmem>>
        %dma_start3A_398 = arith.constant 0 : i32
        %dma_start3A_399 = tpu.memref_slice %arg3[%dma_start3A_398, %mul3A_391] : memref<64x1000000xf32, #tpu.memory_space<hbm>> -> memref<64x128xf32, #tpu.memory_space<hbm>>
        %dma_start3A_400 = arith.constant 0 : i32
        %dma_start3A_401 = arith.constant 0 : i32
        %dma_start3A_402 = tpu.memref_slice %arg16[%rem3A_393, %dma_start3A_400, %dma_start3A_401] : memref<9x64x128xf32, #tpu.memory_space<vmem>> -> memref<1x64x128xf32, #tpu.memory_space<vmem>>
        %dma_start3A_403 = tpu.memref_squeeze %dma_start3A_402 : memref<1x64x128xf32, #tpu.memory_space<vmem>> -> memref<64x128xf32, #tpu.memory_space<vmem>>
        %dma_start3A_404 = arith.constant 0 : i32
        %dma_start3A_405 = tpu.memref_slice %arg3[%dma_start3A_404, %mul3A_391] : memref<64x1000000xf32, #tpu.memory_space<hbm>> -> memref<64x128xf32, #tpu.memory_space<hbm>>
        tpu.enqueue_dma source(%dma_start3A_405 : memref<64x128xf32, #tpu.memory_space<hbm>>) target(%dma_start3A_403 : memref<64x128xf32, #tpu.memory_space<vmem>>) target_semaphore(%arg19 : memref<!tpu.dma_semaphore, #tpu.memory_space<semaphore_mem>>)
        %while3A_406 = arith.constant 0 : i32
        %while3A_407 = arith.constant 0 : i32
        %while3A_408 = arith.constant 0 : i32
        %while3A_409 = arith.constant 0 : i32
        %while3A_410 = arith.subi %scan3A_195, %while3A_406 : i32
        %while3A_411 = arith.addi %while3A_406, %while3A_410 : i32
        %while3A_412 = arith.constant 1 : i32
        %while3A_413 = arith.divsi %while3A_410, %while3A_412 : i32
        %while3A_414 = arith.muli %while3A_413, %while3A_412 : i32
        %while3A_415 = arith.addi %while3A_406, %while3A_414 : i32
        %while3A_416 = arith.constant 1 : i32
        %while3A_417:3 = scf.for %while3A_543 = %while3A_406 to %while3A_415 step %while3A_416 iter_args(%while3A_544 = %while3A_407, %while3A_545 = %while3A_408, %while3A_546 = %while3A_409) -> (i32, i32, i32)  : i32 {
          %rem3A_547 = arith.constant 9 : i32
          %rem3A_548 = arith.remsi %while3A_543, %rem3A_547 : i32
          %dma_wait3A_549 = arith.constant 0 : i32
          %dma_wait3A_550 = arith.constant 0 : i32
          %dma_wait3A_551 = tpu.memref_slice %arg16[%rem3A_548, %dma_wait3A_549, %dma_wait3A_550] : memref<9x64x128xf32, #tpu.memory_space<vmem>> -> memref<1x64x128xf32, #tpu.memory_space<vmem>>
          %dma_wait3A_552 = tpu.memref_squeeze %dma_wait3A_551 : memref<1x64x128xf32, #tpu.memory_space<vmem>> -> memref<64x128xf32, #tpu.memory_space<vmem>>
          %dma_wait3A_553 = arith.constant 0 : i32
          %dma_wait3A_554 = arith.constant 0 : i32
          %dma_wait3A_555 = tpu.memref_slice %arg3[%dma_wait3A_553, %dma_wait3A_554] : memref<64x1000000xf32, #tpu.memory_space<hbm>> -> memref<64x128xf32, #tpu.memory_space<hbm>>
          %dma_wait3A_556 = arith.constant 0 : i32
          %dma_wait3A_557 = arith.constant 0 : i32
          %dma_wait3A_558 = tpu.memref_slice %arg16[%rem3A_548, %dma_wait3A_556, %dma_wait3A_557] : memref<9x64x128xf32, #tpu.memory_space<vmem>> -> memref<1x64x128xf32, #tpu.memory_space<vmem>>
          %dma_wait3A_559 = tpu.memref_squeeze %dma_wait3A_558 : memref<1x64x128xf32, #tpu.memory_space<vmem>> -> memref<64x128xf32, #tpu.memory_space<vmem>>
          %dma_wait3A_560 = arith.constant 0 : i32
          %dma_wait3A_561 = arith.constant 0 : i32
          %dma_wait3A_562 = tpu.memref_slice %arg3[%dma_wait3A_560, %dma_wait3A_561] : memref<64x1000000xf32, #tpu.memory_space<hbm>> -> memref<64x128xf32, #tpu.memory_space<hbm>>
          tpu.wait_dma2 semaphore(%arg19 : memref<!tpu.dma_semaphore, #tpu.memory_space<semaphore_mem>>) src(%dma_wait3A_562 : memref<64x128xf32, #tpu.memory_space<hbm>>) dst(%dma_wait3A_559 : memref<64x128xf32, #tpu.memory_space<vmem>>)
          %add3A_563 = arith.constant 9 : i32
          %add3A_564 = arith.addi %while3A_543, %add3A_563 : i32
          %sub3A_565 = arith.constant 1 : i32
          %sub3A_566 = arith.subi %add3A_564, %sub3A_565 : i32
          %sub3A_567 = arith.constant 1 : i32
          %sub3A_568 = arith.subi %scan3A_195, %sub3A_567 : i32
          %min3A_569 = arith.minsi %sub3A_566, %sub3A_568 : i32
          %get3A_570 = arith.index_cast %min3A_569 : i32 to index
          %get3A_571 = tpu.vector_load %arg15[%get3A_570] {strides = array<i32>} : memref<544xi32, #tpu.memory_space<vmem>>, vector<16xi32>,
          %slice3A_572 = vector.extract_strided_slice %get3A_571 {offsets = [0], sizes = [1], strides = [1]} : vector<16xi32> to vector<1xi32>
          %squeeze3A_573 = vector.extract %slice3A_572[0] : i32 from vector<1xi32>
          %add3A_574 = arith.addi %mul3A_27, %squeeze3A_573 : i32
          %mul3A_575 = arith.constant 128 : i32
          %mul3A_576 = arith.muli %add3A_574, %mul3A_575 : i32
          %rem3A_577 = arith.constant 9 : i32
          %rem3A_578 = arith.remsi %min3A_569, %rem3A_577 : i32
          %dma_start3A_579 = arith.constant 0 : i32
          %dma_start3A_580 = arith.constant 0 : i32
          %dma_start3A_581 = tpu.memref_slice %arg16[%rem3A_578, %dma_start3A_579, %dma_start3A_580] : memref<9x64x128xf32, #tpu.memory_space<vmem>> -> memref<1x64x128xf32, #tpu.memory_space<vmem>>
          %dma_start3A_582 = tpu.memref_squeeze %dma_start3A_581 : memref<1x64x128xf32, #tpu.memory_space<vmem>> -> memref<64x128xf32, #tpu.memory_space<vmem>>
          %dma_start3A_583 = arith.constant 0 : i32
          %dma_start3A_584 = tpu.memref_slice %arg3[%dma_start3A_583, %mul3A_576] : memref<64x1000000xf32, #tpu.memory_space<hbm>> -> memref<64x128xf32, #tpu.memory_space<hbm>>
          %dma_start3A_585 = arith.constant 0 : i32
          %dma_start3A_586 = arith.constant 0 : i32
          %dma_start3A_587 = tpu.memref_slice %arg16[%rem3A_578, %dma_start3A_585, %dma_start3A_586] : memref<9x64x128xf32, #tpu.memory_space<vmem>> -> memref<1x64x128xf32, #tpu.memory_space<vmem>>
          %dma_start3A_588 = tpu.memref_squeeze %dma_start3A_587 : memref<1x64x128xf32, #tpu.memory_space<vmem>> -> memref<64x128xf32, #tpu.memory_space<vmem>>
          %dma_start3A_589 = arith.constant 0 : i32
          %dma_start3A_590 = tpu.memref_slice %arg3[%dma_start3A_589, %mul3A_576] : memref<64x1000000xf32, #tpu.memory_space<hbm>> -> memref<64x128xf32, #tpu.memory_space<hbm>>
          tpu.enqueue_dma source(%dma_start3A_590 : memref<64x128xf32, #tpu.memory_space<hbm>>) target(%dma_start3A_588 : memref<64x128xf32, #tpu.memory_space<vmem>>) target_semaphore(%arg19 : memref<!tpu.dma_semaphore, #tpu.memory_space<semaphore_mem>>)
          %get3A_591 = arith.index_cast %while3A_543 : i32 to index
          %get3A_592 = tpu.vector_load %arg15[%get3A_591] {strides = array<i32>} : memref<544xi32, #tpu.memory_space<vmem>>, vector<16xi32>,
          %slice3A_593 = vector.extract_strided_slice %get3A_592 {offsets = [0], sizes = [1], strides = [1]} : vector<16xi32> to vector<1xi32>
          %squeeze3A_594 = vector.extract %slice3A_593[0] : i32 from vector<1xi32>
          %get3A_595 = arith.index_cast %squeeze3A_594 : i32 to index
          %get3A_596 = tpu.vector_load %arg13[%get3A_595] {strides = array<i32>} : memref<544xi32, #tpu.memory_space<vmem>>, vector<16xi32>,
          %slice3A_597 = vector.extract_strided_slice %get3A_596 {offsets = [0], sizes = [1], strides = [1]} : vector<16xi32> to vector<1xi32>
          %squeeze3A_598 = vector.extract %slice3A_597[0] : i32 from vector<1xi32>
          %get3A_599 = arith.index_cast %squeeze3A_594 : i32 to index
          %get3A_600 = tpu.vector_load %arg12[%get3A_599] {strides = array<i32>} : memref<544xi32, #tpu.memory_space<vmem>>, vector<16xi32>,
          %slice3A_601 = vector.extract_strided_slice %get3A_600 {offsets = [0], sizes = [1], strides = [1]} : vector<16xi32> to vector<1xi32>
          %squeeze3A_602 = vector.extract %slice3A_601[0] : i32 from vector<1xi32>
          %add3A_603 = arith.addi %squeeze3A_598, %squeeze3A_602 : i32
          %while3A_604 = arith.subi %add3A_603, %squeeze3A_598 : i32
          %while3A_605 = arith.addi %squeeze3A_598, %while3A_604 : i32
          %while3A_606 = arith.constant 1 : i32
          %while3A_607 = arith.divsi %while3A_604, %while3A_606 : i32
          %while3A_608 = arith.muli %while3A_607, %while3A_606 : i32
          %while3A_609 = arith.addi %squeeze3A_598, %while3A_608 : i32
          %while3A_610 = arith.constant 1 : i32
          %while3A_611:3 = scf.for %while3A_614 = %squeeze3A_598 to %while3A_609 step %while3A_610 iter_args(%while3A_615 = %while3A_544, %while3A_616 = %while3A_545, %while3A_617 = %while3A_546) -> (i32, i32, i32)  : i32 {
            %get3A_618 = arith.index_cast %while3A_614 : i32 to index
            %get3A_619 = tpu.vector_load %arg10[%get3A_618] {strides = array<i32>} : memref<16400xi32, #tpu.memory_space<vmem>>, vector<16xi32>,
            %slice3A_620 = vector.extract_strided_slice %get3A_619 {offsets = [0], sizes = [1], strides = [1]} : vector<16xi32> to vector<1xi32>
            %squeeze3A_621 = vector.extract %slice3A_620[0] : i32 from vector<1xi32>
            %shift_right_logical3A = arith.constant 14 : i32
            %shift_right_logical3A_622 = arith.shrui %squeeze3A_621, %shift_right_logical3A : i32
            %and3A_623 = arith.constant 127 : i32
            %and3A_624 = arith.andi %shift_right_logical3A_622, %and3A_623 : i32
            %broadcast_in_dim3A_625 = vector.broadcast %and3A_624 : i32 to vector<16xi32>
            %broadcast_in_dim3A_626 = vector.broadcast %rem3A_548 : i32 to vector<16xi32>
            %add3A_627 = arith.constant 0 : i32
            %add3A_628 = vector.broadcast %add3A_627 : i32 to vector<16xi32>
            %add3A_629 = arith.addi %add3A_628, %iota3A : vector<16xi32>
            %gather3A = tpu.vector_load_idx %arg16[%broadcast_in_dim3A_626, %add3A_629, %broadcast_in_dim3A_625] : memref<9x64x128xf32, #tpu.memory_space<vmem>>[vector<16xi32>, vector<16xi32>, vector<16xi32>], vector<16xf32>,
            %swap3A_630 = arith.index_cast %while3A_616 : i32 to index
            %swap3A_631 = arith.index_cast %while3A_615 : i32 to index
            %swap3A_632 = arith.constant 0 : index
            %swap3A_633 = tpu.vector_load %arg17[%swap3A_630, %swap3A_631, %swap3A_632] {strides = array<i32>} : memref<2x16x128xf32, #tpu.memory_space<vmem>>, vector<16xf32>,
            tpu.vector_store %arg17[%swap3A_630, %swap3A_631, %swap3A_632], %gather3A {strides = array<i32>} : memref<2x16x128xf32, #tpu.memory_space<vmem>>, vector<16xf32>,
            %add3A_634 = arith.constant 16 : i32
            %add3A_635 = vector.broadcast %add3A_634 : i32 to vector<16xi32>
            %add3A_636 = arith.addi %add3A_635, %iota3A : vector<16xi32>
            %gather3A_637 = tpu.vector_load_idx %arg16[%broadcast_in_dim3A_626, %add3A_636, %broadcast_in_dim3A_625] : memref<9x64x128xf32, #tpu.memory_space<vmem>>[vector<16xi32>, vector<16xi32>, vector<16xi32>], vector<16xf32>,
            %swap3A_638 = arith.index_cast %while3A_616 : i32 to index
            %swap3A_639 = arith.index_cast %while3A_615 : i32 to index
            %swap3A_640 = arith.constant 16 : index
            %swap3A_641 = tpu.vector_load %arg17[%swap3A_638, %swap3A_639, %swap3A_640] {strides = array<i32>} : memref<2x16x128xf32, #tpu.memory_space<vmem>>, vector<16xf32>,
            tpu.vector_store %arg17[%swap3A_638, %swap3A_639, %swap3A_640], %gather3A_637 {strides = array<i32>} : memref<2x16x128xf32, #tpu.memory_space<vmem>>, vector<16xf32>,
            %add3A_642 = arith.constant 32 : i32
            %add3A_643 = vector.broadcast %add3A_642 : i32 to vector<16xi32>
            %add3A_644 = arith.addi %add3A_643, %iota3A : vector<16xi32>
            %gather3A_645 = tpu.vector_load_idx %arg16[%broadcast_in_dim3A_626, %add3A_644, %broadcast_in_dim3A_625] : memref<9x64x128xf32, #tpu.memory_space<vmem>>[vector<16xi32>, vector<16xi32>, vector<16xi32>], vector<16xf32>,
            %swap3A_646 = arith.index_cast %while3A_616 : i32 to index
            %swap3A_647 = arith.index_cast %while3A_615 : i32 to index
            %swap3A_648 = arith.constant 32 : index
            %swap3A_649 = tpu.vector_load %arg17[%swap3A_646, %swap3A_647, %swap3A_648] {strides = array<i32>} : memref<2x16x128xf32, #tpu.memory_space<vmem>>, vector<16xf32>,
            tpu.vector_store %arg17[%swap3A_646, %swap3A_647, %swap3A_648], %gather3A_645 {strides = array<i32>} : memref<2x16x128xf32, #tpu.memory_space<vmem>>, vector<16xf32>,
            %add3A_650 = arith.constant 48 : i32
            %add3A_651 = vector.broadcast %add3A_650 : i32 to vector<16xi32>
            %add3A_652 = arith.addi %add3A_651, %iota3A : vector<16xi32>
            %gather3A_653 = tpu.vector_load_idx %arg16[%broadcast_in_dim3A_626, %add3A_652, %broadcast_in_dim3A_625] : memref<9x64x128xf32, #tpu.memory_space<vmem>>[vector<16xi32>, vector<16xi32>, vector<16xi32>], vector<16xf32>,
            %swap3A_654 = arith.index_cast %while3A_616 : i32 to index
            %swap3A_655 = arith.index_cast %while3A_615 : i32 to index
            %swap3A_656 = arith.constant 48 : index
            %swap3A_657 = tpu.vector_load %arg17[%swap3A_654, %swap3A_655, %swap3A_656] {strides = array<i32>} : memref<2x16x128xf32, #tpu.memory_space<vmem>>, vector<16xf32>,
            tpu.vector_store %arg17[%swap3A_654, %swap3A_655, %swap3A_656], %gather3A_653 {strides = array<i32>} : memref<2x16x128xf32, #tpu.memory_space<vmem>>, vector<16xf32>,
            %eq3A_658 = arith.constant 0 : i32
            %eq3A_659 = vector.broadcast %eq3A_658 : i32 to vector<16xi32>
            %eq3A_660 = arith.cmpi eq, %iota3A, %eq3A_659 : vector<16xi32>
            %broadcast_in_dim3A_661 = vector.broadcast %while3A_616 : i32 to vector<16xi32>
            %broadcast_in_dim3A_662 = vector.broadcast %while3A_615 : i32 to vector<16xi32>
            %and3A_663 = arith.constant 16383 : i32
            %and3A_664 = arith.andi %squeeze3A_621, %and3A_663 : i32
            %broadcast_in_dim3A_665 = vector.broadcast %and3A_664 : i32 to vector<16xi32>
            tpu.vector_store_idx %arg18[%broadcast_in_dim3A_661, %broadcast_in_dim3A_662], %broadcast_in_dim3A_665 masked %eq3A_660 : memref<2x16xi32, #tpu.memory_space<vmem>>[vector<16xi32>, vector<16xi32>], vector<16xi32>, vector<16xi1>
            %add3A_666 = arith.constant 1 : i32
            %add3A_667 = arith.addi %while3A_615, %add3A_666 : i32
            %eq3A_668 = arith.constant 16 : i32
            %eq3A_669 = arith.cmpi eq, %add3A_667, %eq3A_668 : i32
            %convert_element_type3A_670 = arith.extui %eq3A_669 : i1 to i32
            %cond3A_671 = arith.constant 0 : i32
            %cond3A_672 = arith.cmpi ne, %convert_element_type3A_670, %cond3A_671 : i32
            %cond3A_673:2 = scf.if %cond3A_672 -> (i32, i32) {
              %dma_start3A_676 = arith.constant 0 : i32
              %dma_start3A_677 = arith.constant 0 : i32
              %dma_start3A_678 = tpu.memref_slice %arg17[%while3A_616, %dma_start3A_676, %dma_start3A_677] : memref<2x16x128xf32, #tpu.memory_space<vmem>> -> memref<1x16x128xf32, #tpu.memory_space<vmem>>
              %dma_start3A_679 = tpu.memref_squeeze %dma_start3A_678 : memref<1x16x128xf32, #tpu.memory_space<vmem>> -> memref<16x128xf32, #tpu.memory_space<vmem>>
              %dma_start3A_680 = arith.constant 0 : i32
              %dma_start3A_681 = tpu.memref_slice %arg18[%while3A_616, %dma_start3A_680] : memref<2x16xi32, #tpu.memory_space<vmem>> -> memref<1x16xi32, #tpu.memory_space<vmem>>
              %dma_start3A_682 = tpu.memref_squeeze %dma_start3A_681 : memref<1x16xi32, #tpu.memory_space<vmem>> -> memref<16xi32, #tpu.memory_space<vmem>>
              %dma_start3A_683 = arith.constant 0 : i32
              %dma_start3A_684 = arith.constant 0 : i32
              %dma_start3A_685 = tpu.memref_slice %arg7[%dma_start3A_683, %dma_start3A_684] : memref<16384x128xf32, #tpu.memory_space<hbm>> -> memref<16384x128xf32, #tpu.memory_space<hbm>>
              %dma_start3A_686 = arith.constant -1 : i32
              tpu.enqueue_indirect_dma source(%dma_start3A_679 : memref<16x128xf32, #tpu.memory_space<vmem>>) target(%dma_start3A_685 : memref<16384x128xf32, #tpu.memory_space<hbm>>) offsets(%dma_start3A_682 : memref<16xi32, #tpu.memory_space<vmem>>) offset_filter(%dma_start3A_686) semaphore(%arg20 : memref<!tpu.dma_semaphore, #tpu.memory_space<semaphore_mem>>)
              %ge3A_687 = arith.constant 1 : i32
              %ge3A_688 = arith.cmpi sge, %while3A_617, %ge3A_687 : i32
              %convert_element_type3A_689 = arith.extui %ge3A_688 : i1 to i32
              %cond3A_690 = arith.constant 0 : i32
              %cond3A_691 = arith.cmpi ne, %convert_element_type3A_689, %cond3A_690 : i32
              scf.if %cond3A_691 {
                %dma_wait3A_699 = arith.constant 0 : i32
                %dma_wait3A_700 = arith.constant 0 : i32
                %dma_wait3A_701 = arith.constant 0 : i32
                %dma_wait3A_702 = tpu.memref_slice %arg17[%dma_wait3A_699, %dma_wait3A_700, %dma_wait3A_701] : memref<2x16x128xf32, #tpu.memory_space<vmem>> -> memref<1x16x128xf32, #tpu.memory_space<vmem>>
                %dma_wait3A_703 = tpu.memref_squeeze %dma_wait3A_702 : memref<1x16x128xf32, #tpu.memory_space<vmem>> -> memref<16x128xf32, #tpu.memory_space<vmem>>
                %dma_wait3A_704 = arith.constant 0 : i32
                %dma_wait3A_705 = arith.constant 0 : i32
                %dma_wait3A_706 = tpu.memref_slice %arg7[%dma_wait3A_704, %dma_wait3A_705] : memref<16384x128xf32, #tpu.memory_space<hbm>> -> memref<16x128xf32, #tpu.memory_space<hbm>>
                %dma_wait3A_707 = arith.constant 0 : i32
                %dma_wait3A_708 = arith.constant 0 : i32
                %dma_wait3A_709 = tpu.memref_slice %arg7[%dma_wait3A_707, %dma_wait3A_708] : memref<16384x128xf32, #tpu.memory_space<hbm>> -> memref<16x128xf32, #tpu.memory_space<hbm>>
                %dma_wait3A_710 = arith.constant 0 : i32
                %dma_wait3A_711 = arith.constant 0 : i32
                %dma_wait3A_712 = tpu.memref_slice %arg17[%dma_wait3A_699, %dma_wait3A_710, %dma_wait3A_711] : memref<2x16x128xf32, #tpu.memory_space<vmem>> -> memref<1x16x128xf32, #tpu.memory_space<vmem>>
                %dma_wait3A_713 = tpu.memref_squeeze %dma_wait3A_712 : memref<1x16x128xf32, #tpu.memory_space<vmem>> -> memref<16x128xf32, #tpu.memory_space<vmem>>
                tpu.wait_dma2 semaphore(%arg20 : memref<!tpu.dma_semaphore, #tpu.memory_space<semaphore_mem>>) src(%dma_wait3A_713 : memref<16x128xf32, #tpu.memory_space<vmem>>) dst(%dma_wait3A_709 : memref<16x128xf32, #tpu.memory_space<hbm>>)
              } else {
              }
              %sub3A_692 = arith.constant 1 : i32
              %sub3A_693 = arith.subi %sub3A_692, %while3A_616 : i32
              %swap3A_694 = arith.index_cast %sub3A_693 : i32 to index
              %swap3A_695 = arith.constant 0 : index
              %swap3A_696 = tpu.vector_load %arg18[%swap3A_694, %swap3A_695] {strides = array<i32>} : memref<2x16xi32, #tpu.memory_space<vmem>>, vector<16xi32>,
              tpu.vector_store %arg18[%swap3A_694, %swap3A_695], %broadcast_in_dim3A_198 {strides = array<i32>} : memref<2x16xi32, #tpu.memory_space<vmem>>, vector<16xi32>,
              %add3A_697 = arith.constant 1 : i32
              %add3A_698 = arith.addi %while3A_617, %add3A_697 : i32
              scf.yield %sub3A_693, %add3A_698 : i32, i32
            } else {
              scf.yield %while3A_616, %while3A_617 : i32, i32
            }
            %rem3A_674 = arith.constant 16 : i32
            %rem3A_675 = arith.remsi %add3A_667, %rem3A_674 : i32
            scf.yield %rem3A_675, %cond3A_673#0, %cond3A_673#1 : i32, i32, i32
          }
          %while3A_612 = arith.constant 1 : i32
          %while3A_613:3 = scf.for %while3A_614 = %while3A_609 to %while3A_605 step %while3A_612 iter_args(%while3A_615 = %while3A_611#0, %while3A_616 = %while3A_611#1, %while3A_617 = %while3A_611#2) -> (i32, i32, i32)  : i32 {
            %get3A_618 = arith.index_cast %while3A_614 : i32 to index
            %get3A_619 = tpu.vector_load %arg10[%get3A_618] {strides = array<i32>} : memref<16400xi32, #tpu.memory_space<vmem>>, vector<16xi32>,
            %slice3A_620 = vector.extract_strided_slice %get3A_619 {offsets = [0], sizes = [1], strides = [1]} : vector<16xi32> to vector<1xi32>
            %squeeze3A_621 = vector.extract %slice3A_620[0] : i32 from vector<1xi32>
            %shift_right_logical3A = arith.constant 14 : i32
            %shift_right_logical3A_622 = arith.shrui %squeeze3A_621, %shift_right_logical3A : i32
            %and3A_623 = arith.constant 127 : i32
            %and3A_624 = arith.andi %shift_right_logical3A_622, %and3A_623 : i32
            %broadcast_in_dim3A_625 = vector.broadcast %and3A_624 : i32 to vector<16xi32>
            %broadcast_in_dim3A_626 = vector.broadcast %rem3A_548 : i32 to vector<16xi32>
            %add3A_627 = arith.constant 0 : i32
            %add3A_628 = vector.broadcast %add3A_627 : i32 to vector<16xi32>
            %add3A_629 = arith.addi %add3A_628, %iota3A : vector<16xi32>
            %gather3A = tpu.vector_load_idx %arg16[%broadcast_in_dim3A_626, %add3A_629, %broadcast_in_dim3A_625] : memref<9x64x128xf32, #tpu.memory_space<vmem>>[vector<16xi32>, vector<16xi32>, vector<16xi32>], vector<16xf32>,
            %swap3A_630 = arith.index_cast %while3A_616 : i32 to index
            %swap3A_631 = arith.index_cast %while3A_615 : i32 to index
            %swap3A_632 = arith.constant 0 : index
            %swap3A_633 = tpu.vector_load %arg17[%swap3A_630, %swap3A_631, %swap3A_632] {strides = array<i32>} : memref<2x16x128xf32, #tpu.memory_space<vmem>>, vector<16xf32>,
            tpu.vector_store %arg17[%swap3A_630, %swap3A_631, %swap3A_632], %gather3A {strides = array<i32>} : memref<2x16x128xf32, #tpu.memory_space<vmem>>, vector<16xf32>,
            %add3A_634 = arith.constant 16 : i32
            %add3A_635 = vector.broadcast %add3A_634 : i32 to vector<16xi32>
            %add3A_636 = arith.addi %add3A_635, %iota3A : vector<16xi32>
            %gather3A_637 = tpu.vector_load_idx %arg16[%broadcast_in_dim3A_626, %add3A_636, %broadcast_in_dim3A_625] : memref<9x64x128xf32, #tpu.memory_space<vmem>>[vector<16xi32>, vector<16xi32>, vector<16xi32>], vector<16xf32>,
            %swap3A_638 = arith.index_cast %while3A_616 : i32 to index
            %swap3A_639 = arith.index_cast %while3A_615 : i32 to index
            %swap3A_640 = arith.constant 16 : index
            %swap3A_641 = tpu.vector_load %arg17[%swap3A_638, %swap3A_639, %swap3A_640] {strides = array<i32>} : memref<2x16x128xf32, #tpu.memory_space<vmem>>, vector<16xf32>,
            tpu.vector_store %arg17[%swap3A_638, %swap3A_639, %swap3A_640], %gather3A_637 {strides = array<i32>} : memref<2x16x128xf32, #tpu.memory_space<vmem>>, vector<16xf32>,
            %add3A_642 = arith.constant 32 : i32
            %add3A_643 = vector.broadcast %add3A_642 : i32 to vector<16xi32>
            %add3A_644 = arith.addi %add3A_643, %iota3A : vector<16xi32>
            %gather3A_645 = tpu.vector_load_idx %arg16[%broadcast_in_dim3A_626, %add3A_644, %broadcast_in_dim3A_625] : memref<9x64x128xf32, #tpu.memory_space<vmem>>[vector<16xi32>, vector<16xi32>, vector<16xi32>], vector<16xf32>,
            %swap3A_646 = arith.index_cast %while3A_616 : i32 to index
            %swap3A_647 = arith.index_cast %while3A_615 : i32 to index
            %swap3A_648 = arith.constant 32 : index
            %swap3A_649 = tpu.vector_load %arg17[%swap3A_646, %swap3A_647, %swap3A_648] {strides = array<i32>} : memref<2x16x128xf32, #tpu.memory_space<vmem>>, vector<16xf32>,
            tpu.vector_store %arg17[%swap3A_646, %swap3A_647, %swap3A_648], %gather3A_645 {strides = array<i32>} : memref<2x16x128xf32, #tpu.memory_space<vmem>>, vector<16xf32>,
            %add3A_650 = arith.constant 48 : i32
            %add3A_651 = vector.broadcast %add3A_650 : i32 to vector<16xi32>
            %add3A_652 = arith.addi %add3A_651, %iota3A : vector<16xi32>
            %gather3A_653 = tpu.vector_load_idx %arg16[%broadcast_in_dim3A_626, %add3A_652, %broadcast_in_dim3A_625] : memref<9x64x128xf32, #tpu.memory_space<vmem>>[vector<16xi32>, vector<16xi32>, vector<16xi32>], vector<16xf32>,
            %swap3A_654 = arith.index_cast %while3A_616 : i32 to index
            %swap3A_655 = arith.index_cast %while3A_615 : i32 to index
            %swap3A_656 = arith.constant 48 : index
            %swap3A_657 = tpu.vector_load %arg17[%swap3A_654, %swap3A_655, %swap3A_656] {strides = array<i32>} : memref<2x16x128xf32, #tpu.memory_space<vmem>>, vector<16xf32>,
            tpu.vector_store %arg17[%swap3A_654, %swap3A_655, %swap3A_656], %gather3A_653 {strides = array<i32>} : memref<2x16x128xf32, #tpu.memory_space<vmem>>, vector<16xf32>,
            %eq3A_658 = arith.constant 0 : i32
            %eq3A_659 = vector.broadcast %eq3A_658 : i32 to vector<16xi32>
            %eq3A_660 = arith.cmpi eq, %iota3A, %eq3A_659 : vector<16xi32>
            %broadcast_in_dim3A_661 = vector.broadcast %while3A_616 : i32 to vector<16xi32>
            %broadcast_in_dim3A_662 = vector.broadcast %while3A_615 : i32 to vector<16xi32>
            %and3A_663 = arith.constant 16383 : i32
            %and3A_664 = arith.andi %squeeze3A_621, %and3A_663 : i32
            %broadcast_in_dim3A_665 = vector.broadcast %and3A_664 : i32 to vector<16xi32>
            tpu.vector_store_idx %arg18[%broadcast_in_dim3A_661, %broadcast_in_dim3A_662], %broadcast_in_dim3A_665 masked %eq3A_660 : memref<2x16xi32, #tpu.memory_space<vmem>>[vector<16xi32>, vector<16xi32>], vector<16xi32>, vector<16xi1>
            %add3A_666 = arith.constant 1 : i32
            %add3A_667 = arith.addi %while3A_615, %add3A_666 : i32
            %eq3A_668 = arith.constant 16 : i32
            %eq3A_669 = arith.cmpi eq, %add3A_667, %eq3A_668 : i32
            %convert_element_type3A_670 = arith.extui %eq3A_669 : i1 to i32
            %cond3A_671 = arith.constant 0 : i32
            %cond3A_672 = arith.cmpi ne, %convert_element_type3A_670, %cond3A_671 : i32
            %cond3A_673:2 = scf.if %cond3A_672 -> (i32, i32) {
              %dma_start3A_676 = arith.constant 0 : i32
              %dma_start3A_677 = arith.constant 0 : i32
              %dma_start3A_678 = tpu.memref_slice %arg17[%while3A_616, %dma_start3A_676, %dma_start3A_677] : memref<2x16x128xf32, #tpu.memory_space<vmem>> -> memref<1x16x128xf32, #tpu.memory_space<vmem>>
              %dma_start3A_679 = tpu.memref_squeeze %dma_start3A_678 : memref<1x16x128xf32, #tpu.memory_space<vmem>> -> memref<16x128xf32, #tpu.memory_space<vmem>>
              %dma_start3A_680 = arith.constant 0 : i32
              %dma_start3A_681 = tpu.memref_slice %arg18[%while3A_616, %dma_start3A_680] : memref<2x16xi32, #tpu.memory_space<vmem>> -> memref<1x16xi32, #tpu.memory_space<vmem>>
              %dma_start3A_682 = tpu.memref_squeeze %dma_start3A_681 : memref<1x16xi32, #tpu.memory_space<vmem>> -> memref<16xi32, #tpu.memory_space<vmem>>
              %dma_start3A_683 = arith.constant 0 : i32
              %dma_start3A_684 = arith.constant 0 : i32
              %dma_start3A_685 = tpu.memref_slice %arg7[%dma_start3A_683, %dma_start3A_684] : memref<16384x128xf32, #tpu.memory_space<hbm>> -> memref<16384x128xf32, #tpu.memory_space<hbm>>
              %dma_start3A_686 = arith.constant -1 : i32
              tpu.enqueue_indirect_dma source(%dma_start3A_679 : memref<16x128xf32, #tpu.memory_space<vmem>>) target(%dma_start3A_685 : memref<16384x128xf32, #tpu.memory_space<hbm>>) offsets(%dma_start3A_682 : memref<16xi32, #tpu.memory_space<vmem>>) offset_filter(%dma_start3A_686) semaphore(%arg20 : memref<!tpu.dma_semaphore, #tpu.memory_space<semaphore_mem>>)
              %ge3A_687 = arith.constant 1 : i32
              %ge3A_688 = arith.cmpi sge, %while3A_617, %ge3A_687 : i32
              %convert_element_type3A_689 = arith.extui %ge3A_688 : i1 to i32
              %cond3A_690 = arith.constant 0 : i32
              %cond3A_691 = arith.cmpi ne, %convert_element_type3A_689, %cond3A_690 : i32
              scf.if %cond3A_691 {
                %dma_wait3A_699 = arith.constant 0 : i32
                %dma_wait3A_700 = arith.constant 0 : i32
                %dma_wait3A_701 = arith.constant 0 : i32
                %dma_wait3A_702 = tpu.memref_slice %arg17[%dma_wait3A_699, %dma_wait3A_700, %dma_wait3A_701] : memref<2x16x128xf32, #tpu.memory_space<vmem>> -> memref<1x16x128xf32, #tpu.memory_space<vmem>>
                %dma_wait3A_703 = tpu.memref_squeeze %dma_wait3A_702 : memref<1x16x128xf32, #tpu.memory_space<vmem>> -> memref<16x128xf32, #tpu.memory_space<vmem>>
                %dma_wait3A_704 = arith.constant 0 : i32
                %dma_wait3A_705 = arith.constant 0 : i32
                %dma_wait3A_706 = tpu.memref_slice %arg7[%dma_wait3A_704, %dma_wait3A_705] : memref<16384x128xf32, #tpu.memory_space<hbm>> -> memref<16x128xf32, #tpu.memory_space<hbm>>
                %dma_wait3A_707 = arith.constant 0 : i32
                %dma_wait3A_708 = arith.constant 0 : i32
                %dma_wait3A_709 = tpu.memref_slice %arg7[%dma_wait3A_707, %dma_wait3A_708] : memref<16384x128xf32, #tpu.memory_space<hbm>> -> memref<16x128xf32, #tpu.memory_space<hbm>>
                %dma_wait3A_710 = arith.constant 0 : i32
                %dma_wait3A_711 = arith.constant 0 : i32
                %dma_wait3A_712 = tpu.memref_slice %arg17[%dma_wait3A_699, %dma_wait3A_710, %dma_wait3A_711] : memref<2x16x128xf32, #tpu.memory_space<vmem>> -> memref<1x16x128xf32, #tpu.memory_space<vmem>>
                %dma_wait3A_713 = tpu.memref_squeeze %dma_wait3A_712 : memref<1x16x128xf32, #tpu.memory_space<vmem>> -> memref<16x128xf32, #tpu.memory_space<vmem>>
                tpu.wait_dma2 semaphore(%arg20 : memref<!tpu.dma_semaphore, #tpu.memory_space<semaphore_mem>>) src(%dma_wait3A_713 : memref<16x128xf32, #tpu.memory_space<vmem>>) dst(%dma_wait3A_709 : memref<16x128xf32, #tpu.memory_space<hbm>>)
              } else {
              }
              %sub3A_692 = arith.constant 1 : i32
              %sub3A_693 = arith.subi %sub3A_692, %while3A_616 : i32
              %swap3A_694 = arith.index_cast %sub3A_693 : i32 to index
              %swap3A_695 = arith.constant 0 : index
              %swap3A_696 = tpu.vector_load %arg18[%swap3A_694, %swap3A_695] {strides = array<i32>} : memref<2x16xi32, #tpu.memory_space<vmem>>, vector<16xi32>,
              tpu.vector_store %arg18[%swap3A_694, %swap3A_695], %broadcast_in_dim3A_198 {strides = array<i32>} : memref<2x16xi32, #tpu.memory_space<vmem>>, vector<16xi32>,
              %add3A_697 = arith.constant 1 : i32
              %add3A_698 = arith.addi %while3A_617, %add3A_697 : i32
              scf.yield %sub3A_693, %add3A_698 : i32, i32
            } else {
              scf.yield %while3A_616, %while3A_617 : i32, i32
            }
            %rem3A_674 = arith.constant 16 : i32
            %rem3A_675 = arith.remsi %add3A_667, %rem3A_674 : i32
            scf.yield %rem3A_675, %cond3A_673#0, %cond3A_673#1 : i32, i32, i32
          }
          scf.yield %while3A_613#0, %while3A_613#1, %while3A_613#2 : i32, i32, i32
        }
        %while3A_418 = arith.constant 1 : i32
        %while3A_419:3 = scf.for %while3A_543 = %while3A_415 to %while3A_411 step %while3A_418 iter_args(%while3A_544 = %while3A_417#0, %while3A_545 = %while3A_417#1, %while3A_546 = %while3A_417#2) -> (i32, i32, i32)  : i32 {
          %rem3A_547 = arith.constant 9 : i32
          %rem3A_548 = arith.remsi %while3A_543, %rem3A_547 : i32
          %dma_wait3A_549 = arith.constant 0 : i32
          %dma_wait3A_550 = arith.constant 0 : i32
          %dma_wait3A_551 = tpu.memref_slice %arg16[%rem3A_548, %dma_wait3A_549, %dma_wait3A_550] : memref<9x64x128xf32, #tpu.memory_space<vmem>> -> memref<1x64x128xf32, #tpu.memory_space<vmem>>
          %dma_wait3A_552 = tpu.memref_squeeze %dma_wait3A_551 : memref<1x64x128xf32, #tpu.memory_space<vmem>> -> memref<64x128xf32, #tpu.memory_space<vmem>>
          %dma_wait3A_553 = arith.constant 0 : i32
          %dma_wait3A_554 = arith.constant 0 : i32
          %dma_wait3A_555 = tpu.memref_slice %arg3[%dma_wait3A_553, %dma_wait3A_554] : memref<64x1000000xf32, #tpu.memory_space<hbm>> -> memref<64x128xf32, #tpu.memory_space<hbm>>
          %dma_wait3A_556 = arith.constant 0 : i32
          %dma_wait3A_557 = arith.constant 0 : i32
          %dma_wait3A_558 = tpu.memref_slice %arg16[%rem3A_548, %dma_wait3A_556, %dma_wait3A_557] : memref<9x64x128xf32, #tpu.memory_space<vmem>> -> memref<1x64x128xf32, #tpu.memory_space<vmem>>
          %dma_wait3A_559 = tpu.memref_squeeze %dma_wait3A_558 : memref<1x64x128xf32, #tpu.memory_space<vmem>> -> memref<64x128xf32, #tpu.memory_space<vmem>>
          %dma_wait3A_560 = arith.constant 0 : i32
          %dma_wait3A_561 = arith.constant 0 : i32
          %dma_wait3A_562 = tpu.memref_slice %arg3[%dma_wait3A_560, %dma_wait3A_561] : memref<64x1000000xf32, #tpu.memory_space<hbm>> -> memref<64x128xf32, #tpu.memory_space<hbm>>
          tpu.wait_dma2 semaphore(%arg19 : memref<!tpu.dma_semaphore, #tpu.memory_space<semaphore_mem>>) src(%dma_wait3A_562 : memref<64x128xf32, #tpu.memory_space<hbm>>) dst(%dma_wait3A_559 : memref<64x128xf32, #tpu.memory_space<vmem>>)
          %add3A_563 = arith.constant 9 : i32
          %add3A_564 = arith.addi %while3A_543, %add3A_563 : i32
          %sub3A_565 = arith.constant 1 : i32
          %sub3A_566 = arith.subi %add3A_564, %sub3A_565 : i32
          %sub3A_567 = arith.constant 1 : i32
          %sub3A_568 = arith.subi %scan3A_195, %sub3A_567 : i32
          %min3A_569 = arith.minsi %sub3A_566, %sub3A_568 : i32
          %get3A_570 = arith.index_cast %min3A_569 : i32 to index
          %get3A_571 = tpu.vector_load %arg15[%get3A_570] {strides = array<i32>} : memref<544xi32, #tpu.memory_space<vmem>>, vector<16xi32>,
          %slice3A_572 = vector.extract_strided_slice %get3A_571 {offsets = [0], sizes = [1], strides = [1]} : vector<16xi32> to vector<1xi32>
          %squeeze3A_573 = vector.extract %slice3A_572[0] : i32 from vector<1xi32>
          %add3A_574 = arith.addi %mul3A_27, %squeeze3A_573 : i32
          %mul3A_575 = arith.constant 128 : i32
          %mul3A_576 = arith.muli %add3A_574, %mul3A_575 : i32
          %rem3A_577 = arith.constant 9 : i32
          %rem3A_578 = arith.remsi %min3A_569, %rem3A_577 : i32
          %dma_start3A_579 = arith.constant 0 : i32
          %dma_start3A_580 = arith.constant 0 : i32
          %dma_start3A_581 = tpu.memref_slice %arg16[%rem3A_578, %dma_start3A_579, %dma_start3A_580] : memref<9x64x128xf32, #tpu.memory_space<vmem>> -> memref<1x64x128xf32, #tpu.memory_space<vmem>>
          %dma_start3A_582 = tpu.memref_squeeze %dma_start3A_581 : memref<1x64x128xf32, #tpu.memory_space<vmem>> -> memref<64x128xf32, #tpu.memory_space<vmem>>
          %dma_start3A_583 = arith.constant 0 : i32
          %dma_start3A_584 = tpu.memref_slice %arg3[%dma_start3A_583, %mul3A_576] : memref<64x1000000xf32, #tpu.memory_space<hbm>> -> memref<64x128xf32, #tpu.memory_space<hbm>>
          %dma_start3A_585 = arith.constant 0 : i32
          %dma_start3A_586 = arith.constant 0 : i32
          %dma_start3A_587 = tpu.memref_slice %arg16[%rem3A_578, %dma_start3A_585, %dma_start3A_586] : memref<9x64x128xf32, #tpu.memory_space<vmem>> -> memref<1x64x128xf32, #tpu.memory_space<vmem>>
          %dma_start3A_588 = tpu.memref_squeeze %dma_start3A_587 : memref<1x64x128xf32, #tpu.memory_space<vmem>> -> memref<64x128xf32, #tpu.memory_space<vmem>>
          %dma_start3A_589 = arith.constant 0 : i32
          %dma_start3A_590 = tpu.memref_slice %arg3[%dma_start3A_589, %mul3A_576] : memref<64x1000000xf32, #tpu.memory_space<hbm>> -> memref<64x128xf32, #tpu.memory_space<hbm>>
          tpu.enqueue_dma source(%dma_start3A_590 : memref<64x128xf32, #tpu.memory_space<hbm>>) target(%dma_start3A_588 : memref<64x128xf32, #tpu.memory_space<vmem>>) target_semaphore(%arg19 : memref<!tpu.dma_semaphore, #tpu.memory_space<semaphore_mem>>)
          %get3A_591 = arith.index_cast %while3A_543 : i32 to index
          %get3A_592 = tpu.vector_load %arg15[%get3A_591] {strides = array<i32>} : memref<544xi32, #tpu.memory_space<vmem>>, vector<16xi32>,
          %slice3A_593 = vector.extract_strided_slice %get3A_592 {offsets = [0], sizes = [1], strides = [1]} : vector<16xi32> to vector<1xi32>
          %squeeze3A_594 = vector.extract %slice3A_593[0] : i32 from vector<1xi32>
          %get3A_595 = arith.index_cast %squeeze3A_594 : i32 to index
          %get3A_596 = tpu.vector_load %arg13[%get3A_595] {strides = array<i32>} : memref<544xi32, #tpu.memory_space<vmem>>, vector<16xi32>,
          %slice3A_597 = vector.extract_strided_slice %get3A_596 {offsets = [0], sizes = [1], strides = [1]} : vector<16xi32> to vector<1xi32>
          %squeeze3A_598 = vector.extract %slice3A_597[0] : i32 from vector<1xi32>
          %get3A_599 = arith.index_cast %squeeze3A_594 : i32 to index
          %get3A_600 = tpu.vector_load %arg12[%get3A_599] {strides = array<i32>} : memref<544xi32, #tpu.memory_space<vmem>>, vector<16xi32>,
          %slice3A_601 = vector.extract_strided_slice %get3A_600 {offsets = [0], sizes = [1], strides = [1]} : vector<16xi32> to vector<1xi32>
          %squeeze3A_602 = vector.extract %slice3A_601[0] : i32 from vector<1xi32>
          %add3A_603 = arith.addi %squeeze3A_598, %squeeze3A_602 : i32
          %while3A_604 = arith.subi %add3A_603, %squeeze3A_598 : i32
          %while3A_605 = arith.addi %squeeze3A_598, %while3A_604 : i32
          %while3A_606 = arith.constant 1 : i32
          %while3A_607 = arith.divsi %while3A_604, %while3A_606 : i32
          %while3A_608 = arith.muli %while3A_607, %while3A_606 : i32
          %while3A_609 = arith.addi %squeeze3A_598, %while3A_608 : i32
          %while3A_610 = arith.constant 1 : i32
          %while3A_611:3 = scf.for %while3A_614 = %squeeze3A_598 to %while3A_609 step %while3A_610 iter_args(%while3A_615 = %while3A_544, %while3A_616 = %while3A_545, %while3A_617 = %while3A_546) -> (i32, i32, i32)  : i32 {
            %get3A_618 = arith.index_cast %while3A_614 : i32 to index
            %get3A_619 = tpu.vector_load %arg10[%get3A_618] {strides = array<i32>} : memref<16400xi32, #tpu.memory_space<vmem>>, vector<16xi32>,
            %slice3A_620 = vector.extract_strided_slice %get3A_619 {offsets = [0], sizes = [1], strides = [1]} : vector<16xi32> to vector<1xi32>
            %squeeze3A_621 = vector.extract %slice3A_620[0] : i32 from vector<1xi32>
            %shift_right_logical3A = arith.constant 14 : i32
            %shift_right_logical3A_622 = arith.shrui %squeeze3A_621, %shift_right_logical3A : i32
            %and3A_623 = arith.constant 127 : i32
            %and3A_624 = arith.andi %shift_right_logical3A_622, %and3A_623 : i32
            %broadcast_in_dim3A_625 = vector.broadcast %and3A_624 : i32 to vector<16xi32>
            %broadcast_in_dim3A_626 = vector.broadcast %rem3A_548 : i32 to vector<16xi32>
            %add3A_627 = arith.constant 0 : i32
            %add3A_628 = vector.broadcast %add3A_627 : i32 to vector<16xi32>
            %add3A_629 = arith.addi %add3A_628, %iota3A : vector<16xi32>
            %gather3A = tpu.vector_load_idx %arg16[%broadcast_in_dim3A_626, %add3A_629, %broadcast_in_dim3A_625] : memref<9x64x128xf32, #tpu.memory_space<vmem>>[vector<16xi32>, vector<16xi32>, vector<16xi32>], vector<16xf32>,
            %swap3A_630 = arith.index_cast %while3A_616 : i32 to index
            %swap3A_631 = arith.index_cast %while3A_615 : i32 to index
            %swap3A_632 = arith.constant 0 : index
            %swap3A_633 = tpu.vector_load %arg17[%swap3A_630, %swap3A_631, %swap3A_632] {strides = array<i32>} : memref<2x16x128xf32, #tpu.memory_space<vmem>>, vector<16xf32>,
            tpu.vector_store %arg17[%swap3A_630, %swap3A_631, %swap3A_632], %gather3A {strides = array<i32>} : memref<2x16x128xf32, #tpu.memory_space<vmem>>, vector<16xf32>,
            %add3A_634 = arith.constant 16 : i32
            %add3A_635 = vector.broadcast %add3A_634 : i32 to vector<16xi32>
            %add3A_636 = arith.addi %add3A_635, %iota3A : vector<16xi32>
            %gather3A_637 = tpu.vector_load_idx %arg16[%broadcast_in_dim3A_626, %add3A_636, %broadcast_in_dim3A_625] : memref<9x64x128xf32, #tpu.memory_space<vmem>>[vector<16xi32>, vector<16xi32>, vector<16xi32>], vector<16xf32>,
            %swap3A_638 = arith.index_cast %while3A_616 : i32 to index
            %swap3A_639 = arith.index_cast %while3A_615 : i32 to index
            %swap3A_640 = arith.constant 16 : index
            %swap3A_641 = tpu.vector_load %arg17[%swap3A_638, %swap3A_639, %swap3A_640] {strides = array<i32>} : memref<2x16x128xf32, #tpu.memory_space<vmem>>, vector<16xf32>,
            tpu.vector_store %arg17[%swap3A_638, %swap3A_639, %swap3A_640], %gather3A_637 {strides = array<i32>} : memref<2x16x128xf32, #tpu.memory_space<vmem>>, vector<16xf32>,
            %add3A_642 = arith.constant 32 : i32
            %add3A_643 = vector.broadcast %add3A_642 : i32 to vector<16xi32>
            %add3A_644 = arith.addi %add3A_643, %iota3A : vector<16xi32>
            %gather3A_645 = tpu.vector_load_idx %arg16[%broadcast_in_dim3A_626, %add3A_644, %broadcast_in_dim3A_625] : memref<9x64x128xf32, #tpu.memory_space<vmem>>[vector<16xi32>, vector<16xi32>, vector<16xi32>], vector<16xf32>,
            %swap3A_646 = arith.index_cast %while3A_616 : i32 to index
            %swap3A_647 = arith.index_cast %while3A_615 : i32 to index
            %swap3A_648 = arith.constant 32 : index
            %swap3A_649 = tpu.vector_load %arg17[%swap3A_646, %swap3A_647, %swap3A_648] {strides = array<i32>} : memref<2x16x128xf32, #tpu.memory_space<vmem>>, vector<16xf32>,
            tpu.vector_store %arg17[%swap3A_646, %swap3A_647, %swap3A_648], %gather3A_645 {strides = array<i32>} : memref<2x16x128xf32, #tpu.memory_space<vmem>>, vector<16xf32>,
            %add3A_650 = arith.constant 48 : i32
            %add3A_651 = vector.broadcast %add3A_650 : i32 to vector<16xi32>
            %add3A_652 = arith.addi %add3A_651, %iota3A : vector<16xi32>
            %gather3A_653 = tpu.vector_load_idx %arg16[%broadcast_in_dim3A_626, %add3A_652, %broadcast_in_dim3A_625] : memref<9x64x128xf32, #tpu.memory_space<vmem>>[vector<16xi32>, vector<16xi32>, vector<16xi32>], vector<16xf32>,
            %swap3A_654 = arith.index_cast %while3A_616 : i32 to index
            %swap3A_655 = arith.index_cast %while3A_615 : i32 to index
            %swap3A_656 = arith.constant 48 : index
            %swap3A_657 = tpu.vector_load %arg17[%swap3A_654, %swap3A_655, %swap3A_656] {strides = array<i32>} : memref<2x16x128xf32, #tpu.memory_space<vmem>>, vector<16xf32>,
            tpu.vector_store %arg17[%swap3A_654, %swap3A_655, %swap3A_656], %gather3A_653 {strides = array<i32>} : memref<2x16x128xf32, #tpu.memory_space<vmem>>, vector<16xf32>,
            %eq3A_658 = arith.constant 0 : i32
            %eq3A_659 = vector.broadcast %eq3A_658 : i32 to vector<16xi32>
            %eq3A_660 = arith.cmpi eq, %iota3A, %eq3A_659 : vector<16xi32>
            %broadcast_in_dim3A_661 = vector.broadcast %while3A_616 : i32 to vector<16xi32>
            %broadcast_in_dim3A_662 = vector.broadcast %while3A_615 : i32 to vector<16xi32>
            %and3A_663 = arith.constant 16383 : i32
            %and3A_664 = arith.andi %squeeze3A_621, %and3A_663 : i32
            %broadcast_in_dim3A_665 = vector.broadcast %and3A_664 : i32 to vector<16xi32>
            tpu.vector_store_idx %arg18[%broadcast_in_dim3A_661, %broadcast_in_dim3A_662], %broadcast_in_dim3A_665 masked %eq3A_660 : memref<2x16xi32, #tpu.memory_space<vmem>>[vector<16xi32>, vector<16xi32>], vector<16xi32>, vector<16xi1>
            %add3A_666 = arith.constant 1 : i32
            %add3A_667 = arith.addi %while3A_615, %add3A_666 : i32
            %eq3A_668 = arith.constant 16 : i32
            %eq3A_669 = arith.cmpi eq, %add3A_667, %eq3A_668 : i32
            %convert_element_type3A_670 = arith.extui %eq3A_669 : i1 to i32
            %cond3A_671 = arith.constant 0 : i32
            %cond3A_672 = arith.cmpi ne, %convert_element_type3A_670, %cond3A_671 : i32
            %cond3A_673:2 = scf.if %cond3A_672 -> (i32, i32) {
              %dma_start3A_676 = arith.constant 0 : i32
              %dma_start3A_677 = arith.constant 0 : i32
              %dma_start3A_678 = tpu.memref_slice %arg17[%while3A_616, %dma_start3A_676, %dma_start3A_677] : memref<2x16x128xf32, #tpu.memory_space<vmem>> -> memref<1x16x128xf32, #tpu.memory_space<vmem>>
              %dma_start3A_679 = tpu.memref_squeeze %dma_start3A_678 : memref<1x16x128xf32, #tpu.memory_space<vmem>> -> memref<16x128xf32, #tpu.memory_space<vmem>>
              %dma_start3A_680 = arith.constant 0 : i32
              %dma_start3A_681 = tpu.memref_slice %arg18[%while3A_616, %dma_start3A_680] : memref<2x16xi32, #tpu.memory_space<vmem>> -> memref<1x16xi32, #tpu.memory_space<vmem>>
              %dma_start3A_682 = tpu.memref_squeeze %dma_start3A_681 : memref<1x16xi32, #tpu.memory_space<vmem>> -> memref<16xi32, #tpu.memory_space<vmem>>
              %dma_start3A_683 = arith.constant 0 : i32
              %dma_start3A_684 = arith.constant 0 : i32
              %dma_start3A_685 = tpu.memref_slice %arg7[%dma_start3A_683, %dma_start3A_684] : memref<16384x128xf32, #tpu.memory_space<hbm>> -> memref<16384x128xf32, #tpu.memory_space<hbm>>
              %dma_start3A_686 = arith.constant -1 : i32
              tpu.enqueue_indirect_dma source(%dma_start3A_679 : memref<16x128xf32, #tpu.memory_space<vmem>>) target(%dma_start3A_685 : memref<16384x128xf32, #tpu.memory_space<hbm>>) offsets(%dma_start3A_682 : memref<16xi32, #tpu.memory_space<vmem>>) offset_filter(%dma_start3A_686) semaphore(%arg20 : memref<!tpu.dma_semaphore, #tpu.memory_space<semaphore_mem>>)
              %ge3A_687 = arith.constant 1 : i32
              %ge3A_688 = arith.cmpi sge, %while3A_617, %ge3A_687 : i32
              %convert_element_type3A_689 = arith.extui %ge3A_688 : i1 to i32
              %cond3A_690 = arith.constant 0 : i32
              %cond3A_691 = arith.cmpi ne, %convert_element_type3A_689, %cond3A_690 : i32
              scf.if %cond3A_691 {
                %dma_wait3A_699 = arith.constant 0 : i32
                %dma_wait3A_700 = arith.constant 0 : i32
                %dma_wait3A_701 = arith.constant 0 : i32
                %dma_wait3A_702 = tpu.memref_slice %arg17[%dma_wait3A_699, %dma_wait3A_700, %dma_wait3A_701] : memref<2x16x128xf32, #tpu.memory_space<vmem>> -> memref<1x16x128xf32, #tpu.memory_space<vmem>>
                %dma_wait3A_703 = tpu.memref_squeeze %dma_wait3A_702 : memref<1x16x128xf32, #tpu.memory_space<vmem>> -> memref<16x128xf32, #tpu.memory_space<vmem>>
                %dma_wait3A_704 = arith.constant 0 : i32
                %dma_wait3A_705 = arith.constant 0 : i32
                %dma_wait3A_706 = tpu.memref_slice %arg7[%dma_wait3A_704, %dma_wait3A_705] : memref<16384x128xf32, #tpu.memory_space<hbm>> -> memref<16x128xf32, #tpu.memory_space<hbm>>
                %dma_wait3A_707 = arith.constant 0 : i32
                %dma_wait3A_708 = arith.constant 0 : i32
                %dma_wait3A_709 = tpu.memref_slice %arg7[%dma_wait3A_707, %dma_wait3A_708] : memref<16384x128xf32, #tpu.memory_space<hbm>> -> memref<16x128xf32, #tpu.memory_space<hbm>>
                %dma_wait3A_710 = arith.constant 0 : i32
                %dma_wait3A_711 = arith.constant 0 : i32
                %dma_wait3A_712 = tpu.memref_slice %arg17[%dma_wait3A_699, %dma_wait3A_710, %dma_wait3A_711] : memref<2x16x128xf32, #tpu.memory_space<vmem>> -> memref<1x16x128xf32, #tpu.memory_space<vmem>>
                %dma_wait3A_713 = tpu.memref_squeeze %dma_wait3A_712 : memref<1x16x128xf32, #tpu.memory_space<vmem>> -> memref<16x128xf32, #tpu.memory_space<vmem>>
                tpu.wait_dma2 semaphore(%arg20 : memref<!tpu.dma_semaphore, #tpu.memory_space<semaphore_mem>>) src(%dma_wait3A_713 : memref<16x128xf32, #tpu.memory_space<vmem>>) dst(%dma_wait3A_709 : memref<16x128xf32, #tpu.memory_space<hbm>>)
              } else {
              }
              %sub3A_692 = arith.constant 1 : i32
              %sub3A_693 = arith.subi %sub3A_692, %while3A_616 : i32
              %swap3A_694 = arith.index_cast %sub3A_693 : i32 to index
              %swap3A_695 = arith.constant 0 : index
              %swap3A_696 = tpu.vector_load %arg18[%swap3A_694, %swap3A_695] {strides = array<i32>} : memref<2x16xi32, #tpu.memory_space<vmem>>, vector<16xi32>,
              tpu.vector_store %arg18[%swap3A_694, %swap3A_695], %broadcast_in_dim3A_198 {strides = array<i32>} : memref<2x16xi32, #tpu.memory_space<vmem>>, vector<16xi32>,
              %add3A_697 = arith.constant 1 : i32
              %add3A_698 = arith.addi %while3A_617, %add3A_697 : i32
              scf.yield %sub3A_693, %add3A_698 : i32, i32
            } else {
              scf.yield %while3A_616, %while3A_617 : i32, i32
            }
            %rem3A_674 = arith.constant 16 : i32
            %rem3A_675 = arith.remsi %add3A_667, %rem3A_674 : i32
            scf.yield %rem3A_675, %cond3A_673#0, %cond3A_673#1 : i32, i32, i32
          }
          %while3A_612 = arith.constant 1 : i32
          %while3A_613:3 = scf.for %while3A_614 = %while3A_609 to %while3A_605 step %while3A_612 iter_args(%while3A_615 = %while3A_611#0, %while3A_616 = %while3A_611#1, %while3A_617 = %while3A_611#2) -> (i32, i32, i32)  : i32 {
            %get3A_618 = arith.index_cast %while3A_614 : i32 to index
            %get3A_619 = tpu.vector_load %arg10[%get3A_618] {strides = array<i32>} : memref<16400xi32, #tpu.memory_space<vmem>>, vector<16xi32>,
            %slice3A_620 = vector.extract_strided_slice %get3A_619 {offsets = [0], sizes = [1], strides = [1]} : vector<16xi32> to vector<1xi32>
            %squeeze3A_621 = vector.extract %slice3A_620[0] : i32 from vector<1xi32>
            %shift_right_logical3A = arith.constant 14 : i32
            %shift_right_logical3A_622 = arith.shrui %squeeze3A_621, %shift_right_logical3A : i32
            %and3A_623 = arith.constant 127 : i32
            %and3A_624 = arith.andi %shift_right_logical3A_622, %and3A_623 : i32
            %broadcast_in_dim3A_625 = vector.broadcast %and3A_624 : i32 to vector<16xi32>
            %broadcast_in_dim3A_626 = vector.broadcast %rem3A_548 : i32 to vector<16xi32>
            %add3A_627 = arith.constant 0 : i32
            %add3A_628 = vector.broadcast %add3A_627 : i32 to vector<16xi32>
            %add3A_629 = arith.addi %add3A_628, %iota3A : vector<16xi32>
            %gather3A = tpu.vector_load_idx %arg16[%broadcast_in_dim3A_626, %add3A_629, %broadcast_in_dim3A_625] : memref<9x64x128xf32, #tpu.memory_space<vmem>>[vector<16xi32>, vector<16xi32>, vector<16xi32>], vector<16xf32>,
            %swap3A_630 = arith.index_cast %while3A_616 : i32 to index
            %swap3A_631 = arith.index_cast %while3A_615 : i32 to index
            %swap3A_632 = arith.constant 0 : index
            %swap3A_633 = tpu.vector_load %arg17[%swap3A_630, %swap3A_631, %swap3A_632] {strides = array<i32>} : memref<2x16x128xf32, #tpu.memory_space<vmem>>, vector<16xf32>,
            tpu.vector_store %arg17[%swap3A_630, %swap3A_631, %swap3A_632], %gather3A {strides = array<i32>} : memref<2x16x128xf32, #tpu.memory_space<vmem>>, vector<16xf32>,
            %add3A_634 = arith.constant 16 : i32
            %add3A_635 = vector.broadcast %add3A_634 : i32 to vector<16xi32>
            %add3A_636 = arith.addi %add3A_635, %iota3A : vector<16xi32>
            %gather3A_637 = tpu.vector_load_idx %arg16[%broadcast_in_dim3A_626, %add3A_636, %broadcast_in_dim3A_625] : memref<9x64x128xf32, #tpu.memory_space<vmem>>[vector<16xi32>, vector<16xi32>, vector<16xi32>], vector<16xf32>,
            %swap3A_638 = arith.index_cast %while3A_616 : i32 to index
            %swap3A_639 = arith.index_cast %while3A_615 : i32 to index
            %swap3A_640 = arith.constant 16 : index
            %swap3A_641 = tpu.vector_load %arg17[%swap3A_638, %swap3A_639, %swap3A_640] {strides = array<i32>} : memref<2x16x128xf32, #tpu.memory_space<vmem>>, vector<16xf32>,
            tpu.vector_store %arg17[%swap3A_638, %swap3A_639, %swap3A_640], %gather3A_637 {strides = array<i32>} : memref<2x16x128xf32, #tpu.memory_space<vmem>>, vector<16xf32>,
            %add3A_642 = arith.constant 32 : i32
            %add3A_643 = vector.broadcast %add3A_642 : i32 to vector<16xi32>
            %add3A_644 = arith.addi %add3A_643, %iota3A : vector<16xi32>
            %gather3A_645 = tpu.vector_load_idx %arg16[%broadcast_in_dim3A_626, %add3A_644, %broadcast_in_dim3A_625] : memref<9x64x128xf32, #tpu.memory_space<vmem>>[vector<16xi32>, vector<16xi32>, vector<16xi32>], vector<16xf32>,
            %swap3A_646 = arith.index_cast %while3A_616 : i32 to index
            %swap3A_647 = arith.index_cast %while3A_615 : i32 to index
            %swap3A_648 = arith.constant 32 : index
            %swap3A_649 = tpu.vector_load %arg17[%swap3A_646, %swap3A_647, %swap3A_648] {strides = array<i32>} : memref<2x16x128xf32, #tpu.memory_space<vmem>>, vector<16xf32>,
            tpu.vector_store %arg17[%swap3A_646, %swap3A_647, %swap3A_648], %gather3A_645 {strides = array<i32>} : memref<2x16x128xf32, #tpu.memory_space<vmem>>, vector<16xf32>,
            %add3A_650 = arith.constant 48 : i32
            %add3A_651 = vector.broadcast %add3A_650 : i32 to vector<16xi32>
            %add3A_652 = arith.addi %add3A_651, %iota3A : vector<16xi32>
            %gather3A_653 = tpu.vector_load_idx %arg16[%broadcast_in_dim3A_626, %add3A_652, %broadcast_in_dim3A_625] : memref<9x64x128xf32, #tpu.memory_space<vmem>>[vector<16xi32>, vector<16xi32>, vector<16xi32>], vector<16xf32>,
            %swap3A_654 = arith.index_cast %while3A_616 : i32 to index
            %swap3A_655 = arith.index_cast %while3A_615 : i32 to index
            %swap3A_656 = arith.constant 48 : index
            %swap3A_657 = tpu.vector_load %arg17[%swap3A_654, %swap3A_655, %swap3A_656] {strides = array<i32>} : memref<2x16x128xf32, #tpu.memory_space<vmem>>, vector<16xf32>,
            tpu.vector_store %arg17[%swap3A_654, %swap3A_655, %swap3A_656], %gather3A_653 {strides = array<i32>} : memref<2x16x128xf32, #tpu.memory_space<vmem>>, vector<16xf32>,
            %eq3A_658 = arith.constant 0 : i32
            %eq3A_659 = vector.broadcast %eq3A_658 : i32 to vector<16xi32>
            %eq3A_660 = arith.cmpi eq, %iota3A, %eq3A_659 : vector<16xi32>
            %broadcast_in_dim3A_661 = vector.broadcast %while3A_616 : i32 to vector<16xi32>
            %broadcast_in_dim3A_662 = vector.broadcast %while3A_615 : i32 to vector<16xi32>
            %and3A_663 = arith.constant 16383 : i32
            %and3A_664 = arith.andi %squeeze3A_621, %and3A_663 : i32
            %broadcast_in_dim3A_665 = vector.broadcast %and3A_664 : i32 to vector<16xi32>
            tpu.vector_store_idx %arg18[%broadcast_in_dim3A_661, %broadcast_in_dim3A_662], %broadcast_in_dim3A_665 masked %eq3A_660 : memref<2x16xi32, #tpu.memory_space<vmem>>[vector<16xi32>, vector<16xi32>], vector<16xi32>, vector<16xi1>
            %add3A_666 = arith.constant 1 : i32
            %add3A_667 = arith.addi %while3A_615, %add3A_666 : i32
            %eq3A_668 = arith.constant 16 : i32
            %eq3A_669 = arith.cmpi eq, %add3A_667, %eq3A_668 : i32
            %convert_element_type3A_670 = arith.extui %eq3A_669 : i1 to i32
            %cond3A_671 = arith.constant 0 : i32
            %cond3A_672 = arith.cmpi ne, %convert_element_type3A_670, %cond3A_671 : i32
            %cond3A_673:2 = scf.if %cond3A_672 -> (i32, i32) {
              %dma_start3A_676 = arith.constant 0 : i32
              %dma_start3A_677 = arith.constant 0 : i32
              %dma_start3A_678 = tpu.memref_slice %arg17[%while3A_616, %dma_start3A_676, %dma_start3A_677] : memref<2x16x128xf32, #tpu.memory_space<vmem>> -> memref<1x16x128xf32, #tpu.memory_space<vmem>>
              %dma_start3A_679 = tpu.memref_squeeze %dma_start3A_678 : memref<1x16x128xf32, #tpu.memory_space<vmem>> -> memref<16x128xf32, #tpu.memory_space<vmem>>
              %dma_start3A_680 = arith.constant 0 : i32
              %dma_start3A_681 = tpu.memref_slice %arg18[%while3A_616, %dma_start3A_680] : memref<2x16xi32, #tpu.memory_space<vmem>> -> memref<1x16xi32, #tpu.memory_space<vmem>>
              %dma_start3A_682 = tpu.memref_squeeze %dma_start3A_681 : memref<1x16xi32, #tpu.memory_space<vmem>> -> memref<16xi32, #tpu.memory_space<vmem>>
              %dma_start3A_683 = arith.constant 0 : i32
              %dma_start3A_684 = arith.constant 0 : i32
              %dma_start3A_685 = tpu.memref_slice %arg7[%dma_start3A_683, %dma_start3A_684] : memref<16384x128xf32, #tpu.memory_space<hbm>> -> memref<16384x128xf32, #tpu.memory_space<hbm>>
              %dma_start3A_686 = arith.constant -1 : i32
              tpu.enqueue_indirect_dma source(%dma_start3A_679 : memref<16x128xf32, #tpu.memory_space<vmem>>) target(%dma_start3A_685 : memref<16384x128xf32, #tpu.memory_space<hbm>>) offsets(%dma_start3A_682 : memref<16xi32, #tpu.memory_space<vmem>>) offset_filter(%dma_start3A_686) semaphore(%arg20 : memref<!tpu.dma_semaphore, #tpu.memory_space<semaphore_mem>>)
              %ge3A_687 = arith.constant 1 : i32
              %ge3A_688 = arith.cmpi sge, %while3A_617, %ge3A_687 : i32
              %convert_element_type3A_689 = arith.extui %ge3A_688 : i1 to i32
              %cond3A_690 = arith.constant 0 : i32
              %cond3A_691 = arith.cmpi ne, %convert_element_type3A_689, %cond3A_690 : i32
              scf.if %cond3A_691 {
                %dma_wait3A_699 = arith.constant 0 : i32
                %dma_wait3A_700 = arith.constant 0 : i32
                %dma_wait3A_701 = arith.constant 0 : i32
                %dma_wait3A_702 = tpu.memref_slice %arg17[%dma_wait3A_699, %dma_wait3A_700, %dma_wait3A_701] : memref<2x16x128xf32, #tpu.memory_space<vmem>> -> memref<1x16x128xf32, #tpu.memory_space<vmem>>
                %dma_wait3A_703 = tpu.memref_squeeze %dma_wait3A_702 : memref<1x16x128xf32, #tpu.memory_space<vmem>> -> memref<16x128xf32, #tpu.memory_space<vmem>>
                %dma_wait3A_704 = arith.constant 0 : i32
                %dma_wait3A_705 = arith.constant 0 : i32
                %dma_wait3A_706 = tpu.memref_slice %arg7[%dma_wait3A_704, %dma_wait3A_705] : memref<16384x128xf32, #tpu.memory_space<hbm>> -> memref<16x128xf32, #tpu.memory_space<hbm>>
                %dma_wait3A_707 = arith.constant 0 : i32
                %dma_wait3A_708 = arith.constant 0 : i32
                %dma_wait3A_709 = tpu.memref_slice %arg7[%dma_wait3A_707, %dma_wait3A_708] : memref<16384x128xf32, #tpu.memory_space<hbm>> -> memref<16x128xf32, #tpu.memory_space<hbm>>
                %dma_wait3A_710 = arith.constant 0 : i32
                %dma_wait3A_711 = arith.constant 0 : i32
                %dma_wait3A_712 = tpu.memref_slice %arg17[%dma_wait3A_699, %dma_wait3A_710, %dma_wait3A_711] : memref<2x16x128xf32, #tpu.memory_space<vmem>> -> memref<1x16x128xf32, #tpu.memory_space<vmem>>
                %dma_wait3A_713 = tpu.memref_squeeze %dma_wait3A_712 : memref<1x16x128xf32, #tpu.memory_space<vmem>> -> memref<16x128xf32, #tpu.memory_space<vmem>>
                tpu.wait_dma2 semaphore(%arg20 : memref<!tpu.dma_semaphore, #tpu.memory_space<semaphore_mem>>) src(%dma_wait3A_713 : memref<16x128xf32, #tpu.memory_space<vmem>>) dst(%dma_wait3A_709 : memref<16x128xf32, #tpu.memory_space<hbm>>)
              } else {
              }
              %sub3A_692 = arith.constant 1 : i32
              %sub3A_693 = arith.subi %sub3A_692, %while3A_616 : i32
              %swap3A_694 = arith.index_cast %sub3A_693 : i32 to index
              %swap3A_695 = arith.constant 0 : index
              %swap3A_696 = tpu.vector_load %arg18[%swap3A_694, %swap3A_695] {strides = array<i32>} : memref<2x16xi32, #tpu.memory_space<vmem>>, vector<16xi32>,
              tpu.vector_store %arg18[%swap3A_694, %swap3A_695], %broadcast_in_dim3A_198 {strides = array<i32>} : memref<2x16xi32, #tpu.memory_space<vmem>>, vector<16xi32>,
              %add3A_697 = arith.constant 1 : i32
              %add3A_698 = arith.addi %while3A_617, %add3A_697 : i32
              scf.yield %sub3A_693, %add3A_698 : i32, i32
            } else {
              scf.yield %while3A_616, %while3A_617 : i32, i32
            }
            %rem3A_674 = arith.constant 16 : i32
            %rem3A_675 = arith.remsi %add3A_667, %rem3A_674 : i32
            scf.yield %rem3A_675, %cond3A_673#0, %cond3A_673#1 : i32, i32, i32
          }
          scf.yield %while3A_613#0, %while3A_613#1, %while3A_613#2 : i32, i32, i32
        }
        %dma_wait3A = arith.constant 0 : i32
        %dma_wait3A_420 = arith.constant 0 : i32
        %dma_wait3A_421 = arith.constant 0 : i32
        %dma_wait3A_422 = tpu.memref_slice %arg16[%dma_wait3A, %dma_wait3A_420, %dma_wait3A_421] : memref<9x64x128xf32, #tpu.memory_space<vmem>> -> memref<1x64x128xf32, #tpu.memory_space<vmem>>
        %dma_wait3A_423 = tpu.memref_squeeze %dma_wait3A_422 : memref<1x64x128xf32, #tpu.memory_space<vmem>> -> memref<64x128xf32, #tpu.memory_space<vmem>>
        %dma_wait3A_424 = arith.constant 0 : i32
        %dma_wait3A_425 = arith.constant 0 : i32
        %dma_wait3A_426 = tpu.memref_slice %arg3[%dma_wait3A_424, %dma_wait3A_425] : memref<64x1000000xf32, #tpu.memory_space<hbm>> -> memref<64x128xf32, #tpu.memory_space<hbm>>
        %dma_wait3A_427 = arith.constant 0 : i32
        %dma_wait3A_428 = arith.constant 0 : i32
        %dma_wait3A_429 = tpu.memref_slice %arg16[%dma_wait3A, %dma_wait3A_427, %dma_wait3A_428] : memref<9x64x128xf32, #tpu.memory_space<vmem>> -> memref<1x64x128xf32, #tpu.memory_space<vmem>>
        %dma_wait3A_430 = tpu.memref_squeeze %dma_wait3A_429 : memref<1x64x128xf32, #tpu.memory_space<vmem>> -> memref<64x128xf32, #tpu.memory_space<vmem>>
        %dma_wait3A_431 = arith.constant 0 : i32
        %dma_wait3A_432 = arith.constant 0 : i32
        %dma_wait3A_433 = tpu.memref_slice %arg3[%dma_wait3A_431, %dma_wait3A_432] : memref<64x1000000xf32, #tpu.memory_space<hbm>> -> memref<64x128xf32, #tpu.memory_space<hbm>>
        tpu.wait_dma2 semaphore(%arg19 : memref<!tpu.dma_semaphore, #tpu.memory_space<semaphore_mem>>) src(%dma_wait3A_433 : memref<64x128xf32, #tpu.memory_space<hbm>>) dst(%dma_wait3A_430 : memref<64x128xf32, #tpu.memory_space<vmem>>)
        %dma_wait3A_434 = arith.constant 1 : i32
        %dma_wait3A_435 = arith.constant 0 : i32
        %dma_wait3A_436 = arith.constant 0 : i32
        %dma_wait3A_437 = tpu.memref_slice %arg16[%dma_wait3A_434, %dma_wait3A_435, %dma_wait3A_436] : memref<9x64x128xf32, #tpu.memory_space<vmem>> -> memref<1x64x128xf32, #tpu.memory_space<vmem>>
        %dma_wait3A_438 = tpu.memref_squeeze %dma_wait3A_437 : memref<1x64x128xf32, #tpu.memory_space<vmem>> -> memref<64x128xf32, #tpu.memory_space<vmem>>
        %dma_wait3A_439 = arith.constant 0 : i32
        %dma_wait3A_440 = arith.constant 0 : i32
        %dma_wait3A_441 = tpu.memref_slice %arg3[%dma_wait3A_439, %dma_wait3A_440] : memref<64x1000000xf32, #tpu.memory_space<hbm>> -> memref<64x128xf32, #tpu.memory_space<hbm>>
        %dma_wait3A_442 = arith.constant 0 : i32
        %dma_wait3A_443 = arith.constant 0 : i32
        %dma_wait3A_444 = tpu.memref_slice %arg16[%dma_wait3A_434, %dma_wait3A_442, %dma_wait3A_443] : memref<9x64x128xf32, #tpu.memory_space<vmem>> -> memref<1x64x128xf32, #tpu.memory_space<vmem>>
        %dma_wait3A_445 = tpu.memref_squeeze %dma_wait3A_444 : memref<1x64x128xf32, #tpu.memory_space<vmem>> -> memref<64x128xf32, #tpu.memory_space<vmem>>
        %dma_wait3A_446 = arith.constant 0 : i32
        %dma_wait3A_447 = arith.constant 0 : i32
        %dma_wait3A_448 = tpu.memref_slice %arg3[%dma_wait3A_446, %dma_wait3A_447] : memref<64x1000000xf32, #tpu.memory_space<hbm>> -> memref<64x128xf32, #tpu.memory_space<hbm>>
        tpu.wait_dma2 semaphore(%arg19 : memref<!tpu.dma_semaphore, #tpu.memory_space<semaphore_mem>>) src(%dma_wait3A_448 : memref<64x128xf32, #tpu.memory_space<hbm>>) dst(%dma_wait3A_445 : memref<64x128xf32, #tpu.memory_space<vmem>>)
        %dma_wait3A_449 = arith.constant 2 : i32
        %dma_wait3A_450 = arith.constant 0 : i32
        %dma_wait3A_451 = arith.constant 0 : i32
        %dma_wait3A_452 = tpu.memref_slice %arg16[%dma_wait3A_449, %dma_wait3A_450, %dma_wait3A_451] : memref<9x64x128xf32, #tpu.memory_space<vmem>> -> memref<1x64x128xf32, #tpu.memory_space<vmem>>
        %dma_wait3A_453 = tpu.memref_squeeze %dma_wait3A_452 : memref<1x64x128xf32, #tpu.memory_space<vmem>> -> memref<64x128xf32, #tpu.memory_space<vmem>>
        %dma_wait3A_454 = arith.constant 0 : i32
        %dma_wait3A_455 = arith.constant 0 : i32
        %dma_wait3A_456 = tpu.memref_slice %arg3[%dma_wait3A_454, %dma_wait3A_455] : memref<64x1000000xf32, #tpu.memory_space<hbm>> -> memref<64x128xf32, #tpu.memory_space<hbm>>
        %dma_wait3A_457 = arith.constant 0 : i32
        %dma_wait3A_458 = arith.constant 0 : i32
        %dma_wait3A_459 = tpu.memref_slice %arg16[%dma_wait3A_449, %dma_wait3A_457, %dma_wait3A_458] : memref<9x64x128xf32, #tpu.memory_space<vmem>> -> memref<1x64x128xf32, #tpu.memory_space<vmem>>
        %dma_wait3A_460 = tpu.memref_squeeze %dma_wait3A_459 : memref<1x64x128xf32, #tpu.memory_space<vmem>> -> memref<64x128xf32, #tpu.memory_space<vmem>>
        %dma_wait3A_461 = arith.constant 0 : i32
        %dma_wait3A_462 = arith.constant 0 : i32
        %dma_wait3A_463 = tpu.memref_slice %arg3[%dma_wait3A_461, %dma_wait3A_462] : memref<64x1000000xf32, #tpu.memory_space<hbm>> -> memref<64x128xf32, #tpu.memory_space<hbm>>
        tpu.wait_dma2 semaphore(%arg19 : memref<!tpu.dma_semaphore, #tpu.memory_space<semaphore_mem>>) src(%dma_wait3A_463 : memref<64x128xf32, #tpu.memory_space<hbm>>) dst(%dma_wait3A_460 : memref<64x128xf32, #tpu.memory_space<vmem>>)
        %dma_wait3A_464 = arith.constant 3 : i32
        %dma_wait3A_465 = arith.constant 0 : i32
        %dma_wait3A_466 = arith.constant 0 : i32
        %dma_wait3A_467 = tpu.memref_slice %arg16[%dma_wait3A_464, %dma_wait3A_465, %dma_wait3A_466] : memref<9x64x128xf32, #tpu.memory_space<vmem>> -> memref<1x64x128xf32, #tpu.memory_space<vmem>>
        %dma_wait3A_468 = tpu.memref_squeeze %dma_wait3A_467 : memref<1x64x128xf32, #tpu.memory_space<vmem>> -> memref<64x128xf32, #tpu.memory_space<vmem>>
        %dma_wait3A_469 = arith.constant 0 : i32
        %dma_wait3A_470 = arith.constant 0 : i32
        %dma_wait3A_471 = tpu.memref_slice %arg3[%dma_wait3A_469, %dma_wait3A_470] : memref<64x1000000xf32, #tpu.memory_space<hbm>> -> memref<64x128xf32, #tpu.memory_space<hbm>>
        %dma_wait3A_472 = arith.constant 0 : i32
        %dma_wait3A_473 = arith.constant 0 : i32
        %dma_wait3A_474 = tpu.memref_slice %arg16[%dma_wait3A_464, %dma_wait3A_472, %dma_wait3A_473] : memref<9x64x128xf32, #tpu.memory_space<vmem>> -> memref<1x64x128xf32, #tpu.memory_space<vmem>>
        %dma_wait3A_475 = tpu.memref_squeeze %dma_wait3A_474 : memref<1x64x128xf32, #tpu.memory_space<vmem>> -> memref<64x128xf32, #tpu.memory_space<vmem>>
        %dma_wait3A_476 = arith.constant 0 : i32
        %dma_wait3A_477 = arith.constant 0 : i32
        %dma_wait3A_478 = tpu.memref_slice %arg3[%dma_wait3A_476, %dma_wait3A_477] : memref<64x1000000xf32, #tpu.memory_space<hbm>> -> memref<64x128xf32, #tpu.memory_space<hbm>>
        tpu.wait_dma2 semaphore(%arg19 : memref<!tpu.dma_semaphore, #tpu.memory_space<semaphore_mem>>) src(%dma_wait3A_478 : memref<64x128xf32, #tpu.memory_space<hbm>>) dst(%dma_wait3A_475 : memref<64x128xf32, #tpu.memory_space<vmem>>)
        %dma_wait3A_479 = arith.constant 4 : i32
        %dma_wait3A_480 = arith.constant 0 : i32
        %dma_wait3A_481 = arith.constant 0 : i32
        %dma_wait3A_482 = tpu.memref_slice %arg16[%dma_wait3A_479, %dma_wait3A_480, %dma_wait3A_481] : memref<9x64x128xf32, #tpu.memory_space<vmem>> -> memref<1x64x128xf32, #tpu.memory_space<vmem>>
        %dma_wait3A_483 = tpu.memref_squeeze %dma_wait3A_482 : memref<1x64x128xf32, #tpu.memory_space<vmem>> -> memref<64x128xf32, #tpu.memory_space<vmem>>
        %dma_wait3A_484 = arith.constant 0 : i32
        %dma_wait3A_485 = arith.constant 0 : i32
        %dma_wait3A_486 = tpu.memref_slice %arg3[%dma_wait3A_484, %dma_wait3A_485] : memref<64x1000000xf32, #tpu.memory_space<hbm>> -> memref<64x128xf32, #tpu.memory_space<hbm>>
        %dma_wait3A_487 = arith.constant 0 : i32
        %dma_wait3A_488 = arith.constant 0 : i32
        %dma_wait3A_489 = tpu.memref_slice %arg16[%dma_wait3A_479, %dma_wait3A_487, %dma_wait3A_488] : memref<9x64x128xf32, #tpu.memory_space<vmem>> -> memref<1x64x128xf32, #tpu.memory_space<vmem>>
        %dma_wait3A_490 = tpu.memref_squeeze %dma_wait3A_489 : memref<1x64x128xf32, #tpu.memory_space<vmem>> -> memref<64x128xf32, #tpu.memory_space<vmem>>
        %dma_wait3A_491 = arith.constant 0 : i32
        %dma_wait3A_492 = arith.constant 0 : i32
        %dma_wait3A_493 = tpu.memref_slice %arg3[%dma_wait3A_491, %dma_wait3A_492] : memref<64x1000000xf32, #tpu.memory_space<hbm>> -> memref<64x128xf32, #tpu.memory_space<hbm>>
        tpu.wait_dma2 semaphore(%arg19 : memref<!tpu.dma_semaphore, #tpu.memory_space<semaphore_mem>>) src(%dma_wait3A_493 : memref<64x128xf32, #tpu.memory_space<hbm>>) dst(%dma_wait3A_490 : memref<64x128xf32, #tpu.memory_space<vmem>>)
        %dma_wait3A_494 = arith.constant 5 : i32
        %dma_wait3A_495 = arith.constant 0 : i32
        %dma_wait3A_496 = arith.constant 0 : i32
        %dma_wait3A_497 = tpu.memref_slice %arg16[%dma_wait3A_494, %dma_wait3A_495, %dma_wait3A_496] : memref<9x64x128xf32, #tpu.memory_space<vmem>> -> memref<1x64x128xf32, #tpu.memory_space<vmem>>
        %dma_wait3A_498 = tpu.memref_squeeze %dma_wait3A_497 : memref<1x64x128xf32, #tpu.memory_space<vmem>> -> memref<64x128xf32, #tpu.memory_space<vmem>>
        %dma_wait3A_499 = arith.constant 0 : i32
        %dma_wait3A_500 = arith.constant 0 : i32
        %dma_wait3A_501 = tpu.memref_slice %arg3[%dma_wait3A_499, %dma_wait3A_500] : memref<64x1000000xf32, #tpu.memory_space<hbm>> -> memref<64x128xf32, #tpu.memory_space<hbm>>
        %dma_wait3A_502 = arith.constant 0 : i32
        %dma_wait3A_503 = arith.constant 0 : i32
        %dma_wait3A_504 = tpu.memref_slice %arg16[%dma_wait3A_494, %dma_wait3A_502, %dma_wait3A_503] : memref<9x64x128xf32, #tpu.memory_space<vmem>> -> memref<1x64x128xf32, #tpu.memory_space<vmem>>
        %dma_wait3A_505 = tpu.memref_squeeze %dma_wait3A_504 : memref<1x64x128xf32, #tpu.memory_space<vmem>> -> memref<64x128xf32, #tpu.memory_space<vmem>>
        %dma_wait3A_506 = arith.constant 0 : i32
        %dma_wait3A_507 = arith.constant 0 : i32
        %dma_wait3A_508 = tpu.memref_slice %arg3[%dma_wait3A_506, %dma_wait3A_507] : memref<64x1000000xf32, #tpu.memory_space<hbm>> -> memref<64x128xf32, #tpu.memory_space<hbm>>
        tpu.wait_dma2 semaphore(%arg19 : memref<!tpu.dma_semaphore, #tpu.memory_space<semaphore_mem>>) src(%dma_wait3A_508 : memref<64x128xf32, #tpu.memory_space<hbm>>) dst(%dma_wait3A_505 : memref<64x128xf32, #tpu.memory_space<vmem>>)
        %dma_wait3A_509 = arith.constant 6 : i32
        %dma_wait3A_510 = arith.constant 0 : i32
        %dma_wait3A_511 = arith.constant 0 : i32
        %dma_wait3A_512 = tpu.memref_slice %arg16[%dma_wait3A_509, %dma_wait3A_510, %dma_wait3A_511] : memref<9x64x128xf32, #tpu.memory_space<vmem>> -> memref<1x64x128xf32, #tpu.memory_space<vmem>>
        %dma_wait3A_513 = tpu.memref_squeeze %dma_wait3A_512 : memref<1x64x128xf32, #tpu.memory_space<vmem>> -> memref<64x128xf32, #tpu.memory_space<vmem>>
        %dma_wait3A_514 = arith.constant 0 : i32
        %dma_wait3A_515 = arith.constant 0 : i32
        %dma_wait3A_516 = tpu.memref_slice %arg3[%dma_wait3A_514, %dma_wait3A_515] : memref<64x1000000xf32, #tpu.memory_space<hbm>> -> memref<64x128xf32, #tpu.memory_space<hbm>>
        %dma_wait3A_517 = arith.constant 0 : i32
        %dma_wait3A_518 = arith.constant 0 : i32
        %dma_wait3A_519 = tpu.memref_slice %arg16[%dma_wait3A_509, %dma_wait3A_517, %dma_wait3A_518] : memref<9x64x128xf32, #tpu.memory_space<vmem>> -> memref<1x64x128xf32, #tpu.memory_space<vmem>>
        %dma_wait3A_520 = tpu.memref_squeeze %dma_wait3A_519 : memref<1x64x128xf32, #tpu.memory_space<vmem>> -> memref<64x128xf32, #tpu.memory_space<vmem>>
        %dma_wait3A_521 = arith.constant 0 : i32
        %dma_wait3A_522 = arith.constant 0 : i32
        %dma_wait3A_523 = tpu.memref_slice %arg3[%dma_wait3A_521, %dma_wait3A_522] : memref<64x1000000xf32, #tpu.memory_space<hbm>> -> memref<64x128xf32, #tpu.memory_space<hbm>>
        tpu.wait_dma2 semaphore(%arg19 : memref<!tpu.dma_semaphore, #tpu.memory_space<semaphore_mem>>) src(%dma_wait3A_523 : memref<64x128xf32, #tpu.memory_space<hbm>>) dst(%dma_wait3A_520 : memref<64x128xf32, #tpu.memory_space<vmem>>)
        %dma_wait3A_524 = arith.constant 7 : i32
        %dma_wait3A_525 = arith.constant 0 : i32
        %dma_wait3A_526 = arith.constant 0 : i32
        %dma_wait3A_527 = tpu.memref_slice %arg16[%dma_wait3A_524, %dma_wait3A_525, %dma_wait3A_526] : memref<9x64x128xf32, #tpu.memory_space<vmem>> -> memref<1x64x128xf32, #tpu.memory_space<vmem>>
        %dma_wait3A_528 = tpu.memref_squeeze %dma_wait3A_527 : memref<1x64x128xf32, #tpu.memory_space<vmem>> -> memref<64x128xf32, #tpu.memory_space<vmem>>
        %dma_wait3A_529 = arith.constant 0 : i32
        %dma_wait3A_530 = arith.constant 0 : i32
        %dma_wait3A_531 = tpu.memref_slice %arg3[%dma_wait3A_529, %dma_wait3A_530] : memref<64x1000000xf32, #tpu.memory_space<hbm>> -> memref<64x128xf32, #tpu.memory_space<hbm>>
        %dma_wait3A_532 = arith.constant 0 : i32
        %dma_wait3A_533 = arith.constant 0 : i32
        %dma_wait3A_534 = tpu.memref_slice %arg16[%dma_wait3A_524, %dma_wait3A_532, %dma_wait3A_533] : memref<9x64x128xf32, #tpu.memory_space<vmem>> -> memref<1x64x128xf32, #tpu.memory_space<vmem>>
        %dma_wait3A_535 = tpu.memref_squeeze %dma_wait3A_534 : memref<1x64x128xf32, #tpu.memory_space<vmem>> -> memref<64x128xf32, #tpu.memory_space<vmem>>
        %dma_wait3A_536 = arith.constant 0 : i32
        %dma_wait3A_537 = arith.constant 0 : i32
        %dma_wait3A_538 = tpu.memref_slice %arg3[%dma_wait3A_536, %dma_wait3A_537] : memref<64x1000000xf32, #tpu.memory_space<hbm>> -> memref<64x128xf32, #tpu.memory_space<hbm>>
        tpu.wait_dma2 semaphore(%arg19 : memref<!tpu.dma_semaphore, #tpu.memory_space<semaphore_mem>>) src(%dma_wait3A_538 : memref<64x128xf32, #tpu.memory_space<hbm>>) dst(%dma_wait3A_535 : memref<64x128xf32, #tpu.memory_space<vmem>>)
        "tpu.region"() ({
          %run_scoped3A = tpu.sem_alloc : memref<!tpu.dma_semaphore, #tpu.memory_space<semaphore_mem>>
          %dma_start3A_543 = arith.constant 0 : i32
          %dma_start3A_544 = arith.constant 0 : i32
          %dma_start3A_545 = tpu.memref_slice %arg17[%while3A_419#1, %dma_start3A_543, %dma_start3A_544] : memref<2x16x128xf32, #tpu.memory_space<vmem>> -> memref<1x16x128xf32, #tpu.memory_space<vmem>>
          %dma_start3A_546 = tpu.memref_squeeze %dma_start3A_545 : memref<1x16x128xf32, #tpu.memory_space<vmem>> -> memref<16x128xf32, #tpu.memory_space<vmem>>
          %dma_start3A_547 = arith.constant 0 : i32
          %dma_start3A_548 = tpu.memref_slice %arg18[%while3A_419#1, %dma_start3A_547] : memref<2x16xi32, #tpu.memory_space<vmem>> -> memref<1x16xi32, #tpu.memory_space<vmem>>
          %dma_start3A_549 = tpu.memref_squeeze %dma_start3A_548 : memref<1x16xi32, #tpu.memory_space<vmem>> -> memref<16xi32, #tpu.memory_space<vmem>>
          %dma_start3A_550 = arith.constant 0 : i32
          %dma_start3A_551 = arith.constant 0 : i32
          %dma_start3A_552 = tpu.memref_slice %arg7[%dma_start3A_550, %dma_start3A_551] : memref<16384x128xf32, #tpu.memory_space<hbm>> -> memref<16384x128xf32, #tpu.memory_space<hbm>>
          %dma_start3A_553 = arith.constant -1 : i32
          tpu.enqueue_indirect_dma source(%dma_start3A_546 : memref<16x128xf32, #tpu.memory_space<vmem>>) target(%dma_start3A_552 : memref<16384x128xf32, #tpu.memory_space<hbm>>) offsets(%dma_start3A_549 : memref<16xi32, #tpu.memory_space<vmem>>) offset_filter(%dma_start3A_553) semaphore(%run_scoped3A : memref<!tpu.dma_semaphore, #tpu.memory_space<semaphore_mem>>)
          %dma_wait3A_554 = arith.constant 0 : i32
          %dma_wait3A_555 = arith.constant 0 : i32
          %dma_wait3A_556 = tpu.memref_slice %arg17[%while3A_419#1, %dma_wait3A_554, %dma_wait3A_555] : memref<2x16x128xf32, #tpu.memory_space<vmem>> -> memref<1x16x128xf32, #tpu.memory_space<vmem>>
          %dma_wait3A_557 = tpu.memref_squeeze %dma_wait3A_556 : memref<1x16x128xf32, #tpu.memory_space<vmem>> -> memref<16x128xf32, #tpu.memory_space<vmem>>
          %dma_wait3A_558 = arith.constant 0 : i32
          %dma_wait3A_559 = tpu.memref_slice %arg18[%while3A_419#1, %dma_wait3A_558] : memref<2x16xi32, #tpu.memory_space<vmem>> -> memref<1x16xi32, #tpu.memory_space<vmem>>
          %dma_wait3A_560 = tpu.memref_squeeze %dma_wait3A_559 : memref<1x16xi32, #tpu.memory_space<vmem>> -> memref<16xi32, #tpu.memory_space<vmem>>
          %dma_wait3A_561 = arith.constant 0 : i32
          %dma_wait3A_562 = arith.constant 0 : i32
          %dma_wait3A_563 = tpu.memref_slice %arg7[%dma_wait3A_561, %dma_wait3A_562] : memref<16384x128xf32, #tpu.memory_space<hbm>> -> memref<16384x128xf32, #tpu.memory_space<hbm>>
          tpu.wait_indirect_dma semaphore(%run_scoped3A : memref<!tpu.dma_semaphore, #tpu.memory_space<semaphore_mem>>) src(%dma_wait3A_557 : memref<16x128xf32, #tpu.memory_space<vmem>>) dst(%dma_wait3A_563 : memref<16384x128xf32, #tpu.memory_space<hbm>>)
          tpu.yield
        }) : () -> ()
        %ge3A = arith.constant 1 : i32
        %ge3A_539 = arith.cmpi sge, %while3A_419#2, %ge3A : i32
        %convert_element_type3A_540 = arith.extui %ge3A_539 : i1 to i32
        %cond3A_541 = arith.constant 0 : i32
        %cond3A_542 = arith.cmpi ne, %convert_element_type3A_540, %cond3A_541 : i32
        scf.if %cond3A_542 {
          %dma_wait3A_543 = arith.constant 0 : i32
          %dma_wait3A_544 = arith.constant 0 : i32
          %dma_wait3A_545 = arith.constant 0 : i32
          %dma_wait3A_546 = tpu.memref_slice %arg17[%dma_wait3A_543, %dma_wait3A_544, %dma_wait3A_545] : memref<2x16x128xf32, #tpu.memory_space<vmem>> -> memref<1x16x128xf32, #tpu.memory_space<vmem>>
          %dma_wait3A_547 = tpu.memref_squeeze %dma_wait3A_546 : memref<1x16x128xf32, #tpu.memory_space<vmem>> -> memref<16x128xf32, #tpu.memory_space<vmem>>
          %dma_wait3A_548 = arith.constant 0 : i32
          %dma_wait3A_549 = arith.constant 0 : i32
          %dma_wait3A_550 = tpu.memref_slice %arg7[%dma_wait3A_548, %dma_wait3A_549] : memref<16384x128xf32, #tpu.memory_space<hbm>> -> memref<16x128xf32, #tpu.memory_space<hbm>>
          %dma_wait3A_551 = arith.constant 0 : i32
          %dma_wait3A_552 = arith.constant 0 : i32
          %dma_wait3A_553 = tpu.memref_slice %arg7[%dma_wait3A_551, %dma_wait3A_552] : memref<16384x128xf32, #tpu.memory_space<hbm>> -> memref<16x128xf32, #tpu.memory_space<hbm>>
          %dma_wait3A_554 = arith.constant 0 : i32
          %dma_wait3A_555 = arith.constant 0 : i32
          %dma_wait3A_556 = tpu.memref_slice %arg17[%dma_wait3A_543, %dma_wait3A_554, %dma_wait3A_555] : memref<2x16x128xf32, #tpu.memory_space<vmem>> -> memref<1x16x128xf32, #tpu.memory_space<vmem>>
          %dma_wait3A_557 = tpu.memref_squeeze %dma_wait3A_556 : memref<1x16x128xf32, #tpu.memory_space<vmem>> -> memref<16x128xf32, #tpu.memory_space<vmem>>
          tpu.wait_dma2 semaphore(%arg20 : memref<!tpu.dma_semaphore, #tpu.memory_space<semaphore_mem>>) src(%dma_wait3A_557 : memref<16x128xf32, #tpu.memory_space<vmem>>) dst(%dma_wait3A_553 : memref<16x128xf32, #tpu.memory_space<hbm>>)
        } else {
        }
      } else {
      }
    } else {
    }
    return
  }
}

#map = affine_map<(d0, d1) -> (0, 0)>
#map1 = affine_map<(d0, d1) -> (0)>
module attributes {stable_mosaic.version = 14 : i64} {
  func.func @_phase_b(%arg0: i32, %arg1: i32, %arg2: memref<16384x128xf32, #tpu.memory_space<hbm>>, %arg3: memref<16384x128xf32, #tpu.memory_space<hbm>>, %arg4: memref<16384xf32, #tpu.memory_space<hbm>>, %arg5: memref<256x128xf32, #tpu.memory_space<vmem>>, %arg6: memref<256x128xf32, #tpu.memory_space<vmem>>, %arg7: memref<512xf32, #tpu.memory_space<vmem>>, %arg8: memref<272xf32, #tpu.memory_space<vmem>>, %arg9: memref<!tpu.dma_semaphore, #tpu.memory_space<semaphore_mem>>) attributes {dimension_semantics = [#tpu.dimension_semantics<core_parallel>, #tpu.dimension_semantics<subcore_parallel>], iteration_bounds = array<i64: 2, 16>, scalar_prefetch = 0 : i64, scratch_operands = 5 : i64, tpu.core_type = #tpu.core_type<sc_vector_subcore>, window_params = [{transform_indices = #map}, {transform_indices = #map}, {transform_indices = #map1}]} {
    %mul3A = arith.constant 2 : i32
    %mul3A_0 = arith.muli %arg1, %mul3A : i32
    %add3A = arith.addi %mul3A_0, %arg0 : i32
    %mul3A_1 = arith.constant 512 : i32
    %mul3A_2 = arith.muli %add3A, %mul3A_1 : i32
    %iota3A = tpu.iota {dimensions = array<i32: 0>} : vector<16xi32>
    %mul3A_3 = arith.constant 17 : i32
    %mul3A_4 = vector.broadcast %mul3A_3 : i32 to vector<16xi32>
    %mul3A_5 = arith.muli %iota3A, %mul3A_4 : vector<16xi32>
    %scan3A = arith.constant 0 : i32
    %scan3A_6 = arith.constant 0 : i32
    %scan3A_7 = arith.constant 2 : i32
    %scan3A_8 = arith.addi %scan3A_6, %scan3A_7 : i32
    %scan3A_9 = arith.constant 1 : i32
    scf.for %scan3A_11 = %scan3A_6 to %scan3A_8 step %scan3A_9  : i32 {
      %mul3A_12 = arith.constant 256 : i32
      %mul3A_13 = arith.muli %scan3A_11, %mul3A_12 : i32
      %add3A_14 = arith.addi %mul3A_2, %mul3A_13 : i32
      %dma_start3A = arith.constant 0 : i32
      %dma_start3A_15 = tpu.memref_slice %arg2[%add3A_14, %dma_start3A] : memref<16384x128xf32, #tpu.memory_space<hbm>> -> memref<256x128xf32, #tpu.memory_space<hbm>>
      %dma_start3A_16 = arith.constant 0 : i32
      %dma_start3A_17 = tpu.memref_slice %arg2[%add3A_14, %dma_start3A_16] : memref<16384x128xf32, #tpu.memory_space<hbm>> -> memref<256x128xf32, #tpu.memory_space<hbm>>
      tpu.enqueue_dma source(%dma_start3A_17 : memref<256x128xf32, #tpu.memory_space<hbm>>) target(%arg5 : memref<256x128xf32, #tpu.memory_space<vmem>>) target_semaphore(%arg9 : memref<!tpu.dma_semaphore, #tpu.memory_space<semaphore_mem>>)
      %dma_start3A_18 = arith.constant 0 : i32
      %dma_start3A_19 = tpu.memref_slice %arg3[%add3A_14, %dma_start3A_18] : memref<16384x128xf32, #tpu.memory_space<hbm>> -> memref<256x128xf32, #tpu.memory_space<hbm>>
      %dma_start3A_20 = arith.constant 0 : i32
      %dma_start3A_21 = tpu.memref_slice %arg3[%add3A_14, %dma_start3A_20] : memref<16384x128xf32, #tpu.memory_space<hbm>> -> memref<256x128xf32, #tpu.memory_space<hbm>>
      tpu.enqueue_dma source(%dma_start3A_21 : memref<256x128xf32, #tpu.memory_space<hbm>>) target(%arg6 : memref<256x128xf32, #tpu.memory_space<vmem>>) target_semaphore(%arg9 : memref<!tpu.dma_semaphore, #tpu.memory_space<semaphore_mem>>)
      %dma_wait3A = arith.constant 0 : i32
      %dma_wait3A_22 = tpu.memref_slice %arg2[%add3A_14, %dma_wait3A] : memref<16384x128xf32, #tpu.memory_space<hbm>> -> memref<256x128xf32, #tpu.memory_space<hbm>>
      %dma_wait3A_23 = arith.constant 0 : i32
      %dma_wait3A_24 = tpu.memref_slice %arg2[%add3A_14, %dma_wait3A_23] : memref<16384x128xf32, #tpu.memory_space<hbm>> -> memref<256x128xf32, #tpu.memory_space<hbm>>
      tpu.wait_dma2 semaphore(%arg9 : memref<!tpu.dma_semaphore, #tpu.memory_space<semaphore_mem>>) src(%dma_wait3A_24 : memref<256x128xf32, #tpu.memory_space<hbm>>) dst(%arg5 : memref<256x128xf32, #tpu.memory_space<vmem>>)
      %dma_wait3A_25 = arith.constant 0 : i32
      %dma_wait3A_26 = tpu.memref_slice %arg3[%add3A_14, %dma_wait3A_25] : memref<16384x128xf32, #tpu.memory_space<hbm>> -> memref<256x128xf32, #tpu.memory_space<hbm>>
      %dma_wait3A_27 = arith.constant 0 : i32
      %dma_wait3A_28 = tpu.memref_slice %arg3[%add3A_14, %dma_wait3A_27] : memref<16384x128xf32, #tpu.memory_space<hbm>> -> memref<256x128xf32, #tpu.memory_space<hbm>>
      tpu.wait_dma2 semaphore(%arg9 : memref<!tpu.dma_semaphore, #tpu.memory_space<semaphore_mem>>) src(%dma_wait3A_28 : memref<256x128xf32, #tpu.memory_space<hbm>>) dst(%arg6 : memref<256x128xf32, #tpu.memory_space<vmem>>)
      %scan3A_29 = arith.constant 0 : i32
      %scan3A_30 = arith.constant 0 : i32
      %scan3A_31 = arith.constant 16 : i32
      %scan3A_32 = arith.addi %scan3A_30, %scan3A_31 : i32
      %scan3A_33 = arith.constant 1 : i32
      scf.for %scan3A_35 = %scan3A_30 to %scan3A_32 step %scan3A_33  : i32 {
        %mul3A_36 = arith.constant 16 : i32
        %mul3A_37 = arith.muli %scan3A_35, %mul3A_36 : i32
        %add3A_38 = arith.constant 0 : i32
        %add3A_39 = arith.addi %mul3A_37, %add3A_38 : i32
        %get3A = arith.index_cast %add3A_39 : i32 to index
        %get3A_40 = arith.constant 0 : index
        %get3A_41 = tpu.vector_load %arg5[%get3A, %get3A_40] {strides = array<i32>} : memref<256x128xf32, #tpu.memory_space<vmem>>, vector<16xf32>,
        %add3A_42 = arith.constant 0 : i32
        %add3A_43 = arith.addi %mul3A_37, %add3A_42 : i32
        %get3A_44 = arith.index_cast %add3A_43 : i32 to index
        %get3A_45 = arith.constant 0 : index
        %get3A_46 = tpu.vector_load %arg6[%get3A_44, %get3A_45] {strides = array<i32>} : memref<256x128xf32, #tpu.memory_space<vmem>>, vector<16xf32>,
        %mul3A_47 = arith.mulf %get3A_41, %get3A_46 : vector<16xf32>
        %add3A_48 = arith.constant 0 : i32
        %add3A_49 = arith.addi %mul3A_37, %add3A_48 : i32
        %get3A_50 = arith.index_cast %add3A_49 : i32 to index
        %get3A_51 = arith.constant 16 : index
        %get3A_52 = tpu.vector_load %arg5[%get3A_50, %get3A_51] {strides = array<i32>} : memref<256x128xf32, #tpu.memory_space<vmem>>, vector<16xf32>,
        %add3A_53 = arith.constant 0 : i32
        %add3A_54 = arith.addi %mul3A_37, %add3A_53 : i32
        %get3A_55 = arith.index_cast %add3A_54 : i32 to index
        %get3A_56 = arith.constant 16 : index
        %get3A_57 = tpu.vector_load %arg6[%get3A_55, %get3A_56] {strides = array<i32>} : memref<256x128xf32, #tpu.memory_space<vmem>>, vector<16xf32>,
        %mul3A_58 = arith.mulf %get3A_52, %get3A_57 : vector<16xf32>
        %add3A_59 = arith.addf %mul3A_47, %mul3A_58 : vector<16xf32>
        %add3A_60 = arith.constant 0 : i32
        %add3A_61 = arith.addi %mul3A_37, %add3A_60 : i32
        %get3A_62 = arith.index_cast %add3A_61 : i32 to index
        %get3A_63 = arith.constant 32 : index
        %get3A_64 = tpu.vector_load %arg5[%get3A_62, %get3A_63] {strides = array<i32>} : memref<256x128xf32, #tpu.memory_space<vmem>>, vector<16xf32>,
        %add3A_65 = arith.constant 0 : i32
        %add3A_66 = arith.addi %mul3A_37, %add3A_65 : i32
        %get3A_67 = arith.index_cast %add3A_66 : i32 to index
        %get3A_68 = arith.constant 32 : index
        %get3A_69 = tpu.vector_load %arg6[%get3A_67, %get3A_68] {strides = array<i32>} : memref<256x128xf32, #tpu.memory_space<vmem>>, vector<16xf32>,
        %mul3A_70 = arith.mulf %get3A_64, %get3A_69 : vector<16xf32>
        %add3A_71 = arith.addf %add3A_59, %mul3A_70 : vector<16xf32>
        %add3A_72 = arith.constant 0 : i32
        %add3A_73 = arith.addi %mul3A_37, %add3A_72 : i32
        %get3A_74 = arith.index_cast %add3A_73 : i32 to index
        %get3A_75 = arith.constant 48 : index
        %get3A_76 = tpu.vector_load %arg5[%get3A_74, %get3A_75] {strides = array<i32>} : memref<256x128xf32, #tpu.memory_space<vmem>>, vector<16xf32>,
        %add3A_77 = arith.constant 0 : i32
        %add3A_78 = arith.addi %mul3A_37, %add3A_77 : i32
        %get3A_79 = arith.index_cast %add3A_78 : i32 to index
        %get3A_80 = arith.constant 48 : index
        %get3A_81 = tpu.vector_load %arg6[%get3A_79, %get3A_80] {strides = array<i32>} : memref<256x128xf32, #tpu.memory_space<vmem>>, vector<16xf32>,
        %mul3A_82 = arith.mulf %get3A_76, %get3A_81 : vector<16xf32>
        %add3A_83 = arith.addf %add3A_71, %mul3A_82 : vector<16xf32>
        %add3A_84 = arith.constant 0 : i32
        %add3A_85 = vector.broadcast %add3A_84 : i32 to vector<16xi32>
        %add3A_86 = arith.addi %mul3A_5, %add3A_85 : vector<16xi32>
        tpu.vector_store_idx %arg8[%add3A_86], %add3A_83 : memref<272xf32, #tpu.memory_space<vmem>>[vector<16xi32>], vector<16xf32>,
        %add3A_87 = arith.constant 1 : i32
        %add3A_88 = arith.addi %mul3A_37, %add3A_87 : i32
        %get3A_89 = arith.index_cast %add3A_88 : i32 to index
        %get3A_90 = arith.constant 0 : index
        %get3A_91 = tpu.vector_load %arg5[%get3A_89, %get3A_90] {strides = array<i32>} : memref<256x128xf32, #tpu.memory_space<vmem>>, vector<16xf32>,
        %add3A_92 = arith.constant 1 : i32
        %add3A_93 = arith.addi %mul3A_37, %add3A_92 : i32
        %get3A_94 = arith.index_cast %add3A_93 : i32 to index
        %get3A_95 = arith.constant 0 : index
        %get3A_96 = tpu.vector_load %arg6[%get3A_94, %get3A_95] {strides = array<i32>} : memref<256x128xf32, #tpu.memory_space<vmem>>, vector<16xf32>,
        %mul3A_97 = arith.mulf %get3A_91, %get3A_96 : vector<16xf32>
        %add3A_98 = arith.constant 1 : i32
        %add3A_99 = arith.addi %mul3A_37, %add3A_98 : i32
        %get3A_100 = arith.index_cast %add3A_99 : i32 to index
        %get3A_101 = arith.constant 16 : index
        %get3A_102 = tpu.vector_load %arg5[%get3A_100, %get3A_101] {strides = array<i32>} : memref<256x128xf32, #tpu.memory_space<vmem>>, vector<16xf32>,
        %add3A_103 = arith.constant 1 : i32
        %add3A_104 = arith.addi %mul3A_37, %add3A_103 : i32
        %get3A_105 = arith.index_cast %add3A_104 : i32 to index
        %get3A_106 = arith.constant 16 : index
        %get3A_107 = tpu.vector_load %arg6[%get3A_105, %get3A_106] {strides = array<i32>} : memref<256x128xf32, #tpu.memory_space<vmem>>, vector<16xf32>,
        %mul3A_108 = arith.mulf %get3A_102, %get3A_107 : vector<16xf32>
        %add3A_109 = arith.addf %mul3A_97, %mul3A_108 : vector<16xf32>
        %add3A_110 = arith.constant 1 : i32
        %add3A_111 = arith.addi %mul3A_37, %add3A_110 : i32
        %get3A_112 = arith.index_cast %add3A_111 : i32 to index
        %get3A_113 = arith.constant 32 : index
        %get3A_114 = tpu.vector_load %arg5[%get3A_112, %get3A_113] {strides = array<i32>} : memref<256x128xf32, #tpu.memory_space<vmem>>, vector<16xf32>,
        %add3A_115 = arith.constant 1 : i32
        %add3A_116 = arith.addi %mul3A_37, %add3A_115 : i32
        %get3A_117 = arith.index_cast %add3A_116 : i32 to index
        %get3A_118 = arith.constant 32 : index
        %get3A_119 = tpu.vector_load %arg6[%get3A_117, %get3A_118] {strides = array<i32>} : memref<256x128xf32, #tpu.memory_space<vmem>>, vector<16xf32>,
        %mul3A_120 = arith.mulf %get3A_114, %get3A_119 : vector<16xf32>
        %add3A_121 = arith.addf %add3A_109, %mul3A_120 : vector<16xf32>
        %add3A_122 = arith.constant 1 : i32
        %add3A_123 = arith.addi %mul3A_37, %add3A_122 : i32
        %get3A_124 = arith.index_cast %add3A_123 : i32 to index
        %get3A_125 = arith.constant 48 : index
        %get3A_126 = tpu.vector_load %arg5[%get3A_124, %get3A_125] {strides = array<i32>} : memref<256x128xf32, #tpu.memory_space<vmem>>, vector<16xf32>,
        %add3A_127 = arith.constant 1 : i32
        %add3A_128 = arith.addi %mul3A_37, %add3A_127 : i32
        %get3A_129 = arith.index_cast %add3A_128 : i32 to index
        %get3A_130 = arith.constant 48 : index
        %get3A_131 = tpu.vector_load %arg6[%get3A_129, %get3A_130] {strides = array<i32>} : memref<256x128xf32, #tpu.memory_space<vmem>>, vector<16xf32>,
        %mul3A_132 = arith.mulf %get3A_126, %get3A_131 : vector<16xf32>
        %add3A_133 = arith.addf %add3A_121, %mul3A_132 : vector<16xf32>
        %add3A_134 = arith.constant 1 : i32
        %add3A_135 = vector.broadcast %add3A_134 : i32 to vector<16xi32>
        %add3A_136 = arith.addi %mul3A_5, %add3A_135 : vector<16xi32>
        tpu.vector_store_idx %arg8[%add3A_136], %add3A_133 : memref<272xf32, #tpu.memory_space<vmem>>[vector<16xi32>], vector<16xf32>,
        %add3A_137 = arith.constant 2 : i32
        %add3A_138 = arith.addi %mul3A_37, %add3A_137 : i32
        %get3A_139 = arith.index_cast %add3A_138 : i32 to index
        %get3A_140 = arith.constant 0 : index
        %get3A_141 = tpu.vector_load %arg5[%get3A_139, %get3A_140] {strides = array<i32>} : memref<256x128xf32, #tpu.memory_space<vmem>>, vector<16xf32>,
        %add3A_142 = arith.constant 2 : i32
        %add3A_143 = arith.addi %mul3A_37, %add3A_142 : i32
        %get3A_144 = arith.index_cast %add3A_143 : i32 to index
        %get3A_145 = arith.constant 0 : index
        %get3A_146 = tpu.vector_load %arg6[%get3A_144, %get3A_145] {strides = array<i32>} : memref<256x128xf32, #tpu.memory_space<vmem>>, vector<16xf32>,
        %mul3A_147 = arith.mulf %get3A_141, %get3A_146 : vector<16xf32>
        %add3A_148 = arith.constant 2 : i32
        %add3A_149 = arith.addi %mul3A_37, %add3A_148 : i32
        %get3A_150 = arith.index_cast %add3A_149 : i32 to index
        %get3A_151 = arith.constant 16 : index
        %get3A_152 = tpu.vector_load %arg5[%get3A_150, %get3A_151] {strides = array<i32>} : memref<256x128xf32, #tpu.memory_space<vmem>>, vector<16xf32>,
        %add3A_153 = arith.constant 2 : i32
        %add3A_154 = arith.addi %mul3A_37, %add3A_153 : i32
        %get3A_155 = arith.index_cast %add3A_154 : i32 to index
        %get3A_156 = arith.constant 16 : index
        %get3A_157 = tpu.vector_load %arg6[%get3A_155, %get3A_156] {strides = array<i32>} : memref<256x128xf32, #tpu.memory_space<vmem>>, vector<16xf32>,
        %mul3A_158 = arith.mulf %get3A_152, %get3A_157 : vector<16xf32>
        %add3A_159 = arith.addf %mul3A_147, %mul3A_158 : vector<16xf32>
        %add3A_160 = arith.constant 2 : i32
        %add3A_161 = arith.addi %mul3A_37, %add3A_160 : i32
        %get3A_162 = arith.index_cast %add3A_161 : i32 to index
        %get3A_163 = arith.constant 32 : index
        %get3A_164 = tpu.vector_load %arg5[%get3A_162, %get3A_163] {strides = array<i32>} : memref<256x128xf32, #tpu.memory_space<vmem>>, vector<16xf32>,
        %add3A_165 = arith.constant 2 : i32
        %add3A_166 = arith.addi %mul3A_37, %add3A_165 : i32
        %get3A_167 = arith.index_cast %add3A_166 : i32 to index
        %get3A_168 = arith.constant 32 : index
        %get3A_169 = tpu.vector_load %arg6[%get3A_167, %get3A_168] {strides = array<i32>} : memref<256x128xf32, #tpu.memory_space<vmem>>, vector<16xf32>,
        %mul3A_170 = arith.mulf %get3A_164, %get3A_169 : vector<16xf32>
        %add3A_171 = arith.addf %add3A_159, %mul3A_170 : vector<16xf32>
        %add3A_172 = arith.constant 2 : i32
        %add3A_173 = arith.addi %mul3A_37, %add3A_172 : i32
        %get3A_174 = arith.index_cast %add3A_173 : i32 to index
        %get3A_175 = arith.constant 48 : index
        %get3A_176 = tpu.vector_load %arg5[%get3A_174, %get3A_175] {strides = array<i32>} : memref<256x128xf32, #tpu.memory_space<vmem>>, vector<16xf32>,
        %add3A_177 = arith.constant 2 : i32
        %add3A_178 = arith.addi %mul3A_37, %add3A_177 : i32
        %get3A_179 = arith.index_cast %add3A_178 : i32 to index
        %get3A_180 = arith.constant 48 : index
        %get3A_181 = tpu.vector_load %arg6[%get3A_179, %get3A_180] {strides = array<i32>} : memref<256x128xf32, #tpu.memory_space<vmem>>, vector<16xf32>,
        %mul3A_182 = arith.mulf %get3A_176, %get3A_181 : vector<16xf32>
        %add3A_183 = arith.addf %add3A_171, %mul3A_182 : vector<16xf32>
        %add3A_184 = arith.constant 2 : i32
        %add3A_185 = vector.broadcast %add3A_184 : i32 to vector<16xi32>
        %add3A_186 = arith.addi %mul3A_5, %add3A_185 : vector<16xi32>
        tpu.vector_store_idx %arg8[%add3A_186], %add3A_183 : memref<272xf32, #tpu.memory_space<vmem>>[vector<16xi32>], vector<16xf32>,
        %add3A_187 = arith.constant 3 : i32
        %add3A_188 = arith.addi %mul3A_37, %add3A_187 : i32
        %get3A_189 = arith.index_cast %add3A_188 : i32 to index
        %get3A_190 = arith.constant 0 : index
        %get3A_191 = tpu.vector_load %arg5[%get3A_189, %get3A_190] {strides = array<i32>} : memref<256x128xf32, #tpu.memory_space<vmem>>, vector<16xf32>,
        %add3A_192 = arith.constant 3 : i32
        %add3A_193 = arith.addi %mul3A_37, %add3A_192 : i32
        %get3A_194 = arith.index_cast %add3A_193 : i32 to index
        %get3A_195 = arith.constant 0 : index
        %get3A_196 = tpu.vector_load %arg6[%get3A_194, %get3A_195] {strides = array<i32>} : memref<256x128xf32, #tpu.memory_space<vmem>>, vector<16xf32>,
        %mul3A_197 = arith.mulf %get3A_191, %get3A_196 : vector<16xf32>
        %add3A_198 = arith.constant 3 : i32
        %add3A_199 = arith.addi %mul3A_37, %add3A_198 : i32
        %get3A_200 = arith.index_cast %add3A_199 : i32 to index
        %get3A_201 = arith.constant 16 : index
        %get3A_202 = tpu.vector_load %arg5[%get3A_200, %get3A_201] {strides = array<i32>} : memref<256x128xf32, #tpu.memory_space<vmem>>, vector<16xf32>,
        %add3A_203 = arith.constant 3 : i32
        %add3A_204 = arith.addi %mul3A_37, %add3A_203 : i32
        %get3A_205 = arith.index_cast %add3A_204 : i32 to index
        %get3A_206 = arith.constant 16 : index
        %get3A_207 = tpu.vector_load %arg6[%get3A_205, %get3A_206] {strides = array<i32>} : memref<256x128xf32, #tpu.memory_space<vmem>>, vector<16xf32>,
        %mul3A_208 = arith.mulf %get3A_202, %get3A_207 : vector<16xf32>
        %add3A_209 = arith.addf %mul3A_197, %mul3A_208 : vector<16xf32>
        %add3A_210 = arith.constant 3 : i32
        %add3A_211 = arith.addi %mul3A_37, %add3A_210 : i32
        %get3A_212 = arith.index_cast %add3A_211 : i32 to index
        %get3A_213 = arith.constant 32 : index
        %get3A_214 = tpu.vector_load %arg5[%get3A_212, %get3A_213] {strides = array<i32>} : memref<256x128xf32, #tpu.memory_space<vmem>>, vector<16xf32>,
        %add3A_215 = arith.constant 3 : i32
        %add3A_216 = arith.addi %mul3A_37, %add3A_215 : i32
        %get3A_217 = arith.index_cast %add3A_216 : i32 to index
        %get3A_218 = arith.constant 32 : index
        %get3A_219 = tpu.vector_load %arg6[%get3A_217, %get3A_218] {strides = array<i32>} : memref<256x128xf32, #tpu.memory_space<vmem>>, vector<16xf32>,
        %mul3A_220 = arith.mulf %get3A_214, %get3A_219 : vector<16xf32>
        %add3A_221 = arith.addf %add3A_209, %mul3A_220 : vector<16xf32>
        %add3A_222 = arith.constant 3 : i32
        %add3A_223 = arith.addi %mul3A_37, %add3A_222 : i32
        %get3A_224 = arith.index_cast %add3A_223 : i32 to index
        %get3A_225 = arith.constant 48 : index
        %get3A_226 = tpu.vector_load %arg5[%get3A_224, %get3A_225] {strides = array<i32>} : memref<256x128xf32, #tpu.memory_space<vmem>>, vector<16xf32>,
        %add3A_227 = arith.constant 3 : i32
        %add3A_228 = arith.addi %mul3A_37, %add3A_227 : i32
        %get3A_229 = arith.index_cast %add3A_228 : i32 to index
        %get3A_230 = arith.constant 48 : index
        %get3A_231 = tpu.vector_load %arg6[%get3A_229, %get3A_230] {strides = array<i32>} : memref<256x128xf32, #tpu.memory_space<vmem>>, vector<16xf32>,
        %mul3A_232 = arith.mulf %get3A_226, %get3A_231 : vector<16xf32>
        %add3A_233 = arith.addf %add3A_221, %mul3A_232 : vector<16xf32>
        %add3A_234 = arith.constant 3 : i32
        %add3A_235 = vector.broadcast %add3A_234 : i32 to vector<16xi32>
        %add3A_236 = arith.addi %mul3A_5, %add3A_235 : vector<16xi32>
        tpu.vector_store_idx %arg8[%add3A_236], %add3A_233 : memref<272xf32, #tpu.memory_space<vmem>>[vector<16xi32>], vector<16xf32>,
        %add3A_237 = arith.constant 4 : i32
        %add3A_238 = arith.addi %mul3A_37, %add3A_237 : i32
        %get3A_239 = arith.index_cast %add3A_238 : i32 to index
        %get3A_240 = arith.constant 0 : index
        %get3A_241 = tpu.vector_load %arg5[%get3A_239, %get3A_240] {strides = array<i32>} : memref<256x128xf32, #tpu.memory_space<vmem>>, vector<16xf32>,
        %add3A_242 = arith.constant 4 : i32
        %add3A_243 = arith.addi %mul3A_37, %add3A_242 : i32
        %get3A_244 = arith.index_cast %add3A_243 : i32 to index
        %get3A_245 = arith.constant 0 : index
        %get3A_246 = tpu.vector_load %arg6[%get3A_244, %get3A_245] {strides = array<i32>} : memref<256x128xf32, #tpu.memory_space<vmem>>, vector<16xf32>,
        %mul3A_247 = arith.mulf %get3A_241, %get3A_246 : vector<16xf32>
        %add3A_248 = arith.constant 4 : i32
        %add3A_249 = arith.addi %mul3A_37, %add3A_248 : i32
        %get3A_250 = arith.index_cast %add3A_249 : i32 to index
        %get3A_251 = arith.constant 16 : index
        %get3A_252 = tpu.vector_load %arg5[%get3A_250, %get3A_251] {strides = array<i32>} : memref<256x128xf32, #tpu.memory_space<vmem>>, vector<16xf32>,
        %add3A_253 = arith.constant 4 : i32
        %add3A_254 = arith.addi %mul3A_37, %add3A_253 : i32
        %get3A_255 = arith.index_cast %add3A_254 : i32 to index
        %get3A_256 = arith.constant 16 : index
        %get3A_257 = tpu.vector_load %arg6[%get3A_255, %get3A_256] {strides = array<i32>} : memref<256x128xf32, #tpu.memory_space<vmem>>, vector<16xf32>,
        %mul3A_258 = arith.mulf %get3A_252, %get3A_257 : vector<16xf32>
        %add3A_259 = arith.addf %mul3A_247, %mul3A_258 : vector<16xf32>
        %add3A_260 = arith.constant 4 : i32
        %add3A_261 = arith.addi %mul3A_37, %add3A_260 : i32
        %get3A_262 = arith.index_cast %add3A_261 : i32 to index
        %get3A_263 = arith.constant 32 : index
        %get3A_264 = tpu.vector_load %arg5[%get3A_262, %get3A_263] {strides = array<i32>} : memref<256x128xf32, #tpu.memory_space<vmem>>, vector<16xf32>,
        %add3A_265 = arith.constant 4 : i32
        %add3A_266 = arith.addi %mul3A_37, %add3A_265 : i32
        %get3A_267 = arith.index_cast %add3A_266 : i32 to index
        %get3A_268 = arith.constant 32 : index
        %get3A_269 = tpu.vector_load %arg6[%get3A_267, %get3A_268] {strides = array<i32>} : memref<256x128xf32, #tpu.memory_space<vmem>>, vector<16xf32>,
        %mul3A_270 = arith.mulf %get3A_264, %get3A_269 : vector<16xf32>
        %add3A_271 = arith.addf %add3A_259, %mul3A_270 : vector<16xf32>
        %add3A_272 = arith.constant 4 : i32
        %add3A_273 = arith.addi %mul3A_37, %add3A_272 : i32
        %get3A_274 = arith.index_cast %add3A_273 : i32 to index
        %get3A_275 = arith.constant 48 : index
        %get3A_276 = tpu.vector_load %arg5[%get3A_274, %get3A_275] {strides = array<i32>} : memref<256x128xf32, #tpu.memory_space<vmem>>, vector<16xf32>,
        %add3A_277 = arith.constant 4 : i32
        %add3A_278 = arith.addi %mul3A_37, %add3A_277 : i32
        %get3A_279 = arith.index_cast %add3A_278 : i32 to index
        %get3A_280 = arith.constant 48 : index
        %get3A_281 = tpu.vector_load %arg6[%get3A_279, %get3A_280] {strides = array<i32>} : memref<256x128xf32, #tpu.memory_space<vmem>>, vector<16xf32>,
        %mul3A_282 = arith.mulf %get3A_276, %get3A_281 : vector<16xf32>
        %add3A_283 = arith.addf %add3A_271, %mul3A_282 : vector<16xf32>
        %add3A_284 = arith.constant 4 : i32
        %add3A_285 = vector.broadcast %add3A_284 : i32 to vector<16xi32>
        %add3A_286 = arith.addi %mul3A_5, %add3A_285 : vector<16xi32>
        tpu.vector_store_idx %arg8[%add3A_286], %add3A_283 : memref<272xf32, #tpu.memory_space<vmem>>[vector<16xi32>], vector<16xf32>,
        %add3A_287 = arith.constant 5 : i32
        %add3A_288 = arith.addi %mul3A_37, %add3A_287 : i32
        %get3A_289 = arith.index_cast %add3A_288 : i32 to index
        %get3A_290 = arith.constant 0 : index
        %get3A_291 = tpu.vector_load %arg5[%get3A_289, %get3A_290] {strides = array<i32>} : memref<256x128xf32, #tpu.memory_space<vmem>>, vector<16xf32>,
        %add3A_292 = arith.constant 5 : i32
        %add3A_293 = arith.addi %mul3A_37, %add3A_292 : i32
        %get3A_294 = arith.index_cast %add3A_293 : i32 to index
        %get3A_295 = arith.constant 0 : index
        %get3A_296 = tpu.vector_load %arg6[%get3A_294, %get3A_295] {strides = array<i32>} : memref<256x128xf32, #tpu.memory_space<vmem>>, vector<16xf32>,
        %mul3A_297 = arith.mulf %get3A_291, %get3A_296 : vector<16xf32>
        %add3A_298 = arith.constant 5 : i32
        %add3A_299 = arith.addi %mul3A_37, %add3A_298 : i32
        %get3A_300 = arith.index_cast %add3A_299 : i32 to index
        %get3A_301 = arith.constant 16 : index
        %get3A_302 = tpu.vector_load %arg5[%get3A_300, %get3A_301] {strides = array<i32>} : memref<256x128xf32, #tpu.memory_space<vmem>>, vector<16xf32>,
        %add3A_303 = arith.constant 5 : i32
        %add3A_304 = arith.addi %mul3A_37, %add3A_303 : i32
        %get3A_305 = arith.index_cast %add3A_304 : i32 to index
        %get3A_306 = arith.constant 16 : index
        %get3A_307 = tpu.vector_load %arg6[%get3A_305, %get3A_306] {strides = array<i32>} : memref<256x128xf32, #tpu.memory_space<vmem>>, vector<16xf32>,
        %mul3A_308 = arith.mulf %get3A_302, %get3A_307 : vector<16xf32>
        %add3A_309 = arith.addf %mul3A_297, %mul3A_308 : vector<16xf32>
        %add3A_310 = arith.constant 5 : i32
        %add3A_311 = arith.addi %mul3A_37, %add3A_310 : i32
        %get3A_312 = arith.index_cast %add3A_311 : i32 to index
        %get3A_313 = arith.constant 32 : index
        %get3A_314 = tpu.vector_load %arg5[%get3A_312, %get3A_313] {strides = array<i32>} : memref<256x128xf32, #tpu.memory_space<vmem>>, vector<16xf32>,
        %add3A_315 = arith.constant 5 : i32
        %add3A_316 = arith.addi %mul3A_37, %add3A_315 : i32
        %get3A_317 = arith.index_cast %add3A_316 : i32 to index
        %get3A_318 = arith.constant 32 : index
        %get3A_319 = tpu.vector_load %arg6[%get3A_317, %get3A_318] {strides = array<i32>} : memref<256x128xf32, #tpu.memory_space<vmem>>, vector<16xf32>,
        %mul3A_320 = arith.mulf %get3A_314, %get3A_319 : vector<16xf32>
        %add3A_321 = arith.addf %add3A_309, %mul3A_320 : vector<16xf32>
        %add3A_322 = arith.constant 5 : i32
        %add3A_323 = arith.addi %mul3A_37, %add3A_322 : i32
        %get3A_324 = arith.index_cast %add3A_323 : i32 to index
        %get3A_325 = arith.constant 48 : index
        %get3A_326 = tpu.vector_load %arg5[%get3A_324, %get3A_325] {strides = array<i32>} : memref<256x128xf32, #tpu.memory_space<vmem>>, vector<16xf32>,
        %add3A_327 = arith.constant 5 : i32
        %add3A_328 = arith.addi %mul3A_37, %add3A_327 : i32
        %get3A_329 = arith.index_cast %add3A_328 : i32 to index
        %get3A_330 = arith.constant 48 : index
        %get3A_331 = tpu.vector_load %arg6[%get3A_329, %get3A_330] {strides = array<i32>} : memref<256x128xf32, #tpu.memory_space<vmem>>, vector<16xf32>,
        %mul3A_332 = arith.mulf %get3A_326, %get3A_331 : vector<16xf32>
        %add3A_333 = arith.addf %add3A_321, %mul3A_332 : vector<16xf32>
        %add3A_334 = arith.constant 5 : i32
        %add3A_335 = vector.broadcast %add3A_334 : i32 to vector<16xi32>
        %add3A_336 = arith.addi %mul3A_5, %add3A_335 : vector<16xi32>
        tpu.vector_store_idx %arg8[%add3A_336], %add3A_333 : memref<272xf32, #tpu.memory_space<vmem>>[vector<16xi32>], vector<16xf32>,
        %add3A_337 = arith.constant 6 : i32
        %add3A_338 = arith.addi %mul3A_37, %add3A_337 : i32
        %get3A_339 = arith.index_cast %add3A_338 : i32 to index
        %get3A_340 = arith.constant 0 : index
        %get3A_341 = tpu.vector_load %arg5[%get3A_339, %get3A_340] {strides = array<i32>} : memref<256x128xf32, #tpu.memory_space<vmem>>, vector<16xf32>,
        %add3A_342 = arith.constant 6 : i32
        %add3A_343 = arith.addi %mul3A_37, %add3A_342 : i32
        %get3A_344 = arith.index_cast %add3A_343 : i32 to index
        %get3A_345 = arith.constant 0 : index
        %get3A_346 = tpu.vector_load %arg6[%get3A_344, %get3A_345] {strides = array<i32>} : memref<256x128xf32, #tpu.memory_space<vmem>>, vector<16xf32>,
        %mul3A_347 = arith.mulf %get3A_341, %get3A_346 : vector<16xf32>
        %add3A_348 = arith.constant 6 : i32
        %add3A_349 = arith.addi %mul3A_37, %add3A_348 : i32
        %get3A_350 = arith.index_cast %add3A_349 : i32 to index
        %get3A_351 = arith.constant 16 : index
        %get3A_352 = tpu.vector_load %arg5[%get3A_350, %get3A_351] {strides = array<i32>} : memref<256x128xf32, #tpu.memory_space<vmem>>, vector<16xf32>,
        %add3A_353 = arith.constant 6 : i32
        %add3A_354 = arith.addi %mul3A_37, %add3A_353 : i32
        %get3A_355 = arith.index_cast %add3A_354 : i32 to index
        %get3A_356 = arith.constant 16 : index
        %get3A_357 = tpu.vector_load %arg6[%get3A_355, %get3A_356] {strides = array<i32>} : memref<256x128xf32, #tpu.memory_space<vmem>>, vector<16xf32>,
        %mul3A_358 = arith.mulf %get3A_352, %get3A_357 : vector<16xf32>
        %add3A_359 = arith.addf %mul3A_347, %mul3A_358 : vector<16xf32>
        %add3A_360 = arith.constant 6 : i32
        %add3A_361 = arith.addi %mul3A_37, %add3A_360 : i32
        %get3A_362 = arith.index_cast %add3A_361 : i32 to index
        %get3A_363 = arith.constant 32 : index
        %get3A_364 = tpu.vector_load %arg5[%get3A_362, %get3A_363] {strides = array<i32>} : memref<256x128xf32, #tpu.memory_space<vmem>>, vector<16xf32>,
        %add3A_365 = arith.constant 6 : i32
        %add3A_366 = arith.addi %mul3A_37, %add3A_365 : i32
        %get3A_367 = arith.index_cast %add3A_366 : i32 to index
        %get3A_368 = arith.constant 32 : index
        %get3A_369 = tpu.vector_load %arg6[%get3A_367, %get3A_368] {strides = array<i32>} : memref<256x128xf32, #tpu.memory_space<vmem>>, vector<16xf32>,
        %mul3A_370 = arith.mulf %get3A_364, %get3A_369 : vector<16xf32>
        %add3A_371 = arith.addf %add3A_359, %mul3A_370 : vector<16xf32>
        %add3A_372 = arith.constant 6 : i32
        %add3A_373 = arith.addi %mul3A_37, %add3A_372 : i32
        %get3A_374 = arith.index_cast %add3A_373 : i32 to index
        %get3A_375 = arith.constant 48 : index
        %get3A_376 = tpu.vector_load %arg5[%get3A_374, %get3A_375] {strides = array<i32>} : memref<256x128xf32, #tpu.memory_space<vmem>>, vector<16xf32>,
        %add3A_377 = arith.constant 6 : i32
        %add3A_378 = arith.addi %mul3A_37, %add3A_377 : i32
        %get3A_379 = arith.index_cast %add3A_378 : i32 to index
        %get3A_380 = arith.constant 48 : index
        %get3A_381 = tpu.vector_load %arg6[%get3A_379, %get3A_380] {strides = array<i32>} : memref<256x128xf32, #tpu.memory_space<vmem>>, vector<16xf32>,
        %mul3A_382 = arith.mulf %get3A_376, %get3A_381 : vector<16xf32>
        %add3A_383 = arith.addf %add3A_371, %mul3A_382 : vector<16xf32>
        %add3A_384 = arith.constant 6 : i32
        %add3A_385 = vector.broadcast %add3A_384 : i32 to vector<16xi32>
        %add3A_386 = arith.addi %mul3A_5, %add3A_385 : vector<16xi32>
        tpu.vector_store_idx %arg8[%add3A_386], %add3A_383 : memref<272xf32, #tpu.memory_space<vmem>>[vector<16xi32>], vector<16xf32>,
        %add3A_387 = arith.constant 7 : i32
        %add3A_388 = arith.addi %mul3A_37, %add3A_387 : i32
        %get3A_389 = arith.index_cast %add3A_388 : i32 to index
        %get3A_390 = arith.constant 0 : index
        %get3A_391 = tpu.vector_load %arg5[%get3A_389, %get3A_390] {strides = array<i32>} : memref<256x128xf32, #tpu.memory_space<vmem>>, vector<16xf32>,
        %add3A_392 = arith.constant 7 : i32
        %add3A_393 = arith.addi %mul3A_37, %add3A_392 : i32
        %get3A_394 = arith.index_cast %add3A_393 : i32 to index
        %get3A_395 = arith.constant 0 : index
        %get3A_396 = tpu.vector_load %arg6[%get3A_394, %get3A_395] {strides = array<i32>} : memref<256x128xf32, #tpu.memory_space<vmem>>, vector<16xf32>,
        %mul3A_397 = arith.mulf %get3A_391, %get3A_396 : vector<16xf32>
        %add3A_398 = arith.constant 7 : i32
        %add3A_399 = arith.addi %mul3A_37, %add3A_398 : i32
        %get3A_400 = arith.index_cast %add3A_399 : i32 to index
        %get3A_401 = arith.constant 16 : index
        %get3A_402 = tpu.vector_load %arg5[%get3A_400, %get3A_401] {strides = array<i32>} : memref<256x128xf32, #tpu.memory_space<vmem>>, vector<16xf32>,
        %add3A_403 = arith.constant 7 : i32
        %add3A_404 = arith.addi %mul3A_37, %add3A_403 : i32
        %get3A_405 = arith.index_cast %add3A_404 : i32 to index
        %get3A_406 = arith.constant 16 : index
        %get3A_407 = tpu.vector_load %arg6[%get3A_405, %get3A_406] {strides = array<i32>} : memref<256x128xf32, #tpu.memory_space<vmem>>, vector<16xf32>,
        %mul3A_408 = arith.mulf %get3A_402, %get3A_407 : vector<16xf32>
        %add3A_409 = arith.addf %mul3A_397, %mul3A_408 : vector<16xf32>
        %add3A_410 = arith.constant 7 : i32
        %add3A_411 = arith.addi %mul3A_37, %add3A_410 : i32
        %get3A_412 = arith.index_cast %add3A_411 : i32 to index
        %get3A_413 = arith.constant 32 : index
        %get3A_414 = tpu.vector_load %arg5[%get3A_412, %get3A_413] {strides = array<i32>} : memref<256x128xf32, #tpu.memory_space<vmem>>, vector<16xf32>,
        %add3A_415 = arith.constant 7 : i32
        %add3A_416 = arith.addi %mul3A_37, %add3A_415 : i32
        %get3A_417 = arith.index_cast %add3A_416 : i32 to index
        %get3A_418 = arith.constant 32 : index
        %get3A_419 = tpu.vector_load %arg6[%get3A_417, %get3A_418] {strides = array<i32>} : memref<256x128xf32, #tpu.memory_space<vmem>>, vector<16xf32>,
        %mul3A_420 = arith.mulf %get3A_414, %get3A_419 : vector<16xf32>
        %add3A_421 = arith.addf %add3A_409, %mul3A_420 : vector<16xf32>
        %add3A_422 = arith.constant 7 : i32
        %add3A_423 = arith.addi %mul3A_37, %add3A_422 : i32
        %get3A_424 = arith.index_cast %add3A_423 : i32 to index
        %get3A_425 = arith.constant 48 : index
        %get3A_426 = tpu.vector_load %arg5[%get3A_424, %get3A_425] {strides = array<i32>} : memref<256x128xf32, #tpu.memory_space<vmem>>, vector<16xf32>,
        %add3A_427 = arith.constant 7 : i32
        %add3A_428 = arith.addi %mul3A_37, %add3A_427 : i32
        %get3A_429 = arith.index_cast %add3A_428 : i32 to index
        %get3A_430 = arith.constant 48 : index
        %get3A_431 = tpu.vector_load %arg6[%get3A_429, %get3A_430] {strides = array<i32>} : memref<256x128xf32, #tpu.memory_space<vmem>>, vector<16xf32>,
        %mul3A_432 = arith.mulf %get3A_426, %get3A_431 : vector<16xf32>
        %add3A_433 = arith.addf %add3A_421, %mul3A_432 : vector<16xf32>
        %add3A_434 = arith.constant 7 : i32
        %add3A_435 = vector.broadcast %add3A_434 : i32 to vector<16xi32>
        %add3A_436 = arith.addi %mul3A_5, %add3A_435 : vector<16xi32>
        tpu.vector_store_idx %arg8[%add3A_436], %add3A_433 : memref<272xf32, #tpu.memory_space<vmem>>[vector<16xi32>], vector<16xf32>,
        %add3A_437 = arith.constant 8 : i32
        %add3A_438 = arith.addi %mul3A_37, %add3A_437 : i32
        %get3A_439 = arith.index_cast %add3A_438 : i32 to index
        %get3A_440 = arith.constant 0 : index
        %get3A_441 = tpu.vector_load %arg5[%get3A_439, %get3A_440] {strides = array<i32>} : memref<256x128xf32, #tpu.memory_space<vmem>>, vector<16xf32>,
        %add3A_442 = arith.constant 8 : i32
        %add3A_443 = arith.addi %mul3A_37, %add3A_442 : i32
        %get3A_444 = arith.index_cast %add3A_443 : i32 to index
        %get3A_445 = arith.constant 0 : index
        %get3A_446 = tpu.vector_load %arg6[%get3A_444, %get3A_445] {strides = array<i32>} : memref<256x128xf32, #tpu.memory_space<vmem>>, vector<16xf32>,
        %mul3A_447 = arith.mulf %get3A_441, %get3A_446 : vector<16xf32>
        %add3A_448 = arith.constant 8 : i32
        %add3A_449 = arith.addi %mul3A_37, %add3A_448 : i32
        %get3A_450 = arith.index_cast %add3A_449 : i32 to index
        %get3A_451 = arith.constant 16 : index
        %get3A_452 = tpu.vector_load %arg5[%get3A_450, %get3A_451] {strides = array<i32>} : memref<256x128xf32, #tpu.memory_space<vmem>>, vector<16xf32>,
        %add3A_453 = arith.constant 8 : i32
        %add3A_454 = arith.addi %mul3A_37, %add3A_453 : i32
        %get3A_455 = arith.index_cast %add3A_454 : i32 to index
        %get3A_456 = arith.constant 16 : index
        %get3A_457 = tpu.vector_load %arg6[%get3A_455, %get3A_456] {strides = array<i32>} : memref<256x128xf32, #tpu.memory_space<vmem>>, vector<16xf32>,
        %mul3A_458 = arith.mulf %get3A_452, %get3A_457 : vector<16xf32>
        %add3A_459 = arith.addf %mul3A_447, %mul3A_458 : vector<16xf32>
        %add3A_460 = arith.constant 8 : i32
        %add3A_461 = arith.addi %mul3A_37, %add3A_460 : i32
        %get3A_462 = arith.index_cast %add3A_461 : i32 to index
        %get3A_463 = arith.constant 32 : index
        %get3A_464 = tpu.vector_load %arg5[%get3A_462, %get3A_463] {strides = array<i32>} : memref<256x128xf32, #tpu.memory_space<vmem>>, vector<16xf32>,
        %add3A_465 = arith.constant 8 : i32
        %add3A_466 = arith.addi %mul3A_37, %add3A_465 : i32
        %get3A_467 = arith.index_cast %add3A_466 : i32 to index
        %get3A_468 = arith.constant 32 : index
        %get3A_469 = tpu.vector_load %arg6[%get3A_467, %get3A_468] {strides = array<i32>} : memref<256x128xf32, #tpu.memory_space<vmem>>, vector<16xf32>,
        %mul3A_470 = arith.mulf %get3A_464, %get3A_469 : vector<16xf32>
        %add3A_471 = arith.addf %add3A_459, %mul3A_470 : vector<16xf32>
        %add3A_472 = arith.constant 8 : i32
        %add3A_473 = arith.addi %mul3A_37, %add3A_472 : i32
        %get3A_474 = arith.index_cast %add3A_473 : i32 to index
        %get3A_475 = arith.constant 48 : index
        %get3A_476 = tpu.vector_load %arg5[%get3A_474, %get3A_475] {strides = array<i32>} : memref<256x128xf32, #tpu.memory_space<vmem>>, vector<16xf32>,
        %add3A_477 = arith.constant 8 : i32
        %add3A_478 = arith.addi %mul3A_37, %add3A_477 : i32
        %get3A_479 = arith.index_cast %add3A_478 : i32 to index
        %get3A_480 = arith.constant 48 : index
        %get3A_481 = tpu.vector_load %arg6[%get3A_479, %get3A_480] {strides = array<i32>} : memref<256x128xf32, #tpu.memory_space<vmem>>, vector<16xf32>,
        %mul3A_482 = arith.mulf %get3A_476, %get3A_481 : vector<16xf32>
        %add3A_483 = arith.addf %add3A_471, %mul3A_482 : vector<16xf32>
        %add3A_484 = arith.constant 8 : i32
        %add3A_485 = vector.broadcast %add3A_484 : i32 to vector<16xi32>
        %add3A_486 = arith.addi %mul3A_5, %add3A_485 : vector<16xi32>
        tpu.vector_store_idx %arg8[%add3A_486], %add3A_483 : memref<272xf32, #tpu.memory_space<vmem>>[vector<16xi32>], vector<16xf32>,
        %add3A_487 = arith.constant 9 : i32
        %add3A_488 = arith.addi %mul3A_37, %add3A_487 : i32
        %get3A_489 = arith.index_cast %add3A_488 : i32 to index
        %get3A_490 = arith.constant 0 : index
        %get3A_491 = tpu.vector_load %arg5[%get3A_489, %get3A_490] {strides = array<i32>} : memref<256x128xf32, #tpu.memory_space<vmem>>, vector<16xf32>,
        %add3A_492 = arith.constant 9 : i32
        %add3A_493 = arith.addi %mul3A_37, %add3A_492 : i32
        %get3A_494 = arith.index_cast %add3A_493 : i32 to index
        %get3A_495 = arith.constant 0 : index
        %get3A_496 = tpu.vector_load %arg6[%get3A_494, %get3A_495] {strides = array<i32>} : memref<256x128xf32, #tpu.memory_space<vmem>>, vector<16xf32>,
        %mul3A_497 = arith.mulf %get3A_491, %get3A_496 : vector<16xf32>
        %add3A_498 = arith.constant 9 : i32
        %add3A_499 = arith.addi %mul3A_37, %add3A_498 : i32
        %get3A_500 = arith.index_cast %add3A_499 : i32 to index
        %get3A_501 = arith.constant 16 : index
        %get3A_502 = tpu.vector_load %arg5[%get3A_500, %get3A_501] {strides = array<i32>} : memref<256x128xf32, #tpu.memory_space<vmem>>, vector<16xf32>,
        %add3A_503 = arith.constant 9 : i32
        %add3A_504 = arith.addi %mul3A_37, %add3A_503 : i32
        %get3A_505 = arith.index_cast %add3A_504 : i32 to index
        %get3A_506 = arith.constant 16 : index
        %get3A_507 = tpu.vector_load %arg6[%get3A_505, %get3A_506] {strides = array<i32>} : memref<256x128xf32, #tpu.memory_space<vmem>>, vector<16xf32>,
        %mul3A_508 = arith.mulf %get3A_502, %get3A_507 : vector<16xf32>
        %add3A_509 = arith.addf %mul3A_497, %mul3A_508 : vector<16xf32>
        %add3A_510 = arith.constant 9 : i32
        %add3A_511 = arith.addi %mul3A_37, %add3A_510 : i32
        %get3A_512 = arith.index_cast %add3A_511 : i32 to index
        %get3A_513 = arith.constant 32 : index
        %get3A_514 = tpu.vector_load %arg5[%get3A_512, %get3A_513] {strides = array<i32>} : memref<256x128xf32, #tpu.memory_space<vmem>>, vector<16xf32>,
        %add3A_515 = arith.constant 9 : i32
        %add3A_516 = arith.addi %mul3A_37, %add3A_515 : i32
        %get3A_517 = arith.index_cast %add3A_516 : i32 to index
        %get3A_518 = arith.constant 32 : index
        %get3A_519 = tpu.vector_load %arg6[%get3A_517, %get3A_518] {strides = array<i32>} : memref<256x128xf32, #tpu.memory_space<vmem>>, vector<16xf32>,
        %mul3A_520 = arith.mulf %get3A_514, %get3A_519 : vector<16xf32>
        %add3A_521 = arith.addf %add3A_509, %mul3A_520 : vector<16xf32>
        %add3A_522 = arith.constant 9 : i32
        %add3A_523 = arith.addi %mul3A_37, %add3A_522 : i32
        %get3A_524 = arith.index_cast %add3A_523 : i32 to index
        %get3A_525 = arith.constant 48 : index
        %get3A_526 = tpu.vector_load %arg5[%get3A_524, %get3A_525] {strides = array<i32>} : memref<256x128xf32, #tpu.memory_space<vmem>>, vector<16xf32>,
        %add3A_527 = arith.constant 9 : i32
        %add3A_528 = arith.addi %mul3A_37, %add3A_527 : i32
        %get3A_529 = arith.index_cast %add3A_528 : i32 to index
        %get3A_530 = arith.constant 48 : index
        %get3A_531 = tpu.vector_load %arg6[%get3A_529, %get3A_530] {strides = array<i32>} : memref<256x128xf32, #tpu.memory_space<vmem>>, vector<16xf32>,
        %mul3A_532 = arith.mulf %get3A_526, %get3A_531 : vector<16xf32>
        %add3A_533 = arith.addf %add3A_521, %mul3A_532 : vector<16xf32>
        %add3A_534 = arith.constant 9 : i32
        %add3A_535 = vector.broadcast %add3A_534 : i32 to vector<16xi32>
        %add3A_536 = arith.addi %mul3A_5, %add3A_535 : vector<16xi32>
        tpu.vector_store_idx %arg8[%add3A_536], %add3A_533 : memref<272xf32, #tpu.memory_space<vmem>>[vector<16xi32>], vector<16xf32>,
        %add3A_537 = arith.constant 10 : i32
        %add3A_538 = arith.addi %mul3A_37, %add3A_537 : i32
        %get3A_539 = arith.index_cast %add3A_538 : i32 to index
        %get3A_540 = arith.constant 0 : index
        %get3A_541 = tpu.vector_load %arg5[%get3A_539, %get3A_540] {strides = array<i32>} : memref<256x128xf32, #tpu.memory_space<vmem>>, vector<16xf32>,
        %add3A_542 = arith.constant 10 : i32
        %add3A_543 = arith.addi %mul3A_37, %add3A_542 : i32
        %get3A_544 = arith.index_cast %add3A_543 : i32 to index
        %get3A_545 = arith.constant 0 : index
        %get3A_546 = tpu.vector_load %arg6[%get3A_544, %get3A_545] {strides = array<i32>} : memref<256x128xf32, #tpu.memory_space<vmem>>, vector<16xf32>,
        %mul3A_547 = arith.mulf %get3A_541, %get3A_546 : vector<16xf32>
        %add3A_548 = arith.constant 10 : i32
        %add3A_549 = arith.addi %mul3A_37, %add3A_548 : i32
        %get3A_550 = arith.index_cast %add3A_549 : i32 to index
        %get3A_551 = arith.constant 16 : index
        %get3A_552 = tpu.vector_load %arg5[%get3A_550, %get3A_551] {strides = array<i32>} : memref<256x128xf32, #tpu.memory_space<vmem>>, vector<16xf32>,
        %add3A_553 = arith.constant 10 : i32
        %add3A_554 = arith.addi %mul3A_37, %add3A_553 : i32
        %get3A_555 = arith.index_cast %add3A_554 : i32 to index
        %get3A_556 = arith.constant 16 : index
        %get3A_557 = tpu.vector_load %arg6[%get3A_555, %get3A_556] {strides = array<i32>} : memref<256x128xf32, #tpu.memory_space<vmem>>, vector<16xf32>,
        %mul3A_558 = arith.mulf %get3A_552, %get3A_557 : vector<16xf32>
        %add3A_559 = arith.addf %mul3A_547, %mul3A_558 : vector<16xf32>
        %add3A_560 = arith.constant 10 : i32
        %add3A_561 = arith.addi %mul3A_37, %add3A_560 : i32
        %get3A_562 = arith.index_cast %add3A_561 : i32 to index
        %get3A_563 = arith.constant 32 : index
        %get3A_564 = tpu.vector_load %arg5[%get3A_562, %get3A_563] {strides = array<i32>} : memref<256x128xf32, #tpu.memory_space<vmem>>, vector<16xf32>,
        %add3A_565 = arith.constant 10 : i32
        %add3A_566 = arith.addi %mul3A_37, %add3A_565 : i32
        %get3A_567 = arith.index_cast %add3A_566 : i32 to index
        %get3A_568 = arith.constant 32 : index
        %get3A_569 = tpu.vector_load %arg6[%get3A_567, %get3A_568] {strides = array<i32>} : memref<256x128xf32, #tpu.memory_space<vmem>>, vector<16xf32>,
        %mul3A_570 = arith.mulf %get3A_564, %get3A_569 : vector<16xf32>
        %add3A_571 = arith.addf %add3A_559, %mul3A_570 : vector<16xf32>
        %add3A_572 = arith.constant 10 : i32
        %add3A_573 = arith.addi %mul3A_37, %add3A_572 : i32
        %get3A_574 = arith.index_cast %add3A_573 : i32 to index
        %get3A_575 = arith.constant 48 : index
        %get3A_576 = tpu.vector_load %arg5[%get3A_574, %get3A_575] {strides = array<i32>} : memref<256x128xf32, #tpu.memory_space<vmem>>, vector<16xf32>,
        %add3A_577 = arith.constant 10 : i32
        %add3A_578 = arith.addi %mul3A_37, %add3A_577 : i32
        %get3A_579 = arith.index_cast %add3A_578 : i32 to index
        %get3A_580 = arith.constant 48 : index
        %get3A_581 = tpu.vector_load %arg6[%get3A_579, %get3A_580] {strides = array<i32>} : memref<256x128xf32, #tpu.memory_space<vmem>>, vector<16xf32>,
        %mul3A_582 = arith.mulf %get3A_576, %get3A_581 : vector<16xf32>
        %add3A_583 = arith.addf %add3A_571, %mul3A_582 : vector<16xf32>
        %add3A_584 = arith.constant 10 : i32
        %add3A_585 = vector.broadcast %add3A_584 : i32 to vector<16xi32>
        %add3A_586 = arith.addi %mul3A_5, %add3A_585 : vector<16xi32>
        tpu.vector_store_idx %arg8[%add3A_586], %add3A_583 : memref<272xf32, #tpu.memory_space<vmem>>[vector<16xi32>], vector<16xf32>,
        %add3A_587 = arith.constant 11 : i32
        %add3A_588 = arith.addi %mul3A_37, %add3A_587 : i32
        %get3A_589 = arith.index_cast %add3A_588 : i32 to index
        %get3A_590 = arith.constant 0 : index
        %get3A_591 = tpu.vector_load %arg5[%get3A_589, %get3A_590] {strides = array<i32>} : memref<256x128xf32, #tpu.memory_space<vmem>>, vector<16xf32>,
        %add3A_592 = arith.constant 11 : i32
        %add3A_593 = arith.addi %mul3A_37, %add3A_592 : i32
        %get3A_594 = arith.index_cast %add3A_593 : i32 to index
        %get3A_595 = arith.constant 0 : index
        %get3A_596 = tpu.vector_load %arg6[%get3A_594, %get3A_595] {strides = array<i32>} : memref<256x128xf32, #tpu.memory_space<vmem>>, vector<16xf32>,
        %mul3A_597 = arith.mulf %get3A_591, %get3A_596 : vector<16xf32>
        %add3A_598 = arith.constant 11 : i32
        %add3A_599 = arith.addi %mul3A_37, %add3A_598 : i32
        %get3A_600 = arith.index_cast %add3A_599 : i32 to index
        %get3A_601 = arith.constant 16 : index
        %get3A_602 = tpu.vector_load %arg5[%get3A_600, %get3A_601] {strides = array<i32>} : memref<256x128xf32, #tpu.memory_space<vmem>>, vector<16xf32>,
        %add3A_603 = arith.constant 11 : i32
        %add3A_604 = arith.addi %mul3A_37, %add3A_603 : i32
        %get3A_605 = arith.index_cast %add3A_604 : i32 to index
        %get3A_606 = arith.constant 16 : index
        %get3A_607 = tpu.vector_load %arg6[%get3A_605, %get3A_606] {strides = array<i32>} : memref<256x128xf32, #tpu.memory_space<vmem>>, vector<16xf32>,
        %mul3A_608 = arith.mulf %get3A_602, %get3A_607 : vector<16xf32>
        %add3A_609 = arith.addf %mul3A_597, %mul3A_608 : vector<16xf32>
        %add3A_610 = arith.constant 11 : i32
        %add3A_611 = arith.addi %mul3A_37, %add3A_610 : i32
        %get3A_612 = arith.index_cast %add3A_611 : i32 to index
        %get3A_613 = arith.constant 32 : index
        %get3A_614 = tpu.vector_load %arg5[%get3A_612, %get3A_613] {strides = array<i32>} : memref<256x128xf32, #tpu.memory_space<vmem>>, vector<16xf32>,
        %add3A_615 = arith.constant 11 : i32
        %add3A_616 = arith.addi %mul3A_37, %add3A_615 : i32
        %get3A_617 = arith.index_cast %add3A_616 : i32 to index
        %get3A_618 = arith.constant 32 : index
        %get3A_619 = tpu.vector_load %arg6[%get3A_617, %get3A_618] {strides = array<i32>} : memref<256x128xf32, #tpu.memory_space<vmem>>, vector<16xf32>,
        %mul3A_620 = arith.mulf %get3A_614, %get3A_619 : vector<16xf32>
        %add3A_621 = arith.addf %add3A_609, %mul3A_620 : vector<16xf32>
        %add3A_622 = arith.constant 11 : i32
        %add3A_623 = arith.addi %mul3A_37, %add3A_622 : i32
        %get3A_624 = arith.index_cast %add3A_623 : i32 to index
        %get3A_625 = arith.constant 48 : index
        %get3A_626 = tpu.vector_load %arg5[%get3A_624, %get3A_625] {strides = array<i32>} : memref<256x128xf32, #tpu.memory_space<vmem>>, vector<16xf32>,
        %add3A_627 = arith.constant 11 : i32
        %add3A_628 = arith.addi %mul3A_37, %add3A_627 : i32
        %get3A_629 = arith.index_cast %add3A_628 : i32 to index
        %get3A_630 = arith.constant 48 : index
        %get3A_631 = tpu.vector_load %arg6[%get3A_629, %get3A_630] {strides = array<i32>} : memref<256x128xf32, #tpu.memory_space<vmem>>, vector<16xf32>,
        %mul3A_632 = arith.mulf %get3A_626, %get3A_631 : vector<16xf32>
        %add3A_633 = arith.addf %add3A_621, %mul3A_632 : vector<16xf32>
        %add3A_634 = arith.constant 11 : i32
        %add3A_635 = vector.broadcast %add3A_634 : i32 to vector<16xi32>
        %add3A_636 = arith.addi %mul3A_5, %add3A_635 : vector<16xi32>
        tpu.vector_store_idx %arg8[%add3A_636], %add3A_633 : memref<272xf32, #tpu.memory_space<vmem>>[vector<16xi32>], vector<16xf32>,
        %add3A_637 = arith.constant 12 : i32
        %add3A_638 = arith.addi %mul3A_37, %add3A_637 : i32
        %get3A_639 = arith.index_cast %add3A_638 : i32 to index
        %get3A_640 = arith.constant 0 : index
        %get3A_641 = tpu.vector_load %arg5[%get3A_639, %get3A_640] {strides = array<i32>} : memref<256x128xf32, #tpu.memory_space<vmem>>, vector<16xf32>,
        %add3A_642 = arith.constant 12 : i32
        %add3A_643 = arith.addi %mul3A_37, %add3A_642 : i32
        %get3A_644 = arith.index_cast %add3A_643 : i32 to index
        %get3A_645 = arith.constant 0 : index
        %get3A_646 = tpu.vector_load %arg6[%get3A_644, %get3A_645] {strides = array<i32>} : memref<256x128xf32, #tpu.memory_space<vmem>>, vector<16xf32>,
        %mul3A_647 = arith.mulf %get3A_641, %get3A_646 : vector<16xf32>
        %add3A_648 = arith.constant 12 : i32
        %add3A_649 = arith.addi %mul3A_37, %add3A_648 : i32
        %get3A_650 = arith.index_cast %add3A_649 : i32 to index
        %get3A_651 = arith.constant 16 : index
        %get3A_652 = tpu.vector_load %arg5[%get3A_650, %get3A_651] {strides = array<i32>} : memref<256x128xf32, #tpu.memory_space<vmem>>, vector<16xf32>,
        %add3A_653 = arith.constant 12 : i32
        %add3A_654 = arith.addi %mul3A_37, %add3A_653 : i32
        %get3A_655 = arith.index_cast %add3A_654 : i32 to index
        %get3A_656 = arith.constant 16 : index
        %get3A_657 = tpu.vector_load %arg6[%get3A_655, %get3A_656] {strides = array<i32>} : memref<256x128xf32, #tpu.memory_space<vmem>>, vector<16xf32>,
        %mul3A_658 = arith.mulf %get3A_652, %get3A_657 : vector<16xf32>
        %add3A_659 = arith.addf %mul3A_647, %mul3A_658 : vector<16xf32>
        %add3A_660 = arith.constant 12 : i32
        %add3A_661 = arith.addi %mul3A_37, %add3A_660 : i32
        %get3A_662 = arith.index_cast %add3A_661 : i32 to index
        %get3A_663 = arith.constant 32 : index
        %get3A_664 = tpu.vector_load %arg5[%get3A_662, %get3A_663] {strides = array<i32>} : memref<256x128xf32, #tpu.memory_space<vmem>>, vector<16xf32>,
        %add3A_665 = arith.constant 12 : i32
        %add3A_666 = arith.addi %mul3A_37, %add3A_665 : i32
        %get3A_667 = arith.index_cast %add3A_666 : i32 to index
        %get3A_668 = arith.constant 32 : index
        %get3A_669 = tpu.vector_load %arg6[%get3A_667, %get3A_668] {strides = array<i32>} : memref<256x128xf32, #tpu.memory_space<vmem>>, vector<16xf32>,
        %mul3A_670 = arith.mulf %get3A_664, %get3A_669 : vector<16xf32>
        %add3A_671 = arith.addf %add3A_659, %mul3A_670 : vector<16xf32>
        %add3A_672 = arith.constant 12 : i32
        %add3A_673 = arith.addi %mul3A_37, %add3A_672 : i32
        %get3A_674 = arith.index_cast %add3A_673 : i32 to index
        %get3A_675 = arith.constant 48 : index
        %get3A_676 = tpu.vector_load %arg5[%get3A_674, %get3A_675] {strides = array<i32>} : memref<256x128xf32, #tpu.memory_space<vmem>>, vector<16xf32>,
        %add3A_677 = arith.constant 12 : i32
        %add3A_678 = arith.addi %mul3A_37, %add3A_677 : i32
        %get3A_679 = arith.index_cast %add3A_678 : i32 to index
        %get3A_680 = arith.constant 48 : index
        %get3A_681 = tpu.vector_load %arg6[%get3A_679, %get3A_680] {strides = array<i32>} : memref<256x128xf32, #tpu.memory_space<vmem>>, vector<16xf32>,
        %mul3A_682 = arith.mulf %get3A_676, %get3A_681 : vector<16xf32>
        %add3A_683 = arith.addf %add3A_671, %mul3A_682 : vector<16xf32>
        %add3A_684 = arith.constant 12 : i32
        %add3A_685 = vector.broadcast %add3A_684 : i32 to vector<16xi32>
        %add3A_686 = arith.addi %mul3A_5, %add3A_685 : vector<16xi32>
        tpu.vector_store_idx %arg8[%add3A_686], %add3A_683 : memref<272xf32, #tpu.memory_space<vmem>>[vector<16xi32>], vector<16xf32>,
        %add3A_687 = arith.constant 13 : i32
        %add3A_688 = arith.addi %mul3A_37, %add3A_687 : i32
        %get3A_689 = arith.index_cast %add3A_688 : i32 to index
        %get3A_690 = arith.constant 0 : index
        %get3A_691 = tpu.vector_load %arg5[%get3A_689, %get3A_690] {strides = array<i32>} : memref<256x128xf32, #tpu.memory_space<vmem>>, vector<16xf32>,
        %add3A_692 = arith.constant 13 : i32
        %add3A_693 = arith.addi %mul3A_37, %add3A_692 : i32
        %get3A_694 = arith.index_cast %add3A_693 : i32 to index
        %get3A_695 = arith.constant 0 : index
        %get3A_696 = tpu.vector_load %arg6[%get3A_694, %get3A_695] {strides = array<i32>} : memref<256x128xf32, #tpu.memory_space<vmem>>, vector<16xf32>,
        %mul3A_697 = arith.mulf %get3A_691, %get3A_696 : vector<16xf32>
        %add3A_698 = arith.constant 13 : i32
        %add3A_699 = arith.addi %mul3A_37, %add3A_698 : i32
        %get3A_700 = arith.index_cast %add3A_699 : i32 to index
        %get3A_701 = arith.constant 16 : index
        %get3A_702 = tpu.vector_load %arg5[%get3A_700, %get3A_701] {strides = array<i32>} : memref<256x128xf32, #tpu.memory_space<vmem>>, vector<16xf32>,
        %add3A_703 = arith.constant 13 : i32
        %add3A_704 = arith.addi %mul3A_37, %add3A_703 : i32
        %get3A_705 = arith.index_cast %add3A_704 : i32 to index
        %get3A_706 = arith.constant 16 : index
        %get3A_707 = tpu.vector_load %arg6[%get3A_705, %get3A_706] {strides = array<i32>} : memref<256x128xf32, #tpu.memory_space<vmem>>, vector<16xf32>,
        %mul3A_708 = arith.mulf %get3A_702, %get3A_707 : vector<16xf32>
        %add3A_709 = arith.addf %mul3A_697, %mul3A_708 : vector<16xf32>
        %add3A_710 = arith.constant 13 : i32
        %add3A_711 = arith.addi %mul3A_37, %add3A_710 : i32
        %get3A_712 = arith.index_cast %add3A_711 : i32 to index
        %get3A_713 = arith.constant 32 : index
        %get3A_714 = tpu.vector_load %arg5[%get3A_712, %get3A_713] {strides = array<i32>} : memref<256x128xf32, #tpu.memory_space<vmem>>, vector<16xf32>,
        %add3A_715 = arith.constant 13 : i32
        %add3A_716 = arith.addi %mul3A_37, %add3A_715 : i32
        %get3A_717 = arith.index_cast %add3A_716 : i32 to index
        %get3A_718 = arith.constant 32 : index
        %get3A_719 = tpu.vector_load %arg6[%get3A_717, %get3A_718] {strides = array<i32>} : memref<256x128xf32, #tpu.memory_space<vmem>>, vector<16xf32>,
        %mul3A_720 = arith.mulf %get3A_714, %get3A_719 : vector<16xf32>
        %add3A_721 = arith.addf %add3A_709, %mul3A_720 : vector<16xf32>
        %add3A_722 = arith.constant 13 : i32
        %add3A_723 = arith.addi %mul3A_37, %add3A_722 : i32
        %get3A_724 = arith.index_cast %add3A_723 : i32 to index
        %get3A_725 = arith.constant 48 : index
        %get3A_726 = tpu.vector_load %arg5[%get3A_724, %get3A_725] {strides = array<i32>} : memref<256x128xf32, #tpu.memory_space<vmem>>, vector<16xf32>,
        %add3A_727 = arith.constant 13 : i32
        %add3A_728 = arith.addi %mul3A_37, %add3A_727 : i32
        %get3A_729 = arith.index_cast %add3A_728 : i32 to index
        %get3A_730 = arith.constant 48 : index
        %get3A_731 = tpu.vector_load %arg6[%get3A_729, %get3A_730] {strides = array<i32>} : memref<256x128xf32, #tpu.memory_space<vmem>>, vector<16xf32>,
        %mul3A_732 = arith.mulf %get3A_726, %get3A_731 : vector<16xf32>
        %add3A_733 = arith.addf %add3A_721, %mul3A_732 : vector<16xf32>
        %add3A_734 = arith.constant 13 : i32
        %add3A_735 = vector.broadcast %add3A_734 : i32 to vector<16xi32>
        %add3A_736 = arith.addi %mul3A_5, %add3A_735 : vector<16xi32>
        tpu.vector_store_idx %arg8[%add3A_736], %add3A_733 : memref<272xf32, #tpu.memory_space<vmem>>[vector<16xi32>], vector<16xf32>,
        %add3A_737 = arith.constant 14 : i32
        %add3A_738 = arith.addi %mul3A_37, %add3A_737 : i32
        %get3A_739 = arith.index_cast %add3A_738 : i32 to index
        %get3A_740 = arith.constant 0 : index
        %get3A_741 = tpu.vector_load %arg5[%get3A_739, %get3A_740] {strides = array<i32>} : memref<256x128xf32, #tpu.memory_space<vmem>>, vector<16xf32>,
        %add3A_742 = arith.constant 14 : i32
        %add3A_743 = arith.addi %mul3A_37, %add3A_742 : i32
        %get3A_744 = arith.index_cast %add3A_743 : i32 to index
        %get3A_745 = arith.constant 0 : index
        %get3A_746 = tpu.vector_load %arg6[%get3A_744, %get3A_745] {strides = array<i32>} : memref<256x128xf32, #tpu.memory_space<vmem>>, vector<16xf32>,
        %mul3A_747 = arith.mulf %get3A_741, %get3A_746 : vector<16xf32>
        %add3A_748 = arith.constant 14 : i32
        %add3A_749 = arith.addi %mul3A_37, %add3A_748 : i32
        %get3A_750 = arith.index_cast %add3A_749 : i32 to index
        %get3A_751 = arith.constant 16 : index
        %get3A_752 = tpu.vector_load %arg5[%get3A_750, %get3A_751] {strides = array<i32>} : memref<256x128xf32, #tpu.memory_space<vmem>>, vector<16xf32>,
        %add3A_753 = arith.constant 14 : i32
        %add3A_754 = arith.addi %mul3A_37, %add3A_753 : i32
        %get3A_755 = arith.index_cast %add3A_754 : i32 to index
        %get3A_756 = arith.constant 16 : index
        %get3A_757 = tpu.vector_load %arg6[%get3A_755, %get3A_756] {strides = array<i32>} : memref<256x128xf32, #tpu.memory_space<vmem>>, vector<16xf32>,
        %mul3A_758 = arith.mulf %get3A_752, %get3A_757 : vector<16xf32>
        %add3A_759 = arith.addf %mul3A_747, %mul3A_758 : vector<16xf32>
        %add3A_760 = arith.constant 14 : i32
        %add3A_761 = arith.addi %mul3A_37, %add3A_760 : i32
        %get3A_762 = arith.index_cast %add3A_761 : i32 to index
        %get3A_763 = arith.constant 32 : index
        %get3A_764 = tpu.vector_load %arg5[%get3A_762, %get3A_763] {strides = array<i32>} : memref<256x128xf32, #tpu.memory_space<vmem>>, vector<16xf32>,
        %add3A_765 = arith.constant 14 : i32
        %add3A_766 = arith.addi %mul3A_37, %add3A_765 : i32
        %get3A_767 = arith.index_cast %add3A_766 : i32 to index
        %get3A_768 = arith.constant 32 : index
        %get3A_769 = tpu.vector_load %arg6[%get3A_767, %get3A_768] {strides = array<i32>} : memref<256x128xf32, #tpu.memory_space<vmem>>, vector<16xf32>,
        %mul3A_770 = arith.mulf %get3A_764, %get3A_769 : vector<16xf32>
        %add3A_771 = arith.addf %add3A_759, %mul3A_770 : vector<16xf32>
        %add3A_772 = arith.constant 14 : i32
        %add3A_773 = arith.addi %mul3A_37, %add3A_772 : i32
        %get3A_774 = arith.index_cast %add3A_773 : i32 to index
        %get3A_775 = arith.constant 48 : index
        %get3A_776 = tpu.vector_load %arg5[%get3A_774, %get3A_775] {strides = array<i32>} : memref<256x128xf32, #tpu.memory_space<vmem>>, vector<16xf32>,
        %add3A_777 = arith.constant 14 : i32
        %add3A_778 = arith.addi %mul3A_37, %add3A_777 : i32
        %get3A_779 = arith.index_cast %add3A_778 : i32 to index
        %get3A_780 = arith.constant 48 : index
        %get3A_781 = tpu.vector_load %arg6[%get3A_779, %get3A_780] {strides = array<i32>} : memref<256x128xf32, #tpu.memory_space<vmem>>, vector<16xf32>,
        %mul3A_782 = arith.mulf %get3A_776, %get3A_781 : vector<16xf32>
        %add3A_783 = arith.addf %add3A_771, %mul3A_782 : vector<16xf32>
        %add3A_784 = arith.constant 14 : i32
        %add3A_785 = vector.broadcast %add3A_784 : i32 to vector<16xi32>
        %add3A_786 = arith.addi %mul3A_5, %add3A_785 : vector<16xi32>
        tpu.vector_store_idx %arg8[%add3A_786], %add3A_783 : memref<272xf32, #tpu.memory_space<vmem>>[vector<16xi32>], vector<16xf32>,
        %add3A_787 = arith.constant 15 : i32
        %add3A_788 = arith.addi %mul3A_37, %add3A_787 : i32
        %get3A_789 = arith.index_cast %add3A_788 : i32 to index
        %get3A_790 = arith.constant 0 : index
        %get3A_791 = tpu.vector_load %arg5[%get3A_789, %get3A_790] {strides = array<i32>} : memref<256x128xf32, #tpu.memory_space<vmem>>, vector<16xf32>,
        %add3A_792 = arith.constant 15 : i32
        %add3A_793 = arith.addi %mul3A_37, %add3A_792 : i32
        %get3A_794 = arith.index_cast %add3A_793 : i32 to index
        %get3A_795 = arith.constant 0 : index
        %get3A_796 = tpu.vector_load %arg6[%get3A_794, %get3A_795] {strides = array<i32>} : memref<256x128xf32, #tpu.memory_space<vmem>>, vector<16xf32>,
        %mul3A_797 = arith.mulf %get3A_791, %get3A_796 : vector<16xf32>
        %add3A_798 = arith.constant 15 : i32
        %add3A_799 = arith.addi %mul3A_37, %add3A_798 : i32
        %get3A_800 = arith.index_cast %add3A_799 : i32 to index
        %get3A_801 = arith.constant 16 : index
        %get3A_802 = tpu.vector_load %arg5[%get3A_800, %get3A_801] {strides = array<i32>} : memref<256x128xf32, #tpu.memory_space<vmem>>, vector<16xf32>,
        %add3A_803 = arith.constant 15 : i32
        %add3A_804 = arith.addi %mul3A_37, %add3A_803 : i32
        %get3A_805 = arith.index_cast %add3A_804 : i32 to index
        %get3A_806 = arith.constant 16 : index
        %get3A_807 = tpu.vector_load %arg6[%get3A_805, %get3A_806] {strides = array<i32>} : memref<256x128xf32, #tpu.memory_space<vmem>>, vector<16xf32>,
        %mul3A_808 = arith.mulf %get3A_802, %get3A_807 : vector<16xf32>
        %add3A_809 = arith.addf %mul3A_797, %mul3A_808 : vector<16xf32>
        %add3A_810 = arith.constant 15 : i32
        %add3A_811 = arith.addi %mul3A_37, %add3A_810 : i32
        %get3A_812 = arith.index_cast %add3A_811 : i32 to index
        %get3A_813 = arith.constant 32 : index
        %get3A_814 = tpu.vector_load %arg5[%get3A_812, %get3A_813] {strides = array<i32>} : memref<256x128xf32, #tpu.memory_space<vmem>>, vector<16xf32>,
        %add3A_815 = arith.constant 15 : i32
        %add3A_816 = arith.addi %mul3A_37, %add3A_815 : i32
        %get3A_817 = arith.index_cast %add3A_816 : i32 to index
        %get3A_818 = arith.constant 32 : index
        %get3A_819 = tpu.vector_load %arg6[%get3A_817, %get3A_818] {strides = array<i32>} : memref<256x128xf32, #tpu.memory_space<vmem>>, vector<16xf32>,
        %mul3A_820 = arith.mulf %get3A_814, %get3A_819 : vector<16xf32>
        %add3A_821 = arith.addf %add3A_809, %mul3A_820 : vector<16xf32>
        %add3A_822 = arith.constant 15 : i32
        %add3A_823 = arith.addi %mul3A_37, %add3A_822 : i32
        %get3A_824 = arith.index_cast %add3A_823 : i32 to index
        %get3A_825 = arith.constant 48 : index
        %get3A_826 = tpu.vector_load %arg5[%get3A_824, %get3A_825] {strides = array<i32>} : memref<256x128xf32, #tpu.memory_space<vmem>>, vector<16xf32>,
        %add3A_827 = arith.constant 15 : i32
        %add3A_828 = arith.addi %mul3A_37, %add3A_827 : i32
        %get3A_829 = arith.index_cast %add3A_828 : i32 to index
        %get3A_830 = arith.constant 48 : index
        %get3A_831 = tpu.vector_load %arg6[%get3A_829, %get3A_830] {strides = array<i32>} : memref<256x128xf32, #tpu.memory_space<vmem>>, vector<16xf32>,
        %mul3A_832 = arith.mulf %get3A_826, %get3A_831 : vector<16xf32>
        %add3A_833 = arith.addf %add3A_821, %mul3A_832 : vector<16xf32>
        %add3A_834 = arith.constant 15 : i32
        %add3A_835 = vector.broadcast %add3A_834 : i32 to vector<16xi32>
        %add3A_836 = arith.addi %mul3A_5, %add3A_835 : vector<16xi32>
        tpu.vector_store_idx %arg8[%add3A_836], %add3A_833 : memref<272xf32, #tpu.memory_space<vmem>>[vector<16xi32>], vector<16xf32>,
        %get3A_837 = arith.constant 0 : index
        %get3A_838 = tpu.vector_load %arg8[%get3A_837] {strides = array<i32>} : memref<272xf32, #tpu.memory_space<vmem>>, vector<16xf32>,
        %get3A_839 = arith.constant 17 : index
        %get3A_840 = tpu.vector_load %arg8[%get3A_839] {strides = array<i32>} : memref<272xf32, #tpu.memory_space<vmem>>, vector<16xf32>,
        %add3A_841 = arith.addf %get3A_838, %get3A_840 : vector<16xf32>
        %get3A_842 = arith.constant 34 : index
        %get3A_843 = tpu.vector_load %arg8[%get3A_842] {strides = array<i32>} : memref<272xf32, #tpu.memory_space<vmem>>, vector<16xf32>,
        %add3A_844 = arith.addf %add3A_841, %get3A_843 : vector<16xf32>
        %get3A_845 = arith.constant 51 : index
        %get3A_846 = tpu.vector_load %arg8[%get3A_845] {strides = array<i32>} : memref<272xf32, #tpu.memory_space<vmem>>, vector<16xf32>,
        %add3A_847 = arith.addf %add3A_844, %get3A_846 : vector<16xf32>
        %get3A_848 = arith.constant 68 : index
        %get3A_849 = tpu.vector_load %arg8[%get3A_848] {strides = array<i32>} : memref<272xf32, #tpu.memory_space<vmem>>, vector<16xf32>,
        %add3A_850 = arith.addf %add3A_847, %get3A_849 : vector<16xf32>
        %get3A_851 = arith.constant 85 : index
        %get3A_852 = tpu.vector_load %arg8[%get3A_851] {strides = array<i32>} : memref<272xf32, #tpu.memory_space<vmem>>, vector<16xf32>,
        %add3A_853 = arith.addf %add3A_850, %get3A_852 : vector<16xf32>
        %get3A_854 = arith.constant 102 : index
        %get3A_855 = tpu.vector_load %arg8[%get3A_854] {strides = array<i32>} : memref<272xf32, #tpu.memory_space<vmem>>, vector<16xf32>,
        %add3A_856 = arith.addf %add3A_853, %get3A_855 : vector<16xf32>
        %get3A_857 = arith.constant 119 : index
        %get3A_858 = tpu.vector_load %arg8[%get3A_857] {strides = array<i32>} : memref<272xf32, #tpu.memory_space<vmem>>, vector<16xf32>,
        %add3A_859 = arith.addf %add3A_856, %get3A_858 : vector<16xf32>
        %get3A_860 = arith.constant 136 : index
        %get3A_861 = tpu.vector_load %arg8[%get3A_860] {strides = array<i32>} : memref<272xf32, #tpu.memory_space<vmem>>, vector<16xf32>,
        %add3A_862 = arith.addf %add3A_859, %get3A_861 : vector<16xf32>
        %get3A_863 = arith.constant 153 : index
        %get3A_864 = tpu.vector_load %arg8[%get3A_863] {strides = array<i32>} : memref<272xf32, #tpu.memory_space<vmem>>, vector<16xf32>,
        %add3A_865 = arith.addf %add3A_862, %get3A_864 : vector<16xf32>
        %get3A_866 = arith.constant 170 : index
        %get3A_867 = tpu.vector_load %arg8[%get3A_866] {strides = array<i32>} : memref<272xf32, #tpu.memory_space<vmem>>, vector<16xf32>,
        %add3A_868 = arith.addf %add3A_865, %get3A_867 : vector<16xf32>
        %get3A_869 = arith.constant 187 : index
        %get3A_870 = tpu.vector_load %arg8[%get3A_869] {strides = array<i32>} : memref<272xf32, #tpu.memory_space<vmem>>, vector<16xf32>,
        %add3A_871 = arith.addf %add3A_868, %get3A_870 : vector<16xf32>
        %get3A_872 = arith.constant 204 : index
        %get3A_873 = tpu.vector_load %arg8[%get3A_872] {strides = array<i32>} : memref<272xf32, #tpu.memory_space<vmem>>, vector<16xf32>,
        %add3A_874 = arith.addf %add3A_871, %get3A_873 : vector<16xf32>
        %get3A_875 = arith.constant 221 : index
        %get3A_876 = tpu.vector_load %arg8[%get3A_875] {strides = array<i32>} : memref<272xf32, #tpu.memory_space<vmem>>, vector<16xf32>,
        %add3A_877 = arith.addf %add3A_874, %get3A_876 : vector<16xf32>
        %get3A_878 = arith.constant 238 : index
        %get3A_879 = tpu.vector_load %arg8[%get3A_878] {strides = array<i32>} : memref<272xf32, #tpu.memory_space<vmem>>, vector<16xf32>,
        %add3A_880 = arith.addf %add3A_877, %get3A_879 : vector<16xf32>
        %get3A_881 = arith.constant 255 : index
        %get3A_882 = tpu.vector_load %arg8[%get3A_881] {strides = array<i32>} : memref<272xf32, #tpu.memory_space<vmem>>, vector<16xf32>,
        %add3A_883 = arith.addf %add3A_880, %get3A_882 : vector<16xf32>
        %mul3A_884 = arith.constant 256 : i32
        %mul3A_885 = arith.muli %scan3A_11, %mul3A_884 : i32
        %add3A_886 = arith.addi %mul3A_885, %mul3A_37 : i32
        %swap3A = arith.index_cast %add3A_886 : i32 to index
        %swap3A_887 = tpu.vector_load %arg7[%swap3A] {strides = array<i32>} : memref<512xf32, #tpu.memory_space<vmem>>, vector<16xf32>,
        tpu.vector_store %arg7[%swap3A], %add3A_883 {strides = array<i32>} : memref<512xf32, #tpu.memory_space<vmem>>, vector<16xf32>,
      }
      %scan3A_34 = arith.constant 16 : i32
    }
    %scan3A_10 = arith.constant 2 : i32
    "tpu.region"() ({
      %run_scoped3A = tpu.sem_alloc : memref<!tpu.dma_semaphore, #tpu.memory_space<semaphore_mem>>
      %dma_start3A = tpu.memref_slice %arg4[%mul3A_2] : memref<16384xf32, #tpu.memory_space<hbm>> -> memref<512xf32, #tpu.memory_space<hbm>>
      %dma_start3A_11 = tpu.memref_slice %arg4[%mul3A_2] : memref<16384xf32, #tpu.memory_space<hbm>> -> memref<512xf32, #tpu.memory_space<hbm>>
      tpu.enqueue_dma source(%arg7 : memref<512xf32, #tpu.memory_space<vmem>>) target(%dma_start3A_11 : memref<512xf32, #tpu.memory_space<hbm>>) target_semaphore(%run_scoped3A : memref<!tpu.dma_semaphore, #tpu.memory_space<semaphore_mem>>)
      %dma_wait3A = tpu.memref_slice %arg4[%mul3A_2] : memref<16384xf32, #tpu.memory_space<hbm>> -> memref<512xf32, #tpu.memory_space<hbm>>
      %dma_wait3A_12 = tpu.memref_slice %arg4[%mul3A_2] : memref<16384xf32, #tpu.memory_space<hbm>> -> memref<512xf32, #tpu.memory_space<hbm>>
      tpu.wait_dma2 semaphore(%run_scoped3A : memref<!tpu.dma_semaphore, #tpu.memory_space<semaphore_mem>>) src(%arg7 : memref<512xf32, #tpu.memory_space<vmem>>) dst(%dma_wait3A_12 : memref<512xf32, #tpu.memory_space<hbm>>)
      tpu.yield
    }) : () -> ()
    return
  }
}

</mosaic_0001>

<sc_bundles>
// kernel: kernel.4.cloned.1.call-start
scs
__scs_entry_jumppad:
0x0: {  	(pc) =	sbr.rel $0x88, $3  }
0x1: {  	(tag) =	ssettag $0x0;
	lr =	simm.s32 $0x1  }
0x2: {  	[smem:$0x3F9D] =	sst lr;
	_ =	strace $0xD0000000  }
0x3: {  	_ = 	snop  }
0x4: {  	_ = 	snop  }
0x5: {  	_ = 	snop  }
0x6: {  	_ = 	snop  }
0x7: {  	_ = 	snop  }
__scs_overlays_trampoline_lowered:
0x8: {  	[smem:$0x3FAC] =	sst s0  }
0x9: {  	[smem:$0x3FAD] =	sst s1  }
0xa: {  	[smem:$0x3FAE] =	sst s2  }
0xb: {  	[smem:$0x3FAF] =	sst s3  }
0xc: {  	[smem:$0x3FB0] =	sst s4  }
0xd: {  	[smem:$0x3FB1] =	sst s5  }
0xe: {  	[smem:$0x3FB2] =	sst s6  }
0xf: {  	[smem:$0x3FB3] =	sst s7  }
0x10: {  	[smem:$0x3FB4] =	sst s8  }
0x11: {  	[smem:$0x3FB5] =	sst s9;
	s0 =	simm.s32 @!p0 $0x0  }
0x12: {  	s1 =	sld [smem:$0x3F9B];
	s0 =	simm.s32 @p0 $0x1  }
0x13: {  	[smem:$0x3FB6] =	sst s0;
	s0 =	simm.s32 @!p1 $0x0  }
0x14: {  	s2 =	sld [smem:$0x3F9A];
	s0 =	simm.s32 @p1 $0x1  }
0x15: {  	[smem:$0x3FB7] =	sst s0;
	s0 =	simm.s32 @!p2 $0x0  }
0x16: {  	s3 =	sld [smem:$0x3FDB];
	s0 =	simm.s32 @p2 $0x1  }
0x17: {  	s4 =	simm.s32 $0x1BF5;
	[smem:$0x3FB9] =	sst s0  }
0x18: {  	s0 =	sld [smem:$0x3F9C];
	_ =	swait.ge [sflag:s4], $0x0  }
0x19: {  	s7 =	sld [smem:$0x3F9D]  }
0x1a: {  	s8 =	sadd.s32 $0xFFFFE003, lr  }
0x1b: {  	s9 =	sadd.s32 $0xFFFFFEF7, lr;
	s5 =	simm.s32 $0xFFFFFFFF;
	p2 =	slt.u32 s8, $0xFFFFF086  }
0x1c: {  	p1 =	slt.u32 s9, $0xF7A;
	s5 =	simm.s32 @!p2 $0x0  }
0x1d: {  	s5 =	simm.s32 @p1 $0x1;
	p0 =	seq.s32 s7, s2  }
0x1e: {  	s7 =	smul.u32 @!p0 $0xF7A, s2;
	p2 =	seq.s32 @!p0 s5, $0x0  }
0x1f: {  	s9 =	smul.u32 $0xF7A, s1;
	s8 =	simm.s32 @!p0 $0x1BF5;
	p2 =	por !p2, p0  }
0x20: {  	[sflag:s8] =	ssyncset.s32 @!p0 $0xFFFFF086;
	s6 =	sadd.s32 @!p0 s3, s7;
	s7 =	simm.s32 @!p0 $0x108  }
0x21: {  	s3 =	sadd.s32 s3, s9;
	s6 =	sadd.s32 @!p0 $0x88, s6;
	s7 =	simm.s32 @p2 $0x1082  }
0x22: {  	[simem:s7], [sflag:s8] =	dma.local @!p0 [hbm:s6], $0xF7A  }
0x23: {  	s9 =	sor.u32 $0xD0000000, s2;
	s6 =	simm.s32 $0x108;
	_ =	swait.ge @!p0 [sflag:s8], $0x0  }
0x24: {  	s3 =	sadd.s32 $0x88, s3;
	s6 =	simm.s32 @!p1 $0x1082;
	[sflag:s4] =	ssyncset.s32 $0xFFFFF086  }
0x25: {  	[simem:s6], [sflag:s4] =	dma.local [hbm:s3], $0xF7A  }
0x26: {  	[smem:$0x3F9D] =	sst s1;
	(tag) =	ssettag s2;
	_ =	strace s9  }
0x27: {  	s1 =	sld [smem:$0x3FAD]  }
0x28: {  	s2 =	sld [smem:$0x3FAE]  }
0x29: {  	s4 =	sld [smem:$0x3FB0]  }
0x2a: {  	p0 =	seq.s32 s5, $0x0;
	s5 =	sld [smem:$0x3FB1]  }
0x2b: {  	s6 =	sld [smem:$0x3FB2]  }
0x2c: {  	s7 =	sld [smem:$0x3FB3]  }
0x2d: {  	s3 =	simm.s32 $0x108;
	s8 =	sld [smem:$0x3FB4]  }
0x2e: {  	s3 =	simm.s32 @!p0 $0x1082;
	s9 =	sld [smem:$0x3FB5]  }
0x2f: {  	lr =	sadd.s32 s0, s3;
	s0 =	sld [smem:$0x3FAC]  }
0x30: {  	s3 =	sld [smem:$0x3FAF]  }
0x31: {  	[smem:$0x3FB8] =	sst s10  }
0x32: {  	s10 =	sld [smem:$0x3FB6];
	_ =	sdelay $0x3  }
0x33: {  	p0 =	seq.s32 s10, $0x1;
	s10 =	sld [smem:$0x3FB8];
	_ =	sdelay $0x3  }
0x34: {  	[smem:$0x3FB8] =	sst s10  }
0x35: {  	s10 =	sld [smem:$0x3FB7];
	_ =	sdelay $0x3  }
0x36: {  	p1 =	seq.s32 s10, $0x1;
	s10 =	sld [smem:$0x3FB8];
	_ =	sdelay $0x3  }
0x37: {  	[smem:$0x3FB8] =	sst s10  }
0x38: {  	s10 =	sld [smem:$0x3FB9]  }
0x39: {  	_ = 	snop;
	(pc) =	sbr.ind lr, $3  }
0x3a: {  	_ = 	snop  }
0x3b: {  	_ = 	snop  }
0x3c: {  	p2 =	seq.s32 s10, $0x1;
	s10 =	sld [smem:$0x3FB8]  }
0x3d: {  	_ =	shalt  }
0x3e: {  	_ =	shalt  }
0x3f: {  	_ =	shalt  }
0x40: {  	_ =	shalt  }
0x41: {  	_ =	shalt  }
0x42: {  	_ =	shalt  }
0x43: {  	_ =	shalt  }
0x44: {  	_ =	shalt  }
0x45: {  	_ =	shalt  }
0x46: {  	_ =	shalt  }
0x47: {  	_ =	shalt  }
0x48: {  	_ =	shalt  }
0x49: {  	_ =	shalt  }
0x4a: {  	_ =	shalt  }
0x4b: {  	_ =	shalt  }
0x4c: {  	_ =	shalt  }
0x4d: {  	_ =	shalt  }
0x4e: {  	_ =	shalt  }
0x4f: {  	_ =	shalt  }
0x50: {  	_ =	shalt  }
0x51: {  	_ =	shalt  }
0x52: {  	_ =	shalt  }
0x53: {  	_ =	shalt  }
0x54: {  	_ =	shalt  }
0x55: {  	_ =	shalt  }
0x56: {  	_ =	shalt  }
0x57: {  	_ =	shalt  }
0x58: {  	_ =	shalt  }
0x59: {  	_ =	shalt  }
0x5a: {  	_ =	shalt  }
0x5b: {  	_ =	shalt  }
0x5c: {  	_ =	shalt  }
0x5d: {  	_ =	shalt  }
0x5e: {  	_ =	shalt  }
0x5f: {  	_ =	shalt  }
0x60: {  	_ =	shalt  }
0x61: {  	_ =	shalt  }
0x62: {  	_ =	shalt  }
0x63: {  	_ =	shalt  }
0x64: {  	_ =	shalt  }
0x65: {  	_ =	shalt  }
0x66: {  	_ =	shalt  }
0x67: {  	_ =	shalt  }
0x68: {  	_ =	shalt  }
0x69: {  	_ =	shalt  }
0x6a: {  	_ =	shalt  }
0x6b: {  	_ =	shalt  }
0x6c: {  	_ =	shalt  }
0x6d: {  	_ =	shalt  }
0x6e: {  	_ =	shalt  }
0x6f: {  	_ =	shalt  }
0x70: {  	_ =	shalt  }
0x71: {  	_ =	shalt  }
0x72: {  	_ =	shalt  }
0x73: {  	_ =	shalt  }
0x74: {  	_ =	shalt  }
0x75: {  	_ =	shalt  }
0x76: {  	_ =	shalt  }
0x77: {  	_ =	shalt  }
0x78: {  	_ =	shalt  }
0x79: {  	_ =	shalt  }
0x7a: {  	_ =	shalt  }
0x7b: {  	_ =	shalt  }
0x7c: {  	_ =	shalt  }
0x7d: {  	_ =	shalt  }
0x7e: {  	_ =	shalt  }
0x7f: {  	_ =	shalt  }
0x80: {  	_ =	shalt  }
0x81: {  	_ =	shalt  }
0x82: {  	_ =	shalt  }
0x83: {  	_ =	shalt  }
0x84: {  	_ =	shalt  }
0x85: {  	_ =	shalt  }
0x86: {  	_ =	shalt  }
0x87: {  	_ =	shalt  }
.Lfunc_end0:
.L_simem_size_0:
called_computation_lowered:
.L_overlay_start_0:
0x88: {  	s2 =	sld [smem:$0x3FD9]  }
0x89: {  	s3 =	sld [smem:$0x3FFE];
	_ =	sdelay $0x1  }
0x8a: {  	s1 =	srdreg.scid  }
0x8b: {  	s0 =	sand.u32 $0x1, s1  }
0x8c: {  	s17 =	sshll.u32 s0, $0xA;
	s2 =	sadd.s32 s3, s2  }
0x8d: {  	s2 =	sadd.s32 s2, s17  }
0x8e: {  	[smem:$0x3FC4] =	sst s2  }
0x8f: {  	_ = 	snop  }
0x90: {  	s2 =	sld [smem:$0x3FC9]  }
0x91: {  	s18 =	sld [smem:$0x3FC8]  }
0x92: {  	s4 =	sld [smem:$0x3FC7]  }
0x93: {  	s5 =	sld [smem:$0x3FC6];
	(tm) =	ssettm $0x1  }
0x94: {  	s6 =	sld [smem:$0x3FFB];
	_ =	sdelay $0x3  }
0x95: {  	_ =	strace s6  }
0x96: {  	s6 =	sld [smem:$0x3FFC];
	_ =	sdelay $0x3  }
0x97: {  	_ =	strace s6  }
0x98: {  	s6 =	sld [smem:$0x3FFD];
	_ =	sdelay $0x3  }
0x99: {  	_ =	strace s6  }
0x9a: {  	_ =	strace $0x8FFFFFFF  }
0x9b: {  	s19 =	sld [smem:$0x3FDB];
	_ =	sdelay $0x1  }
0x9c: {  	s7 =	simm.s32 $_scs_section_size  }
0x9d: {  	s8 =	simm.s32 $_size__tile_overlayer_lowered;
	s9 =	simm.s32 $_tile_overlayer_lowered  }
0x9e: {  	s22 =	simm.s32 $0x1BFF;
	s21 =	sshll.u32 s9, $0x1;
	s6 =	sadd.s32 s7, s19  }
0x9f: {  	s10 =	simm.s32 $0x0;
	s20 =	sshll.u32 s8, $0x1;
	s8 =	sadd.s32 s21, s6  }
0xa0: {  	[timem:s10], [sflag:s22] =	dma.local [hbm:s8], s20  }
0xa1: {  	_ =	swait.ge [sflag:s22], s20  }
0xa2: {  	s7 =	ssub.s32 $0x0, s20;
	[sflag:s22] =	ssyncset.done $0x0  }
0xa3: {  	[sflag:s22] =	ssyncadd.s32 s7;
	_ =	sdelay $0x1  }
0xa4: {  	s23 =	simm.s32 $0x1B8B  }
0xa5: {  	_ =	swait.ge [sflag:s23], $0x1  }
0xa6: {  	[sflag:s23] =	ssyncset.done $0x0  }
0xa7: {  	s25 =	simm.s32 $0x1B8E;
	s24 =	sld [smem:$0x3FFE];
	[sflag:s23] =	ssyncadd.s32 $0xFFFFFFFF  }
0xa8: {  	s26 =	simm.s32 $execute0_lowered;
	[smem:$0x3FD2] =	sst s25  }
0xa9: {  	s8 =	sshll.u32 s26, $0x1;
	_ =	strace $0x80000046;
	[dreg:$0x1] =	wrdreg $0xFFFFFFFF  }
0xaa: {  	s28 =	simm.s32 $_size_execute0_lowered;
	s6 =	sadd.s32 s6, s8;
	[dreg:$0x0] =	wrdreg $0x0  }
0xab: {  	s8 =	sshll.u32 s28, $0x1;
	[dreg:$0x2] =	wrdreg s6  }
0xac: {  	[dreg:$0x3] =	wrdreg s8  }
0xad: {  	[dreg:$0x4] =	wrdreg $0xC0  }
0xae: {  	_ =	task [dreg:s10], $0x5FFFF  }
0xaf: {  	[dreg:$0x1] =	wrdreg $0xFFFFFFFF  }
0xb0: {  	[dreg:$0x0] =	wrdreg $0x60  }
0xb1: {  	[dreg:$0x2] =	wrdreg s4  }
0xb2: {  	[dreg:$0x3] =	wrdreg s5  }
0xb3: {  	[dreg:$0x4] =	wrdreg s2  }
0xb4: {  	[dreg:$0x5] =	wrdreg s18  }
0xb5: {  	[dreg:$0x6] =	wrdreg s24  }
0xb6: {  	[dreg:$0x7] =	wrdreg $0x9  }
0xb7: {  	_ =	task.clear_ibuf [dreg:s10], $0x8FFFF;
	_ =	strace $0x90000046  }
0xb8: {  	s29 =	simm.s32 $0x9;
	_ =	strace $0x80000048  }
0xb9: {  	_ =	swait.ge [sflag:s29], $0x1  }
0xba: {  	[sflag:s29] =	ssyncadd.s32 $0xFFFFFFFF  }
0xbb: {  	_ =	strace $0x90000048  }
0xbc: {  	_ =	sfence  }
0xbd: {  	s30 =	sld [smem:$0x0];
	_ =	sdelay $0x2  }
0xbe: {  	s31 =	sshll.u32 s1, $0xD;
	s1 =	sshrl.u32 s1, $0x2  }
0xbf: {  	s3 =	sand.u32 $0x4000, s31;
	s1 =	sadd.s32 s1, s30  }
0xc0: {  	s0 =	sor.u32 s3, s0;
	s1 =	sshll.u32 s1, $0x11  }
0xc1: {  	s0 =	sor.u32 s1, s0  }
0xc2: {  	s0 =	sadd.s32 $0x8F2B, s0  }
0xc3: {  	[sflag:s0] =	ssyncadd.remote.s32 $0x1  }
0xc4: {  	_ =	sfence.sel $0xFFFF  }
0xc5: {  	[dreg:$0x0] =	wrdreg $0xFFFFFFFF;
	(pc) =	sbr.abs _section_cstart, $3  }
0xc6: {  	[dreg:$0x1] =	wrdreg $0xFFFFFFFF  }
0xc7: {  	_ =	task.clear_ibuf [dreg:s10], $0x2FFFF;
	_ =	strace $0x9FFFFFFF  }
0xc8: {  	(tm) =	ssettm $0x7FFFFFFF  }
0xc9: {  	_ =	shalt  }
tec
execute0_lowered:
.L_overlay_start_1:
0x0: {  	(tag) =	ssettag $0x1  }
0x1: {  	s1 =	rddreg [dreg:$0x0]  }
0x2: {  	s2 =	rddreg [dreg:$0x1]  }
0x3: {  	s0 =	rddreg [dreg:$0x4];
	s6 =	simm.s32 $0x0;
	s3 =	srdreg.scid  }
0x4: {  	s10 =	stileid.u32;
	s11 =	simm.s32 $0x3;
	s12 =	simm.s32 $0xC100  }
0x5: {  	s13 =	simm.s32 $0xC380;
	s14 =	simm.s32 $0x8080;
	s15 =	simm.s32 $0xC880  }
0x6: {  	s16 =	simm.s32 $0x400;
	s17 =	simm.s32 $0x7A1400;
	s18 =	simm.s32 $0xCD80  }
0x7: {  	s19 =	simm.s32 $0x1;
	s3 =	sand.u32 $0x1, s3;
	s5 =	sshll.u32 s10, $0x1  }
.Ltmp0:
0x8: {  	v0 =	vlaneseq.u32;
	s4 =	ssub.s32 $0x2, s3;
	s5 =	sand.u32 $0xE, s5;
	(pc) =	sbr.rel .LBB2_1-.Ltmp0, $4  }
0x9: {  	s20 =	simm.s32 $0x1FD80;
	v2 =	vmul.u32 $0x80, v0;
	s9 =	sshrl.u32 s4, $0x1;
	s3 =	sor.u32 s3, s5  }
0xa: {  	v3 =	vimm.s32 $0x0;
	[smem:$0x7FF] =	sst s6;
	s31 =	ssub.s32 s4, s9;
	s9 =	smul.u32 $0x1E9, s3  }
0xb: {  	v4 =	vimm.s32 $0x1;
	v5 =	vimm.s32 $0xFFFFFFFF;
	s7 =	sadd.s32 $0xC00, s0;
	s8 =	sadd.s32 $0x40C00, s0;
	v6 =	vor.u32 $0x800, v2;
	s0 =	smax.u32 s31, $0x1  }
0xc: {  	p0 =	sgt.u32 s10, $0x7;
	_ =	strace $0x80000047;
	v7 =	vor.u32 $0x1000, v2;
	v8 =	vor.u32 $0x1800, v2;
	[dreg:$0x6] =	wrdreg s0;
	v1 =	vmov s9  }
.LBB2_37:
0xd: {  	_ =	swait.ge [sflag:s19], $0x2000  }
0xe: {  	[sflag:s19] =	ssyncset.done $0x0  }
0xf: {  	[sflag:s19] =	ssyncadd.s32 $0xFFFFE000  }
0x10: {  	_ =	swait.ge [sflag:s19], $0x2000  }
0x11: {  	[sflag:s19] =	ssyncset.done $0x0  }
0x12: {  	[sflag:s19] =	ssyncadd.s32 $0xFFFFE000  }
0x13: {  	_ =	swait.ge [sflag:s19], $0x2000  }
0x14: {  	[sflag:s19] =	ssyncset.done $0x0  }
0x15: {  	[sflag:s19] =	ssyncadd.s32 $0xFFFFE000  }
0x16: {  	_ =	swait.ge [sflag:s19], $0x2000  }
0x17: {  	[sflag:s19] =	ssyncset.done $0x0  }
0x18: {  	[sflag:s19] =	ssyncadd.s32 $0xFFFFE000  }
0x19: {  	_ =	swait.ge [sflag:s19], $0x2000  }
0x1a: {  	[sflag:s19] =	ssyncset.done $0x0  }
0x1b: {  	[sflag:s19] =	ssyncadd.s32 $0xFFFFE000  }
0x1c: {  	_ =	swait.ge [sflag:s19], $0x2000  }
0x1d: {  	[sflag:s19] =	ssyncset.done $0x0  }
0x1e: {  	[sflag:s19] =	ssyncadd.s32 $0xFFFFE000  }
0x1f: {  	_ =	swait.ge [sflag:s19], $0x2000  }
0x20: {  	[sflag:s19] =	ssyncset.done $0x0  }
0x21: {  	s0 =	sshll.u32 s26, $0xB;
	s3 =	sshll.u32 s26, $0x7;
	[sflag:s19] =	ssyncadd.s32 $0xFFFFE000  }
0x22: {  	s4 =	simm.s32 $0x10;
	p1 =	slt.s32 s25, $0x1;
	_ =	swait.ge [sflag:s19], $0x2000  }
0x23: {  	s0 =	sand.u32 $0x3FFFF800, s0;
	s3 =	sand.u32 $0x3FFFFF80, s3;
	[sflag:s19] =	ssyncset.done $0x0  }
0x24: {  	s0 =	sadd.s32 $0x1ED80, s0;
	[sflag:s19] =	ssyncadd.s32 $0xFFFFE000;
	(ifvalue) =	ssetifvalue $0xFFFFFFFF  }
.Ltmp1:
0x25: {  	s3 =	sadd.s32 $0x1FD80, s3;
	(ifvalue) =	ssetifvalue $0xFFFFFFFF;
	(pc) =	sbr.rel @p1 .LBB2_39-.Ltmp1, $4  }
0x26: {  	[hbm4b:s8+s4] =	stream.indirect.scatter [tilespmem:s0], [sflag:$0x3], $0x80, s3, s4, $0x40b8;
	[tilespmem:$0x1FE80] =	vst v63  }
0x27: {  	_ =	swait.ge [sflag:s11], $0x800  }
0x28: {  	[sflag:s11] =	ssyncset.done $0x0  }
0x29: {  	[sflag:s11] =	ssyncadd.s32 $0xFFFFF800  }
.LBB2_38:
0x2a: {  	s0 =	simm.s32 $0x2  }
0x2b: {  	_ =	swait.ge [sflag:s0], $0x800  }
0x2c: {  	[sflag:s0] =	ssyncset.done $0x0  }
0x2d: {  	[sflag:s0] =	ssyncadd.s32 $0xFFFFF800  }
.LBB2_39:
0x2e: {  	s6 =	sadd.s32 $0x1, s6;
	s0 =	rddreg [dreg:$0x6]  }
0x2f: {  	p1 =	sne.s32 s6, s0  }
.Ltmp2:
0x30: {  	_ = 	snop;
	(pc) =	sbr.rel @!p1 .LBB2_40-.Ltmp2, $1  }
0x31: {  	_ =	sdelay $0x3  }
.LBB2_1:
.Ltmp3:
0x32: {  	(pc) =	sbr.rel @p0 .LBB2_20-.Ltmp3, $2  }
0x33: {  	_ =	sdelay $0x2  }
0x34: {  	s23 =	simm.s32 $0x0  }
0x35: {  	s0 =	rddreg [dreg:$0x2]  }
0x36: {  	[tilespmem:s23], [sflag:$0x3] =	stream.linear.gather [hbm4b:s0+s23], $0x4000, $0x38;
	[tilespmem:$0x1FE80] =	vst v63  }
0x37: {  	_ =	swait.ge [sflag:s11], $0x4000  }
0x38: {  	[sflag:s11] =	ssyncset.done $0x0  }
0x39: {  	[sflag:s11] =	ssyncadd.s32 $0xFFFFC000  }
0x3a: {  	[tilespmem:$0xC100] =	vst v3  }
0x3b: {  	[tilespmem:$0xC110] =	vst v3  }
0x3c: {  	[tilespmem:$0xC120] =	vst v3  }
0x3d: {  	[tilespmem:$0xC130] =	vst v3  }
0x3e: {  	[tilespmem:$0xC140] =	vst v3  }
0x3f: {  	[tilespmem:$0xC150] =	vst v3  }
0x40: {  	[tilespmem:$0xC160] =	vst v3  }
0x41: {  	[tilespmem:$0xC170] =	vst v3  }
0x42: {  	[tilespmem:$0xC180] =	vst v3  }
0x43: {  	[tilespmem:$0xC190] =	vst v3  }
0x44: {  	[tilespmem:$0xC1A0] =	vst v3  }
0x45: {  	[tilespmem:$0xC1B0] =	vst v3  }
0x46: {  	[tilespmem:$0xC1C0] =	vst v3  }
0x47: {  	[tilespmem:$0xC1D0] =	vst v3  }
0x48: {  	[tilespmem:$0xC1E0] =	vst v3  }
0x49: {  	[tilespmem:$0xC1F0] =	vst v3  }
0x4a: {  	[tilespmem:$0xC200] =	vst v3  }
0x4b: {  	[tilespmem:$0xC210] =	vst v3  }
0x4c: {  	[tilespmem:$0xC220] =	vst v3  }
0x4d: {  	[tilespmem:$0xC230] =	vst v3  }
0x4e: {  	[tilespmem:$0xC240] =	vst v3  }
0x4f: {  	[tilespmem:$0xC250] =	vst v3  }
0x50: {  	[tilespmem:$0xC260] =	vst v3  }
0x51: {  	[tilespmem:$0xC270] =	vst v3  }
0x52: {  	[tilespmem:$0xC280] =	vst v3  }
0x53: {  	[tilespmem:$0xC290] =	vst v3  }
0x54: {  	[tilespmem:$0xC2A0] =	vst v3  }
0x55: {  	[tilespmem:$0xC2B0] =	vst v3  }
0x56: {  	[tilespmem:$0xC2C0] =	vst v3  }
0x57: {  	[tilespmem:$0xC2D0] =	vst v3  }
0x58: {  	[tilespmem:$0xC2E0] =	vst v3  }
0x59: {  	[tilespmem:$0xC2F0] =	vst v3  }
0x5a: {  	[tilespmem:$0xC300] =	vst v3  }
0x5b: {  	[tilespmem:$0xC310] =	vst v3  }
0x5c: {  	[tilespmem:$0xC380] =	vst v3  }
0x5d: {  	[tilespmem:$0xC390] =	vst v3  }
0x5e: {  	[tilespmem:$0xC3A0] =	vst v3  }
0x5f: {  	[tilespmem:$0xC3B0] =	vst v3  }
0x60: {  	[tilespmem:$0xC3C0] =	vst v3  }
0x61: {  	[tilespmem:$0xC3D0] =	vst v3  }
0x62: {  	[tilespmem:$0xC3E0] =	vst v3  }
0x63: {  	[tilespmem:$0xC3F0] =	vst v3  }
0x64: {  	[tilespmem:$0xC400] =	vst v3  }
0x65: {  	[tilespmem:$0xC410] =	vst v3  }
0x66: {  	[tilespmem:$0xC420] =	vst v3  }
0x67: {  	[tilespmem:$0xC430] =	vst v3  }
0x68: {  	[tilespmem:$0xC440] =	vst v3  }
0x69: {  	[tilespmem:$0xC450] =	vst v3  }
0x6a: {  	[tilespmem:$0xC460] =	vst v3  }
0x6b: {  	[tilespmem:$0xC470] =	vst v3  }
0x6c: {  	[tilespmem:$0xC480] =	vst v3  }
0x6d: {  	[tilespmem:$0xC490] =	vst v3  }
0x6e: {  	[tilespmem:$0xC4A0] =	vst v3  }
0x6f: {  	[tilespmem:$0xC4B0] =	vst v3  }
0x70: {  	[tilespmem:$0xC4C0] =	vst v3  }
0x71: {  	[tilespmem:$0xC4D0] =	vst v3  }
0x72: {  	[tilespmem:$0xC4E0] =	vst v3  }
0x73: {  	[tilespmem:$0xC4F0] =	vst v3  }
0x74: {  	[tilespmem:$0xC500] =	vst v3  }
0x75: {  	[tilespmem:$0xC510] =	vst v3  }
0x76: {  	[tilespmem:$0xC520] =	vst v3  }
0x77: {  	[tilespmem:$0xC530] =	vst v3  }
0x78: {  	[tilespmem:$0xC540] =	vst v3  }
0x79: {  	[tilespmem:$0xC550] =	vst v3  }
0x7a: {  	[tilespmem:$0xC560] =	vst v3  }
0x7b: {  	[tilespmem:$0xC570] =	vst v3  }
0x7c: {  	[tilespmem:$0xC580] =	vst v3  }
0x7d: {  	[tilespmem:$0xC590] =	vst v3  }
0x7e: {  	v9 =	vld [tilespmem:s23+$0x0];
	_ =	sdelay $0x4  }
0x7f: {  	v10 =	vshrl.u32 v9, $0x7  }
0x80: {  	v9 =	vshll.u32 v9, $0xE;
	v10 =	vsub.s32 v10, v1  }
0x81: {  	v9 =	vand.u32 $0x1FC000, v9;
	v11 =	vshll.u32 v10, $0x15  }
0x82: {  	v9 =	vor.u32 v9, v11  }
0x83: {  	v9 =	vadd.s32 s23, v9  }
0x84: {  	vm0 =	vlt.u32 v10, $0x1E9;
	v9 =	vadd.s32 v0, v9  }
0x85: {  	[tilespmem:s23+$0x4000] =	vst.msk vm0, v9;
	v9 =	vmpcnt.ones.xlane vm0;
	_ =	sdelay $0x1  }
0x86: {  	(v2sf) =	vpush v9, $0x0;
	_ =	sdelay $0x3  }
0x87: {  	[tilespmem:v10+s12+$0x0] =	vst.idx.msk vm0, v4  }
0x88: {  	s25 =	simm.s32 $0x10;
	[tilespmem:v10+s13+$0x0] =	vst.idx.add.s32.msk vm0, v4  }
0x89: {  	v9 =	vld [tilespmem:s25+$0x0];
	_ =	sdelay $0x2  }
0x8a: {  	s24 =	simm.s32 $0x20  }
0x8b: {  	s28 =	simm.s32 $0x30;
	s26 =	simm.s32 $0x0;
	s0 =	simm.s32 $0x10  }
.LBB2_3:
0x8c: {  	p1 =	seq.s32 s28, $0x3FF0;
	v10 =	vshrl.u32 v9, $0x7  }
0x8d: {  	v10 =	vsub.s32 v10, v1  }
0x8e: {  	v9 =	vshll.u32 v9, $0xE;
	vm0 =	vlt.u32 v10, $0x1E9  }
0x8f: {  	v9 =	vand.u32 $0x1FC000, v9;
	v11 =	vshll.u32 v10, $0x15;
	v12 =	vmpcnt.ones.xlane vm0  }
0x90: {  	v9 =	vor.u32 v9, v11;
	s3 =	spop (v2sf)  }
0x91: {  	v9 =	vadd.s32 s25, v9;
	s25 =	smov.u32 s24;
	s24 =	smov.u32 s28;
	(v2sf) =	vpush v12, $0x0;
	s26 =	sadd.s32 s26, s3  }
0x92: {  	v9 =	vadd.s32 v0, v9  }
0x93: {  	[tilespmem:s26+$0x4000] =	vst.msk vm0, v9  }
0x94: {  	[tilespmem:v10+s12+$0x0] =	vst.idx.msk vm0, v4  }
0x95: {  	s0 =	sadd.s32 $0x10, s0;
	[tilespmem:v10+s13+$0x0] =	vst.idx.add.s32.msk vm0, v4  }
0x96: {  	v9 =	vld [tilespmem:s0+$0x0]  }
.Ltmp4:
0x97: {  	(pc) =	sbr.rel @!p1 .LBB2_3-.Ltmp4, $2  }
0x98: {  	_ =	sdelay $0x2  }
0x99: {  	s28 =	sadd.s32 $0x10, s28  }
0x9a: {  	v10 =	vshrl.u32 v9, $0x7  }
0x9b: {  	v10 =	vsub.s32 v10, v1  }
0x9c: {  	v9 =	vshll.u32 v9, $0xE;
	vm0 =	vlt.u32 v10, $0x1E9  }
0x9d: {  	v9 =	vand.u32 $0x1FC000, v9;
	v11 =	vshll.u32 v10, $0x15  }
0x9e: {  	v9 =	vor.u32 v9, v11  }
0x9f: {  	s3 =	spop (v2sf);
	v9 =	vadd.s32 s25, v9  }
0xa0: {  	s3 =	sadd.s32 s26, s3;
	v9 =	vadd.s32 v0, v9  }
0xa1: {  	[tilespmem:s3+$0x4000] =	vst.msk vm0, v9  }
0xa2: {  	[tilespmem:v10+s12+$0x0] =	vst.idx.msk vm0, v4  }
0xa3: {  	[tilespmem:v10+s13+$0x0] =	vst.idx.add.s32.msk vm0, v4;
	v10 =	vmpcnt.ones.xlane vm0;
	_ =	sdelay $0x1  }
0xa4: {  	(v2sf) =	vpush v10, $0x0;
	_ =	sdelay $0x1  }
0xa5: {  	s0 =	sadd.s32 $0x10, s0  }
0xa6: {  	v9 =	vld [tilespmem:s0+$0x0];
	_ =	sdelay $0x4  }
0xa7: {  	v11 =	vshrl.u32 v9, $0x7  }
0xa8: {  	v11 =	vsub.s32 v11, v1  }
0xa9: {  	vm15 =	vlt.u32 v11, $0x1E9  }
0xaa: {  	v10 =	vmpcnt.ones.xlane vm15  }
0xab: {  	v9 =	vshll.u32 v9, $0xE  }
0xac: {  	v9 =	vand.u32 $0x1FC000, v9;
	(v2sf) =	vpush v10, $0x0;
	v10 =	vshll.u32 v11, $0x15  }
0xad: {  	v9 =	vor.u32 v9, v10  }
0xae: {  	v9 =	vadd.s32 s24, v9;
	s26 =	spop (v2sf)  }
0xaf: {  	v9 =	vadd.s32 v0, v9;
	s24 =	sadd.s32 s3, s26  }
0xb0: {  	[tilespmem:s24+$0x4000] =	vst.msk vm15, v9  }
0xb1: {  	[tilespmem:v11+s12+$0x0] =	vst.idx.msk vm15, v4  }
0xb2: {  	s30 =	simm.s32 $0x0;
	[tilespmem:v11+s13+$0x0] =	vst.idx.add.s32.msk vm15, v4  }
0xb3: {  	s0 =	simm.s32 $0x10;
	v10 =	vld [tilespmem:s30+$0xC380]  }
0xb4: {  	v12 =	vld [tilespmem:s0+$0xC380];
	_ =	sdelay $0x3  }
0xb5: {  	(xrf0) =	vadd.scan.msk.s32 $0xffff, v10  }
0xb6: {  	(xrf0) =	vadd.scan.msk.s32 $0xffff, v12;
	_ =	sdelay $0x4  }
0xb7: {  	s28 =	simm.s32 $0x20;
	v11, _, _ =	vpop (xrf0)  }
0xb8: {  	v9 =	vld [tilespmem:s28+$0xC380];
	(v2sf) =	vpush v11, $0xF;
	v13, _, _ =	vpop (xrf0)  }
0xb9: {  	s25 =	spop (v2sf);
	(v2sf) =	vpush v13, $0xF;
	_ =	sdelay $0x3  }
0xba: {  	s29 =	simm.s32 $0x30;
	(xrf0) =	vadd.scan.msk.s32 $0xffff, v9  }
0xbb: {  	v11 =	vsub.s32 v11, v10;
	v10 =	vld [tilespmem:s29+$0xC380];
	_ =	sdelay $0x3  }
0xbc: {  	s31 =	simm.s32 $0x100;
	s26 =	sadd.s32 s24, s25;
	v12 =	vsub.s32 v13, v12  }
.LBB2_5:
0xbd: {  	s3 =	sshra.s32 s31, $0x2;
	p1 =	seq.s32 s31, $0x840;
	s31 =	sadd.s32 $0x40, s31;
	(xrf0) =	vadd.scan.msk.s32 $0xffff, v10;
	v13, _, _ =	vpop (xrf0);
	v14 =	vadd.s32 s23, v11;
	v11 =	vmov v12  }
.Ltmp5:
0xbe: {  	v12 =	vsub.s32 v13, v9;
	(v2sf) =	vpush v13, $0xF;
	[tilespmem:s30+$0xC600] =	vst v14;
	v9 =	vmov v10;
	v10 =	vld [tilespmem:s3+$0xC380];
	(pc) =	sbr.rel @!p1 .LBB2_5-.Ltmp5, $4  }
0xbf: {  	[tilespmem:s30+$0xC880] =	vst v14;
	s30 =	smov.u32 s0;
	s0 =	smov.u32 s28;
	s28 =	smov.u32 s29  }
0xc0: {  	s29 =	smov.u32 s3  }
0xc1: {  	s3 =	spop (v2sf)  }
0xc2: {  	s23 =	sadd.s32 s23, s3  }
0xc3: {  	(xrf0) =	vadd.scan.msk.s32 $0xffff, v10;
	_ =	sdelay $0x1  }
0xc4: {  	v13, _, _ =	vpop (xrf0)  }
0xc5: {  	(v2sf) =	vpush v13, $0xF;
	_ =	sdelay $0x2  }
0xc6: {  	v14, _, _ =	vpop (xrf0)  }
0xc7: {  	(v2sf) =	vpush v14, $0xF;
	_ =	sdelay $0x6  }
0xc8: {  	s3 =	spop (v2sf);
	v11 =	vadd.s32 s23, v11  }
0xc9: {  	s3 =	sadd.s32 s23, s3;
	[tilespmem:s30+$0xC600] =	vst v11  }
0xca: {  	[tilespmem:s30+$0xC880] =	vst v11;
	v11 =	vadd.s32 s3, v12;
	s4 =	spop (v2sf)  }
0xcb: {  	p1 =	slt.s32 s26, $0x1;
	v9 =	vsub.s32 v13, v9;
	[tilespmem:s0+$0xC600] =	vst v11;
	s3 =	sadd.s32 s3, s4  }
.Ltmp6:
0xcc: {  	[tilespmem:s0+$0xC880] =	vst v11;
	v9 =	vadd.s32 s3, v9;
	s30 =	spop (v2sf);
	(pc) =	sbr.rel @p1 .LBB2_10-.Ltmp6, $4  }
0xcd: {  	v10 =	vsub.s32 v14, v10;
	[tilespmem:s28+$0xC600] =	vst v9;
	s0 =	sadd.s32 s3, s30  }
0xce: {  	[tilespmem:s28+$0xC880] =	vst v9;
	v9 =	vadd.s32 s0, v10  }
0xcf: {  	[tilespmem:s29+$0xC600] =	vst v9  }
0xd0: {  	[tilespmem:s29+$0xC880] =	vst v9;
	s31 =	spop (v2sf)  }
0xd1: {  	s23 =	simm.s32 $0x4000  }
0xd2: {  	v9 =	vld [tilespmem:s23+$0x0];
	_ =	sdelay $0x4  }
0xd3: {  	(v2sf) =	vpush v9, $0x0;
	_ =	sdelay $0xe  }
0xd4: {  	s3 =	spop (v2sf)  }
0xd5: {  	s3 =	sshrl.u32 s3, $0x15  }
0xd6: {  	v10 =	vld [tilespmem:s3+$0xC880];
	_ =	sdelay $0x4  }
0xd7: {  	(v2sf) =	vpush v10, $0x0;
	_ =	sdelay $0x5  }
0xd8: {  	v10 =	vbroadcast v10, $0x0;
	_ =	sdelay $0x3  }
0xd9: {  	v9 =	vbroadcast v9, $0x0  }
0xda: {  	s0 =	sadd.s32 s24, s25;
	v11 =	vmov s3  }
0xdb: {  	p1 =	sne.s32 s0, $0x1;
	[tilespmem:v10+s14+$0x0] =	vst.idx.msk $0x1, v9;
	v9 =	vbroadcast v11, $0x0  }
.Ltmp7:
0xdc: {  	_ = 	snop;
	(pc) =	sbr.rel @!p1 .LBB2_9-.Ltmp7, $4  }
0xdd: {  	_ = 	snop  }
0xde: {  	s4 =	spop (v2sf)  }
0xdf: {  	s31 =	sadd.s32 $0x1, s4  }
0xe0: {  	s24 =	sadd.s32 $0xFFFFFFFF, s0;
	v10 =	vmov s31  }
.LBB2_8:
0xe1: {  	p1 =	sne.s32 s24, $0x1;
	s24 =	sadd.s32 $0xFFFFFFFF, s24;
	[tilespmem:v9+s15+$0x0] =	vst.idx.msk $0x1, v10;
	s23 =	sadd.s32 $0x1, s23  }
0xe2: {  	v9 =	vld [tilespmem:s23+$0x0];
	_ =	sdelay $0x4  }
0xe3: {  	(v2sf) =	vpush v9, $0x0;
	_ =	sdelay $0xe  }
0xe4: {  	s0 =	spop (v2sf)  }
0xe5: {  	s0 =	sshrl.u32 s0, $0x15  }
0xe6: {  	v10 =	vld [tilespmem:s0+$0xC880];
	v11 =	vmov s0;
	_ =	sdelay $0x4  }
0xe7: {  	v12 =	vbroadcast v10, $0x0;
	(v2sf) =	vpush v10, $0x0;
	_ =	sdelay $0x3  }
0xe8: {  	v9 =	vbroadcast v9, $0x0;
	_ =	sdelay $0x1  }
0xe9: {  	[tilespmem:v12+s14+$0x0] =	vst.idx.msk $0x1, v9;
	_ =	sdelay $0x5  }
0xea: {  	v9 =	vbroadcast v11, $0x0  }
.Ltmp8:
0xeb: {  	(pc) =	sbr.rel @p1 .LBB2_8-.Ltmp8, $4  }
0xec: {  	_ = 	snop  }
0xed: {  	s0 =	spop (v2sf)  }
0xee: {  	s0 =	sadd.s32 $0x1, s0  }
0xef: {  	v10 =	vmov s0  }
.LBB2_9:
0xf0: {  	_ =	sdelay $0x3  }
0xf1: {  	[tilespmem:v9+s15+$0x0] =	vst.idx.msk $0x1, v10  }
.LBB2_10:
0xf2: {  	s0 =	simm.s32 $0xC100  }
0xf3: {  	v9 =	vld [tilespmem:s0+$0x0];
	_ =	sdelay $0x4  }
0xf4: {  	vm0 =	vgt.s32 v9, $0x0  }
0xf5: {  	v9 =	vmpcnt.ones.xlane vm0;
	_ =	sdelay $0x1  }
0xf6: {  	(v2sf) =	vpush v9, $0x0;
	_ =	sdelay $0x4  }
0xf7: {  	s0 =	simm.s32 $0x0  }
0xf8: {  	v10 =	vor.u32 s0, v0  }
0xf9: {  	s24 =	simm.s32 $0xC110;
	[tilespmem:s0+$0xCB00] =	vst.msk vm0, v10  }
0xfa: {  	s23 =	simm.s32 $0x10;
	s5 =	simm.s32 $0x20;
	v9 =	vld [tilespmem:s24+$0x0]  }
.LBB2_11:
0xfb: {  	p1 =	sne.s32 s5, $0x210;
	_ =	sdelay $0x3  }
0xfc: {  	vm0 =	vgt.s32 v9, $0x0  }
0xfd: {  	v9 =	vmpcnt.ones.xlane vm0  }
0xfe: {  	s3 =	spop (v2sf)  }
0xff: {  	v10 =	vor.u32 s23, v0;
	s23 =	smov.u32 s5;
	(v2sf) =	vpush v9, $0x0;
	s0 =	sadd.s32 s0, s3  }
0x100: {  	[tilespmem:s0+$0xCB00] =	vst.msk vm0, v10;
	_ =	sdelay $0x2  }
.Ltmp9:
0x101: {  	(pc) =	sbr.rel @p1 .LBB2_11-.Ltmp9, $3  }
0x102: {  	_ =	sdelay $0x1  }
0x103: {  	s24 =	sadd.s32 $0x10, s24  }
0x104: {  	s5 =	sadd.s32 $0x10, s5;
	v9 =	vld [tilespmem:s24+$0x0]  }
0x105: {  	_ =	sdelay $0x3  }
0x106: {  	vm0 =	vgt.s32 v9, $0x0  }
0x107: {  	v9 =	vmpcnt.ones.xlane vm0;
	_ =	sdelay $0x1  }
0x108: {  	(v2sf) =	vpush v9, $0x0;
	_ =	sdelay $0xd  }
0x109: {  	s3 =	spop (v2sf)  }
0x10a: {  	s0 =	sadd.s32 s0, s3;
	s31 =	spop (v2sf)  }
0x10b: {  	v9 =	vor.u32 s23, v0;
	s23 =	sadd.s32 s0, s31  }
0x10c: {  	p1 =	slt.s32 s23, $0x1  }
.Ltmp10:
0x10d: {  	_ = 	snop;
	(pc) =	sbr.rel @p1 .LBB2_39-.Ltmp10, $4  }
0x10e: {  	_ = 	snop  }
0x10f: {  	[tilespmem:s0+$0xCB00] =	vst.msk vm0, v9  }
0x110: {  	[tilespmem:$0x1FD80] =	vst v5  }
0x111: {  	[tilespmem:$0x1FE00] =	vst v5  }
0x112: {  	v9 =	vld [tilespmem:$0xCB00];
	_ =	sdelay $0x4  }
0x113: {  	(v2sf) =	vpush v9, $0x0;
	_ =	sdelay $0xe  }
0x114: {  	s0 =	spop (v2sf)  }
0x115: {  	s0 =	sadd.s32 s9, s0  }
0x116: {  	s0 =	sshll.u32 s0, $0x7  }
0x117: {  	s0 =	sand.u32 $0x1FFFFF80, s0  }
0x118: {  	s24 =	sadd.s32 $0xFFFFFFFF, s23;
	s0 =	sadd.s32 s1, s0  }
0x119: {  	[tilespmem:s18], [sflag:$0x1] =	stream.strided.gather [hbm4b:s0+s16], $0x2000, s17, s16, $0x38;
	[tilespmem:$0x1FE80] =	vst v63  }
0x11a: {  	p1 =	sne.s32 s24, $0x0;
	s0 =	simm.s32 $0x1  }
0x11b: {  	s0 =	simm.s32 @!p1 $0x0  }
0x11c: {  	v9 =	vld [tilespmem:s0+$0xCB00];
	_ =	sdelay $0x4  }
0x11d: {  	(v2sf) =	vpush v9, $0x0;
	_ =	sdelay $0xe  }
0x11e: {  	s25 =	spop (v2sf)  }
0x11f: {  	s0 =	sadd.s32 s9, s25  }
0x120: {  	s0 =	sshll.u32 s0, $0x7  }
0x121: {  	s3 =	simm.s32 $0xED80;
	s0 =	sand.u32 $0x1FFFFF80, s0  }
0x122: {  	s26 =	smin.u32 s24, $0x2;
	s3 =	simm.s32 @!p1 $0xCD80;
	s0 =	sadd.s32 s1, s0  }
0x123: {  	[tilespmem:s3], [sflag:$0x1] =	stream.strided.gather [hbm4b:s0+s16], $0x2000, s17, s16, $0x38;
	[tilespmem:$0x1FE80] =	vst v63  }
0x124: {  	v9 =	vld [tilespmem:s26+$0xCB00];
	_ =	sdelay $0x4  }
0x125: {  	(v2sf) =	vpush v9, $0x0;
	_ =	sdelay $0xe  }
0x126: {  	s29 =	spop (v2sf)  }
0x127: {  	s3 =	sadd.s32 s9, s29  }
0x128: {  	s3 =	sshll.u32 s3, $0x7  }
0x129: {  	s0 =	sshll.u32 s26, $0xD;
	s3 =	sand.u32 $0x1FFFFF80, s3  }
0x12a: {  	s31 =	smin.u32 s24, $0x3;
	s0 =	sadd.s32 $0xCD80, s0;
	s3 =	sadd.s32 s1, s3  }
0x12b: {  	[tilespmem:s0], [sflag:$0x1] =	stream.strided.gather [hbm4b:s3+s16], $0x2000, s17, s16, $0x38;
	[tilespmem:$0x1FE80] =	vst v63  }
0x12c: {  	v9 =	vld [tilespmem:s31+$0xCB00];
	_ =	sdelay $0x4  }
0x12d: {  	(v2sf) =	vpush v9, $0x0;
	_ =	sdelay $0xe  }
0x12e: {  	s4 =	spop (v2sf)  }
0x12f: {  	s3 =	sadd.s32 s9, s4  }
0x130: {  	s3 =	sshll.u32 s3, $0x7  }
0x131: {  	s0 =	sshll.u32 s31, $0xD;
	s3 =	sand.u32 $0x1FFFFF80, s3  }
0x132: {  	s5 =	smin.u32 s24, $0x4;
	s0 =	sadd.s32 $0xCD80, s0;
	s3 =	sadd.s32 s1, s3  }
0x133: {  	[tilespmem:s0], [sflag:$0x1] =	stream.strided.gather [hbm4b:s3+s16], $0x2000, s17, s16, $0x38;
	[tilespmem:$0x1FE80] =	vst v63  }
0x134: {  	v9 =	vld [tilespmem:s5+$0xCB00];
	_ =	sdelay $0x4  }
0x135: {  	(v2sf) =	vpush v9, $0x0;
	_ =	sdelay $0xe  }
0x136: {  	s10 =	spop (v2sf)  }
0x137: {  	s3 =	sadd.s32 s9, s10  }
0x138: {  	s3 =	sshll.u32 s3, $0x7  }
0x139: {  	s0 =	sshll.u32 s5, $0xD;
	s3 =	sand.u32 $0x1FFFFF80, s3  }
0x13a: {  	s21 =	smin.u32 s24, $0x5;
	s0 =	sadd.s32 $0xCD80, s0;
	s3 =	sadd.s32 s1, s3  }
0x13b: {  	[tilespmem:s0], [sflag:$0x1] =	stream.strided.gather [hbm4b:s3+s16], $0x2000, s17, s16, $0x38;
	[tilespmem:$0x1FE80] =	vst v63  }
0x13c: {  	v9 =	vld [tilespmem:s21+$0xCB00];
	_ =	sdelay $0x4  }
0x13d: {  	(v2sf) =	vpush v9, $0x0;
	_ =	sdelay $0xe  }
0x13e: {  	s22 =	spop (v2sf)  }
0x13f: {  	s3 =	sadd.s32 s9, s22  }
0x140: {  	s3 =	sshll.u32 s3, $0x7  }
0x141: {  	s0 =	sshll.u32 s21, $0xD;
	s3 =	sand.u32 $0x1FFFFF80, s3  }
0x142: {  	s25 =	smin.u32 s24, $0x6;
	s0 =	sadd.s32 $0xCD80, s0;
	s3 =	sadd.s32 s1, s3  }
0x143: {  	[tilespmem:s0], [sflag:$0x1] =	stream.strided.gather [hbm4b:s3+s16], $0x2000, s17, s16, $0x38;
	[tilespmem:$0x1FE80] =	vst v63  }
0x144: {  	v9 =	vld [tilespmem:s25+$0xCB00];
	_ =	sdelay $0x4  }
0x145: {  	(v2sf) =	vpush v9, $0x0;
	_ =	sdelay $0xe  }
0x146: {  	s26 =	spop (v2sf)  }
0x147: {  	s3 =	sadd.s32 s9, s26  }
0x148: {  	s3 =	sshll.u32 s3, $0x7  }
0x149: {  	s0 =	sshll.u32 s25, $0xD;
	s3 =	sand.u32 $0x1FFFFF80, s3  }
0x14a: {  	s29 =	smin.u32 s24, $0x7;
	s0 =	sadd.s32 $0xCD80, s0;
	s3 =	sadd.s32 s1, s3  }
0x14b: {  	[tilespmem:s0], [sflag:$0x1] =	stream.strided.gather [hbm4b:s3+s16], $0x2000, s17, s16, $0x38;
	[tilespmem:$0x1FE80] =	vst v63  }
0x14c: {  	v9 =	vld [tilespmem:s29+$0xCB00];
	_ =	sdelay $0x4  }
0x14d: {  	(v2sf) =	vpush v9, $0x0;
	_ =	sdelay $0xe  }
0x14e: {  	s31 =	spop (v2sf)  }
0x14f: {  	s3 =	sadd.s32 s9, s31  }
.Ltmp11:
0x150: {  	s3 =	sshll.u32 s3, $0x7;
	(pc) =	sbr.rel .LBB2_14-.Ltmp11, $4  }
0x151: {  	s0 =	sshll.u32 s29, $0xD;
	s3 =	sand.u32 $0x1FFFFF80, s3  }
0x152: {  	s30 =	simm.s32 $0x0;
	s0 =	sadd.s32 $0xCD80, s0;
	s3 =	sadd.s32 s1, s3  }
0x153: {  	[tilespmem:s0], [sflag:$0x1] =	stream.strided.gather [hbm4b:s3+s16], $0x2000, s17, s16, $0x38;
	[tilespmem:$0x1FE80] =	vst v63  }
0x154: {  	s28 =	simm.s32 $0x0;
	s4 =	simm.s32 $0x0;
	s0 =	simm.s32 $0x0  }
.LBB2_17:
0x155: {  	[sflag:s3] =	ssyncadd.s32 @!p3 $0xFFFFF800;
	s25 =	smov.u32 @p2 s4;
	s26 =	smov.u32 @p2 s0  }
0x156: {  	s30 =	ssub.s32 s31, s21;
	[tilespmem:s5+$0x1FD80] =	vst @!p2 v13;
	s0 =	smov.u32 s26;
	s4 =	smov.u32 s25  }
.LBB2_18:
0x157: {  	s28 =	sadd.s32 $0x1, s28  }
0x158: {  	p1 =	sne.s32 s28, s23  }
.Ltmp12:
0x159: {  	_ = 	snop;
	(pc) =	sbr.rel @!p1 .LBB2_19-.Ltmp12, $1  }
0x15a: {  	_ =	sdelay $0x3  }
.LBB2_14:
0x15b: {  	_ =	swait.ge [sflag:s19], $0x2000;
	s3 =	sadd.s32 $0x8, s28  }
0x15c: {  	s5 =	smov.u32 s24;
	[sflag:s19] =	ssyncset.done $0x0;
	p1 =	slt.s32 s3, s24  }
0x15d: {  	[sflag:s19] =	ssyncadd.s32 $0xFFFFE000;
	s5 =	smov.u32 @p1 s3  }
0x15e: {  	v9 =	vld [tilespmem:s5+$0xCB00];
	_ =	sdelay $0x4  }
0x15f: {  	(v2sf) =	vpush v9, $0x0;
	_ =	sdelay $0x7  }
0x160: {  	s3 =	smulhi.u32 $0x38E38E39, s5;
	s21 =	sshra.s32 s5, $0x1F  }
0x161: {  	s21 =	smul.u32 $0x38E38E39, s21;
	_ =	sdelay $0x1  }
0x162: {  	s3 =	sadd.s32 s21, s3  }
0x163: {  	s21 =	sshrl.u32 s3, $0x1F;
	s3 =	sshrl.u32 s3, $0x1  }
0x164: {  	s3 =	sadd.s32 s21, s3  }
0x165: {  	s3 =	smul.u32 $0x9, s3  }
0x166: {  	s25 =	spop (v2sf)  }
0x167: {  	s3 =	ssub.s32 s5, s3;
	s26 =	sadd.s32 s9, s25  }
0x168: {  	s3 =	sshll.u32 s3, $0xF;
	s5 =	sshll.u32 s26, $0x7  }
0x169: {  	s3 =	sshra.s32 s3, $0x2;
	s5 =	sand.u32 $0x1FFFFF80, s5  }
0x16a: {  	s3 =	sadd.s32 $0xCD80, s3;
	s5 =	sadd.s32 s1, s5  }
0x16b: {  	[tilespmem:s3], [sflag:$0x1] =	stream.strided.gather [hbm4b:s5+s16], $0x2000, s17, s16, $0x38;
	[tilespmem:$0x1FE80] =	vst v63  }
0x16c: {  	v9 =	vld [tilespmem:s28+$0xCB00];
	_ =	sdelay $0x4  }
0x16d: {  	(v2sf) =	vpush v9, $0x0;
	_ =	sdelay $0xe  }
0x16e: {  	s29 =	spop (v2sf)  }
0x16f: {  	v9 =	vld [tilespmem:s29+$0xC600]  }
0x170: {  	v10 =	vld [tilespmem:s29+$0xC380];
	_ =	sdelay $0x3  }
0x171: {  	(v2sf) =	vpush v9, $0x0  }
0x172: {  	(v2sf) =	vpush v10, $0x0;
	_ =	sdelay $0xd  }
0x173: {  	s3 =	spop (v2sf)  }
0x174: {  	s26 =	spop (v2sf)  }
0x175: {  	s31 =	sadd.s32 s3, s26  }
0x176: {  	p1 =	sge.s32 s3, s31  }
.Ltmp13:
0x177: {  	_ = 	snop;
	(pc) =	sbr.rel @p1 .LBB2_18-.Ltmp13, $1  }
0x178: {  	_ =	sdelay $0x3  }
0x179: {  	s3 =	sshll.u32 s3, $0x2  }
0x17a: {  	s3 =	sshra.s32 s3, $0x2  }
0x17b: {  	s3 =	sadd.s32 $0x8080, s3  }
0x17c: {  	v9 =	vld [tilespmem:s3+$0x0];
	_ =	sdelay $0x4  }
0x17d: {  	(v2sf) =	vpush v9, $0x0;
	_ =	sdelay $0x9  }
0x17e: {  	s5 =	smulhi.u32 $0x38E38E39, s28;
	_ =	sdelay $0x1  }
0x17f: {  	s5 =	sshrl.u32 s5, $0x1  }
0x180: {  	s5 =	smul.u32 $0x9, s5;
	_ =	sdelay $0x1  }
0x181: {  	s5 =	ssub.s32 s28, s5;
	s21 =	spop (v2sf)  }
0x182: {  	s5 =	sshll.u32 s5, $0xD;
	s25 =	sshrl.u32 s21, $0xE  }
0x183: {  	v9 =	vor.u32 s5, v2;
	s25 =	sand.u32 $0x7F, s25  }
0x184: {  	v11 =	vor.u32 s25, v9;
	_ =	sdelay $0x4  }
0x185: {  	v10 =	vor.u32 s5, v6;
	v11 =	vld.idx.msk [tilespmem:v11+s18+$0x0], $0xffff  }
0x186: {  	s29 =	sshll.u32 s0, $0xD;
	v12 =	vor.u32 s25, v10  }
0x187: {  	s31 =	sshll.u32 s30, $0x9;
	s29 =	sshra.s32 s29, $0x2  }
0x188: {  	s22 =	sadd.s32 $0x1ED80, s29;
	s29 =	sshra.s32 s31, $0x2  }
0x189: {  	s10 =	sadd.s32 s29, s22  }
0x18a: {  	[tilespmem:s10+$0x0] =	vst v11  }
0x18b: {  	v11 =	vor.u32 s5, v7;
	v12 =	vld.idx.msk [tilespmem:v12+s18+$0x0], $0xffff  }
0x18c: {  	v13 =	vor.u32 s25, v11;
	_ =	sdelay $0x3  }
0x18d: {  	[tilespmem:s10+$0x10] =	vst v12  }
0x18e: {  	v12 =	vor.u32 s5, v8;
	v13 =	vld.idx.msk [tilespmem:v13+s18+$0x0], $0xffff  }
0x18f: {  	v14 =	vor.u32 s25, v12;
	_ =	sdelay $0x2  }
0x190: {  	v15 =	vmov s30  }
0x191: {  	s25 =	sshll.u32 s0, $0x7;
	[tilespmem:s10+$0x20] =	vst v13;
	v13 =	vand.u32 $0xFFFFFF80, v15  }
0x192: {  	v15 =	vand.u32 $0x7F, v15;
	v14 =	vld.idx.msk [tilespmem:v14+s18+$0x0], $0xffff;
	v13 =	vadd.s32 s25, v13  }
0x193: {  	s31 =	sadd.s32 $0x1, s30;
	v13 =	vor.u32 v15, v13  }
0x194: {  	p2 =	sne.s32 s31, $0x10  }
0x195: {  	s29 =	sadd.s32 $0xFFFFFFFF, s26;
	s30 =	sadd.s32 $0x1, s3;
	s3 =	sshll.u32 @!p2 s0, $0x7  }
0x196: {  	p3 =	slt.s32 @!p2 s4, $0x1;
	s3 =	sand.u32 @!p2 $0x3FFFFF80, s3;
	s26 =	sand.u32 $0x3FFF, s21  }
0x197: {  	p1 =	sne.s32 s29, $0x0;
	p3 =	por p3, p2;
	s3 =	sadd.s32 @!p2 $0x1FD80, s3;
	[tilespmem:s10+$0x30] =	vst v14;
	v14 =	vmov s26  }
0x198: {  	s21 =	sshra.s32 s31, $0x1F;
	s26 =	sxor.u32 @!p2 $0x1, s0;
	[tilespmem:v13+s20+$0x0] =	vst.idx.msk $0x1, v14;
	(ifvalue) =	ssetifvalue @!p2 $0xFFFFFFFF  }
.Ltmp14:
0x199: {  	s10 =	simm.s32 @!p2 $0x10;
	(ifvalue) =	ssetifvalue @!p2 $0xFFFFFFFF;
	(pc) =	sbr.rel @!p1 .LBB2_17-.Ltmp14, $4  }
0x19a: {  	[hbm4b:s7+s10] =	stream.indirect.scatter @!p2 [tilespmem:s22], [sflag:$0x2], $0x80, s3, s10, $0x40b8;
	[tilespmem:$0x1FE80] =	vst v63  }
0x19b: {  	s25 =	sshrl.u32 s21, $0x1C;
	s3 =	simm.s32 @!p3 $0x2;
	s10 =	sshll.u32 @!p2 s26, $0x7  }
0x19c: {  	s22 =	sadd.s32 s25, s31;
	s25 =	sadd.s32 @!p2 $0x1, s4;
	_ =	swait.ge @!p3 [sflag:s3], $0x800  }
0x19d: {  	v13 =	vimm.s32 @!p2 $0xFFFFFFFF;
	s5 =	sand.u32 @!p2 $0x3FFFFF80, s10;
	s21 =	sand.u32 $0xFFFFFFF0, s22;
	[sflag:s3] =	ssyncset.done @!p3 $0x0  }
.LBB2_16:
0x19e: {  	s10 =	smov.u32 s0  }
0x19f: {  	s0 =	smov.u32 s4;
	s4 =	smov.u32 s25;
	s31 =	ssub.s32 s31, s21  }
0x1a0: {  	[sflag:s3] =	ssyncadd.s32 @!p3 $0xFFFFF800;
	s4 =	smov.u32 @p2 s0;
	s0 =	smov.u32 s26  }
0x1a1: {  	s29 =	sadd.s32 $0xFFFFFFFF, s29;
	[tilespmem:s5+$0x1FD80] =	vst @!p2 v13;
	s0 =	smov.u32 @p2 s10  }
0x1a2: {  	p1 =	sne.s32 s29, $0x0;
	v13 =	vld [tilespmem:s30+$0x0];
	_ =	sdelay $0x4  }
0x1a3: {  	(v2sf) =	vpush v13, $0x0;
	_ =	sdelay $0xe  }
0x1a4: {  	s3 =	spop (v2sf)  }
0x1a5: {  	s5 =	sshrl.u32 s3, $0xE;
	s3 =	sand.u32 $0x3FFF, s3  }
0x1a6: {  	s5 =	sand.u32 $0x7F, s5  }
0x1a7: {  	v13 =	vor.u32 s5, v9;
	_ =	sdelay $0x4  }
0x1a8: {  	v13 =	vld.idx.msk [tilespmem:v13+s18+$0x0], $0xffff;
	_ =	sdelay $0x1  }
0x1a9: {  	s10 =	sshll.u32 s0, $0xD;
	v14 =	vor.u32 s5, v10  }
0x1aa: {  	s21 =	sshll.u32 s31, $0x9;
	s10 =	sshra.s32 s10, $0x2  }
0x1ab: {  	s21 =	sshra.s32 s21, $0x2;
	s10 =	sadd.s32 $0x1ED80, s10  }
0x1ac: {  	s21 =	sadd.s32 s21, s10  }
0x1ad: {  	[tilespmem:s21+$0x0] =	vst v13  }
0x1ae: {  	v13 =	vld.idx.msk [tilespmem:v14+s18+$0x0], $0xffff;
	_ =	sdelay $0x1  }
0x1af: {  	v14 =	vor.u32 s5, v11;
	_ =	sdelay $0x3  }
0x1b0: {  	[tilespmem:s21+$0x10] =	vst v13  }
0x1b1: {  	v13 =	vld.idx.msk [tilespmem:v14+s18+$0x0], $0xffff;
	_ =	sdelay $0x1  }
0x1b2: {  	v14 =	vor.u32 s5, v12;
	_ =	sdelay $0x3  }
0x1b3: {  	[tilespmem:s21+$0x20] =	vst v13;
	v13 =	vmov s31  }
0x1b4: {  	s5 =	sshll.u32 s0, $0x7;
	v14 =	vld.idx.msk [tilespmem:v14+s18+$0x0], $0xffff;
	v15 =	vand.u32 $0xFFFFFF80, v13  }
0x1b5: {  	v13 =	vand.u32 $0x7F, v13;
	v15 =	vadd.s32 s5, v15  }
0x1b6: {  	v13 =	vor.u32 v13, v15;
	_ =	sdelay $0x1  }
0x1b7: {  	s31 =	sadd.s32 $0x1, s31  }
0x1b8: {  	p2 =	sne.s32 s31, $0x10  }
0x1b9: {  	s30 =	sadd.s32 $0x1, s30;
	s5 =	sshra.s32 s31, $0x1F;
	p3 =	slt.s32 @!p2 s4, $0x1;
	[tilespmem:s21+$0x30] =	vst v14;
	v14 =	vmov s3  }
0x1ba: {  	s26 =	sxor.u32 @!p2 $0x1, s0;
	p3 =	por p3, p2;
	s3 =	sshll.u32 @!p2 s0, $0x7;
	[tilespmem:v13+s20+$0x0] =	vst.idx.msk $0x1, v14  }
0x1bb: {  	s21 =	simm.s32 @!p2 $0x10;
	s3 =	sand.u32 @!p2 $0x3FFFFF80, s3;
	(ifvalue) =	ssetifvalue @!p2 $0xFFFFFFFF  }
.Ltmp15:
0x1bc: {  	s3 =	sadd.s32 @!p2 $0x1FD80, s3;
	(ifvalue) =	ssetifvalue @!p2 $0xFFFFFFFF;
	(pc) =	sbr.rel @p1 .LBB2_16-.Ltmp15, $4  }
0x1bd: {  	[hbm4b:s7+s21] =	stream.indirect.scatter @!p2 [tilespmem:s10], [sflag:$0x2], $0x80, s3, s21, $0x40b8;
	[tilespmem:$0x1FE80] =	vst v63  }
0x1be: {  	s3 =	simm.s32 @!p3 $0x2;
	s10 =	sshll.u32 @!p2 s26, $0x7;
	s21 =	sshrl.u32 s5, $0x1C  }
0x1bf: {  	s5 =	sand.u32 @!p2 $0x3FFFFF80, s10;
	s10 =	sadd.s32 s21, s31;
	_ =	swait.ge @!p3 [sflag:s3], $0x800  }
0x1c0: {  	s25 =	sadd.s32 @!p2 $0x1, s4;
	v13 =	vimm.s32 @!p2 $0xFFFFFFFF;
	s21 =	sand.u32 $0xFFFFFFF0, s10;
	[sflag:s3] =	ssyncset.done @!p3 $0x0  }
.Ltmp16:
0x1c1: {  	_ = 	snop;
	(pc) =	sbr.rel .LBB2_17-.Ltmp16, $1  }
0x1c2: {  	_ =	sdelay $0x3  }
.LBB2_20:
0x1c3: {  	s0 =	rddreg [dreg:$0x3]  }
0x1c4: {  	[tilespmem:s23], [sflag:$0x3] =	stream.linear.gather [hbm4b:s0+s23], $0x4000, $0x38;
	[tilespmem:$0x1FE80] =	vst v63  }
0x1c5: {  	_ =	swait.ge [sflag:s11], $0x4000  }
0x1c6: {  	[sflag:s11] =	ssyncset.done $0x0  }
0x1c7: {  	[sflag:s11] =	ssyncadd.s32 $0xFFFFC000  }
0x1c8: {  	[tilespmem:$0xC100] =	vst v3  }
0x1c9: {  	[tilespmem:$0xC110] =	vst v3  }
0x1ca: {  	[tilespmem:$0xC120] =	vst v3  }
0x1cb: {  	[tilespmem:$0xC130] =	vst v3  }
0x1cc: {  	[tilespmem:$0xC140] =	vst v3  }
0x1cd: {  	[tilespmem:$0xC150] =	vst v3  }
0x1ce: {  	[tilespmem:$0xC160] =	vst v3  }
0x1cf: {  	[tilespmem:$0xC170] =	vst v3  }
0x1d0: {  	[tilespmem:$0xC180] =	vst v3  }
0x1d1: {  	[tilespmem:$0xC190] =	vst v3  }
0x1d2: {  	[tilespmem:$0xC1A0] =	vst v3  }
0x1d3: {  	[tilespmem:$0xC1B0] =	vst v3  }
0x1d4: {  	[tilespmem:$0xC1C0] =	vst v3  }
0x1d5: {  	[tilespmem:$0xC1D0] =	vst v3  }
0x1d6: {  	[tilespmem:$0xC1E0] =	vst v3  }
0x1d7: {  	[tilespmem:$0xC1F0] =	vst v3  }
0x1d8: {  	[tilespmem:$0xC200] =	vst v3  }
0x1d9: {  	[tilespmem:$0xC210] =	vst v3  }
0x1da: {  	[tilespmem:$0xC220] =	vst v3  }
0x1db: {  	[tilespmem:$0xC230] =	vst v3  }
0x1dc: {  	[tilespmem:$0xC240] =	vst v3  }
0x1dd: {  	[tilespmem:$0xC250] =	vst v3  }
0x1de: {  	[tilespmem:$0xC260] =	vst v3  }
0x1df: {  	[tilespmem:$0xC270] =	vst v3  }
0x1e0: {  	[tilespmem:$0xC280] =	vst v3  }
0x1e1: {  	[tilespmem:$0xC290] =	vst v3  }
0x1e2: {  	[tilespmem:$0xC2A0] =	vst v3  }
0x1e3: {  	[tilespmem:$0xC2B0] =	vst v3  }
0x1e4: {  	[tilespmem:$0xC2C0] =	vst v3  }
0x1e5: {  	[tilespmem:$0xC2D0] =	vst v3  }
0x1e6: {  	[tilespmem:$0xC2E0] =	vst v3  }
0x1e7: {  	[tilespmem:$0xC2F0] =	vst v3  }
0x1e8: {  	[tilespmem:$0xC300] =	vst v3  }
0x1e9: {  	[tilespmem:$0xC310] =	vst v3  }
0x1ea: {  	[tilespmem:$0xC380] =	vst v3  }
0x1eb: {  	[tilespmem:$0xC390] =	vst v3  }
0x1ec: {  	[tilespmem:$0xC3A0] =	vst v3  }
0x1ed: {  	[tilespmem:$0xC3B0] =	vst v3  }
0x1ee: {  	[tilespmem:$0xC3C0] =	vst v3  }
0x1ef: {  	[tilespmem:$0xC3D0] =	vst v3  }
0x1f0: {  	[tilespmem:$0xC3E0] =	vst v3  }
0x1f1: {  	[tilespmem:$0xC3F0] =	vst v3  }
0x1f2: {  	[tilespmem:$0xC400] =	vst v3  }
0x1f3: {  	[tilespmem:$0xC410] =	vst v3  }
0x1f4: {  	[tilespmem:$0xC420] =	vst v3  }
0x1f5: {  	[tilespmem:$0xC430] =	vst v3  }
0x1f6: {  	[tilespmem:$0xC440] =	vst v3  }
0x1f7: {  	[tilespmem:$0xC450] =	vst v3  }
0x1f8: {  	[tilespmem:$0xC460] =	vst v3  }
0x1f9: {  	[tilespmem:$0xC470] =	vst v3  }
0x1fa: {  	[tilespmem:$0xC480] =	vst v3  }
0x1fb: {  	[tilespmem:$0xC490] =	vst v3  }
0x1fc: {  	[tilespmem:$0xC4A0] =	vst v3  }
0x1fd: {  	[tilespmem:$0xC4B0] =	vst v3  }
0x1fe: {  	[tilespmem:$0xC4C0] =	vst v3  }
0x1ff: {  	[tilespmem:$0xC4D0] =	vst v3  }
0x200: {  	[tilespmem:$0xC4E0] =	vst v3  }
0x201: {  	[tilespmem:$0xC4F0] =	vst v3  }
0x202: {  	[tilespmem:$0xC500] =	vst v3  }
0x203: {  	[tilespmem:$0xC510] =	vst v3  }
0x204: {  	[tilespmem:$0xC520] =	vst v3  }
0x205: {  	[tilespmem:$0xC530] =	vst v3  }
0x206: {  	[tilespmem:$0xC540] =	vst v3  }
0x207: {  	[tilespmem:$0xC550] =	vst v3  }
0x208: {  	[tilespmem:$0xC560] =	vst v3  }
0x209: {  	[tilespmem:$0xC570] =	vst v3  }
0x20a: {  	[tilespmem:$0xC580] =	vst v3  }
0x20b: {  	[tilespmem:$0xC590] =	vst v3  }
0x20c: {  	v9 =	vld [tilespmem:s23+$0x0];
	_ =	sdelay $0x4  }
0x20d: {  	v10 =	vshrl.u32 v9, $0x7  }
0x20e: {  	v9 =	vshll.u32 v9, $0xE;
	v10 =	vsub.s32 v10, v1  }
0x20f: {  	v9 =	vand.u32 $0x1FC000, v9;
	v11 =	vshll.u32 v10, $0x15  }
0x210: {  	v9 =	vor.u32 v9, v11  }
0x211: {  	v9 =	vadd.s32 s23, v9  }
0x212: {  	vm0 =	vlt.u32 v10, $0x1E9;
	v9 =	vadd.s32 v0, v9  }
0x213: {  	[tilespmem:s23+$0x4000] =	vst.msk vm0, v9;
	v9 =	vmpcnt.ones.xlane vm0;
	_ =	sdelay $0x1  }
0x214: {  	(v2sf) =	vpush v9, $0x0;
	_ =	sdelay $0x3  }
0x215: {  	[tilespmem:v10+s12+$0x0] =	vst.idx.msk vm0, v4  }
0x216: {  	s25 =	simm.s32 $0x10;
	[tilespmem:v10+s13+$0x0] =	vst.idx.add.s32.msk vm0, v4  }
0x217: {  	v9 =	vld [tilespmem:s25+$0x0];
	_ =	sdelay $0x2  }
0x218: {  	s24 =	simm.s32 $0x20  }
0x219: {  	s28 =	simm.s32 $0x30;
	s26 =	simm.s32 $0x0;
	s0 =	simm.s32 $0x10  }
.LBB2_21:
0x21a: {  	p1 =	seq.s32 s28, $0x3FF0;
	v10 =	vshrl.u32 v9, $0x7  }
0x21b: {  	v10 =	vsub.s32 v10, v1  }
0x21c: {  	v9 =	vshll.u32 v9, $0xE;
	vm0 =	vlt.u32 v10, $0x1E9  }
0x21d: {  	v9 =	vand.u32 $0x1FC000, v9;
	v11 =	vshll.u32 v10, $0x15;
	v12 =	vmpcnt.ones.xlane vm0  }
0x21e: {  	v9 =	vor.u32 v9, v11;
	s3 =	spop (v2sf)  }
0x21f: {  	v9 =	vadd.s32 s25, v9;
	s25 =	smov.u32 s24;
	s24 =	smov.u32 s28;
	(v2sf) =	vpush v12, $0x0;
	s26 =	sadd.s32 s26, s3  }
0x220: {  	v9 =	vadd.s32 v0, v9  }
0x221: {  	[tilespmem:s26+$0x4000] =	vst.msk vm0, v9  }
0x222: {  	[tilespmem:v10+s12+$0x0] =	vst.idx.msk vm0, v4  }
0x223: {  	s0 =	sadd.s32 $0x10, s0;
	[tilespmem:v10+s13+$0x0] =	vst.idx.add.s32.msk vm0, v4  }
0x224: {  	v9 =	vld [tilespmem:s0+$0x0]  }
.Ltmp17:
0x225: {  	(pc) =	sbr.rel @!p1 .LBB2_21-.Ltmp17, $2  }
0x226: {  	_ =	sdelay $0x2  }
0x227: {  	s28 =	sadd.s32 $0x10, s28  }
0x228: {  	v10 =	vshrl.u32 v9, $0x7  }
0x229: {  	v10 =	vsub.s32 v10, v1  }
0x22a: {  	v9 =	vshll.u32 v9, $0xE;
	vm0 =	vlt.u32 v10, $0x1E9  }
0x22b: {  	v9 =	vand.u32 $0x1FC000, v9;
	v11 =	vshll.u32 v10, $0x15  }
0x22c: {  	v9 =	vor.u32 v9, v11  }
0x22d: {  	s3 =	spop (v2sf);
	v9 =	vadd.s32 s25, v9  }
0x22e: {  	s3 =	sadd.s32 s26, s3;
	v9 =	vadd.s32 v0, v9  }
0x22f: {  	[tilespmem:s3+$0x4000] =	vst.msk vm0, v9  }
0x230: {  	[tilespmem:v10+s12+$0x0] =	vst.idx.msk vm0, v4  }
0x231: {  	[tilespmem:v10+s13+$0x0] =	vst.idx.add.s32.msk vm0, v4;
	v10 =	vmpcnt.ones.xlane vm0;
	_ =	sdelay $0x1  }
0x232: {  	(v2sf) =	vpush v10, $0x0;
	_ =	sdelay $0x1  }
0x233: {  	s0 =	sadd.s32 $0x10, s0  }
0x234: {  	v9 =	vld [tilespmem:s0+$0x0];
	_ =	sdelay $0x4  }
0x235: {  	v11 =	vshrl.u32 v9, $0x7  }
0x236: {  	v11 =	vsub.s32 v11, v1  }
0x237: {  	vm15 =	vlt.u32 v11, $0x1E9  }
0x238: {  	v10 =	vmpcnt.ones.xlane vm15  }
0x239: {  	v9 =	vshll.u32 v9, $0xE  }
0x23a: {  	v9 =	vand.u32 $0x1FC000, v9;
	(v2sf) =	vpush v10, $0x0;
	v10 =	vshll.u32 v11, $0x15  }
0x23b: {  	v9 =	vor.u32 v9, v10  }
0x23c: {  	v9 =	vadd.s32 s24, v9;
	s26 =	spop (v2sf)  }
0x23d: {  	v9 =	vadd.s32 v0, v9;
	s24 =	sadd.s32 s3, s26  }
0x23e: {  	[tilespmem:s24+$0x4000] =	vst.msk vm15, v9  }
0x23f: {  	[tilespmem:v11+s12+$0x0] =	vst.idx.msk vm15, v4  }
0x240: {  	s30 =	simm.s32 $0x0;
	[tilespmem:v11+s13+$0x0] =	vst.idx.add.s32.msk vm15, v4  }
0x241: {  	s0 =	simm.s32 $0x10;
	v10 =	vld [tilespmem:s30+$0xC380]  }
0x242: {  	v12 =	vld [tilespmem:s0+$0xC380];
	_ =	sdelay $0x3  }
0x243: {  	(xrf0) =	vadd.scan.msk.s32 $0xffff, v10  }
0x244: {  	(xrf0) =	vadd.scan.msk.s32 $0xffff, v12;
	_ =	sdelay $0x4  }
0x245: {  	s28 =	simm.s32 $0x20;
	v11, _, _ =	vpop (xrf0)  }
0x246: {  	v9 =	vld [tilespmem:s28+$0xC380];
	(v2sf) =	vpush v11, $0xF;
	v13, _, _ =	vpop (xrf0)  }
0x247: {  	s25 =	spop (v2sf);
	(v2sf) =	vpush v13, $0xF;
	_ =	sdelay $0x3  }
0x248: {  	s29 =	simm.s32 $0x30;
	(xrf0) =	vadd.scan.msk.s32 $0xffff, v9  }
0x249: {  	v11 =	vsub.s32 v11, v10;
	v10 =	vld [tilespmem:s29+$0xC380];
	_ =	sdelay $0x3  }
0x24a: {  	s31 =	simm.s32 $0x100;
	s26 =	sadd.s32 s24, s25;
	v12 =	vsub.s32 v13, v12  }
.LBB2_23:
0x24b: {  	s3 =	sshra.s32 s31, $0x2;
	p1 =	seq.s32 s31, $0x840;
	s31 =	sadd.s32 $0x40, s31;
	(xrf0) =	vadd.scan.msk.s32 $0xffff, v10;
	v13, _, _ =	vpop (xrf0);
	v14 =	vadd.s32 s23, v11;
	v11 =	vmov v12  }
.Ltmp18:
0x24c: {  	v12 =	vsub.s32 v13, v9;
	(v2sf) =	vpush v13, $0xF;
	[tilespmem:s30+$0xC600] =	vst v14;
	v9 =	vmov v10;
	v10 =	vld [tilespmem:s3+$0xC380];
	(pc) =	sbr.rel @!p1 .LBB2_23-.Ltmp18, $4  }
0x24d: {  	[tilespmem:s30+$0xC880] =	vst v14;
	s30 =	smov.u32 s0;
	s0 =	smov.u32 s28;
	s28 =	smov.u32 s29  }
0x24e: {  	s29 =	smov.u32 s3  }
0x24f: {  	s3 =	spop (v2sf)  }
0x250: {  	s23 =	sadd.s32 s23, s3  }
0x251: {  	(xrf0) =	vadd.scan.msk.s32 $0xffff, v10;
	_ =	sdelay $0x1  }
0x252: {  	v13, _, _ =	vpop (xrf0)  }
0x253: {  	(v2sf) =	vpush v13, $0xF;
	_ =	sdelay $0x2  }
0x254: {  	v14, _, _ =	vpop (xrf0)  }
0x255: {  	(v2sf) =	vpush v14, $0xF;
	_ =	sdelay $0x6  }
0x256: {  	s3 =	spop (v2sf);
	v11 =	vadd.s32 s23, v11  }
0x257: {  	s3 =	sadd.s32 s23, s3;
	[tilespmem:s30+$0xC600] =	vst v11  }
0x258: {  	[tilespmem:s30+$0xC880] =	vst v11;
	v11 =	vadd.s32 s3, v12;
	s4 =	spop (v2sf)  }
0x259: {  	p1 =	slt.s32 s26, $0x1;
	v9 =	vsub.s32 v13, v9;
	[tilespmem:s0+$0xC600] =	vst v11;
	s3 =	sadd.s32 s3, s4  }
.Ltmp19:
0x25a: {  	[tilespmem:s0+$0xC880] =	vst v11;
	v9 =	vadd.s32 s3, v9;
	s30 =	spop (v2sf);
	(pc) =	sbr.rel @p1 .LBB2_28-.Ltmp19, $4  }
0x25b: {  	v10 =	vsub.s32 v14, v10;
	[tilespmem:s28+$0xC600] =	vst v9;
	s0 =	sadd.s32 s3, s30  }
0x25c: {  	[tilespmem:s28+$0xC880] =	vst v9;
	v9 =	vadd.s32 s0, v10  }
0x25d: {  	[tilespmem:s29+$0xC600] =	vst v9  }
0x25e: {  	[tilespmem:s29+$0xC880] =	vst v9;
	s31 =	spop (v2sf)  }
0x25f: {  	s23 =	simm.s32 $0x4000  }
0x260: {  	v9 =	vld [tilespmem:s23+$0x0];
	_ =	sdelay $0x4  }
0x261: {  	(v2sf) =	vpush v9, $0x0;
	_ =	sdelay $0xe  }
0x262: {  	s3 =	spop (v2sf)  }
0x263: {  	s3 =	sshrl.u32 s3, $0x15  }
0x264: {  	v10 =	vld [tilespmem:s3+$0xC880];
	_ =	sdelay $0x4  }
0x265: {  	(v2sf) =	vpush v10, $0x0;
	_ =	sdelay $0x5  }
0x266: {  	v10 =	vbroadcast v10, $0x0;
	_ =	sdelay $0x3  }
0x267: {  	v9 =	vbroadcast v9, $0x0  }
0x268: {  	s0 =	sadd.s32 s24, s25;
	v11 =	vmov s3  }
0x269: {  	p1 =	sne.s32 s0, $0x1;
	[tilespmem:v10+s14+$0x0] =	vst.idx.msk $0x1, v9;
	v9 =	vbroadcast v11, $0x0  }
.Ltmp20:
0x26a: {  	_ = 	snop;
	(pc) =	sbr.rel @!p1 .LBB2_27-.Ltmp20, $4  }
0x26b: {  	_ = 	snop  }
0x26c: {  	s4 =	spop (v2sf)  }
0x26d: {  	s31 =	sadd.s32 $0x1, s4  }
0x26e: {  	s24 =	sadd.s32 $0xFFFFFFFF, s0;
	v10 =	vmov s31  }
.LBB2_26:
0x26f: {  	p1 =	sne.s32 s24, $0x1;
	s24 =	sadd.s32 $0xFFFFFFFF, s24;
	[tilespmem:v9+s15+$0x0] =	vst.idx.msk $0x1, v10;
	s23 =	sadd.s32 $0x1, s23  }
0x270: {  	v9 =	vld [tilespmem:s23+$0x0];
	_ =	sdelay $0x4  }
0x271: {  	(v2sf) =	vpush v9, $0x0;
	_ =	sdelay $0xe  }
0x272: {  	s0 =	spop (v2sf)  }
0x273: {  	s0 =	sshrl.u32 s0, $0x15  }
0x274: {  	v10 =	vld [tilespmem:s0+$0xC880];
	v11 =	vmov s0;
	_ =	sdelay $0x4  }
0x275: {  	v12 =	vbroadcast v10, $0x0;
	(v2sf) =	vpush v10, $0x0;
	_ =	sdelay $0x3  }
0x276: {  	v9 =	vbroadcast v9, $0x0;
	_ =	sdelay $0x1  }
0x277: {  	[tilespmem:v12+s14+$0x0] =	vst.idx.msk $0x1, v9;
	_ =	sdelay $0x5  }
0x278: {  	v9 =	vbroadcast v11, $0x0  }
.Ltmp21:
0x279: {  	(pc) =	sbr.rel @p1 .LBB2_26-.Ltmp21, $4  }
0x27a: {  	_ = 	snop  }
0x27b: {  	s0 =	spop (v2sf)  }
0x27c: {  	s0 =	sadd.s32 $0x1, s0  }
0x27d: {  	v10 =	vmov s0  }
.LBB2_27:
0x27e: {  	_ =	sdelay $0x3  }
0x27f: {  	[tilespmem:v9+s15+$0x0] =	vst.idx.msk $0x1, v10  }
.LBB2_28:
0x280: {  	s0 =	simm.s32 $0xC100  }
0x281: {  	v9 =	vld [tilespmem:s0+$0x0];
	_ =	sdelay $0x4  }
0x282: {  	vm0 =	vgt.s32 v9, $0x0  }
0x283: {  	v9 =	vmpcnt.ones.xlane vm0;
	_ =	sdelay $0x1  }
0x284: {  	(v2sf) =	vpush v9, $0x0;
	_ =	sdelay $0x4  }
0x285: {  	s0 =	simm.s32 $0x0  }
0x286: {  	v10 =	vor.u32 s0, v0  }
0x287: {  	s24 =	simm.s32 $0xC110;
	[tilespmem:s0+$0xCB00] =	vst.msk vm0, v10  }
0x288: {  	s23 =	simm.s32 $0x10;
	s5 =	simm.s32 $0x20;
	v9 =	vld [tilespmem:s24+$0x0]  }
.LBB2_29:
0x289: {  	p1 =	sne.s32 s5, $0x210;
	_ =	sdelay $0x3  }
0x28a: {  	vm0 =	vgt.s32 v9, $0x0  }
0x28b: {  	v9 =	vmpcnt.ones.xlane vm0  }
0x28c: {  	s3 =	spop (v2sf)  }
0x28d: {  	v10 =	vor.u32 s23, v0;
	s23 =	smov.u32 s5;
	(v2sf) =	vpush v9, $0x0;
	s0 =	sadd.s32 s0, s3  }
0x28e: {  	[tilespmem:s0+$0xCB00] =	vst.msk vm0, v10;
	_ =	sdelay $0x2  }
.Ltmp22:
0x28f: {  	(pc) =	sbr.rel @p1 .LBB2_29-.Ltmp22, $3  }
0x290: {  	_ =	sdelay $0x1  }
0x291: {  	s24 =	sadd.s32 $0x10, s24  }
0x292: {  	s5 =	sadd.s32 $0x10, s5;
	v9 =	vld [tilespmem:s24+$0x0]  }
0x293: {  	_ =	sdelay $0x3  }
0x294: {  	vm0 =	vgt.s32 v9, $0x0  }
0x295: {  	v9 =	vmpcnt.ones.xlane vm0;
	_ =	sdelay $0x1  }
0x296: {  	(v2sf) =	vpush v9, $0x0;
	_ =	sdelay $0xd  }
0x297: {  	s3 =	spop (v2sf)  }
0x298: {  	s0 =	sadd.s32 s0, s3;
	s31 =	spop (v2sf)  }
0x299: {  	v9 =	vor.u32 s23, v0;
	s23 =	sadd.s32 s0, s31  }
0x29a: {  	p1 =	slt.s32 s23, $0x1  }
.Ltmp23:
0x29b: {  	_ = 	snop;
	(pc) =	sbr.rel @p1 .LBB2_39-.Ltmp23, $4  }
0x29c: {  	_ = 	snop  }
0x29d: {  	[tilespmem:s0+$0xCB00] =	vst.msk vm0, v9  }
0x29e: {  	[tilespmem:$0x1FD80] =	vst v5  }
0x29f: {  	[tilespmem:$0x1FE00] =	vst v5  }
0x2a0: {  	v9 =	vld [tilespmem:$0xCB00];
	_ =	sdelay $0x4  }
0x2a1: {  	(v2sf) =	vpush v9, $0x0;
	_ =	sdelay $0xe  }
0x2a2: {  	s0 =	spop (v2sf)  }
0x2a3: {  	s0 =	sadd.s32 s9, s0  }
0x2a4: {  	s0 =	sshll.u32 s0, $0x7  }
0x2a5: {  	s0 =	sand.u32 $0x1FFFFF80, s0  }
0x2a6: {  	s24 =	sadd.s32 $0xFFFFFFFF, s23;
	s0 =	sadd.s32 s2, s0  }
0x2a7: {  	[tilespmem:s18], [sflag:$0x1] =	stream.strided.gather [hbm4b:s0+s16], $0x2000, s17, s16, $0x38;
	[tilespmem:$0x1FE80] =	vst v63  }
0x2a8: {  	p1 =	sne.s32 s24, $0x0;
	s0 =	simm.s32 $0x1  }
0x2a9: {  	s0 =	simm.s32 @!p1 $0x0  }
0x2aa: {  	v9 =	vld [tilespmem:s0+$0xCB00];
	_ =	sdelay $0x4  }
0x2ab: {  	(v2sf) =	vpush v9, $0x0;
	_ =	sdelay $0xe  }
0x2ac: {  	s25 =	spop (v2sf)  }
0x2ad: {  	s0 =	sadd.s32 s9, s25  }
0x2ae: {  	s0 =	sshll.u32 s0, $0x7  }
0x2af: {  	s3 =	simm.s32 $0xED80;
	s0 =	sand.u32 $0x1FFFFF80, s0  }
0x2b0: {  	s26 =	smin.u32 s24, $0x2;
	s3 =	simm.s32 @!p1 $0xCD80;
	s0 =	sadd.s32 s2, s0  }
0x2b1: {  	[tilespmem:s3], [sflag:$0x1] =	stream.strided.gather [hbm4b:s0+s16], $0x2000, s17, s16, $0x38;
	[tilespmem:$0x1FE80] =	vst v63  }
0x2b2: {  	v9 =	vld [tilespmem:s26+$0xCB00];
	_ =	sdelay $0x4  }
0x2b3: {  	(v2sf) =	vpush v9, $0x0;
	_ =	sdelay $0xe  }
0x2b4: {  	s29 =	spop (v2sf)  }
0x2b5: {  	s3 =	sadd.s32 s9, s29  }
0x2b6: {  	s3 =	sshll.u32 s3, $0x7  }
0x2b7: {  	s0 =	sshll.u32 s26, $0xD;
	s3 =	sand.u32 $0x1FFFFF80, s3  }
0x2b8: {  	s31 =	smin.u32 s24, $0x3;
	s0 =	sadd.s32 $0xCD80, s0;
	s3 =	sadd.s32 s2, s3  }
0x2b9: {  	[tilespmem:s0], [sflag:$0x1] =	stream.strided.gather [hbm4b:s3+s16], $0x2000, s17, s16, $0x38;
	[tilespmem:$0x1FE80] =	vst v63  }
0x2ba: {  	v9 =	vld [tilespmem:s31+$0xCB00];
	_ =	sdelay $0x4  }
0x2bb: {  	(v2sf) =	vpush v9, $0x0;
	_ =	sdelay $0xe  }
0x2bc: {  	s4 =	spop (v2sf)  }
0x2bd: {  	s3 =	sadd.s32 s9, s4  }
0x2be: {  	s3 =	sshll.u32 s3, $0x7  }
0x2bf: {  	s0 =	sshll.u32 s31, $0xD;
	s3 =	sand.u32 $0x1FFFFF80, s3  }
0x2c0: {  	s5 =	smin.u32 s24, $0x4;
	s0 =	sadd.s32 $0xCD80, s0;
	s3 =	sadd.s32 s2, s3  }
0x2c1: {  	[tilespmem:s0], [sflag:$0x1] =	stream.strided.gather [hbm4b:s3+s16], $0x2000, s17, s16, $0x38;
	[tilespmem:$0x1FE80] =	vst v63  }
0x2c2: {  	v9 =	vld [tilespmem:s5+$0xCB00];
	_ =	sdelay $0x4  }
0x2c3: {  	(v2sf) =	vpush v9, $0x0;
	_ =	sdelay $0xe  }
0x2c4: {  	s10 =	spop (v2sf)  }
0x2c5: {  	s3 =	sadd.s32 s9, s10  }
0x2c6: {  	s3 =	sshll.u32 s3, $0x7  }
0x2c7: {  	s0 =	sshll.u32 s5, $0xD;
	s3 =	sand.u32 $0x1FFFFF80, s3  }
0x2c8: {  	s21 =	smin.u32 s24, $0x5;
	s0 =	sadd.s32 $0xCD80, s0;
	s3 =	sadd.s32 s2, s3  }
0x2c9: {  	[tilespmem:s0], [sflag:$0x1] =	stream.strided.gather [hbm4b:s3+s16], $0x2000, s17, s16, $0x38;
	[tilespmem:$0x1FE80] =	vst v63  }
0x2ca: {  	v9 =	vld [tilespmem:s21+$0xCB00];
	_ =	sdelay $0x4  }
0x2cb: {  	(v2sf) =	vpush v9, $0x0;
	_ =	sdelay $0xe  }
0x2cc: {  	s22 =	spop (v2sf)  }
0x2cd: {  	s3 =	sadd.s32 s9, s22  }
0x2ce: {  	s3 =	sshll.u32 s3, $0x7  }
0x2cf: {  	s0 =	sshll.u32 s21, $0xD;
	s3 =	sand.u32 $0x1FFFFF80, s3  }
0x2d0: {  	s25 =	smin.u32 s24, $0x6;
	s0 =	sadd.s32 $0xCD80, s0;
	s3 =	sadd.s32 s2, s3  }
0x2d1: {  	[tilespmem:s0], [sflag:$0x1] =	stream.strided.gather [hbm4b:s3+s16], $0x2000, s17, s16, $0x38;
	[tilespmem:$0x1FE80] =	vst v63  }
0x2d2: {  	v9 =	vld [tilespmem:s25+$0xCB00];
	_ =	sdelay $0x4  }
0x2d3: {  	(v2sf) =	vpush v9, $0x0;
	_ =	sdelay $0xe  }
0x2d4: {  	s26 =	spop (v2sf)  }
0x2d5: {  	s3 =	sadd.s32 s9, s26  }
0x2d6: {  	s3 =	sshll.u32 s3, $0x7  }
0x2d7: {  	s0 =	sshll.u32 s25, $0xD;
	s3 =	sand.u32 $0x1FFFFF80, s3  }
0x2d8: {  	s29 =	smin.u32 s24, $0x7;
	s0 =	sadd.s32 $0xCD80, s0;
	s3 =	sadd.s32 s2, s3  }
0x2d9: {  	[tilespmem:s0], [sflag:$0x1] =	stream.strided.gather [hbm4b:s3+s16], $0x2000, s17, s16, $0x38;
	[tilespmem:$0x1FE80] =	vst v63  }
0x2da: {  	v9 =	vld [tilespmem:s29+$0xCB00];
	_ =	sdelay $0x4  }
0x2db: {  	(v2sf) =	vpush v9, $0x0;
	_ =	sdelay $0xe  }
0x2dc: {  	s31 =	spop (v2sf)  }
.Ltmp24:
0x2dd: {  	s3 =	sadd.s32 s9, s31;
	(pc) =	sbr.rel .LBB2_32-.Ltmp24, $4  }
0x2de: {  	s30 =	simm.s32 $0x0;
	s28 =	simm.s32 $0x0;
	s3 =	sshll.u32 s3, $0x7  }
0x2df: {  	s25 =	simm.s32 $0x0;
	s0 =	sshll.u32 s29, $0xD;
	s3 =	sand.u32 $0x1FFFFF80, s3  }
0x2e0: {  	s26 =	simm.s32 $0x0;
	s0 =	sadd.s32 $0xCD80, s0;
	s3 =	sadd.s32 s2, s3  }
0x2e1: {  	[tilespmem:s0], [sflag:$0x1] =	stream.strided.gather [hbm4b:s3+s16], $0x2000, s17, s16, $0x38;
	[tilespmem:$0x1FE80] =	vst v63  }
.LBB2_35:
0x2e2: {  	[sflag:s3] =	ssyncadd.s32 @!p3 $0xFFFFF800;
	s4 =	smov.u32 @p2 s25;
	s0 =	smov.u32 @p2 s26  }
0x2e3: {  	s30 =	ssub.s32 s31, s21;
	[tilespmem:s5+$0x1FD80] =	vst @!p2 v13;
	s26 =	smov.u32 s0;
	s25 =	smov.u32 s4  }
.LBB2_36:
0x2e4: {  	s28 =	sadd.s32 $0x1, s28  }
0x2e5: {  	p1 =	sne.s32 s28, s23  }
.Ltmp25:
0x2e6: {  	_ = 	snop;
	(pc) =	sbr.rel @!p1 .LBB2_37-.Ltmp25, $1  }
0x2e7: {  	_ =	sdelay $0x3  }
.LBB2_32:
0x2e8: {  	_ =	swait.ge [sflag:s19], $0x2000;
	s0 =	sadd.s32 $0x8, s28  }
0x2e9: {  	s3 =	smov.u32 s24;
	[sflag:s19] =	ssyncset.done $0x0;
	p1 =	slt.s32 s0, s24  }
0x2ea: {  	[sflag:s19] =	ssyncadd.s32 $0xFFFFE000;
	s3 =	smov.u32 @p1 s0  }
0x2eb: {  	v9 =	vld [tilespmem:s3+$0xCB00];
	_ =	sdelay $0x4  }
0x2ec: {  	(v2sf) =	vpush v9, $0x0;
	_ =	sdelay $0x7  }
0x2ed: {  	s0 =	smulhi.u32 $0x38E38E39, s3;
	s4 =	sshra.s32 s3, $0x1F  }
0x2ee: {  	s4 =	smul.u32 $0x38E38E39, s4;
	_ =	sdelay $0x1  }
0x2ef: {  	s0 =	sadd.s32 s4, s0  }
0x2f0: {  	s4 =	sshrl.u32 s0, $0x1F;
	s0 =	sshrl.u32 s0, $0x1  }
0x2f1: {  	s0 =	sadd.s32 s4, s0  }
0x2f2: {  	s0 =	smul.u32 $0x9, s0  }
0x2f3: {  	s21 =	spop (v2sf)  }
0x2f4: {  	s0 =	ssub.s32 s3, s0;
	s22 =	sadd.s32 s9, s21  }
0x2f5: {  	s0 =	sshll.u32 s0, $0xF;
	s3 =	sshll.u32 s22, $0x7  }
0x2f6: {  	s0 =	sshra.s32 s0, $0x2;
	s3 =	sand.u32 $0x1FFFFF80, s3  }
0x2f7: {  	s0 =	sadd.s32 $0xCD80, s0;
	s3 =	sadd.s32 s2, s3  }
0x2f8: {  	[tilespmem:s0], [sflag:$0x1] =	stream.strided.gather [hbm4b:s3+s16], $0x2000, s17, s16, $0x38;
	[tilespmem:$0x1FE80] =	vst v63  }
0x2f9: {  	v9 =	vld [tilespmem:s28+$0xCB00];
	_ =	sdelay $0x4  }
0x2fa: {  	(v2sf) =	vpush v9, $0x0;
	_ =	sdelay $0xe  }
0x2fb: {  	s29 =	spop (v2sf)  }
0x2fc: {  	v9 =	vld [tilespmem:s29+$0xC600]  }
0x2fd: {  	v10 =	vld [tilespmem:s29+$0xC380];
	_ =	sdelay $0x3  }
0x2fe: {  	(v2sf) =	vpush v9, $0x0  }
0x2ff: {  	(v2sf) =	vpush v10, $0x0;
	_ =	sdelay $0xd  }
0x300: {  	s3 =	spop (v2sf)  }
0x301: {  	s0 =	spop (v2sf)  }
0x302: {  	s31 =	sadd.s32 s3, s0  }
0x303: {  	p1 =	sge.s32 s3, s31  }
.Ltmp26:
0x304: {  	_ = 	snop;
	(pc) =	sbr.rel @p1 .LBB2_36-.Ltmp26, $1  }
0x305: {  	_ =	sdelay $0x3  }
0x306: {  	s3 =	sshll.u32 s3, $0x2  }
0x307: {  	s3 =	sshra.s32 s3, $0x2  }
0x308: {  	s3 =	sadd.s32 $0x8080, s3  }
0x309: {  	v9 =	vld [tilespmem:s3+$0x0];
	_ =	sdelay $0x4  }
0x30a: {  	(v2sf) =	vpush v9, $0x0;
	_ =	sdelay $0x9  }
0x30b: {  	s4 =	smulhi.u32 $0x38E38E39, s28;
	_ =	sdelay $0x1  }
0x30c: {  	s4 =	sshrl.u32 s4, $0x1  }
0x30d: {  	s4 =	smul.u32 $0x9, s4;
	_ =	sdelay $0x1  }
0x30e: {  	s4 =	ssub.s32 s28, s4;
	s5 =	spop (v2sf)  }
0x30f: {  	s4 =	sshll.u32 s4, $0xD;
	s10 =	sshrl.u32 s5, $0xE  }
0x310: {  	v9 =	vor.u32 s4, v2;
	s10 =	sand.u32 $0x7F, s10  }
0x311: {  	v11 =	vor.u32 s10, v9;
	_ =	sdelay $0x4  }
0x312: {  	v10 =	vor.u32 s4, v6;
	v11 =	vld.idx.msk [tilespmem:v11+s18+$0x0], $0xffff  }
0x313: {  	s21 =	sshll.u32 s26, $0xD;
	v12 =	vor.u32 s10, v10  }
0x314: {  	s22 =	sshll.u32 s30, $0x9;
	s21 =	sshra.s32 s21, $0x2  }
0x315: {  	s22 =	sshra.s32 s22, $0x2;
	s21 =	sadd.s32 $0x1ED80, s21  }
0x316: {  	s22 =	sadd.s32 s22, s21  }
0x317: {  	[tilespmem:s22+$0x0] =	vst v11  }
0x318: {  	v11 =	vor.u32 s4, v7;
	v12 =	vld.idx.msk [tilespmem:v12+s18+$0x0], $0xffff  }
0x319: {  	v13 =	vor.u32 s10, v11;
	_ =	sdelay $0x3  }
0x31a: {  	[tilespmem:s22+$0x10] =	vst v12  }
0x31b: {  	v12 =	vor.u32 s4, v8;
	v13 =	vld.idx.msk [tilespmem:v13+s18+$0x0], $0xffff  }
0x31c: {  	v14 =	vor.u32 s10, v12;
	_ =	sdelay $0x2  }
0x31d: {  	v15 =	vmov s30  }
0x31e: {  	s10 =	sshll.u32 s26, $0x7;
	[tilespmem:s22+$0x20] =	vst v13;
	v13 =	vand.u32 $0xFFFFFF80, v15  }
0x31f: {  	v15 =	vand.u32 $0x7F, v15;
	v14 =	vld.idx.msk [tilespmem:v14+s18+$0x0], $0xffff;
	v13 =	vadd.s32 s10, v13  }
0x320: {  	s31 =	sadd.s32 $0x1, s30;
	v13 =	vor.u32 v15, v13  }
0x321: {  	s29 =	sadd.s32 $0xFFFFFFFF, s0;
	p2 =	sne.s32 s31, $0x10  }
0x322: {  	p1 =	sne.s32 s29, $0x0;
	p3 =	slt.s32 @!p2 s25, $0x1  }
0x323: {  	s30 =	sadd.s32 $0x1, s3;
	s3 =	sshll.u32 @!p2 s26, $0x7;
	s5 =	sand.u32 $0x3FFF, s5  }
0x324: {  	p3 =	por p3, p2;
	s3 =	sand.u32 @!p2 $0x3FFFFF80, s3;
	s10 =	sshra.s32 s31, $0x1F;
	[tilespmem:s22+$0x30] =	vst v14;
	v14 =	vmov s5  }
0x325: {  	s3 =	sadd.s32 @!p2 $0x1FD80, s3;
	s4 =	sshrl.u32 s10, $0x1C;
	[tilespmem:v13+s20+$0x0] =	vst.idx.msk $0x1, v14;
	(ifvalue) =	ssetifvalue @!p2 $0xFFFFFFFF  }
.Ltmp27:
0x326: {  	s5 =	simm.s32 @!p2 $0x10;
	(ifvalue) =	ssetifvalue @!p2 $0xFFFFFFFF;
	(pc) =	sbr.rel @!p1 .LBB2_35-.Ltmp27, $4  }
0x327: {  	[hbm4b:s8+s5] =	stream.indirect.scatter @!p2 [tilespmem:s21], [sflag:$0x2], $0x80, s3, s5, $0x40b8;
	[tilespmem:$0x1FE80] =	vst v63  }
0x328: {  	s0 =	sxor.u32 @!p2 $0x1, s26;
	s22 =	sadd.s32 s4, s31;
	s3 =	simm.s32 @!p3 $0x2  }
0x329: {  	s4 =	sadd.s32 @!p2 $0x1, s25;
	s5 =	sshll.u32 @!p2 s0, $0x7;
	_ =	swait.ge @!p3 [sflag:s3], $0x800  }
0x32a: {  	v13 =	vimm.s32 @!p2 $0xFFFFFFFF;
	s21 =	sand.u32 $0xFFFFFFF0, s22;
	s5 =	sand.u32 @!p2 $0x3FFFFF80, s5;
	[sflag:s3] =	ssyncset.done @!p3 $0x0  }
.LBB2_34:
0x32b: {  	s10 =	smov.u32 s26  }
0x32c: {  	s22 =	smov.u32 s25;
	s25 =	smov.u32 s4;
	s31 =	ssub.s32 s31, s21  }
0x32d: {  	s26 =	smov.u32 s0;
	[sflag:s3] =	ssyncadd.s32 @!p3 $0xFFFFF800;
	s25 =	smov.u32 @p2 s22  }
0x32e: {  	s29 =	sadd.s32 $0xFFFFFFFF, s29;
	s26 =	smov.u32 @p2 s10;
	[tilespmem:s5+$0x1FD80] =	vst @!p2 v13  }
0x32f: {  	p1 =	sne.s32 s29, $0x0;
	v13 =	vld [tilespmem:s30+$0x0];
	_ =	sdelay $0x4  }
0x330: {  	(v2sf) =	vpush v13, $0x0;
	_ =	sdelay $0xe  }
0x331: {  	s0 =	spop (v2sf)  }
0x332: {  	s3 =	sshrl.u32 s0, $0xE;
	s0 =	sand.u32 $0x3FFF, s0  }
0x333: {  	s3 =	sand.u32 $0x7F, s3  }
0x334: {  	v13 =	vor.u32 s3, v9;
	_ =	sdelay $0x4  }
0x335: {  	v13 =	vld.idx.msk [tilespmem:v13+s18+$0x0], $0xffff;
	_ =	sdelay $0x1  }
0x336: {  	s4 =	sshll.u32 s26, $0xD;
	v14 =	vor.u32 s3, v10  }
0x337: {  	s5 =	sshll.u32 s31, $0x9;
	s4 =	sshra.s32 s4, $0x2  }
0x338: {  	s5 =	sshra.s32 s5, $0x2;
	s4 =	sadd.s32 $0x1ED80, s4  }
0x339: {  	s5 =	sadd.s32 s5, s4  }
0x33a: {  	[tilespmem:s5+$0x0] =	vst v13  }
0x33b: {  	v13 =	vld.idx.msk [tilespmem:v14+s18+$0x0], $0xffff;
	_ =	sdelay $0x1  }
0x33c: {  	v14 =	vor.u32 s3, v11;
	_ =	sdelay $0x3  }
0x33d: {  	[tilespmem:s5+$0x10] =	vst v13  }
0x33e: {  	v13 =	vld.idx.msk [tilespmem:v14+s18+$0x0], $0xffff;
	_ =	sdelay $0x1  }
0x33f: {  	v14 =	vor.u32 s3, v12;
	_ =	sdelay $0x3  }
0x340: {  	[tilespmem:s5+$0x20] =	vst v13;
	v13 =	vmov s31  }
0x341: {  	s3 =	sshll.u32 s26, $0x7;
	v14 =	vld.idx.msk [tilespmem:v14+s18+$0x0], $0xffff;
	v15 =	vand.u32 $0xFFFFFF80, v13  }
0x342: {  	v13 =	vand.u32 $0x7F, v13;
	v15 =	vadd.s32 s3, v15  }
0x343: {  	v13 =	vor.u32 v13, v15;
	_ =	sdelay $0x1  }
0x344: {  	s31 =	sadd.s32 $0x1, s31  }
0x345: {  	p2 =	sne.s32 s31, $0x10  }
0x346: {  	s30 =	sadd.s32 $0x1, s30;
	s3 =	sshll.u32 @!p2 s26, $0x7;
	[tilespmem:s5+$0x30] =	vst v14;
	v14 =	vmov s0;
	s5 =	sshra.s32 s31, $0x1F  }
0x347: {  	p3 =	slt.s32 @!p2 s25, $0x1;
	s10 =	simm.s32 @!p2 $0x10;
	s0 =	sxor.u32 @!p2 $0x1, s26;
	[tilespmem:v13+s20+$0x0] =	vst.idx.msk $0x1, v14  }
0x348: {  	s3 =	sand.u32 @!p2 $0x3FFFFF80, s3;
	p3 =	por p3, p2;
	(ifvalue) =	ssetifvalue @!p2 $0xFFFFFFFF  }
.Ltmp28:
0x349: {  	s3 =	sadd.s32 @!p2 $0x1FD80, s3;
	(ifvalue) =	ssetifvalue @!p2 $0xFFFFFFFF;
	(pc) =	sbr.rel @p1 .LBB2_34-.Ltmp28, $4  }
0x34a: {  	[hbm4b:s8+s10] =	stream.indirect.scatter @!p2 [tilespmem:s4], [sflag:$0x2], $0x80, s3, s10, $0x40b8;
	[tilespmem:$0x1FE80] =	vst v63  }
0x34b: {  	s3 =	simm.s32 @!p3 $0x2;
	s4 =	sshll.u32 @!p2 s0, $0x7;
	s10 =	sshrl.u32 s5, $0x1C  }
0x34c: {  	s5 =	sand.u32 @!p2 $0x3FFFFF80, s4;
	s10 =	sadd.s32 s10, s31;
	_ =	swait.ge @!p3 [sflag:s3], $0x800  }
0x34d: {  	v13 =	vimm.s32 @!p2 $0xFFFFFFFF;
	s4 =	sadd.s32 @!p2 $0x1, s25;
	s21 =	sand.u32 $0xFFFFFFF0, s10;
	[sflag:s3] =	ssyncset.done @!p3 $0x0  }
.Ltmp29:
0x34e: {  	_ = 	snop;
	(pc) =	sbr.rel .LBB2_35-.Ltmp29, $1  }
0x34f: {  	_ =	sdelay $0x3  }
.LBB2_19:
0x350: {  	_ =	swait.ge [sflag:s19], $0x2000  }
0x351: {  	[sflag:s19] =	ssyncset.done $0x0  }
0x352: {  	[sflag:s19] =	ssyncadd.s32 $0xFFFFE000  }
0x353: {  	_ =	swait.ge [sflag:s19], $0x2000  }
0x354: {  	[sflag:s19] =	ssyncset.done $0x0  }
0x355: {  	[sflag:s19] =	ssyncadd.s32 $0xFFFFE000  }
0x356: {  	_ =	swait.ge [sflag:s19], $0x2000  }
0x357: {  	[sflag:s19] =	ssyncset.done $0x0  }
0x358: {  	[sflag:s19] =	ssyncadd.s32 $0xFFFFE000  }
0x359: {  	_ =	swait.ge [sflag:s19], $0x2000  }
0x35a: {  	[sflag:s19] =	ssyncset.done $0x0  }
0x35b: {  	[sflag:s19] =	ssyncadd.s32 $0xFFFFE000  }
0x35c: {  	_ =	swait.ge [sflag:s19], $0x2000  }
0x35d: {  	[sflag:s19] =	ssyncset.done $0x0  }
0x35e: {  	[sflag:s19] =	ssyncadd.s32 $0xFFFFE000  }
0x35f: {  	_ =	swait.ge [sflag:s19], $0x2000  }
0x360: {  	[sflag:s19] =	ssyncset.done $0x0  }
0x361: {  	[sflag:s19] =	ssyncadd.s32 $0xFFFFE000  }
0x362: {  	_ =	swait.ge [sflag:s19], $0x2000  }
0x363: {  	[sflag:s19] =	ssyncset.done $0x0  }
0x364: {  	s3 =	sshll.u32 s0, $0xB;
	[sflag:s19] =	ssyncadd.s32 $0xFFFFE000  }
0x365: {  	s31 =	sshll.u32 s0, $0x7;
	s5 =	simm.s32 $0x10;
	_ =	swait.ge [sflag:s19], $0x2000  }
0x366: {  	p1 =	sgt.s32 s4, $0x0;
	s3 =	sand.u32 $0x3FFFF800, s3;
	[sflag:s19] =	ssyncset.done $0x0  }
0x367: {  	s0 =	sand.u32 $0x3FFFFF80, s31;
	[sflag:s19] =	ssyncadd.s32 $0xFFFFE000;
	(ifvalue) =	ssetifvalue $0xFFFFFFFF  }
0x368: {  	s3 =	sadd.s32 $0x1ED80, s3;
	s0 =	sadd.s32 $0x1FD80, s0;
	(ifvalue) =	ssetifvalue $0xFFFFFFFF  }
0x369: {  	[hbm4b:s7+s5] =	stream.indirect.scatter [tilespmem:s3], [sflag:$0x3], $0x80, s0, s5, $0x40b8;
	[tilespmem:$0x1FE80] =	vst v63  }
.Ltmp30:
0x36a: {  	_ = 	snop;
	(pc) =	sbr.rel @p1 .LBB2_38-.Ltmp30, $4  }
.Ltmp31:
0x36b: {  	_ = 	snop;
	(pc) =	sbr.rel @!p1 .LBB2_39-.Ltmp31, $4  }
0x36c: {  	_ =	swait.ge [sflag:s11], $0x800  }
0x36d: {  	[sflag:s11] =	ssyncset.done $0x0  }
0x36e: {  	[sflag:s11] =	ssyncadd.s32 $0xFFFFF800  }
0x36f: {  	_ = 	snop  }
.LBB2_40:
0x370: {  	_ =	sfence.sel $0x180000  }
0x371: {  	[bflag:$0x0] =	sbarrier.arrive $0xFFFF  }
0x372: {  	_ =	strace $0x90000047  }
0x373: {  	s0 =	stileid.u32;
	[bflag:$0x2] =	sbarrier.arrive $0xFFFF  }
0x374: {  	p0 =	sne.s32 s0, $0x0;
	s0 =	rddreg [dreg:$0x5]  }
0x375: {  	s0 =	sadd.s32 @!p0 $0x100000, s0  }
0x376: {  	[sflag:s0] =	ssyncadd.tile.s32 @!p0 $0x1;
	_ =	shalt  }
.Lfunc_end2:
_tile_overlayer_lowered:
.L_overlay_start_2:
0x377: {  	(tag) =	ssettag $0x2  }
0x378: {  	s0 =	rddreg [dreg:$0x0];
	s2 =	stileid.u32  }
0x379: {  	s1 =	rddreg [dreg:$0x1];
	p0 =	sne.s32 s2, $0x0  }
0x37a: {  	s3 =	rddreg [dreg:$0x2];
	[bflag:$0x3] =	sbarrier.arrive $0xFFFF;
	s2 =	simm.s32 @!p0 $0x1C03  }
0x37b: {  	[timem:s3], [sflag:s2] =	dma.local @!p0 [hbm:s0], s1  }
0x37c: {  	s0 =	simm.s32 @!p0 $0x3  }
0x37d: {  	_ =	swait.ge @!p0 [sflag:s0], s1  }
0x37e: {  	s1 =	ssub.s32 @!p0 $0x0, s1;
	[sflag:s0] =	ssyncset.done @!p0 $0x0  }
0x37f: {  	[sflag:s0] =	ssyncadd.s32 @!p0 s1  }
0x380: {  	[bflag:$0x3] =	sbarrier.arrive $0xFFFF  }
0x381: {  	_ =	shalt  }

// kernel: kernel.7.cloned.1.call-start
scs
__scs_entry_jumppad:
0x0: {  	(pc) =	sbr.rel $0x88, $3  }
0x1: {  	(tag) =	ssettag $0x0;
	lr =	simm.s32 $0x1  }
0x2: {  	[smem:$0x3F9D] =	sst lr;
	_ =	strace $0xD0000000  }
0x3: {  	_ = 	snop  }
0x4: {  	_ = 	snop  }
0x5: {  	_ = 	snop  }
0x6: {  	_ = 	snop  }
0x7: {  	_ = 	snop  }
__scs_overlays_trampoline_lowered:
0x8: {  	[smem:$0x3FAC] =	sst s0  }
0x9: {  	[smem:$0x3FAD] =	sst s1  }
0xa: {  	[smem:$0x3FAE] =	sst s2  }
0xb: {  	[smem:$0x3FAF] =	sst s3  }
0xc: {  	[smem:$0x3FB0] =	sst s4  }
0xd: {  	[smem:$0x3FB1] =	sst s5  }
0xe: {  	[smem:$0x3FB2] =	sst s6  }
0xf: {  	[smem:$0x3FB3] =	sst s7  }
0x10: {  	[smem:$0x3FB4] =	sst s8  }
0x11: {  	[smem:$0x3FB5] =	sst s9;
	s0 =	simm.s32 @!p0 $0x0  }
0x12: {  	s1 =	sld [smem:$0x3F9B];
	s0 =	simm.s32 @p0 $0x1  }
0x13: {  	[smem:$0x3FB6] =	sst s0;
	s0 =	simm.s32 @!p1 $0x0  }
0x14: {  	s2 =	sld [smem:$0x3F9A];
	s0 =	simm.s32 @p1 $0x1  }
0x15: {  	[smem:$0x3FB7] =	sst s0;
	s0 =	simm.s32 @!p2 $0x0  }
0x16: {  	s3 =	sld [smem:$0x3FDB];
	s0 =	simm.s32 @p2 $0x1  }
0x17: {  	s4 =	simm.s32 $0x1BF5;
	[smem:$0x3FB9] =	sst s0  }
0x18: {  	s0 =	sld [smem:$0x3F9C];
	_ =	swait.ge [sflag:s4], $0x0  }
0x19: {  	s7 =	sld [smem:$0x3F9D]  }
0x1a: {  	s8 =	sadd.s32 $0xFFFFE003, lr  }
0x1b: {  	s9 =	sadd.s32 $0xFFFFFEF7, lr;
	s5 =	simm.s32 $0xFFFFFFFF;
	p2 =	slt.u32 s8, $0xFFFFF086  }
0x1c: {  	p1 =	slt.u32 s9, $0xF7A;
	s5 =	simm.s32 @!p2 $0x0  }
0x1d: {  	s5 =	simm.s32 @p1 $0x1;
	p0 =	seq.s32 s7, s2  }
0x1e: {  	s7 =	smul.u32 @!p0 $0xF7A, s2;
	p2 =	seq.s32 @!p0 s5, $0x0  }
0x1f: {  	s9 =	smul.u32 $0xF7A, s1;
	s8 =	simm.s32 @!p0 $0x1BF5;
	p2 =	por !p2, p0  }
0x20: {  	[sflag:s8] =	ssyncset.s32 @!p0 $0xFFFFF086;
	s6 =	sadd.s32 @!p0 s3, s7;
	s7 =	simm.s32 @!p0 $0x108  }
0x21: {  	s3 =	sadd.s32 s3, s9;
	s6 =	sadd.s32 @!p0 $0x88, s6;
	s7 =	simm.s32 @p2 $0x1082  }
0x22: {  	[simem:s7], [sflag:s8] =	dma.local @!p0 [hbm:s6], $0xF7A  }
0x23: {  	s9 =	sor.u32 $0xD0000000, s2;
	s6 =	simm.s32 $0x108;
	_ =	swait.ge @!p0 [sflag:s8], $0x0  }
0x24: {  	s3 =	sadd.s32 $0x88, s3;
	s6 =	simm.s32 @!p1 $0x1082;
	[sflag:s4] =	ssyncset.s32 $0xFFFFF086  }
0x25: {  	[simem:s6], [sflag:s4] =	dma.local [hbm:s3], $0xF7A  }
0x26: {  	[smem:$0x3F9D] =	sst s1;
	(tag) =	ssettag s2;
	_ =	strace s9  }
0x27: {  	s1 =	sld [smem:$0x3FAD]  }
0x28: {  	s2 =	sld [smem:$0x3FAE]  }
0x29: {  	s4 =	sld [smem:$0x3FB0]  }
0x2a: {  	p0 =	seq.s32 s5, $0x0;
	s5 =	sld [smem:$0x3FB1]  }
0x2b: {  	s6 =	sld [smem:$0x3FB2]  }
0x2c: {  	s7 =	sld [smem:$0x3FB3]  }
0x2d: {  	s3 =	simm.s32 $0x108;
	s8 =	sld [smem:$0x3FB4]  }
0x2e: {  	s3 =	simm.s32 @!p0 $0x1082;
	s9 =	sld [smem:$0x3FB5]  }
0x2f: {  	lr =	sadd.s32 s0, s3;
	s0 =	sld [smem:$0x3FAC]  }
0x30: {  	s3 =	sld [smem:$0x3FAF]  }
0x31: {  	[smem:$0x3FB8] =	sst s10  }
0x32: {  	s10 =	sld [smem:$0x3FB6];
	_ =	sdelay $0x3  }
0x33: {  	p0 =	seq.s32 s10, $0x1;
	s10 =	sld [smem:$0x3FB8];
	_ =	sdelay $0x3  }
0x34: {  	[smem:$0x3FB8] =	sst s10  }
0x35: {  	s10 =	sld [smem:$0x3FB7];
	_ =	sdelay $0x3  }
0x36: {  	p1 =	seq.s32 s10, $0x1;
	s10 =	sld [smem:$0x3FB8];
	_ =	sdelay $0x3  }
0x37: {  	[smem:$0x3FB8] =	sst s10  }
0x38: {  	s10 =	sld [smem:$0x3FB9]  }
0x39: {  	_ = 	snop;
	(pc) =	sbr.ind lr, $3  }
0x3a: {  	_ = 	snop  }
0x3b: {  	_ = 	snop  }
0x3c: {  	p2 =	seq.s32 s10, $0x1;
	s10 =	sld [smem:$0x3FB8]  }
0x3d: {  	_ =	shalt  }
0x3e: {  	_ =	shalt  }
0x3f: {  	_ =	shalt  }
0x40: {  	_ =	shalt  }
0x41: {  	_ =	shalt  }
0x42: {  	_ =	shalt  }
0x43: {  	_ =	shalt  }
0x44: {  	_ =	shalt  }
0x45: {  	_ =	shalt  }
0x46: {  	_ =	shalt  }
0x47: {  	_ =	shalt  }
0x48: {  	_ =	shalt  }
0x49: {  	_ =	shalt  }
0x4a: {  	_ =	shalt  }
0x4b: {  	_ =	shalt  }
0x4c: {  	_ =	shalt  }
0x4d: {  	_ =	shalt  }
0x4e: {  	_ =	shalt  }
0x4f: {  	_ =	shalt  }
0x50: {  	_ =	shalt  }
0x51: {  	_ =	shalt  }
0x52: {  	_ =	shalt  }
0x53: {  	_ =	shalt  }
0x54: {  	_ =	shalt  }
0x55: {  	_ =	shalt  }
0x56: {  	_ =	shalt  }
0x57: {  	_ =	shalt  }
0x58: {  	_ =	shalt  }
0x59: {  	_ =	shalt  }
0x5a: {  	_ =	shalt  }
0x5b: {  	_ =	shalt  }
0x5c: {  	_ =	shalt  }
0x5d: {  	_ =	shalt  }
0x5e: {  	_ =	shalt  }
0x5f: {  	_ =	shalt  }
0x60: {  	_ =	shalt  }
0x61: {  	_ =	shalt  }
0x62: {  	_ =	shalt  }
0x63: {  	_ =	shalt  }
0x64: {  	_ =	shalt  }
0x65: {  	_ =	shalt  }
0x66: {  	_ =	shalt  }
0x67: {  	_ =	shalt  }
0x68: {  	_ =	shalt  }
0x69: {  	_ =	shalt  }
0x6a: {  	_ =	shalt  }
0x6b: {  	_ =	shalt  }
0x6c: {  	_ =	shalt  }
0x6d: {  	_ =	shalt  }
0x6e: {  	_ =	shalt  }
0x6f: {  	_ =	shalt  }
0x70: {  	_ =	shalt  }
0x71: {  	_ =	shalt  }
0x72: {  	_ =	shalt  }
0x73: {  	_ =	shalt  }
0x74: {  	_ =	shalt  }
0x75: {  	_ =	shalt  }
0x76: {  	_ =	shalt  }
0x77: {  	_ =	shalt  }
0x78: {  	_ =	shalt  }
0x79: {  	_ =	shalt  }
0x7a: {  	_ =	shalt  }
0x7b: {  	_ =	shalt  }
0x7c: {  	_ =	shalt  }
0x7d: {  	_ =	shalt  }
0x7e: {  	_ =	shalt  }
0x7f: {  	_ =	shalt  }
0x80: {  	_ =	shalt  }
0x81: {  	_ =	shalt  }
0x82: {  	_ =	shalt  }
0x83: {  	_ =	shalt  }
0x84: {  	_ =	shalt  }
0x85: {  	_ =	shalt  }
0x86: {  	_ =	shalt  }
0x87: {  	_ =	shalt  }
.Lfunc_end0:
.L_simem_size_0:
called_computation.1_lowered:
.L_overlay_start_0:
0x88: {  	s2 =	sld [smem:$0x3FD9]  }
0x89: {  	s3 =	sld [smem:$0x3FFE];
	_ =	sdelay $0x1  }
0x8a: {  	s1 =	srdreg.scid  }
0x8b: {  	s0 =	sand.u32 $0x1, s1  }
0x8c: {  	s17 =	sshll.u32 s0, $0xA;
	s2 =	sadd.s32 s3, s2  }
0x8d: {  	s2 =	sadd.s32 s2, s17  }
0x8e: {  	[smem:$0x3FC4] =	sst s2  }
0x8f: {  	_ = 	snop  }
0x90: {  	s2 =	sld [smem:$0x3FD0];
	(tm) =	ssettm $0x1  }
0x91: {  	s18 =	sld [smem:$0x3FFB];
	_ =	sdelay $0x3  }
0x92: {  	_ =	strace s18  }
0x93: {  	s3 =	sld [smem:$0x3FFC];
	_ =	sdelay $0x3  }
0x94: {  	_ =	strace s3  }
0x95: {  	s3 =	sld [smem:$0x3FFD];
	_ =	sdelay $0x3  }
0x96: {  	_ =	strace s3  }
0x97: {  	_ =	strace $0x8FFFFFFF  }
0x98: {  	s19 =	sld [smem:$0x3FDB];
	_ =	sdelay $0x1  }
0x99: {  	s4 =	simm.s32 $_scs_section_size  }
0x9a: {  	s5 =	simm.s32 $_size__tile_overlayer_lowered;
	s6 =	simm.s32 $_tile_overlayer_lowered  }
0x9b: {  	s22 =	simm.s32 $0x1BFF;
	s21 =	sshll.u32 s6, $0x1;
	s3 =	sadd.s32 s4, s19  }
0x9c: {  	s7 =	simm.s32 $0x0;
	s20 =	sshll.u32 s5, $0x1;
	s5 =	sadd.s32 s21, s3  }
0x9d: {  	[timem:s7], [sflag:s22] =	dma.local [hbm:s5], s20  }
0x9e: {  	_ =	swait.ge [sflag:s22], s20  }
0x9f: {  	s4 =	ssub.s32 $0x0, s20;
	[sflag:s22] =	ssyncset.done $0x0  }
0xa0: {  	[sflag:s22] =	ssyncadd.s32 s4;
	_ =	sdelay $0x1  }
0xa1: {  	s23 =	simm.s32 $0x1B8B  }
0xa2: {  	_ =	swait.ge [sflag:s23], $0x1  }
0xa3: {  	[sflag:s23] =	ssyncset.done $0x0  }
0xa4: {  	s25 =	simm.s32 $0x1B8E;
	s24 =	sld [smem:$0x3FFE];
	[sflag:s23] =	ssyncadd.s32 $0xFFFFFFFF  }
0xa5: {  	s26 =	simm.s32 $execute0_lowered;
	[smem:$0x3FD2] =	sst s25  }
0xa6: {  	s5 =	sshll.u32 s26, $0x1;
	_ =	strace $0x80000049;
	[dreg:$0x1] =	wrdreg $0xFFFFFFFF  }
0xa7: {  	s28 =	simm.s32 $_size_execute0_lowered;
	s3 =	sadd.s32 s3, s5;
	[dreg:$0x0] =	wrdreg $0x0  }
0xa8: {  	s5 =	sshll.u32 s28, $0x1;
	[dreg:$0x2] =	wrdreg s3  }
0xa9: {  	[dreg:$0x3] =	wrdreg s5  }
0xaa: {  	[dreg:$0x4] =	wrdreg $0xC0  }
0xab: {  	_ =	task [dreg:s7], $0x5FFFF  }
0xac: {  	[dreg:$0x1] =	wrdreg $0xFFFFFFFF  }
0xad: {  	[dreg:$0x0] =	wrdreg $0x60  }
0xae: {  	[dreg:$0x2] =	wrdreg s24  }
0xaf: {  	[dreg:$0x3] =	wrdreg s2  }
0xb0: {  	[dreg:$0x4] =	wrdreg $0x9  }
0xb1: {  	_ =	task.clear_ibuf [dreg:s7], $0x5FFFF;
	_ =	strace $0x90000049  }
0xb2: {  	s29 =	simm.s32 $0x9;
	_ =	strace $0x8000004B  }
0xb3: {  	_ =	swait.ge [sflag:s29], $0x1  }
0xb4: {  	[sflag:s29] =	ssyncadd.s32 $0xFFFFFFFF  }
0xb5: {  	_ =	strace $0x9000004B  }
0xb6: {  	_ =	sfence  }
0xb7: {  	s30 =	sld [smem:$0x0];
	_ =	sdelay $0x2  }
0xb8: {  	s31 =	sshll.u32 s1, $0xD;
	s1 =	sshrl.u32 s1, $0x2  }
0xb9: {  	s3 =	sand.u32 $0x4000, s31;
	s1 =	sadd.s32 s1, s30  }
0xba: {  	s0 =	sor.u32 s3, s0;
	s1 =	sshll.u32 s1, $0x11  }
0xbb: {  	s0 =	sor.u32 s1, s0  }
0xbc: {  	s0 =	sadd.s32 $0x8F2B, s0  }
0xbd: {  	[sflag:s0] =	ssyncadd.remote.s32 $0x1  }
0xbe: {  	_ =	sfence.sel $0xFFFF  }
0xbf: {  	[dreg:$0x0] =	wrdreg $0xFFFFFFFF;
	(pc) =	sbr.abs _section_cstart, $3  }
0xc0: {  	[dreg:$0x1] =	wrdreg $0xFFFFFFFF  }
0xc1: {  	_ =	task.clear_ibuf [dreg:s7], $0x2FFFF;
	_ =	strace $0x9FFFFFFF  }
0xc2: {  	(tm) =	ssettm $0x7FFFFFFF  }
0xc3: {  	_ =	shalt  }
tec
execute0_lowered:
.L_overlay_start_1:
0x0: {  	(tag) =	ssettag $0x1  }
0x1: {  	s5 =	rddreg [dreg:$0x0]  }
0x2: {  	s6 =	rddreg [dreg:$0x1]  }
0x3: {  	s0 =	rddreg [dreg:$0x2];
	s2 =	simm.s32 $0x0;
	s3 =	srdreg.scid;
	v0 =	vlaneseq.u32  }
0x4: {  	s1 =	stileid.u32;
	s9 =	simm.s32 $0x1;
	s10 =	simm.s32 $0x10200;
	v0 =	vmul.u32 $0x11, v0  }
0x5: {  	s11 =	simm.s32 $0x10000;
	s12 =	simm.s32 $0x2;
	s13 =	simm.s32 $0x0  }
0x6: {  	[smem:$0x7FF] =	sst s2;
	s3 =	sand.u32 $0x1, s3;
	s4 =	sshll.u32 s1, $0xA;
	v1 =	vadd.s32 $0x1, v0;
	v2 =	vadd.s32 $0x2, v0;
	v3 =	vadd.s32 $0x3, v0  }
0x7: {  	s7 =	ssub.s32 $0x2, s3;
	s3 =	sshll.u32 s3, $0x9;
	_ =	strace $0x8000004A;
	v4 =	vadd.s32 $0x4, v0;
	v5 =	vadd.s32 $0x5, v0;
	v6 =	vadd.s32 $0x6, v0  }
0x8: {  	s8 =	sshrl.u32 s7, $0x1;
	s3 =	sor.u32 s3, s4;
	s4 =	sadd.s32 $0xC00, s5;
	v7 =	vadd.s32 $0x7, v0;
	v8 =	vadd.s32 $0x8, v0;
	v9 =	vadd.s32 $0x9, v0  }
0x9: {  	s5 =	sadd.s32 $0x40C00, s5;
	v10 =	vadd.s32 $0xA, v0;
	v11 =	vadd.s32 $0xB, v0;
	v12 =	vadd.s32 $0xC, v0;
	s7 =	ssub.s32 s7, s8;
	s31 =	sshrl.u32 s3, $0x3  }
0xa: {  	v13 =	vadd.s32 $0xD, v0;
	v14 =	vadd.s32 $0xE, v0;
	v15 =	vadd.s32 $0xF, v0;
	s8 =	simm.s32 $0x8000;
	s6 =	sadd.s32 s6, s31;
	s7 =	smax.u32 s7, $0x1  }
.LBB2_1:
0xb: {  	p1 =	por $0x1, $0x1;
	s17 =	simm.s32 $0x0  }
.LBB2_2:
0xc: {  	s14 =	sor.u32 s3, s17  }
0xd: {  	s15 =	sshll.u32 s14, $0x4  }
0xe: {  	s14 =	simm.s32 $0x0;
	s16 =	sadd.s32 s4, s15  }
0xf: {  	[tilespmem:s14], [sflag:$0x1] =	stream.linear.gather [hbm4b:s16+s14], $0x8000, $0x38;
	[tilespmem:$0x10380] =	vst v63  }
0x10: {  	s15 =	sadd.s32 s5, s15  }
0x11: {  	[tilespmem:s8], [sflag:$0x1] =	stream.linear.gather [hbm4b:s15+s14], $0x8000, $0x38;
	[tilespmem:$0x10380] =	vst v63  }
0x12: {  	_ =	swait.ge [sflag:s9], $0x8000  }
0x13: {  	[sflag:s9] =	ssyncset.done $0x0  }
0x14: {  	[sflag:s9] =	ssyncadd.s32 $0xFFFF8000  }
0x15: {  	_ =	swait.ge [sflag:s9], $0x8000  }
0x16: {  	[sflag:s9] =	ssyncset.done $0x0  }
0x17: {  	s16 =	simm.s32 $0x400;
	[sflag:s9] =	ssyncadd.s32 $0xFFFF8000  }
0x18: {  	s15 =	simm.s32 $0x8400;
	v16 =	vld [tilespmem:s16+$0xFFFFFC00]  }
0x19: {  	v17 =	vld [tilespmem:s15+$0xFFFFFC10]  }
0x1a: {  	v18 =	vld [tilespmem:s16+$0xFFFFFC10]  }
0x1b: {  	v19 =	vld [tilespmem:s15+$0xFFFFFC00]  }
0x1c: {  	v20 =	vld [tilespmem:s15+$0xFFFFFC20]  }
0x1d: {  	v21 =	vld [tilespmem:s16+$0xFFFFFC20]  }
0x1e: {  	v22 =	vld [tilespmem:s15+$0xFFFFFC30]  }
0x1f: {  	v23 =	vld [tilespmem:s16+$0xFFFFFC30]  }
0x20: {  	v17 =	vmul.f32 v17, v18;
	v16 =	vmul.f32 v19, v16;
	_ =	sdelay $0x1  }
0x21: {  	v16 =	vadd.f32 v17, v16;
	v17 =	vmul.f32 v20, v21;
	_ =	sdelay $0x1  }
0x22: {  	v16 =	vadd.f32 v17, v16;
	v17 =	vmul.f32 v22, v23;
	_ =	sdelay $0x1  }
0x23: {  	v16 =	vadd.f32 v17, v16;
	_ =	sdelay $0x1  }
0x24: {  	[tilespmem:v0+s10+$0x0] =	vst.idx.msk $0xffff, v16  }
0x25: {  	v16 =	vld [tilespmem:s15+$0xFFFFFC90]  }
0x26: {  	v17 =	vld [tilespmem:s16+$0xFFFFFC80]  }
0x27: {  	v18 =	vld [tilespmem:s16+$0xFFFFFC90]  }
0x28: {  	v19 =	vld [tilespmem:s15+$0xFFFFFC80]  }
0x29: {  	v20 =	vld [tilespmem:s15+$0xFFFFFCA0]  }
0x2a: {  	v21 =	vld [tilespmem:s16+$0xFFFFFCA0]  }
0x2b: {  	v22 =	vld [tilespmem:s15+$0xFFFFFCB0]  }
0x2c: {  	v23 =	vld [tilespmem:s16+$0xFFFFFCB0]  }
0x2d: {  	v16 =	vmul.f32 v16, v18;
	v17 =	vmul.f32 v19, v17;
	_ =	sdelay $0x1  }
0x2e: {  	v16 =	vadd.f32 v16, v17;
	v17 =	vmul.f32 v20, v21;
	_ =	sdelay $0x1  }
0x2f: {  	v16 =	vadd.f32 v17, v16;
	v17 =	vmul.f32 v22, v23;
	_ =	sdelay $0x1  }
0x30: {  	v16 =	vadd.f32 v17, v16;
	_ =	sdelay $0x1  }
0x31: {  	[tilespmem:v1+s10+$0x0] =	vst.idx.msk $0xffff, v16  }
0x32: {  	v16 =	vld [tilespmem:s16+$0xFFFFFD00]  }
0x33: {  	v17 =	vld [tilespmem:s15+$0xFFFFFD00]  }
0x34: {  	v18 =	vld [tilespmem:s15+$0xFFFFFD10]  }
0x35: {  	v19 =	vld [tilespmem:s16+$0xFFFFFD10]  }
0x36: {  	v20 =	vld [tilespmem:s15+$0xFFFFFD20]  }
0x37: {  	v21 =	vld [tilespmem:s16+$0xFFFFFD20]  }
0x38: {  	v22 =	vld [tilespmem:s15+$0xFFFFFD30]  }
0x39: {  	v23 =	vld [tilespmem:s16+$0xFFFFFD30]  }
0x3a: {  	v16 =	vmul.f32 v17, v16;
	v17 =	vmul.f32 v18, v19;
	_ =	sdelay $0x1  }
0x3b: {  	v16 =	vadd.f32 v17, v16;
	v17 =	vmul.f32 v20, v21;
	_ =	sdelay $0x1  }
0x3c: {  	v16 =	vadd.f32 v17, v16;
	v17 =	vmul.f32 v22, v23;
	_ =	sdelay $0x1  }
0x3d: {  	v16 =	vadd.f32 v17, v16;
	_ =	sdelay $0x1  }
0x3e: {  	[tilespmem:v2+s10+$0x0] =	vst.idx.msk $0xffff, v16  }
0x3f: {  	v16 =	vld [tilespmem:s15+$0xFFFFFD80]  }
0x40: {  	v17 =	vld [tilespmem:s16+$0xFFFFFD80]  }
0x41: {  	v18 =	vld [tilespmem:s16+$0xFFFFFD90]  }
0x42: {  	v19 =	vld [tilespmem:s15+$0xFFFFFD90]  }
0x43: {  	v20 =	vld [tilespmem:s15+$0xFFFFFDA0]  }
0x44: {  	v21 =	vld [tilespmem:s16+$0xFFFFFDA0]  }
0x45: {  	v22 =	vld [tilespmem:s15+$0xFFFFFDB0]  }
0x46: {  	v23 =	vld [tilespmem:s16+$0xFFFFFDB0]  }
0x47: {  	v16 =	vmul.f32 v16, v17;
	v17 =	vmul.f32 v19, v18;
	_ =	sdelay $0x1  }
0x48: {  	v16 =	vadd.f32 v17, v16;
	v17 =	vmul.f32 v20, v21;
	_ =	sdelay $0x1  }
0x49: {  	v16 =	vadd.f32 v17, v16;
	v17 =	vmul.f32 v22, v23;
	_ =	sdelay $0x1  }
0x4a: {  	v16 =	vadd.f32 v17, v16;
	_ =	sdelay $0x1  }
0x4b: {  	[tilespmem:v3+s10+$0x0] =	vst.idx.msk $0xffff, v16  }
0x4c: {  	v16 =	vld [tilespmem:s15+$0xFFFFFE10]  }
0x4d: {  	v17 =	vld [tilespmem:s16+$0xFFFFFE00]  }
0x4e: {  	v18 =	vld [tilespmem:s15+$0xFFFFFE00]  }
0x4f: {  	v19 =	vld [tilespmem:s16+$0xFFFFFE10]  }
0x50: {  	v20 =	vld [tilespmem:s15+$0xFFFFFE20]  }
0x51: {  	v21 =	vld [tilespmem:s16+$0xFFFFFE20]  }
0x52: {  	v22 =	vld [tilespmem:s15+$0xFFFFFE30]  }
0x53: {  	v23 =	vld [tilespmem:s16+$0xFFFFFE30]  }
0x54: {  	v17 =	vmul.f32 v18, v17;
	v16 =	vmul.f32 v16, v19;
	_ =	sdelay $0x1  }
0x55: {  	v16 =	vadd.f32 v16, v17;
	v17 =	vmul.f32 v20, v21;
	_ =	sdelay $0x1  }
0x56: {  	v16 =	vadd.f32 v17, v16;
	v17 =	vmul.f32 v22, v23;
	_ =	sdelay $0x1  }
0x57: {  	v16 =	vadd.f32 v17, v16;
	_ =	sdelay $0x1  }
0x58: {  	[tilespmem:v4+s10+$0x0] =	vst.idx.msk $0xffff, v16  }
0x59: {  	v16 =	vld [tilespmem:s15+$0xFFFFFE90]  }
0x5a: {  	v17 =	vld [tilespmem:s16+$0xFFFFFE80]  }
0x5b: {  	v18 =	vld [tilespmem:s15+$0xFFFFFE80]  }
0x5c: {  	v19 =	vld [tilespmem:s16+$0xFFFFFE90]  }
0x5d: {  	v20 =	vld [tilespmem:s15+$0xFFFFFEA0]  }
0x5e: {  	v21 =	vld [tilespmem:s16+$0xFFFFFEA0]  }
0x5f: {  	v22 =	vld [tilespmem:s15+$0xFFFFFEB0]  }
0x60: {  	v23 =	vld [tilespmem:s16+$0xFFFFFEB0]  }
0x61: {  	v17 =	vmul.f32 v18, v17;
	v16 =	vmul.f32 v16, v19;
	_ =	sdelay $0x1  }
0x62: {  	v16 =	vadd.f32 v16, v17;
	v17 =	vmul.f32 v20, v21;
	_ =	sdelay $0x1  }
0x63: {  	v16 =	vadd.f32 v17, v16;
	v17 =	vmul.f32 v22, v23;
	_ =	sdelay $0x1  }
0x64: {  	v16 =	vadd.f32 v17, v16;
	_ =	sdelay $0x1  }
0x65: {  	[tilespmem:v5+s10+$0x0] =	vst.idx.msk $0xffff, v16  }
0x66: {  	v16 =	vld [tilespmem:s15+$0xFFFFFF00]  }
0x67: {  	v17 =	vld [tilespmem:s15+$0xFFFFFF10]  }
0x68: {  	v18 =	vld [tilespmem:s16+$0xFFFFFF10]  }
0x69: {  	v19 =	vld [tilespmem:s16+$0xFFFFFF00]  }
0x6a: {  	v20 =	vld [tilespmem:s15+$0xFFFFFF20]  }
0x6b: {  	v21 =	vld [tilespmem:s16+$0xFFFFFF20]  }
0x6c: {  	v22 =	vld [tilespmem:s15+$0xFFFFFF30]  }
0x6d: {  	v23 =	vld [tilespmem:s16+$0xFFFFFF30]  }
0x6e: {  	v17 =	vmul.f32 v17, v18;
	v16 =	vmul.f32 v16, v19;
	_ =	sdelay $0x1  }
0x6f: {  	v16 =	vadd.f32 v17, v16;
	v17 =	vmul.f32 v20, v21;
	_ =	sdelay $0x1  }
0x70: {  	v16 =	vadd.f32 v17, v16;
	v17 =	vmul.f32 v22, v23;
	_ =	sdelay $0x1  }
0x71: {  	v16 =	vadd.f32 v17, v16;
	_ =	sdelay $0x1  }
0x72: {  	[tilespmem:v6+s10+$0x0] =	vst.idx.msk $0xffff, v16  }
0x73: {  	v16 =	vld [tilespmem:s15+$0xFFFFFF90]  }
0x74: {  	v17 =	vld [tilespmem:s15+$0xFFFFFF80]  }
0x75: {  	v18 =	vld [tilespmem:s16+$0xFFFFFF80]  }
0x76: {  	v19 =	vld [tilespmem:s16+$0xFFFFFF90]  }
0x77: {  	v20 =	vld [tilespmem:s15+$0xFFFFFFA0]  }
0x78: {  	v21 =	vld [tilespmem:s16+$0xFFFFFFA0]  }
0x79: {  	v22 =	vld [tilespmem:s15+$0xFFFFFFB0]  }
0x7a: {  	v23 =	vld [tilespmem:s16+$0xFFFFFFB0]  }
0x7b: {  	v17 =	vmul.f32 v17, v18;
	v16 =	vmul.f32 v16, v19;
	_ =	sdelay $0x1  }
0x7c: {  	v16 =	vadd.f32 v16, v17;
	v17 =	vmul.f32 v20, v21;
	_ =	sdelay $0x1  }
0x7d: {  	v16 =	vadd.f32 v17, v16;
	v17 =	vmul.f32 v22, v23;
	_ =	sdelay $0x1  }
0x7e: {  	v16 =	vadd.f32 v17, v16;
	_ =	sdelay $0x1  }
0x7f: {  	[tilespmem:v7+s10+$0x0] =	vst.idx.msk $0xffff, v16  }
0x80: {  	v16 =	vld [tilespmem:s15+$0x0]  }
0x81: {  	v17 =	vld [tilespmem:s15+$0x10]  }
0x82: {  	v18 =	vld [tilespmem:s16+$0x0]  }
0x83: {  	v19 =	vld [tilespmem:s16+$0x10]  }
0x84: {  	v20 =	vld [tilespmem:s15+$0x20]  }
0x85: {  	v21 =	vld [tilespmem:s16+$0x20]  }
0x86: {  	v22 =	vld [tilespmem:s15+$0x30]  }
0x87: {  	v23 =	vld [tilespmem:s16+$0x30]  }
0x88: {  	v16 =	vmul.f32 v16, v18;
	v17 =	vmul.f32 v17, v19;
	_ =	sdelay $0x1  }
0x89: {  	v16 =	vadd.f32 v17, v16;
	v17 =	vmul.f32 v20, v21;
	_ =	sdelay $0x1  }
0x8a: {  	v16 =	vadd.f32 v17, v16;
	v17 =	vmul.f32 v22, v23;
	_ =	sdelay $0x1  }
0x8b: {  	v16 =	vadd.f32 v17, v16;
	_ =	sdelay $0x1  }
0x8c: {  	[tilespmem:v8+s10+$0x0] =	vst.idx.msk $0xffff, v16  }
0x8d: {  	v16 =	vld [tilespmem:s15+$0x80]  }
0x8e: {  	v17 =	vld [tilespmem:s15+$0x90]  }
0x8f: {  	v18 =	vld [tilespmem:s16+$0x80]  }
0x90: {  	v19 =	vld [tilespmem:s16+$0x90]  }
0x91: {  	v20 =	vld [tilespmem:s16+$0xA0]  }
0x92: {  	v21 =	vld [tilespmem:s15+$0xA0]  }
0x93: {  	v22 =	vld [tilespmem:s16+$0xB0]  }
0x94: {  	v23 =	vld [tilespmem:s15+$0xB0]  }
0x95: {  	v16 =	vmul.f32 v16, v18;
	v17 =	vmul.f32 v17, v19;
	_ =	sdelay $0x1  }
0x96: {  	v16 =	vadd.f32 v17, v16;
	v17 =	vmul.f32 v21, v20;
	_ =	sdelay $0x1  }
0x97: {  	v16 =	vadd.f32 v17, v16;
	v17 =	vmul.f32 v23, v22;
	_ =	sdelay $0x1  }
0x98: {  	v16 =	vadd.f32 v17, v16;
	_ =	sdelay $0x1  }
0x99: {  	[tilespmem:v9+s10+$0x0] =	vst.idx.msk $0xffff, v16  }
0x9a: {  	v16 =	vld [tilespmem:s15+$0x100]  }
0x9b: {  	v17 =	vld [tilespmem:s15+$0x110]  }
0x9c: {  	v18 =	vld [tilespmem:s16+$0x100]  }
0x9d: {  	v19 =	vld [tilespmem:s16+$0x110]  }
0x9e: {  	v20 =	vld [tilespmem:s16+$0x120]  }
0x9f: {  	v21 =	vld [tilespmem:s15+$0x120]  }
0xa0: {  	v22 =	vld [tilespmem:s16+$0x130]  }
0xa1: {  	v23 =	vld [tilespmem:s15+$0x130]  }
0xa2: {  	v16 =	vmul.f32 v16, v18;
	v17 =	vmul.f32 v17, v19;
	_ =	sdelay $0x1  }
0xa3: {  	v16 =	vadd.f32 v17, v16;
	v17 =	vmul.f32 v21, v20;
	_ =	sdelay $0x1  }
0xa4: {  	v16 =	vadd.f32 v17, v16;
	v17 =	vmul.f32 v23, v22;
	_ =	sdelay $0x1  }
0xa5: {  	v16 =	vadd.f32 v17, v16;
	_ =	sdelay $0x1  }
0xa6: {  	[tilespmem:v10+s10+$0x0] =	vst.idx.msk $0xffff, v16  }
0xa7: {  	v16 =	vld [tilespmem:s15+$0x180]  }
0xa8: {  	v17 =	vld [tilespmem:s15+$0x190]  }
0xa9: {  	v18 =	vld [tilespmem:s16+$0x180]  }
0xaa: {  	v19 =	vld [tilespmem:s16+$0x190]  }
0xab: {  	v20 =	vld [tilespmem:s16+$0x1A0]  }
0xac: {  	v21 =	vld [tilespmem:s15+$0x1A0]  }
0xad: {  	v22 =	vld [tilespmem:s16+$0x1B0]  }
0xae: {  	v23 =	vld [tilespmem:s15+$0x1B0]  }
0xaf: {  	v16 =	vmul.f32 v16, v18;
	v17 =	vmul.f32 v17, v19;
	_ =	sdelay $0x1  }
0xb0: {  	v16 =	vadd.f32 v17, v16;
	v17 =	vmul.f32 v21, v20;
	_ =	sdelay $0x1  }
0xb1: {  	v16 =	vadd.f32 v17, v16;
	v17 =	vmul.f32 v23, v22;
	_ =	sdelay $0x1  }
0xb2: {  	v16 =	vadd.f32 v17, v16;
	_ =	sdelay $0x1  }
0xb3: {  	[tilespmem:v11+s10+$0x0] =	vst.idx.msk $0xffff, v16  }
0xb4: {  	v16 =	vld [tilespmem:s15+$0x200]  }
0xb5: {  	v17 =	vld [tilespmem:s15+$0x210]  }
0xb6: {  	v18 =	vld [tilespmem:s16+$0x200]  }
0xb7: {  	v19 =	vld [tilespmem:s16+$0x210]  }
0xb8: {  	v20 =	vld [tilespmem:s16+$0x220]  }
0xb9: {  	v21 =	vld [tilespmem:s15+$0x220]  }
0xba: {  	v22 =	vld [tilespmem:s16+$0x230]  }
0xbb: {  	v23 =	vld [tilespmem:s15+$0x230]  }
0xbc: {  	v16 =	vmul.f32 v16, v18;
	v17 =	vmul.f32 v17, v19;
	_ =	sdelay $0x1  }
0xbd: {  	v16 =	vadd.f32 v17, v16;
	v17 =	vmul.f32 v21, v20;
	_ =	sdelay $0x1  }
0xbe: {  	v16 =	vadd.f32 v17, v16;
	v17 =	vmul.f32 v23, v22;
	_ =	sdelay $0x1  }
0xbf: {  	v16 =	vadd.f32 v17, v16;
	_ =	sdelay $0x1  }
0xc0: {  	[tilespmem:v12+s10+$0x0] =	vst.idx.msk $0xffff, v16  }
0xc1: {  	v16 =	vld [tilespmem:s15+$0x280]  }
0xc2: {  	v17 =	vld [tilespmem:s15+$0x290]  }
0xc3: {  	v18 =	vld [tilespmem:s16+$0x280]  }
0xc4: {  	v19 =	vld [tilespmem:s16+$0x290]  }
0xc5: {  	v20 =	vld [tilespmem:s16+$0x2A0]  }
0xc6: {  	v21 =	vld [tilespmem:s15+$0x2A0]  }
0xc7: {  	v22 =	vld [tilespmem:s16+$0x2B0]  }
0xc8: {  	v23 =	vld [tilespmem:s15+$0x2B0]  }
0xc9: {  	v16 =	vmul.f32 v16, v18;
	v17 =	vmul.f32 v17, v19;
	_ =	sdelay $0x1  }
0xca: {  	v16 =	vadd.f32 v17, v16;
	v17 =	vmul.f32 v21, v20;
	_ =	sdelay $0x1  }
0xcb: {  	v16 =	vadd.f32 v17, v16;
	v17 =	vmul.f32 v23, v22;
	_ =	sdelay $0x1  }
0xcc: {  	v16 =	vadd.f32 v17, v16;
	_ =	sdelay $0x1  }
0xcd: {  	[tilespmem:v13+s10+$0x0] =	vst.idx.msk $0xffff, v16  }
0xce: {  	v16 =	vld [tilespmem:s15+$0x300]  }
0xcf: {  	v17 =	vld [tilespmem:s15+$0x310]  }
0xd0: {  	v18 =	vld [tilespmem:s16+$0x310]  }
0xd1: {  	v19 =	vld [tilespmem:s16+$0x300]  }
0xd2: {  	v20 =	vld [tilespmem:s16+$0x320]  }
0xd3: {  	v21 =	vld [tilespmem:s15+$0x320]  }
0xd4: {  	v22 =	vld [tilespmem:s16+$0x330]  }
0xd5: {  	v23 =	vld [tilespmem:s15+$0x330]  }
0xd6: {  	v17 =	vmul.f32 v17, v18;
	v16 =	vmul.f32 v16, v19;
	_ =	sdelay $0x1  }
0xd7: {  	v16 =	vadd.f32 v17, v16;
	v17 =	vmul.f32 v21, v20;
	_ =	sdelay $0x1  }
0xd8: {  	v16 =	vadd.f32 v17, v16;
	v17 =	vmul.f32 v23, v22;
	_ =	sdelay $0x1  }
0xd9: {  	v16 =	vadd.f32 v17, v16;
	_ =	sdelay $0x1  }
0xda: {  	[tilespmem:v14+s10+$0x0] =	vst.idx.msk $0xffff, v16  }
0xdb: {  	v20 =	vld [tilespmem:s16+$0x380]  }
0xdc: {  	v21 =	vld [tilespmem:s15+$0x380]  }
0xdd: {  	v17 =	vld [tilespmem:s15+$0x390]  }
0xde: {  	v19 =	vld [tilespmem:s16+$0x390]  }
0xdf: {  	v16 =	vld [tilespmem:s16+$0x3A0]  }
0xe0: {  	v18 =	vld [tilespmem:s15+$0x3A0]  }
0xe1: {  	p0 =	por p1, p1;
	s17 =	sadd.s32 $0x10000, s17;
	s18 =	simm.s32 $0x10;
	v21 =	vmul.f32 v21, v20;
	v20 =	vld [tilespmem:s16+$0x3B0]  }
.LBB2_3:
0xe2: {  	p1 =	sne.s32 s18, $0xF0;
	v22 =	vld [tilespmem:s15+$0x3B0];
	s16 =	sadd.s32 $0x800, s16;
	s15 =	sadd.s32 $0x800, s15  }
0xe3: {  	s19 =	smov.u32 s18;
	s18 =	sadd.s32 $0x10, s18;
	v17 =	vmul.f32 v17, v19;
	_ =	sdelay $0x1  }
0xe4: {  	v17 =	vadd.f32 v17, v21;
	v16 =	vmul.f32 v18, v16;
	_ =	sdelay $0x1  }
0xe5: {  	v16 =	vadd.f32 v16, v17;
	v17 =	vmul.f32 v22, v20;
	_ =	sdelay $0x1  }
0xe6: {  	v16 =	vadd.f32 v17, v16;
	_ =	sdelay $0x1  }
0xe7: {  	[tilespmem:v15+s10+$0x0] =	vst.idx.msk $0xffff, v16  }
0xe8: {  	v16 =	vld [tilespmem:$0x10200]  }
0xe9: {  	v17 =	vld [tilespmem:$0x10211]  }
0xea: {  	v18 =	vld [tilespmem:$0x10222]  }
0xeb: {  	v19 =	vld [tilespmem:$0x10233]  }
0xec: {  	v20 =	vld [tilespmem:$0x10244]  }
0xed: {  	v21 =	vld [tilespmem:$0x10255]  }
0xee: {  	v16 =	vadd.f32 v17, v16;
	v17 =	vld [tilespmem:$0x10266]  }
0xef: {  	v22 =	vld [tilespmem:$0x10277]  }
0xf0: {  	v16 =	vadd.f32 v18, v16;
	v18 =	vld [tilespmem:$0x10288]  }
0xf1: {  	v23 =	vld [tilespmem:$0x10299]  }
0xf2: {  	v16 =	vadd.f32 v19, v16;
	v19 =	vld [tilespmem:$0x102AA]  }
0xf3: {  	v24 =	vld [tilespmem:$0x102BB]  }
0xf4: {  	v16 =	vadd.f32 v20, v16;
	v20 =	vld [tilespmem:$0x102CC]  }
0xf5: {  	v25 =	vld [tilespmem:$0x102DD]  }
0xf6: {  	v16 =	vadd.f32 v21, v16;
	v21 =	vld [tilespmem:$0x102EE]  }
0xf7: {  	v26 =	vld [tilespmem:$0x102FF]  }
0xf8: {  	v16 =	vadd.f32 v17, v16;
	_ =	sdelay $0x1  }
0xf9: {  	v16 =	vadd.f32 v22, v16;
	_ =	sdelay $0x1  }
0xfa: {  	v16 =	vadd.f32 v18, v16;
	_ =	sdelay $0x1  }
0xfb: {  	v16 =	vadd.f32 v23, v16;
	_ =	sdelay $0x1  }
0xfc: {  	v16 =	vadd.f32 v19, v16;
	_ =	sdelay $0x1  }
0xfd: {  	v16 =	vadd.f32 v24, v16;
	_ =	sdelay $0x1  }
0xfe: {  	v16 =	vadd.f32 v20, v16;
	_ =	sdelay $0x1  }
0xff: {  	v16 =	vadd.f32 v25, v16;
	_ =	sdelay $0x1  }
0x100: {  	s20 =	sand.u32 $0x80, s14;
	v16 =	vadd.f32 v21, v16  }
0x101: {  	s21 =	sand.u32 $0x70, s14;
	s20 =	sadd.s32 s20, s17;
	s14 =	smov.u32 s19  }
0x102: {  	s19 =	sadd.s32 s21, s20;
	v16 =	vadd.f32 v26, v16;
	_ =	sdelay $0x1  }
0x103: {  	[tilespmem:s19+$0x0] =	vst v16  }
0x104: {  	v16 =	vld [tilespmem:s16+$0xFFFFFC00]  }
0x105: {  	v17 =	vld [tilespmem:s15+$0xFFFFFC10]  }
0x106: {  	v18 =	vld [tilespmem:s16+$0xFFFFFC10]  }
0x107: {  	v19 =	vld [tilespmem:s15+$0xFFFFFC00]  }
0x108: {  	v20 =	vld [tilespmem:s15+$0xFFFFFC20]  }
0x109: {  	v21 =	vld [tilespmem:s16+$0xFFFFFC20]  }
0x10a: {  	v22 =	vld [tilespmem:s15+$0xFFFFFC30]  }
0x10b: {  	v17 =	vmul.f32 v17, v18;
	v18 =	vld [tilespmem:s16+$0xFFFFFC30]  }
0x10c: {  	v16 =	vmul.f32 v19, v16;
	_ =	sdelay $0x1  }
0x10d: {  	v16 =	vadd.f32 v17, v16;
	v17 =	vmul.f32 v20, v21;
	_ =	sdelay $0x1  }
0x10e: {  	v16 =	vadd.f32 v17, v16;
	v17 =	vmul.f32 v22, v18;
	_ =	sdelay $0x1  }
0x10f: {  	v16 =	vadd.f32 v17, v16;
	_ =	sdelay $0x1  }
0x110: {  	[tilespmem:v0+s10+$0x0] =	vst.idx.msk $0xffff, v16  }
0x111: {  	v16 =	vld [tilespmem:s15+$0xFFFFFC90]  }
0x112: {  	v17 =	vld [tilespmem:s16+$0xFFFFFC80]  }
0x113: {  	v18 =	vld [tilespmem:s16+$0xFFFFFC90]  }
0x114: {  	v19 =	vld [tilespmem:s15+$0xFFFFFC80]  }
0x115: {  	v20 =	vld [tilespmem:s15+$0xFFFFFCA0]  }
0x116: {  	v21 =	vld [tilespmem:s16+$0xFFFFFCA0]  }
0x117: {  	v22 =	vld [tilespmem:s15+$0xFFFFFCB0]  }
0x118: {  	v16 =	vmul.f32 v16, v18;
	v18 =	vld [tilespmem:s16+$0xFFFFFCB0]  }
0x119: {  	v17 =	vmul.f32 v19, v17;
	_ =	sdelay $0x1  }
0x11a: {  	v16 =	vadd.f32 v16, v17;
	v17 =	vmul.f32 v20, v21;
	_ =	sdelay $0x1  }
0x11b: {  	v16 =	vadd.f32 v17, v16;
	v17 =	vmul.f32 v22, v18;
	_ =	sdelay $0x1  }
0x11c: {  	v16 =	vadd.f32 v17, v16;
	_ =	sdelay $0x1  }
0x11d: {  	[tilespmem:v1+s10+$0x0] =	vst.idx.msk $0xffff, v16  }
0x11e: {  	v16 =	vld [tilespmem:s16+$0xFFFFFD00]  }
0x11f: {  	v17 =	vld [tilespmem:s15+$0xFFFFFD00]  }
0x120: {  	v18 =	vld [tilespmem:s15+$0xFFFFFD10]  }
0x121: {  	v19 =	vld [tilespmem:s16+$0xFFFFFD10]  }
0x122: {  	v20 =	vld [tilespmem:s15+$0xFFFFFD20]  }
0x123: {  	v21 =	vld [tilespmem:s16+$0xFFFFFD20]  }
0x124: {  	v16 =	vmul.f32 v17, v16;
	v17 =	vld [tilespmem:s15+$0xFFFFFD30]  }
0x125: {  	v22 =	vld [tilespmem:s16+$0xFFFFFD30]  }
0x126: {  	v18 =	vmul.f32 v18, v19;
	_ =	sdelay $0x1  }
0x127: {  	v16 =	vadd.f32 v18, v16;
	v18 =	vmul.f32 v20, v21;
	_ =	sdelay $0x1  }
0x128: {  	v16 =	vadd.f32 v18, v16;
	v17 =	vmul.f32 v17, v22;
	_ =	sdelay $0x1  }
0x129: {  	v16 =	vadd.f32 v17, v16;
	_ =	sdelay $0x1  }
0x12a: {  	[tilespmem:v2+s10+$0x0] =	vst.idx.msk $0xffff, v16  }
0x12b: {  	v16 =	vld [tilespmem:s15+$0xFFFFFD80]  }
0x12c: {  	v17 =	vld [tilespmem:s16+$0xFFFFFD80]  }
0x12d: {  	v18 =	vld [tilespmem:s16+$0xFFFFFD90]  }
0x12e: {  	v19 =	vld [tilespmem:s15+$0xFFFFFD90]  }
0x12f: {  	v20 =	vld [tilespmem:s15+$0xFFFFFDA0]  }
0x130: {  	v21 =	vld [tilespmem:s16+$0xFFFFFDA0]  }
0x131: {  	v16 =	vmul.f32 v16, v17;
	v17 =	vld [tilespmem:s15+$0xFFFFFDB0]  }
0x132: {  	v22 =	vld [tilespmem:s16+$0xFFFFFDB0]  }
0x133: {  	v18 =	vmul.f32 v19, v18;
	_ =	sdelay $0x1  }
0x134: {  	v16 =	vadd.f32 v18, v16;
	v18 =	vmul.f32 v20, v21;
	_ =	sdelay $0x1  }
0x135: {  	v16 =	vadd.f32 v18, v16;
	v17 =	vmul.f32 v17, v22;
	_ =	sdelay $0x1  }
0x136: {  	v16 =	vadd.f32 v17, v16;
	_ =	sdelay $0x1  }
0x137: {  	[tilespmem:v3+s10+$0x0] =	vst.idx.msk $0xffff, v16  }
0x138: {  	v16 =	vld [tilespmem:s15+$0xFFFFFE10]  }
0x139: {  	v17 =	vld [tilespmem:s16+$0xFFFFFE00]  }
0x13a: {  	v18 =	vld [tilespmem:s15+$0xFFFFFE00]  }
0x13b: {  	v19 =	vld [tilespmem:s16+$0xFFFFFE10]  }
0x13c: {  	v20 =	vld [tilespmem:s15+$0xFFFFFE20]  }
0x13d: {  	v21 =	vld [tilespmem:s16+$0xFFFFFE20]  }
0x13e: {  	v22 =	vld [tilespmem:s15+$0xFFFFFE30]  }
0x13f: {  	v17 =	vmul.f32 v18, v17;
	v18 =	vld [tilespmem:s16+$0xFFFFFE30]  }
0x140: {  	v16 =	vmul.f32 v16, v19;
	_ =	sdelay $0x1  }
0x141: {  	v16 =	vadd.f32 v16, v17;
	v17 =	vmul.f32 v20, v21;
	_ =	sdelay $0x1  }
0x142: {  	v16 =	vadd.f32 v17, v16;
	v17 =	vmul.f32 v22, v18;
	_ =	sdelay $0x1  }
0x143: {  	v16 =	vadd.f32 v17, v16;
	_ =	sdelay $0x1  }
0x144: {  	[tilespmem:v4+s10+$0x0] =	vst.idx.msk $0xffff, v16  }
0x145: {  	v16 =	vld [tilespmem:s15+$0xFFFFFE90]  }
0x146: {  	v17 =	vld [tilespmem:s16+$0xFFFFFE80]  }
0x147: {  	v18 =	vld [tilespmem:s15+$0xFFFFFE80]  }
0x148: {  	v19 =	vld [tilespmem:s16+$0xFFFFFE90]  }
0x149: {  	v20 =	vld [tilespmem:s15+$0xFFFFFEA0]  }
0x14a: {  	v21 =	vld [tilespmem:s16+$0xFFFFFEA0]  }
0x14b: {  	v22 =	vld [tilespmem:s15+$0xFFFFFEB0]  }
0x14c: {  	v17 =	vmul.f32 v18, v17;
	v18 =	vld [tilespmem:s16+$0xFFFFFEB0]  }
0x14d: {  	v16 =	vmul.f32 v16, v19;
	_ =	sdelay $0x1  }
0x14e: {  	v16 =	vadd.f32 v16, v17;
	v17 =	vmul.f32 v20, v21;
	_ =	sdelay $0x1  }
0x14f: {  	v16 =	vadd.f32 v17, v16;
	v17 =	vmul.f32 v22, v18;
	_ =	sdelay $0x1  }
0x150: {  	v16 =	vadd.f32 v17, v16;
	_ =	sdelay $0x1  }
0x151: {  	[tilespmem:v5+s10+$0x0] =	vst.idx.msk $0xffff, v16  }
0x152: {  	v16 =	vld [tilespmem:s15+$0xFFFFFF00]  }
0x153: {  	v17 =	vld [tilespmem:s15+$0xFFFFFF10]  }
0x154: {  	v18 =	vld [tilespmem:s16+$0xFFFFFF10]  }
0x155: {  	v19 =	vld [tilespmem:s16+$0xFFFFFF00]  }
0x156: {  	v20 =	vld [tilespmem:s15+$0xFFFFFF20]  }
0x157: {  	v21 =	vld [tilespmem:s16+$0xFFFFFF20]  }
0x158: {  	v22 =	vld [tilespmem:s15+$0xFFFFFF30]  }
0x159: {  	v17 =	vmul.f32 v17, v18;
	v18 =	vld [tilespmem:s16+$0xFFFFFF30]  }
0x15a: {  	v16 =	vmul.f32 v16, v19;
	_ =	sdelay $0x1  }
0x15b: {  	v16 =	vadd.f32 v17, v16;
	v17 =	vmul.f32 v20, v21;
	_ =	sdelay $0x1  }
0x15c: {  	v16 =	vadd.f32 v17, v16;
	v17 =	vmul.f32 v22, v18;
	_ =	sdelay $0x1  }
0x15d: {  	v16 =	vadd.f32 v17, v16;
	_ =	sdelay $0x1  }
0x15e: {  	[tilespmem:v6+s10+$0x0] =	vst.idx.msk $0xffff, v16  }
0x15f: {  	v16 =	vld [tilespmem:s15+$0xFFFFFF90]  }
0x160: {  	v17 =	vld [tilespmem:s15+$0xFFFFFF80]  }
0x161: {  	v18 =	vld [tilespmem:s16+$0xFFFFFF80]  }
0x162: {  	v19 =	vld [tilespmem:s16+$0xFFFFFF90]  }
0x163: {  	v20 =	vld [tilespmem:s15+$0xFFFFFFA0]  }
0x164: {  	v21 =	vld [tilespmem:s16+$0xFFFFFFA0]  }
0x165: {  	v22 =	vld [tilespmem:s15+$0xFFFFFFB0]  }
0x166: {  	v17 =	vmul.f32 v17, v18;
	v18 =	vld [tilespmem:s16+$0xFFFFFFB0]  }
0x167: {  	v16 =	vmul.f32 v16, v19;
	_ =	sdelay $0x1  }
0x168: {  	v16 =	vadd.f32 v16, v17;
	v17 =	vmul.f32 v20, v21;
	_ =	sdelay $0x1  }
0x169: {  	v16 =	vadd.f32 v17, v16;
	v17 =	vmul.f32 v22, v18;
	_ =	sdelay $0x1  }
0x16a: {  	v16 =	vadd.f32 v17, v16;
	_ =	sdelay $0x1  }
0x16b: {  	[tilespmem:v7+s10+$0x0] =	vst.idx.msk $0xffff, v16  }
0x16c: {  	v16 =	vld [tilespmem:s15+$0x0]  }
0x16d: {  	v17 =	vld [tilespmem:s15+$0x10]  }
0x16e: {  	v18 =	vld [tilespmem:s16+$0x0]  }
0x16f: {  	v19 =	vld [tilespmem:s16+$0x10]  }
0x170: {  	v20 =	vld [tilespmem:s15+$0x20]  }
0x171: {  	v21 =	vld [tilespmem:s16+$0x20]  }
0x172: {  	v22 =	vld [tilespmem:s15+$0x30]  }
0x173: {  	v16 =	vmul.f32 v16, v18;
	v18 =	vld [tilespmem:s16+$0x30]  }
0x174: {  	v17 =	vmul.f32 v17, v19;
	_ =	sdelay $0x1  }
0x175: {  	v16 =	vadd.f32 v17, v16;
	v17 =	vmul.f32 v20, v21;
	_ =	sdelay $0x1  }
0x176: {  	v16 =	vadd.f32 v17, v16;
	v17 =	vmul.f32 v22, v18;
	_ =	sdelay $0x1  }
0x177: {  	v16 =	vadd.f32 v17, v16;
	_ =	sdelay $0x1  }
0x178: {  	[tilespmem:v8+s10+$0x0] =	vst.idx.msk $0xffff, v16  }
0x179: {  	v16 =	vld [tilespmem:s15+$0x80]  }
0x17a: {  	v17 =	vld [tilespmem:s15+$0x90]  }
0x17b: {  	v18 =	vld [tilespmem:s16+$0x80]  }
0x17c: {  	v19 =	vld [tilespmem:s16+$0x90]  }
0x17d: {  	v20 =	vld [tilespmem:s16+$0xA0]  }
0x17e: {  	v21 =	vld [tilespmem:s15+$0xA0]  }
0x17f: {  	v22 =	vld [tilespmem:s16+$0xB0]  }
0x180: {  	v16 =	vmul.f32 v16, v18;
	v18 =	vld [tilespmem:s15+$0xB0]  }
0x181: {  	v17 =	vmul.f32 v17, v19;
	_ =	sdelay $0x1  }
0x182: {  	v16 =	vadd.f32 v17, v16;
	v17 =	vmul.f32 v21, v20;
	_ =	sdelay $0x1  }
0x183: {  	v16 =	vadd.f32 v17, v16;
	v17 =	vmul.f32 v18, v22;
	_ =	sdelay $0x1  }
0x184: {  	v16 =	vadd.f32 v17, v16;
	_ =	sdelay $0x1  }
0x185: {  	[tilespmem:v9+s10+$0x0] =	vst.idx.msk $0xffff, v16  }
0x186: {  	v16 =	vld [tilespmem:s15+$0x100]  }
0x187: {  	v17 =	vld [tilespmem:s15+$0x110]  }
0x188: {  	v18 =	vld [tilespmem:s16+$0x100]  }
0x189: {  	v19 =	vld [tilespmem:s16+$0x110]  }
0x18a: {  	v20 =	vld [tilespmem:s16+$0x120]  }
0x18b: {  	v21 =	vld [tilespmem:s15+$0x120]  }
0x18c: {  	v22 =	vld [tilespmem:s16+$0x130]  }
0x18d: {  	v16 =	vmul.f32 v16, v18;
	v18 =	vld [tilespmem:s15+$0x130]  }
0x18e: {  	v17 =	vmul.f32 v17, v19;
	_ =	sdelay $0x1  }
0x18f: {  	v16 =	vadd.f32 v17, v16;
	v17 =	vmul.f32 v21, v20;
	_ =	sdelay $0x1  }
0x190: {  	v16 =	vadd.f32 v17, v16;
	v17 =	vmul.f32 v18, v22;
	_ =	sdelay $0x1  }
0x191: {  	v16 =	vadd.f32 v17, v16;
	_ =	sdelay $0x1  }
0x192: {  	[tilespmem:v10+s10+$0x0] =	vst.idx.msk $0xffff, v16  }
0x193: {  	v16 =	vld [tilespmem:s15+$0x180]  }
0x194: {  	v17 =	vld [tilespmem:s15+$0x190]  }
0x195: {  	v18 =	vld [tilespmem:s16+$0x180]  }
0x196: {  	v19 =	vld [tilespmem:s16+$0x190]  }
0x197: {  	v20 =	vld [tilespmem:s16+$0x1A0]  }
0x198: {  	v21 =	vld [tilespmem:s15+$0x1A0]  }
0x199: {  	v22 =	vld [tilespmem:s16+$0x1B0]  }
0x19a: {  	v16 =	vmul.f32 v16, v18;
	v18 =	vld [tilespmem:s15+$0x1B0]  }
0x19b: {  	v17 =	vmul.f32 v17, v19;
	_ =	sdelay $0x1  }
0x19c: {  	v16 =	vadd.f32 v17, v16;
	v17 =	vmul.f32 v21, v20;
	_ =	sdelay $0x1  }
0x19d: {  	v16 =	vadd.f32 v17, v16;
	v17 =	vmul.f32 v18, v22;
	_ =	sdelay $0x1  }
0x19e: {  	v16 =	vadd.f32 v17, v16;
	_ =	sdelay $0x1  }
0x19f: {  	[tilespmem:v11+s10+$0x0] =	vst.idx.msk $0xffff, v16  }
0x1a0: {  	v16 =	vld [tilespmem:s15+$0x200]  }
0x1a1: {  	v17 =	vld [tilespmem:s15+$0x210]  }
0x1a2: {  	v18 =	vld [tilespmem:s16+$0x200]  }
0x1a3: {  	v19 =	vld [tilespmem:s16+$0x210]  }
0x1a4: {  	v20 =	vld [tilespmem:s16+$0x220]  }
0x1a5: {  	v21 =	vld [tilespmem:s15+$0x220]  }
0x1a6: {  	v22 =	vld [tilespmem:s16+$0x230]  }
0x1a7: {  	v16 =	vmul.f32 v16, v18;
	v18 =	vld [tilespmem:s15+$0x230]  }
0x1a8: {  	v17 =	vmul.f32 v17, v19;
	_ =	sdelay $0x1  }
0x1a9: {  	v16 =	vadd.f32 v17, v16;
	v17 =	vmul.f32 v21, v20;
	_ =	sdelay $0x1  }
0x1aa: {  	v16 =	vadd.f32 v17, v16;
	v17 =	vmul.f32 v18, v22;
	_ =	sdelay $0x1  }
0x1ab: {  	v16 =	vadd.f32 v17, v16;
	_ =	sdelay $0x1  }
0x1ac: {  	[tilespmem:v12+s10+$0x0] =	vst.idx.msk $0xffff, v16  }
0x1ad: {  	v16 =	vld [tilespmem:s15+$0x280]  }
0x1ae: {  	v17 =	vld [tilespmem:s15+$0x290]  }
0x1af: {  	v18 =	vld [tilespmem:s16+$0x280]  }
0x1b0: {  	v19 =	vld [tilespmem:s16+$0x290]  }
0x1b1: {  	v20 =	vld [tilespmem:s16+$0x2A0]  }
0x1b2: {  	v21 =	vld [tilespmem:s15+$0x2A0]  }
0x1b3: {  	v22 =	vld [tilespmem:s16+$0x2B0]  }
0x1b4: {  	v16 =	vmul.f32 v16, v18;
	v18 =	vld [tilespmem:s15+$0x2B0]  }
0x1b5: {  	v17 =	vmul.f32 v17, v19;
	_ =	sdelay $0x1  }
0x1b6: {  	v16 =	vadd.f32 v17, v16;
	v17 =	vmul.f32 v21, v20;
	_ =	sdelay $0x1  }
0x1b7: {  	v16 =	vadd.f32 v17, v16;
	v17 =	vmul.f32 v18, v22;
	_ =	sdelay $0x1  }
0x1b8: {  	v16 =	vadd.f32 v17, v16;
	_ =	sdelay $0x1  }
0x1b9: {  	[tilespmem:v13+s10+$0x0] =	vst.idx.msk $0xffff, v16  }
0x1ba: {  	v16 =	vld [tilespmem:s15+$0x300]  }
0x1bb: {  	v17 =	vld [tilespmem:s15+$0x310]  }
0x1bc: {  	v18 =	vld [tilespmem:s16+$0x310]  }
0x1bd: {  	v19 =	vld [tilespmem:s16+$0x300]  }
0x1be: {  	v20 =	vld [tilespmem:s16+$0x320]  }
0x1bf: {  	v21 =	vld [tilespmem:s15+$0x320]  }
0x1c0: {  	v22 =	vld [tilespmem:s16+$0x330]  }
0x1c1: {  	v17 =	vmul.f32 v17, v18;
	v18 =	vld [tilespmem:s15+$0x330]  }
0x1c2: {  	v16 =	vmul.f32 v16, v19;
	_ =	sdelay $0x1  }
0x1c3: {  	v16 =	vadd.f32 v17, v16;
	v17 =	vmul.f32 v21, v20;
	_ =	sdelay $0x1  }
0x1c4: {  	v16 =	vadd.f32 v17, v16;
	v17 =	vmul.f32 v18, v22;
	_ =	sdelay $0x1  }
0x1c5: {  	v16 =	vadd.f32 v17, v16;
	_ =	sdelay $0x1  }
0x1c6: {  	[tilespmem:v14+s10+$0x0] =	vst.idx.msk $0xffff, v16  }
0x1c7: {  	v20 =	vld [tilespmem:s16+$0x380]  }
0x1c8: {  	v21 =	vld [tilespmem:s15+$0x380]  }
.Ltmp0:
0x1c9: {  	v17 =	vld [tilespmem:s15+$0x390];
	(pc) =	sbr.rel @p1 .LBB2_3-.Ltmp0, $4  }
0x1ca: {  	v19 =	vld [tilespmem:s16+$0x390]  }
0x1cb: {  	v16 =	vld [tilespmem:s16+$0x3A0]  }
0x1cc: {  	v18 =	vld [tilespmem:s15+$0x3A0]  }
0x1cd: {  	v21 =	vmul.f32 v21, v20;
	v20 =	vld [tilespmem:s16+$0x3B0]  }
0x1ce: {  	v22 =	vld [tilespmem:s15+$0x3B0]  }
0x1cf: {  	v17 =	vmul.f32 v17, v19;
	_ =	sdelay $0x1  }
0x1d0: {  	v17 =	vadd.f32 v17, v21;
	v16 =	vmul.f32 v18, v16;
	_ =	sdelay $0x1  }
0x1d1: {  	v16 =	vadd.f32 v16, v17;
	v17 =	vmul.f32 v22, v20;
	_ =	sdelay $0x1  }
0x1d2: {  	v16 =	vadd.f32 v17, v16;
	_ =	sdelay $0x1  }
0x1d3: {  	[tilespmem:v15+s10+$0x0] =	vst.idx.msk $0xffff, v16  }
0x1d4: {  	v16 =	vld [tilespmem:$0x10200]  }
0x1d5: {  	v17 =	vld [tilespmem:$0x10211];
	_ =	sdelay $0x1  }
0x1d6: {  	v54 =	vld [tilespmem:$0x10222];
	_ =	sdelay $0x1  }
0x1d7: {  	v55 =	vld [tilespmem:$0x10233]  }
0x1d8: {  	v16 =	vadd.f32 v17, v16  }
0x1d9: {  	v17 =	vld [tilespmem:$0x10244]  }
0x1da: {  	v16 =	vadd.f32 v54, v16  }
0x1db: {  	v56 =	vld [tilespmem:$0x10255]  }
0x1dc: {  	v16 =	vadd.f32 v55, v16  }
0x1dd: {  	v57 =	vld [tilespmem:$0x10266]  }
0x1de: {  	v16 =	vadd.f32 v17, v16  }
0x1df: {  	v17 =	vld [tilespmem:$0x10277]  }
0x1e0: {  	v16 =	vadd.f32 v56, v16  }
0x1e1: {  	v58 =	vld [tilespmem:$0x10288]  }
0x1e2: {  	v16 =	vadd.f32 v57, v16  }
0x1e3: {  	v59 =	vld [tilespmem:$0x10299]  }
0x1e4: {  	v16 =	vadd.f32 v17, v16  }
0x1e5: {  	v17 =	vld [tilespmem:$0x102AA]  }
0x1e6: {  	v16 =	vadd.f32 v58, v16  }
0x1e7: {  	v60 =	vld [tilespmem:$0x102BB]  }
0x1e8: {  	v16 =	vadd.f32 v59, v16  }
0x1e9: {  	v61 =	vld [tilespmem:$0x102CC]  }
0x1ea: {  	v16 =	vadd.f32 v17, v16  }
0x1eb: {  	v17 =	vld [tilespmem:$0x102DD]  }
0x1ec: {  	v16 =	vadd.f32 v60, v16  }
0x1ed: {  	v62 =	vld [tilespmem:$0x102EE]  }
0x1ee: {  	v16 =	vadd.f32 v61, v16  }
0x1ef: {  	v63 =	vld [tilespmem:$0x102FF]  }
0x1f0: {  	v16 =	vadd.f32 v17, v16;
	_ =	sdelay $0x1  }
.Ltmp1:
0x1f1: {  	v16 =	vadd.f32 v62, v16;
	(pc) =	sbr.rel @p0 .LBB2_2-.Ltmp1, $4  }
0x1f2: {  	s30 =	sand.u32 $0x80, s14  }
0x1f3: {  	s31 =	sand.u32 $0x70, s14;
	s15 =	sadd.s32 s30, s17;
	v16 =	vadd.f32 v63, v16  }
0x1f4: {  	s14 =	sadd.s32 s31, s15  }
0x1f5: {  	p1 =	por $0x0, $0x0;
	s17 =	simm.s32 $0x100;
	[tilespmem:s14+$0x0] =	vst v16  }
0x1f6: {  	s13 =	sadd.s32 $0x1, s13  }
0x1f7: {  	p0 =	sne.s32 s13, s7  }
.Ltmp2:
0x1f8: {  	_ = 	snop;
	(pc) =	sbr.rel @p0 .LBB2_1-.Ltmp2, $4  }
0x1f9: {  	[hbm4b:s6+s2] =	stream.linear.scatter [tilespmem:s11], [sflag:$0x2], $0x200, $0x38;
	[tilespmem:$0x10380] =	vst v63  }
0x1fa: {  	_ =	swait.ge [sflag:s12], $0x200  }
0x1fb: {  	[sflag:s12] =	ssyncset.done $0x0  }
0x1fc: {  	[sflag:s12] =	ssyncadd.s32 $0xFFFFFE00  }
0x1fd: {  	_ =	sfence.sel $0x180000  }
0x1fe: {  	[bflag:$0x0] =	sbarrier.arrive $0xFFFF  }
0x1ff: {  	p0 =	sne.s32 s1, $0x0;
	_ =	strace $0x9000004A  }
0x200: {  	s0 =	sadd.s32 @!p0 $0x100000, s0;
	[bflag:$0x2] =	sbarrier.arrive $0xFFFF  }
0x201: {  	[sflag:s0] =	ssyncadd.tile.s32 @!p0 $0x1;
	_ =	shalt  }
.Lfunc_end2:
_tile_overlayer_lowered:
.L_overlay_start_2:
0x202: {  	(tag) =	ssettag $0x2  }
0x203: {  	s0 =	rddreg [dreg:$0x0];
	s2 =	stileid.u32  }
0x204: {  	s1 =	rddreg [dreg:$0x1];
	p0 =	sne.s32 s2, $0x0  }
0x205: {  	s3 =	rddreg [dreg:$0x2];
	[bflag:$0x3] =	sbarrier.arrive $0xFFFF;
	s2 =	simm.s32 @!p0 $0x1C02  }
0x206: {  	[timem:s3], [sflag:s2] =	dma.local @!p0 [hbm:s0], s1  }
0x207: {  	s0 =	simm.s32 @!p0 $0x2  }
0x208: {  	_ =	swait.ge @!p0 [sflag:s0], s1  }
0x209: {  	s1 =	ssub.s32 @!p0 $0x0, s1;
	[sflag:s0] =	ssyncset.done @!p0 $0x0  }
0x20a: {  	[sflag:s0] =	ssyncadd.s32 @!p0 s1  }
0x20b: {  	[bflag:$0x3] =	sbarrier.arrive $0xFFFF  }
0x20c: {  	_ =	shalt  }

</sc_bundles>
